<compile_context>
chip_gen: v7x
topology: tpu7x:2x2x1
jax: 0.10.2.dev20260603
libtpu: 0.0.44.dev20260713+nightly
codegen_flags: <defaults>
</compile_context>

<pallas_src>
import functools

import jax
import jax.numpy as jnp
from jax import lax
from jax.experimental import pallas as pl
from jax.experimental.pallas import tpu as pltpu
from jax.experimental.pallas import tpu_sc as plsc

D = 128
CHUNK = 120
IGRP = 4
NBUF = 3
NWORKERS = 32
JUNK = 16


def _make_agg(npad, nchunk):
    mesh = plsc.VectorSubcoreMesh(core_axis_name="c", subcore_axis_name="s")
    rows_per_tile = npad // 16

    @functools.partial(
        pl.kernel,
        out_type=jax.ShapeDtypeStruct((2, npad, D), jnp.float32),
        mesh=mesh,
        scratch_types=[
            pltpu.VMEM((3, IGRP, CHUNK), jnp.int32),
            pltpu.VMEM((3, IGRP, CHUNK), jnp.int32),
            pltpu.VMEM((NBUF, CHUNK, D), jnp.float32),
            pltpu.VMEM_SHARED((npad, D), jnp.float32),
            pltpu.SemaphoreType.DMA((NBUF,)),
            pltpu.SemaphoreType.DMA((NBUF,)),
            pltpu.SemaphoreType.DMA((3,)),
            pltpu.SemaphoreType.DMA((3,)),
        ],
    )
    def agg(h_hbm, zeros_hbm, src_hbm, dst_hbm, out_hbm,
            src_v, dst_v, rows_v, acc_sh, sg, ss, sis, sid):
        ngrp = nchunk // IGRP
        c = lax.axis_index("c")
        s = lax.axis_index("s")
        w = s * 2 + c
        zero = pltpu.async_copy(
            zeros_hbm.at[pl.ds(s * rows_per_tile, rows_per_tile)],
            acc_sh.at[pl.ds(s * rows_per_tile, rows_per_tile)], sis.at[2])
        pltpu.sync_copy(src_hbm.at[w, pl.ds(0, IGRP)], src_v.at[0])
        pltpu.sync_copy(dst_hbm.at[w, pl.ds(0, IGRP)], dst_v.at[0])
        pltpu.sync_copy(src_hbm.at[w, pl.ds(IGRP, IGRP)], src_v.at[1])
        pltpu.sync_copy(dst_hbm.at[w, pl.ds(IGRP, IGRP)], dst_v.at[1])
        zero.wait()
        plsc.subcore_barrier()
        for jj in range(NBUF - 1):
            pltpu.async_copy(h_hbm.at[src_v.at[jj // IGRP, jj % IGRP]],
                             rows_v.at[jj], sg.at[jj])

        def body(j, carry):
            b = lax.rem(j, NBUF)
            g = lax.div(j, IGRP)
            k = lax.rem(j, IGRP)
            gs = lax.rem(g, 3)
            pltpu.make_async_copy(h_hbm.at[src_v.at[gs, k]], rows_v.at[b],
                                  sg.at[b]).wait()
            pltpu.async_copy(rows_v.at[b], acc_sh.at[dst_v.at[gs, k]],
                             ss.at[b], add=True)

            @pl.when(j >= 1)
            def _():
                jp = j - 1
                bp = lax.rem(jp, NBUF)
                pltpu.make_async_copy(
                    rows_v.at[bp],
                    acc_sh.at[dst_v.at[lax.rem(lax.div(jp, IGRP), 3),
                                       lax.rem(jp, IGRP)]],
                    ss.at[bp]).wait()

            m = j + NBUF - 1

            @pl.when(m < nchunk)
            def _():
                gm = lax.div(m, IGRP)
                gms = lax.rem(gm, 3)

                @pl.when((lax.rem(m, IGRP) == 0) & (gm >= 2))
                def _():
                    pltpu.make_async_copy(
                        src_hbm.at[w, pl.ds(gm * IGRP, IGRP)],
                        src_v.at[gms], sis.at[gms]).wait()
                    pltpu.make_async_copy(
                        dst_hbm.at[w, pl.ds(gm * IGRP, IGRP)],
                        dst_v.at[gms], sid.at[gms]).wait()

                @pl.when((lax.rem(m, IGRP) == 0) & (gm + 1 < ngrp))
                def _():
                    gn = gm + 1
                    gns = lax.rem(gn, 3)
                    pltpu.async_copy(src_hbm.at[w, pl.ds(gn * IGRP, IGRP)],
                                     src_v.at[gns], sis.at[gns])
                    pltpu.async_copy(dst_hbm.at[w, pl.ds(gn * IGRP, IGRP)],
                                     dst_v.at[gns], sid.at[gns])

                pltpu.async_copy(h_hbm.at[src_v.at[gms, lax.rem(m, IGRP)]],
                                 rows_v.at[lax.rem(m, NBUF)],
                                 sg.at[lax.rem(m, NBUF)])

            return carry

        lax.fori_loop(0, nchunk, body, 0)
        jl = nchunk - 1
        pltpu.make_async_copy(
            rows_v.at[jl % NBUF],
            acc_sh.at[dst_v.at[(jl // IGRP) % 3, jl % IGRP]],
            ss.at[jl % NBUF]).wait()
        plsc.subcore_barrier()
        pltpu.sync_copy(acc_sh.at[pl.ds(s * rows_per_tile, rows_per_tile)],
                        out_hbm.at[c, pl.ds(s * rows_per_tile, rows_per_tile)])

    return agg


def _matmul_body(h_ref, w_ref, b_ref, out_ref):
    out_ref[...] = (
        jnp.dot(h_ref[...], w_ref[...], preferred_element_type=jnp.float32)
        + b_ref[...]
    )


def _matmul(h, w, b, rb):
    npad = h.shape[0]
    grid = npad // rb
    return pl.pallas_call(
        _matmul_body,
        grid=(grid,),
        in_specs=[
            pl.BlockSpec((rb, D), lambda i: (i, 0)),
            pl.BlockSpec((D, D), lambda i: (0, 0)),
            pl.BlockSpec((1, D), lambda i: (0, 0)),
        ],
        out_specs=pl.BlockSpec((rb, D), lambda i: (i, 0)),
        out_shape=jax.ShapeDtypeStruct((npad, D), jnp.float32),
    )(h, w, b)


def _mlp_body(h_ref, agg_ref, wa_ref, ba_ref, wb_ref, bb_ref, out_ref):
    z = h_ref[...] + agg_ref[0] + agg_ref[1]
    z = jnp.maximum(
        jnp.dot(z, wa_ref[...], preferred_element_type=jnp.float32)
        + ba_ref[...],
        0.0,
    )
    out_ref[...] = (
        jnp.dot(z, wb_ref[...], preferred_element_type=jnp.float32)
        + bb_ref[...]
    )


def _mlp3_body(h_ref, agg_ref, wa_ref, ba_ref, wb_ref, bb_ref,
               wo_ref, bo_ref, out_ref):
    z = h_ref[...] + agg_ref[0] + agg_ref[1]
    z = jnp.maximum(
        jnp.dot(z, wa_ref[...], preferred_element_type=jnp.float32)
        + ba_ref[...],
        0.0,
    )
    z = (jnp.dot(z, wb_ref[...], preferred_element_type=jnp.float32)
         + bb_ref[...])
    out_ref[...] = (
        jnp.dot(z, wo_ref[...], preferred_element_type=jnp.float32)
        + bo_ref[...]
    )


def _mlp3(h, agg, wa, ba, wb, bb, wo, bo, rb):
    npad = h.shape[0]
    grid = npad // rb
    wspec = pl.BlockSpec((D, D), lambda i: (0, 0))
    bspec = pl.BlockSpec((1, D), lambda i: (0, 0))
    return pl.pallas_call(
        _mlp3_body,
        grid=(grid,),
        in_specs=[
            pl.BlockSpec((rb, D), lambda i: (i, 0)),
            pl.BlockSpec((2, rb, D), lambda i: (0, i, 0)),
            wspec, bspec, wspec, bspec, wspec, bspec,
        ],
        out_specs=pl.BlockSpec((rb, D), lambda i: (i, 0)),
        out_shape=jax.ShapeDtypeStruct((npad, D), jnp.float32),
    )(h, agg, wa, ba, wb, bb, wo, bo)


def _mlp(h, agg, wa, ba, wb, bb, rb):
    npad = h.shape[0]
    grid = npad // rb
    return pl.pallas_call(
        _mlp_body,
        grid=(grid,),
        in_specs=[
            pl.BlockSpec((rb, D), lambda i: (i, 0)),
            pl.BlockSpec((2, rb, D), lambda i: (0, i, 0)),
            pl.BlockSpec((D, D), lambda i: (0, 0)),
            pl.BlockSpec((1, D), lambda i: (0, 0)),
            pl.BlockSpec((D, D), lambda i: (0, 0)),
            pl.BlockSpec((1, D), lambda i: (0, 0)),
        ],
        out_specs=pl.BlockSpec((rb, D), lambda i: (i, 0)),
        out_shape=jax.ShapeDtypeStruct((npad, D), jnp.float32),
    )(h, agg, wa, ba, wb, bb)


def kernel(h, x, edge_index, params):
    p = params
    n = h.shape[0]
    e = edge_index.shape[1]
    npad = ((n + JUNK + 127) // 128) * 128
    nchunk = -(-e // (NWORKERS * CHUNK))
    nchunk = ((nchunk + IGRP - 1) // IGRP) * IGRP
    epad = NWORKERS * nchunk * CHUNK
    rb = npad // 2

    pad = epad - e
    ar = jnp.arange(pad, dtype=jnp.int32)
    src_p = jnp.concatenate([edge_index[0], (ar * 37) % n])
    dst_p = jnp.concatenate([edge_index[1], n + ar % (npad - n)])
    src3 = src_p.reshape(NWORKERS, nchunk, CHUNK)
    dst3 = dst_p.reshape(NWORKERS, nchunk, CHUNK)
    zeros = jnp.zeros((npad, D), jnp.float32)

    hp = jnp.pad(h, ((0, npad - n), (0, 0)))
    agg_fn = _make_agg(npad, nchunk)

    hcur = _matmul(hp, p["W_emb"], p["b_emb"].reshape(1, D), rb)
    for i in range(5):
        agg = agg_fn(hcur, zeros, src3, dst3)
        hcur = _mlp(hcur, agg, p[f"W{i}a"], p[f"b{i}a"].reshape(1, D),
                    p[f"W{i}b"], p[f"b{i}b"].reshape(1, D), rb)
    agg = agg_fn(hcur, zeros, src3, dst3)
    hout = _mlp3(hcur, agg, p["W5a"], p["b5a"].reshape(1, D),
                 p["W5b"], p["b5b"].reshape(1, D),
                 p["W_out"], p["b_out"].reshape(1, D), rb)
    return (hout[:n], x)

# --- scband reference (transcript-rebuilt; emitter-appended) ---
"""Pipeline reference for scband-gin-39273180954651 (READ-ONLY COPY).

The authoritative reference and input builder live on the scoring server;
editing this copy changes nothing except your own understanding.
"""

import jax, jax.numpy as jnp
import numpy as np

N = 10000
E = 320000
D = 128
N_GIN_LAYERS = 6  # 3 blocks x 2 layers per block


def _init_linear(key, fan_in, fan_out):
    k1, k2 = jax.random.split(key)
    bound = 1.0 / np.sqrt(fan_in)
    W = jax.random.uniform(k1, (fan_in, fan_out), jnp.float32, -bound, bound)
    b = jax.random.uniform(k2, (fan_out,), jnp.float32, -bound, bound)
    return W, b


def setup_inputs(seed: int = 0) -> dict:
    key = jax.random.key(seed)
    ks = jax.random.split(key, 4 + 2 * N_GIN_LAYERS + 2)
    h = jax.random.normal(ks[0], (N, D), jnp.float32)
    x = jax.random.normal(ks[1], (N, 3), jnp.float32)
    edge_index = jax.random.randint(ks[2], (2, E), 0, N, jnp.int32)
    params = {}
    params['W_emb'], params['b_emb'] = _init_linear(ks[3], D, D)
    ki = 4
    for i in range(N_GIN_LAYERS):
        params[f'W{i}a'], params[f'b{i}a'] = _init_linear(ks[ki], D, D); ki += 1
        params[f'W{i}b'], params[f'b{i}b'] = _init_linear(ks[ki], D, D); ki += 1
    params['W_out'], params['b_out'] = _init_linear(ks[ki], D, D)
    return {'h': h, 'x': x, 'edge_index': edge_index, 'params': params}


def _gin_layer(h, src, dst, params, i):
    # GINConv: mlp((1 + eps) * x_i + sum_{j in N(i)} x_j), eps = 0
    msgs = jnp.take(h, src, axis=0)
    agg = jnp.zeros_like(h).at[dst].add(msgs)
    z = h + agg
    z = jnp.maximum(z @ params[f'W{i}a'] + params[f'b{i}a'], 0.0)
    z = z @ params[f'W{i}b'] + params[f'b{i}b']
    return z


def reference(h, x, edge_index, params):
    row, col = edge_index[0], edge_index[1]
    # coord2diff (computed as in the original forward; edge_feat is unused by GINLayer)
    coord_diff = jnp.take(x, row, axis=0) - jnp.take(x, col, axis=0)
    radial = jnp.sum(coord_diff ** 2, axis=1, keepdims=True)
    norm = jnp.sqrt(radial + 1e-08)
    coord_diff = coord_diff / (norm + 1.0)
    edge_feat = radial  # edge_attr is None
    h = h @ params['W_emb'] + params['b_emb']
    for i in range(N_GIN_LAYERS):
        h = _gin_layer(h, row, col, params, i)
    h = h @ params['W_out'] + params['b_out']
    return (h, x)

if __name__ == "__main__":
    import jax
    _d = setup_inputs()
    print(jax.jit(kernel)(*tuple(_d.values())))

</pallas_src>

<mosaic_0001>
#map = affine_map<(d0, d1) -> (0, 0)>
#map1 = affine_map<(d0, d1) -> (0, 0, 0)>
module attributes {stable_mosaic.version = 14 : i64} {
  func.func @agg(%arg0: i32, %arg1: i32, %arg2: memref<10112x128xf32, #tpu.memory_space<hbm>>, %arg3: memref<10112x128xf32, #tpu.memory_space<hbm>>, %arg4: memref<32x84x120xi32, #tpu.memory_space<hbm>>, %arg5: memref<32x84x120xi32, #tpu.memory_space<hbm>>, %arg6: memref<2x10112x128xf32, #tpu.memory_space<hbm>>, %arg7: memref<3x4x120xi32, #tpu.memory_space<vmem>>, %arg8: memref<3x4x120xi32, #tpu.memory_space<vmem>>, %arg9: memref<3x120x128xf32, #tpu.memory_space<vmem>>, %arg10: memref<10112x128xf32, #tpu.memory_space<vmem_shared>>, %arg11: memref<3x!tpu.dma_semaphore, #tpu.memory_space<semaphore_mem>>, %arg12: memref<3x!tpu.dma_semaphore, #tpu.memory_space<semaphore_mem>>, %arg13: memref<3x!tpu.dma_semaphore, #tpu.memory_space<semaphore_mem>>, %arg14: memref<3x!tpu.dma_semaphore, #tpu.memory_space<semaphore_mem>>) attributes {dimension_semantics = [#tpu.dimension_semantics<core_parallel>, #tpu.dimension_semantics<subcore_parallel>], iteration_bounds = array<i64: 2, 16>, scalar_prefetch = 0 : i64, scratch_operands = 8 : i64, tpu.core_type = #tpu.core_type<sc_vector_subcore>, window_params = [{transform_indices = #map}, {transform_indices = #map}, {transform_indices = #map1}, {transform_indices = #map1}, {transform_indices = #map1}]} {
    %mul3A = arith.constant 2 : i32
    %mul3A_0 = arith.muli %arg1, %mul3A : i32
    %add3A = arith.addi %mul3A_0, %arg0 : i32
    %mul3A_1 = arith.constant 632 : i32
    %mul3A_2 = arith.muli %arg1, %mul3A_1 : i32
    %mul3A_3 = arith.constant 632 : i32
    %mul3A_4 = arith.muli %arg1, %mul3A_3 : i32
    %dma_start3A = arith.constant 2 : i32
    %dma_start3A_5 = tpu.memref_slice %arg13[%dma_start3A] : memref<3x!tpu.dma_semaphore, #tpu.memory_space<semaphore_mem>> -> memref<1x!tpu.dma_semaphore, #tpu.memory_space<semaphore_mem>>
    %dma_start3A_6 = tpu.memref_squeeze %dma_start3A_5 : memref<1x!tpu.dma_semaphore, #tpu.memory_space<semaphore_mem>> -> memref<!tpu.dma_semaphore, #tpu.memory_space<semaphore_mem>>
    %dma_start3A_7 = arith.constant 0 : i32
    %dma_start3A_8 = tpu.memref_slice %arg10[%mul3A_4, %dma_start3A_7] : memref<10112x128xf32, #tpu.memory_space<vmem_shared>> -> memref<632x128xf32, #tpu.memory_space<vmem_shared>>
    %dma_start3A_9 = arith.constant 0 : i32
    %dma_start3A_10 = tpu.memref_slice %arg3[%mul3A_2, %dma_start3A_9] : memref<10112x128xf32, #tpu.memory_space<hbm>> -> memref<632x128xf32, #tpu.memory_space<hbm>>
    tpu.enqueue_dma source(%dma_start3A_10 : memref<632x128xf32, #tpu.memory_space<hbm>>) target(%dma_start3A_8 : memref<632x128xf32, #tpu.memory_space<vmem_shared>>) target_semaphore(%dma_start3A_6 : memref<!tpu.dma_semaphore, #tpu.memory_space<semaphore_mem>>)
    %run_scoped3A = arith.constant 0 : i32
    "tpu.region"() ({
      %run_scoped3A_78 = tpu.sem_alloc : memref<!tpu.dma_semaphore, #tpu.memory_space<semaphore_mem>>
      %dma_start3A_79 = arith.constant 0 : i32
      %dma_start3A_80 = arith.constant 0 : i32
      %dma_start3A_81 = tpu.memref_slice %arg7[%run_scoped3A, %dma_start3A_79, %dma_start3A_80] : memref<3x4x120xi32, #tpu.memory_space<vmem>> -> memref<1x4x120xi32, #tpu.memory_space<vmem>>
      %dma_start3A_82 = tpu.memref_squeeze %dma_start3A_81 : memref<1x4x120xi32, #tpu.memory_space<vmem>> -> memref<4x120xi32, #tpu.memory_space<vmem>>
      %dma_start3A_83 = arith.constant 0 : i32
      %dma_start3A_84 = arith.constant 0 : i32
      %dma_start3A_85 = tpu.memref_slice %arg4[%add3A, %dma_start3A_83, %dma_start3A_84] : memref<32x84x120xi32, #tpu.memory_space<hbm>> -> memref<1x4x120xi32, #tpu.memory_space<hbm>>
      %dma_start3A_86 = tpu.memref_squeeze %dma_start3A_85 : memref<1x4x120xi32, #tpu.memory_space<hbm>> -> memref<4x120xi32, #tpu.memory_space<hbm>>
      %dma_start3A_87 = arith.constant 0 : i32
      %dma_start3A_88 = arith.constant 0 : i32
      %dma_start3A_89 = tpu.memref_slice %arg7[%run_scoped3A, %dma_start3A_87, %dma_start3A_88] : memref<3x4x120xi32, #tpu.memory_space<vmem>> -> memref<1x4x120xi32, #tpu.memory_space<vmem>>
      %dma_start3A_90 = tpu.memref_squeeze %dma_start3A_89 : memref<1x4x120xi32, #tpu.memory_space<vmem>> -> memref<4x120xi32, #tpu.memory_space<vmem>>
      %dma_start3A_91 = arith.constant 0 : i32
      %dma_start3A_92 = arith.constant 0 : i32
      %dma_start3A_93 = tpu.memref_slice %arg4[%add3A, %dma_start3A_91, %dma_start3A_92] : memref<32x84x120xi32, #tpu.memory_space<hbm>> -> memref<1x4x120xi32, #tpu.memory_space<hbm>>
      %dma_start3A_94 = tpu.memref_squeeze %dma_start3A_93 : memref<1x4x120xi32, #tpu.memory_space<hbm>> -> memref<4x120xi32, #tpu.memory_space<hbm>>
      tpu.enqueue_dma source(%dma_start3A_94 : memref<4x120xi32, #tpu.memory_space<hbm>>) target(%dma_start3A_90 : memref<4x120xi32, #tpu.memory_space<vmem>>) target_semaphore(%run_scoped3A_78 : memref<!tpu.dma_semaphore, #tpu.memory_space<semaphore_mem>>)
      %dma_wait3A_95 = arith.constant 0 : i32
      %dma_wait3A_96 = arith.constant 0 : i32
      %dma_wait3A_97 = tpu.memref_slice %arg7[%run_scoped3A, %dma_wait3A_95, %dma_wait3A_96] : memref<3x4x120xi32, #tpu.memory_space<vmem>> -> memref<1x4x120xi32, #tpu.memory_space<vmem>>
      %dma_wait3A_98 = tpu.memref_squeeze %dma_wait3A_97 : memref<1x4x120xi32, #tpu.memory_space<vmem>> -> memref<4x120xi32, #tpu.memory_space<vmem>>
      %dma_wait3A_99 = arith.constant 0 : i32
      %dma_wait3A_100 = arith.constant 0 : i32
      %dma_wait3A_101 = tpu.memref_slice %arg4[%add3A, %dma_wait3A_99, %dma_wait3A_100] : memref<32x84x120xi32, #tpu.memory_space<hbm>> -> memref<1x4x120xi32, #tpu.memory_space<hbm>>
      %dma_wait3A_102 = tpu.memref_squeeze %dma_wait3A_101 : memref<1x4x120xi32, #tpu.memory_space<hbm>> -> memref<4x120xi32, #tpu.memory_space<hbm>>
      %dma_wait3A_103 = arith.constant 0 : i32
      %dma_wait3A_104 = arith.constant 0 : i32
      %dma_wait3A_105 = tpu.memref_slice %arg7[%run_scoped3A, %dma_wait3A_103, %dma_wait3A_104] : memref<3x4x120xi32, #tpu.memory_space<vmem>> -> memref<1x4x120xi32, #tpu.memory_space<vmem>>
      %dma_wait3A_106 = tpu.memref_squeeze %dma_wait3A_105 : memref<1x4x120xi32, #tpu.memory_space<vmem>> -> memref<4x120xi32, #tpu.memory_space<vmem>>
      %dma_wait3A_107 = arith.constant 0 : i32
      %dma_wait3A_108 = arith.constant 0 : i32
      %dma_wait3A_109 = tpu.memref_slice %arg4[%add3A, %dma_wait3A_107, %dma_wait3A_108] : memref<32x84x120xi32, #tpu.memory_space<hbm>> -> memref<1x4x120xi32, #tpu.memory_space<hbm>>
      %dma_wait3A_110 = tpu.memref_squeeze %dma_wait3A_109 : memref<1x4x120xi32, #tpu.memory_space<hbm>> -> memref<4x120xi32, #tpu.memory_space<hbm>>
      tpu.wait_dma2 semaphore(%run_scoped3A_78 : memref<!tpu.dma_semaphore, #tpu.memory_space<semaphore_mem>>) src(%dma_wait3A_110 : memref<4x120xi32, #tpu.memory_space<hbm>>) dst(%dma_wait3A_106 : memref<4x120xi32, #tpu.memory_space<vmem>>)
      tpu.yield
    }) : () -> ()
    %run_scoped3A_11 = arith.constant 0 : i32
    "tpu.region"() ({
      %run_scoped3A_78 = tpu.sem_alloc : memref<!tpu.dma_semaphore, #tpu.memory_space<semaphore_mem>>
      %dma_start3A_79 = arith.constant 0 : i32
      %dma_start3A_80 = arith.constant 0 : i32
      %dma_start3A_81 = tpu.memref_slice %arg8[%run_scoped3A_11, %dma_start3A_79, %dma_start3A_80] : memref<3x4x120xi32, #tpu.memory_space<vmem>> -> memref<1x4x120xi32, #tpu.memory_space<vmem>>
      %dma_start3A_82 = tpu.memref_squeeze %dma_start3A_81 : memref<1x4x120xi32, #tpu.memory_space<vmem>> -> memref<4x120xi32, #tpu.memory_space<vmem>>
      %dma_start3A_83 = arith.constant 0 : i32
      %dma_start3A_84 = arith.constant 0 : i32
      %dma_start3A_85 = tpu.memref_slice %arg5[%add3A, %dma_start3A_83, %dma_start3A_84] : memref<32x84x120xi32, #tpu.memory_space<hbm>> -> memref<1x4x120xi32, #tpu.memory_space<hbm>>
      %dma_start3A_86 = tpu.memref_squeeze %dma_start3A_85 : memref<1x4x120xi32, #tpu.memory_space<hbm>> -> memref<4x120xi32, #tpu.memory_space<hbm>>
      %dma_start3A_87 = arith.constant 0 : i32
      %dma_start3A_88 = arith.constant 0 : i32
      %dma_start3A_89 = tpu.memref_slice %arg8[%run_scoped3A_11, %dma_start3A_87, %dma_start3A_88] : memref<3x4x120xi32, #tpu.memory_space<vmem>> -> memref<1x4x120xi32, #tpu.memory_space<vmem>>
      %dma_start3A_90 = tpu.memref_squeeze %dma_start3A_89 : memref<1x4x120xi32, #tpu.memory_space<vmem>> -> memref<4x120xi32, #tpu.memory_space<vmem>>
      %dma_start3A_91 = arith.constant 0 : i32
      %dma_start3A_92 = arith.constant 0 : i32
      %dma_start3A_93 = tpu.memref_slice %arg5[%add3A, %dma_start3A_91, %dma_start3A_92] : memref<32x84x120xi32, #tpu.memory_space<hbm>> -> memref<1x4x120xi32, #tpu.memory_space<hbm>>
      %dma_start3A_94 = tpu.memref_squeeze %dma_start3A_93 : memref<1x4x120xi32, #tpu.memory_space<hbm>> -> memref<4x120xi32, #tpu.memory_space<hbm>>
      tpu.enqueue_dma source(%dma_start3A_94 : memref<4x120xi32, #tpu.memory_space<hbm>>) target(%dma_start3A_90 : memref<4x120xi32, #tpu.memory_space<vmem>>) target_semaphore(%run_scoped3A_78 : memref<!tpu.dma_semaphore, #tpu.memory_space<semaphore_mem>>)
      %dma_wait3A_95 = arith.constant 0 : i32
      %dma_wait3A_96 = arith.constant 0 : i32
      %dma_wait3A_97 = tpu.memref_slice %arg8[%run_scoped3A_11, %dma_wait3A_95, %dma_wait3A_96] : memref<3x4x120xi32, #tpu.memory_space<vmem>> -> memref<1x4x120xi32, #tpu.memory_space<vmem>>
      %dma_wait3A_98 = tpu.memref_squeeze %dma_wait3A_97 : memref<1x4x120xi32, #tpu.memory_space<vmem>> -> memref<4x120xi32, #tpu.memory_space<vmem>>
      %dma_wait3A_99 = arith.constant 0 : i32
      %dma_wait3A_100 = arith.constant 0 : i32
      %dma_wait3A_101 = tpu.memref_slice %arg5[%add3A, %dma_wait3A_99, %dma_wait3A_100] : memref<32x84x120xi32, #tpu.memory_space<hbm>> -> memref<1x4x120xi32, #tpu.memory_space<hbm>>
      %dma_wait3A_102 = tpu.memref_squeeze %dma_wait3A_101 : memref<1x4x120xi32, #tpu.memory_space<hbm>> -> memref<4x120xi32, #tpu.memory_space<hbm>>
      %dma_wait3A_103 = arith.constant 0 : i32
      %dma_wait3A_104 = arith.constant 0 : i32
      %dma_wait3A_105 = tpu.memref_slice %arg8[%run_scoped3A_11, %dma_wait3A_103, %dma_wait3A_104] : memref<3x4x120xi32, #tpu.memory_space<vmem>> -> memref<1x4x120xi32, #tpu.memory_space<vmem>>
      %dma_wait3A_106 = tpu.memref_squeeze %dma_wait3A_105 : memref<1x4x120xi32, #tpu.memory_space<vmem>> -> memref<4x120xi32, #tpu.memory_space<vmem>>
      %dma_wait3A_107 = arith.constant 0 : i32
      %dma_wait3A_108 = arith.constant 0 : i32
      %dma_wait3A_109 = tpu.memref_slice %arg5[%add3A, %dma_wait3A_107, %dma_wait3A_108] : memref<32x84x120xi32, #tpu.memory_space<hbm>> -> memref<1x4x120xi32, #tpu.memory_space<hbm>>
      %dma_wait3A_110 = tpu.memref_squeeze %dma_wait3A_109 : memref<1x4x120xi32, #tpu.memory_space<hbm>> -> memref<4x120xi32, #tpu.memory_space<hbm>>
      tpu.wait_dma2 semaphore(%run_scoped3A_78 : memref<!tpu.dma_semaphore, #tpu.memory_space<semaphore_mem>>) src(%dma_wait3A_110 : memref<4x120xi32, #tpu.memory_space<hbm>>) dst(%dma_wait3A_106 : memref<4x120xi32, #tpu.memory_space<vmem>>)
      tpu.yield
    }) : () -> ()
    %run_scoped3A_12 = arith.constant 1 : i32
    "tpu.region"() ({
      %run_scoped3A_78 = tpu.sem_alloc : memref<!tpu.dma_semaphore, #tpu.memory_space<semaphore_mem>>
      %dma_start3A_79 = arith.constant 0 : i32
      %dma_start3A_80 = arith.constant 0 : i32
      %dma_start3A_81 = tpu.memref_slice %arg7[%run_scoped3A_12, %dma_start3A_79, %dma_start3A_80] : memref<3x4x120xi32, #tpu.memory_space<vmem>> -> memref<1x4x120xi32, #tpu.memory_space<vmem>>
      %dma_start3A_82 = tpu.memref_squeeze %dma_start3A_81 : memref<1x4x120xi32, #tpu.memory_space<vmem>> -> memref<4x120xi32, #tpu.memory_space<vmem>>
      %dma_start3A_83 = arith.constant 4 : i32
      %dma_start3A_84 = arith.constant 0 : i32
      %dma_start3A_85 = tpu.memref_slice %arg4[%add3A, %dma_start3A_83, %dma_start3A_84] : memref<32x84x120xi32, #tpu.memory_space<hbm>> -> memref<1x4x120xi32, #tpu.memory_space<hbm>>
      %dma_start3A_86 = tpu.memref_squeeze %dma_start3A_85 : memref<1x4x120xi32, #tpu.memory_space<hbm>> -> memref<4x120xi32, #tpu.memory_space<hbm>>
      %dma_start3A_87 = arith.constant 0 : i32
      %dma_start3A_88 = arith.constant 0 : i32
      %dma_start3A_89 = tpu.memref_slice %arg7[%run_scoped3A_12, %dma_start3A_87, %dma_start3A_88] : memref<3x4x120xi32, #tpu.memory_space<vmem>> -> memref<1x4x120xi32, #tpu.memory_space<vmem>>
      %dma_start3A_90 = tpu.memref_squeeze %dma_start3A_89 : memref<1x4x120xi32, #tpu.memory_space<vmem>> -> memref<4x120xi32, #tpu.memory_space<vmem>>
      %dma_start3A_91 = arith.constant 4 : i32
      %dma_start3A_92 = arith.constant 0 : i32
      %dma_start3A_93 = tpu.memref_slice %arg4[%add3A, %dma_start3A_91, %dma_start3A_92] : memref<32x84x120xi32, #tpu.memory_space<hbm>> -> memref<1x4x120xi32, #tpu.memory_space<hbm>>
      %dma_start3A_94 = tpu.memref_squeeze %dma_start3A_93 : memref<1x4x120xi32, #tpu.memory_space<hbm>> -> memref<4x120xi32, #tpu.memory_space<hbm>>
      tpu.enqueue_dma source(%dma_start3A_94 : memref<4x120xi32, #tpu.memory_space<hbm>>) target(%dma_start3A_90 : memref<4x120xi32, #tpu.memory_space<vmem>>) target_semaphore(%run_scoped3A_78 : memref<!tpu.dma_semaphore, #tpu.memory_space<semaphore_mem>>)
      %dma_wait3A_95 = arith.constant 0 : i32
      %dma_wait3A_96 = arith.constant 0 : i32
      %dma_wait3A_97 = tpu.memref_slice %arg7[%run_scoped3A_12, %dma_wait3A_95, %dma_wait3A_96] : memref<3x4x120xi32, #tpu.memory_space<vmem>> -> memref<1x4x120xi32, #tpu.memory_space<vmem>>
      %dma_wait3A_98 = tpu.memref_squeeze %dma_wait3A_97 : memref<1x4x120xi32, #tpu.memory_space<vmem>> -> memref<4x120xi32, #tpu.memory_space<vmem>>
      %dma_wait3A_99 = arith.constant 4 : i32
      %dma_wait3A_100 = arith.constant 0 : i32
      %dma_wait3A_101 = tpu.memref_slice %arg4[%add3A, %dma_wait3A_99, %dma_wait3A_100] : memref<32x84x120xi32, #tpu.memory_space<hbm>> -> memref<1x4x120xi32, #tpu.memory_space<hbm>>
      %dma_wait3A_102 = tpu.memref_squeeze %dma_wait3A_101 : memref<1x4x120xi32, #tpu.memory_space<hbm>> -> memref<4x120xi32, #tpu.memory_space<hbm>>
      %dma_wait3A_103 = arith.constant 0 : i32
      %dma_wait3A_104 = arith.constant 0 : i32
      %dma_wait3A_105 = tpu.memref_slice %arg7[%run_scoped3A_12, %dma_wait3A_103, %dma_wait3A_104] : memref<3x4x120xi32, #tpu.memory_space<vmem>> -> memref<1x4x120xi32, #tpu.memory_space<vmem>>
      %dma_wait3A_106 = tpu.memref_squeeze %dma_wait3A_105 : memref<1x4x120xi32, #tpu.memory_space<vmem>> -> memref<4x120xi32, #tpu.memory_space<vmem>>
      %dma_wait3A_107 = arith.constant 4 : i32
      %dma_wait3A_108 = arith.constant 0 : i32
      %dma_wait3A_109 = tpu.memref_slice %arg4[%add3A, %dma_wait3A_107, %dma_wait3A_108] : memref<32x84x120xi32, #tpu.memory_space<hbm>> -> memref<1x4x120xi32, #tpu.memory_space<hbm>>
      %dma_wait3A_110 = tpu.memref_squeeze %dma_wait3A_109 : memref<1x4x120xi32, #tpu.memory_space<hbm>> -> memref<4x120xi32, #tpu.memory_space<hbm>>
      tpu.wait_dma2 semaphore(%run_scoped3A_78 : memref<!tpu.dma_semaphore, #tpu.memory_space<semaphore_mem>>) src(%dma_wait3A_110 : memref<4x120xi32, #tpu.memory_space<hbm>>) dst(%dma_wait3A_106 : memref<4x120xi32, #tpu.memory_space<vmem>>)
      tpu.yield
    }) : () -> ()
    %run_scoped3A_13 = arith.constant 1 : i32
    "tpu.region"() ({
      %run_scoped3A_78 = tpu.sem_alloc : memref<!tpu.dma_semaphore, #tpu.memory_space<semaphore_mem>>
      %dma_start3A_79 = arith.constant 0 : i32
      %dma_start3A_80 = arith.constant 0 : i32
      %dma_start3A_81 = tpu.memref_slice %arg8[%run_scoped3A_13, %dma_start3A_79, %dma_start3A_80] : memref<3x4x120xi32, #tpu.memory_space<vmem>> -> memref<1x4x120xi32, #tpu.memory_space<vmem>>
      %dma_start3A_82 = tpu.memref_squeeze %dma_start3A_81 : memref<1x4x120xi32, #tpu.memory_space<vmem>> -> memref<4x120xi32, #tpu.memory_space<vmem>>
      %dma_start3A_83 = arith.constant 4 : i32
      %dma_start3A_84 = arith.constant 0 : i32
      %dma_start3A_85 = tpu.memref_slice %arg5[%add3A, %dma_start3A_83, %dma_start3A_84] : memref<32x84x120xi32, #tpu.memory_space<hbm>> -> memref<1x4x120xi32, #tpu.memory_space<hbm>>
      %dma_start3A_86 = tpu.memref_squeeze %dma_start3A_85 : memref<1x4x120xi32, #tpu.memory_space<hbm>> -> memref<4x120xi32, #tpu.memory_space<hbm>>
      %dma_start3A_87 = arith.constant 0 : i32
      %dma_start3A_88 = arith.constant 0 : i32
      %dma_start3A_89 = tpu.memref_slice %arg8[%run_scoped3A_13, %dma_start3A_87, %dma_start3A_88] : memref<3x4x120xi32, #tpu.memory_space<vmem>> -> memref<1x4x120xi32, #tpu.memory_space<vmem>>
      %dma_start3A_90 = tpu.memref_squeeze %dma_start3A_89 : memref<1x4x120xi32, #tpu.memory_space<vmem>> -> memref<4x120xi32, #tpu.memory_space<vmem>>
      %dma_start3A_91 = arith.constant 4 : i32
      %dma_start3A_92 = arith.constant 0 : i32
      %dma_start3A_93 = tpu.memref_slice %arg5[%add3A, %dma_start3A_91, %dma_start3A_92] : memref<32x84x120xi32, #tpu.memory_space<hbm>> -> memref<1x4x120xi32, #tpu.memory_space<hbm>>
      %dma_start3A_94 = tpu.memref_squeeze %dma_start3A_93 : memref<1x4x120xi32, #tpu.memory_space<hbm>> -> memref<4x120xi32, #tpu.memory_space<hbm>>
      tpu.enqueue_dma source(%dma_start3A_94 : memref<4x120xi32, #tpu.memory_space<hbm>>) target(%dma_start3A_90 : memref<4x120xi32, #tpu.memory_space<vmem>>) target_semaphore(%run_scoped3A_78 : memref<!tpu.dma_semaphore, #tpu.memory_space<semaphore_mem>>)
      %dma_wait3A_95 = arith.constant 0 : i32
      %dma_wait3A_96 = arith.constant 0 : i32
      %dma_wait3A_97 = tpu.memref_slice %arg8[%run_scoped3A_13, %dma_wait3A_95, %dma_wait3A_96] : memref<3x4x120xi32, #tpu.memory_space<vmem>> -> memref<1x4x120xi32, #tpu.memory_space<vmem>>
      %dma_wait3A_98 = tpu.memref_squeeze %dma_wait3A_97 : memref<1x4x120xi32, #tpu.memory_space<vmem>> -> memref<4x120xi32, #tpu.memory_space<vmem>>
      %dma_wait3A_99 = arith.constant 4 : i32
      %dma_wait3A_100 = arith.constant 0 : i32
      %dma_wait3A_101 = tpu.memref_slice %arg5[%add3A, %dma_wait3A_99, %dma_wait3A_100] : memref<32x84x120xi32, #tpu.memory_space<hbm>> -> memref<1x4x120xi32, #tpu.memory_space<hbm>>
      %dma_wait3A_102 = tpu.memref_squeeze %dma_wait3A_101 : memref<1x4x120xi32, #tpu.memory_space<hbm>> -> memref<4x120xi32, #tpu.memory_space<hbm>>
      %dma_wait3A_103 = arith.constant 0 : i32
      %dma_wait3A_104 = arith.constant 0 : i32
      %dma_wait3A_105 = tpu.memref_slice %arg8[%run_scoped3A_13, %dma_wait3A_103, %dma_wait3A_104] : memref<3x4x120xi32, #tpu.memory_space<vmem>> -> memref<1x4x120xi32, #tpu.memory_space<vmem>>
      %dma_wait3A_106 = tpu.memref_squeeze %dma_wait3A_105 : memref<1x4x120xi32, #tpu.memory_space<vmem>> -> memref<4x120xi32, #tpu.memory_space<vmem>>
      %dma_wait3A_107 = arith.constant 4 : i32
      %dma_wait3A_108 = arith.constant 0 : i32
      %dma_wait3A_109 = tpu.memref_slice %arg5[%add3A, %dma_wait3A_107, %dma_wait3A_108] : memref<32x84x120xi32, #tpu.memory_space<hbm>> -> memref<1x4x120xi32, #tpu.memory_space<hbm>>
      %dma_wait3A_110 = tpu.memref_squeeze %dma_wait3A_109 : memref<1x4x120xi32, #tpu.memory_space<hbm>> -> memref<4x120xi32, #tpu.memory_space<hbm>>
      tpu.wait_dma2 semaphore(%run_scoped3A_78 : memref<!tpu.dma_semaphore, #tpu.memory_space<semaphore_mem>>) src(%dma_wait3A_110 : memref<4x120xi32, #tpu.memory_space<hbm>>) dst(%dma_wait3A_106 : memref<4x120xi32, #tpu.memory_space<vmem>>)
      tpu.yield
    }) : () -> ()
    %dma_wait3A = arith.constant 2 : i32
    %dma_wait3A_14 = tpu.memref_slice %arg13[%dma_wait3A] : memref<3x!tpu.dma_semaphore, #tpu.memory_space<semaphore_mem>> -> memref<1x!tpu.dma_semaphore, #tpu.memory_space<semaphore_mem>>
    %dma_wait3A_15 = tpu.memref_squeeze %dma_wait3A_14 : memref<1x!tpu.dma_semaphore, #tpu.memory_space<semaphore_mem>> -> memref<!tpu.dma_semaphore, #tpu.memory_space<semaphore_mem>>
    %dma_wait3A_16 = arith.constant 0 : i32
    %dma_wait3A_17 = tpu.memref_slice %arg10[%mul3A_4, %dma_wait3A_16] : memref<10112x128xf32, #tpu.memory_space<vmem_shared>> -> memref<632x128xf32, #tpu.memory_space<vmem_shared>>
    %dma_wait3A_18 = arith.constant 0 : i32
    %dma_wait3A_19 = tpu.memref_slice %arg3[%mul3A_2, %dma_wait3A_18] : memref<10112x128xf32, #tpu.memory_space<hbm>> -> memref<632x128xf32, #tpu.memory_space<hbm>>
    tpu.wait_dma2 semaphore(%dma_wait3A_15 : memref<!tpu.dma_semaphore, #tpu.memory_space<semaphore_mem>>) src(%dma_wait3A_19 : memref<632x128xf32, #tpu.memory_space<hbm>>) dst(%dma_wait3A_17 : memref<632x128xf32, #tpu.memory_space<vmem_shared>>)
    %barrier3A = arith.constant 0 : index
    tpu.barrier barrier_id(%barrier3A)
    %dma_start3A_20 = arith.constant 0 : i32
    %dma_start3A_21 = arith.constant 0 : i32
    %dma_start3A_22 = arith.constant 0 : i32
    %dma_start3A_23 = arith.constant 0 : i32
    %dma_start3A_24 = arith.constant 0 : i32
    %dma_start3A_25 = arith.constant 0 : i32
    %dma_start3A_26 = tpu.memref_slice %arg9[%dma_start3A_22, %dma_start3A_24, %dma_start3A_25] : memref<3x120x128xf32, #tpu.memory_space<vmem>> -> memref<1x120x128xf32, #tpu.memory_space<vmem>>
    %dma_start3A_27 = tpu.memref_squeeze %dma_start3A_26 : memref<1x120x128xf32, #tpu.memory_space<vmem>> -> memref<120x128xf32, #tpu.memory_space<vmem>>
    %dma_start3A_28 = arith.constant 0 : i32
    %dma_start3A_29 = tpu.memref_slice %arg7[%dma_start3A_20, %dma_start3A_21, %dma_start3A_28] : memref<3x4x120xi32, #tpu.memory_space<vmem>> -> memref<1x1x120xi32, #tpu.memory_space<vmem>>
    %dma_start3A_30 = tpu.memref_squeeze %dma_start3A_29 : memref<1x1x120xi32, #tpu.memory_space<vmem>> -> memref<120xi32, #tpu.memory_space<vmem>>
    %dma_start3A_31 = arith.constant 0 : i32
    %dma_start3A_32 = arith.constant 0 : i32
    %dma_start3A_33 = tpu.memref_slice %arg2[%dma_start3A_31, %dma_start3A_32] : memref<10112x128xf32, #tpu.memory_space<hbm>> -> memref<10112x128xf32, #tpu.memory_space<hbm>>
    %dma_start3A_34 = tpu.memref_slice %arg11[%dma_start3A_23] : memref<3x!tpu.dma_semaphore, #tpu.memory_space<semaphore_mem>> -> memref<1x!tpu.dma_semaphore, #tpu.memory_space<semaphore_mem>>
    %dma_start3A_35 = tpu.memref_squeeze %dma_start3A_34 : memref<1x!tpu.dma_semaphore, #tpu.memory_space<semaphore_mem>> -> memref<!tpu.dma_semaphore, #tpu.memory_space<semaphore_mem>>
    tpu.enqueue_indirect_dma source(%dma_start3A_33 : memref<10112x128xf32, #tpu.memory_space<hbm>>) target(%dma_start3A_27 : memref<120x128xf32, #tpu.memory_space<vmem>>) offsets(%dma_start3A_30 : memref<120xi32, #tpu.memory_space<vmem>>) semaphore(%dma_start3A_35 : memref<!tpu.dma_semaphore, #tpu.memory_space<semaphore_mem>>)
    %dma_start3A_36 = arith.constant 0 : i32
    %dma_start3A_37 = arith.constant 1 : i32
    %dma_start3A_38 = arith.constant 1 : i32
    %dma_start3A_39 = arith.constant 1 : i32
    %dma_start3A_40 = arith.constant 0 : i32
    %dma_start3A_41 = arith.constant 0 : i32
    %dma_start3A_42 = tpu.memref_slice %arg9[%dma_start3A_38, %dma_start3A_40, %dma_start3A_41] : memref<3x120x128xf32, #tpu.memory_space<vmem>> -> memref<1x120x128xf32, #tpu.memory_space<vmem>>
    %dma_start3A_43 = tpu.memref_squeeze %dma_start3A_42 : memref<1x120x128xf32, #tpu.memory_space<vmem>> -> memref<120x128xf32, #tpu.memory_space<vmem>>
    %dma_start3A_44 = arith.constant 0 : i32
    %dma_start3A_45 = tpu.memref_slice %arg7[%dma_start3A_36, %dma_start3A_37, %dma_start3A_44] : memref<3x4x120xi32, #tpu.memory_space<vmem>> -> memref<1x1x120xi32, #tpu.memory_space<vmem>>
    %dma_start3A_46 = tpu.memref_squeeze %dma_start3A_45 : memref<1x1x120xi32, #tpu.memory_space<vmem>> -> memref<120xi32, #tpu.memory_space<vmem>>
    %dma_start3A_47 = arith.constant 0 : i32
    %dma_start3A_48 = arith.constant 0 : i32
    %dma_start3A_49 = tpu.memref_slice %arg2[%dma_start3A_47, %dma_start3A_48] : memref<10112x128xf32, #tpu.memory_space<hbm>> -> memref<10112x128xf32, #tpu.memory_space<hbm>>
    %dma_start3A_50 = tpu.memref_slice %arg11[%dma_start3A_39] : memref<3x!tpu.dma_semaphore, #tpu.memory_space<semaphore_mem>> -> memref<1x!tpu.dma_semaphore, #tpu.memory_space<semaphore_mem>>
    %dma_start3A_51 = tpu.memref_squeeze %dma_start3A_50 : memref<1x!tpu.dma_semaphore, #tpu.memory_space<semaphore_mem>> -> memref<!tpu.dma_semaphore, #tpu.memory_space<semaphore_mem>>
    tpu.enqueue_indirect_dma source(%dma_start3A_49 : memref<10112x128xf32, #tpu.memory_space<hbm>>) target(%dma_start3A_43 : memref<120x128xf32, #tpu.memory_space<vmem>>) offsets(%dma_start3A_46 : memref<120xi32, #tpu.memory_space<vmem>>) semaphore(%dma_start3A_51 : memref<!tpu.dma_semaphore, #tpu.memory_space<semaphore_mem>>)
    %scan3A = arith.constant 0 : i32
    %scan3A_52 = arith.constant 0 : i32
    %scan3A_53 = arith.constant 84 : i32
    %scan3A_54 = arith.addi %scan3A_52, %scan3A_53 : i32
    %scan3A_55 = arith.constant 1 : i32
    scf.for %scan3A_78 = %scan3A_52 to %scan3A_54 step %scan3A_55  : i32 {
      %rem3A = arith.constant 3 : i32
      %rem3A_79 = arith.remsi %scan3A_78, %rem3A : i32
      %div3A = arith.constant 4 : i32
      %div3A_80 = arith.divsi %scan3A_78, %div3A : i32
      %rem3A_81 = arith.constant 4 : i32
      %rem3A_82 = arith.remsi %scan3A_78, %rem3A_81 : i32
      %rem3A_83 = arith.constant 3 : i32
      %rem3A_84 = arith.remsi %div3A_80, %rem3A_83 : i32
      %dma_wait3A_85 = arith.constant 0 : i32
      %dma_wait3A_86 = arith.constant 0 : i32
      %dma_wait3A_87 = tpu.memref_slice %arg9[%rem3A_79, %dma_wait3A_85, %dma_wait3A_86] : memref<3x120x128xf32, #tpu.memory_space<vmem>> -> memref<1x120x128xf32, #tpu.memory_space<vmem>>
      %dma_wait3A_88 = tpu.memref_squeeze %dma_wait3A_87 : memref<1x120x128xf32, #tpu.memory_space<vmem>> -> memref<120x128xf32, #tpu.memory_space<vmem>>
      %dma_wait3A_89 = arith.constant 0 : i32
      %dma_wait3A_90 = tpu.memref_slice %arg7[%rem3A_84, %rem3A_82, %dma_wait3A_89] : memref<3x4x120xi32, #tpu.memory_space<vmem>> -> memref<1x1x120xi32, #tpu.memory_space<vmem>>
      %dma_wait3A_91 = tpu.memref_squeeze %dma_wait3A_90 : memref<1x1x120xi32, #tpu.memory_space<vmem>> -> memref<120xi32, #tpu.memory_space<vmem>>
      %dma_wait3A_92 = arith.constant 0 : i32
      %dma_wait3A_93 = arith.constant 0 : i32
      %dma_wait3A_94 = tpu.memref_slice %arg2[%dma_wait3A_92, %dma_wait3A_93] : memref<10112x128xf32, #tpu.memory_space<hbm>> -> memref<10112x128xf32, #tpu.memory_space<hbm>>
      %dma_wait3A_95 = tpu.memref_slice %arg11[%rem3A_79] : memref<3x!tpu.dma_semaphore, #tpu.memory_space<semaphore_mem>> -> memref<1x!tpu.dma_semaphore, #tpu.memory_space<semaphore_mem>>
      %dma_wait3A_96 = tpu.memref_squeeze %dma_wait3A_95 : memref<1x!tpu.dma_semaphore, #tpu.memory_space<semaphore_mem>> -> memref<!tpu.dma_semaphore, #tpu.memory_space<semaphore_mem>>
      tpu.wait_indirect_dma semaphore(%dma_wait3A_96 : memref<!tpu.dma_semaphore, #tpu.memory_space<semaphore_mem>>) src(%dma_wait3A_94 : memref<10112x128xf32, #tpu.memory_space<hbm>>) dst(%dma_wait3A_88 : memref<120x128xf32, #tpu.memory_space<vmem>>)
      %dma_start3A_97 = arith.constant 0 : i32
      %dma_start3A_98 = arith.constant 0 : i32
      %dma_start3A_99 = tpu.memref_slice %arg9[%rem3A_79, %dma_start3A_97, %dma_start3A_98] : memref<3x120x128xf32, #tpu.memory_space<vmem>> -> memref<1x120x128xf32, #tpu.memory_space<vmem>>
      %dma_start3A_100 = tpu.memref_squeeze %dma_start3A_99 : memref<1x120x128xf32, #tpu.memory_space<vmem>> -> memref<120x128xf32, #tpu.memory_space<vmem>>
      %dma_start3A_101 = arith.constant 0 : i32
      %dma_start3A_102 = tpu.memref_slice %arg8[%rem3A_84, %rem3A_82, %dma_start3A_101] : memref<3x4x120xi32, #tpu.memory_space<vmem>> -> memref<1x1x120xi32, #tpu.memory_space<vmem>>
      %dma_start3A_103 = tpu.memref_squeeze %dma_start3A_102 : memref<1x1x120xi32, #tpu.memory_space<vmem>> -> memref<120xi32, #tpu.memory_space<vmem>>
      %dma_start3A_104 = arith.constant 0 : i32
      %dma_start3A_105 = arith.constant 0 : i32
      %dma_start3A_106 = tpu.memref_slice %arg10[%dma_start3A_104, %dma_start3A_105] : memref<10112x128xf32, #tpu.memory_space<vmem_shared>> -> memref<10112x128xf32, #tpu.memory_space<vmem_shared>>
      %dma_start3A_107 = tpu.memref_slice %arg12[%rem3A_79] : memref<3x!tpu.dma_semaphore, #tpu.memory_space<semaphore_mem>> -> memref<1x!tpu.dma_semaphore, #tpu.memory_space<semaphore_mem>>
      %dma_start3A_108 = tpu.memref_squeeze %dma_start3A_107 : memref<1x!tpu.dma_semaphore, #tpu.memory_space<semaphore_mem>> -> memref<!tpu.dma_semaphore, #tpu.memory_space<semaphore_mem>>
      tpu.enqueue_indirect_dma source(%dma_start3A_100 : memref<120x128xf32, #tpu.memory_space<vmem>>) target(%dma_start3A_106 : memref<10112x128xf32, #tpu.memory_space<vmem_shared>>) offsets(%dma_start3A_103 : memref<120xi32, #tpu.memory_space<vmem>>) semaphore(%dma_start3A_108 : memref<!tpu.dma_semaphore, #tpu.memory_space<semaphore_mem>>) {add = true}
      %ge3A = arith.constant 1 : i32
      %ge3A_109 = arith.cmpi sge, %scan3A_78, %ge3A : i32
      %convert_element_type3A = arith.extui %ge3A_109 : i1 to i32
      %cond3A = arith.constant 0 : i32
      %cond3A_110 = arith.cmpi ne, %convert_element_type3A, %cond3A : i32
      scf.if %cond3A_110 {
        %sub3A_118 = arith.constant 1 : i32
        %sub3A_119 = arith.subi %scan3A_78, %sub3A_118 : i32
        %rem3A_120 = arith.constant 3 : i32
        %rem3A_121 = arith.remsi %sub3A_119, %rem3A_120 : i32
        %div3A_122 = arith.constant 4 : i32
        %div3A_123 = arith.divsi %sub3A_119, %div3A_122 : i32
        %rem3A_124 = arith.constant 3 : i32
        %rem3A_125 = arith.remsi %div3A_123, %rem3A_124 : i32
        %rem3A_126 = arith.constant 4 : i32
        %rem3A_127 = arith.remsi %sub3A_119, %rem3A_126 : i32
        %dma_wait3A_128 = arith.constant 0 : i32
        %dma_wait3A_129 = arith.constant 0 : i32
        %dma_wait3A_130 = tpu.memref_slice %arg9[%rem3A_121, %dma_wait3A_128, %dma_wait3A_129] : memref<3x120x128xf32, #tpu.memory_space<vmem>> -> memref<1x120x128xf32, #tpu.memory_space<vmem>>
        %dma_wait3A_131 = tpu.memref_squeeze %dma_wait3A_130 : memref<1x120x128xf32, #tpu.memory_space<vmem>> -> memref<120x128xf32, #tpu.memory_space<vmem>>
        %dma_wait3A_132 = arith.constant 0 : i32
        %dma_wait3A_133 = tpu.memref_slice %arg8[%rem3A_125, %rem3A_127, %dma_wait3A_132] : memref<3x4x120xi32, #tpu.memory_space<vmem>> -> memref<1x1x120xi32, #tpu.memory_space<vmem>>
        %dma_wait3A_134 = tpu.memref_squeeze %dma_wait3A_133 : memref<1x1x120xi32, #tpu.memory_space<vmem>> -> memref<120xi32, #tpu.memory_space<vmem>>
        %dma_wait3A_135 = arith.constant 0 : i32
        %dma_wait3A_136 = arith.constant 0 : i32
        %dma_wait3A_137 = tpu.memref_slice %arg10[%dma_wait3A_135, %dma_wait3A_136] : memref<10112x128xf32, #tpu.memory_space<vmem_shared>> -> memref<10112x128xf32, #tpu.memory_space<vmem_shared>>
        %dma_wait3A_138 = tpu.memref_slice %arg12[%rem3A_121] : memref<3x!tpu.dma_semaphore, #tpu.memory_space<semaphore_mem>> -> memref<1x!tpu.dma_semaphore, #tpu.memory_space<semaphore_mem>>
        %dma_wait3A_139 = tpu.memref_squeeze %dma_wait3A_138 : memref<1x!tpu.dma_semaphore, #tpu.memory_space<semaphore_mem>> -> memref<!tpu.dma_semaphore, #tpu.memory_space<semaphore_mem>>
        tpu.wait_indirect_dma semaphore(%dma_wait3A_139 : memref<!tpu.dma_semaphore, #tpu.memory_space<semaphore_mem>>) src(%dma_wait3A_131 : memref<120x128xf32, #tpu.memory_space<vmem>>) dst(%dma_wait3A_137 : memref<10112x128xf32, #tpu.memory_space<vmem_shared>>)
      } else {
      }
      %add3A_111 = arith.constant 3 : i32
      %add3A_112 = arith.addi %scan3A_78, %add3A_111 : i32
      %sub3A = arith.constant 1 : i32
      %sub3A_113 = arith.subi %add3A_112, %sub3A : i32
      %lt3A = arith.constant 84 : i32
      %lt3A_114 = arith.cmpi slt, %sub3A_113, %lt3A : i32
      %convert_element_type3A_115 = arith.extui %lt3A_114 : i1 to i32
      %cond3A_116 = arith.constant 0 : i32
      %cond3A_117 = arith.cmpi ne, %convert_element_type3A_115, %cond3A_116 : i32
      scf.if %cond3A_117 {
        %div3A_118 = arith.constant 4 : i32
        %div3A_119 = arith.divsi %sub3A_113, %div3A_118 : i32
        %rem3A_120 = arith.constant 3 : i32
        %rem3A_121 = arith.remsi %div3A_119, %rem3A_120 : i32
        %rem3A_122 = arith.constant 4 : i32
        %rem3A_123 = arith.remsi %sub3A_113, %rem3A_122 : i32
        %eq3A = arith.constant 0 : i32
        %eq3A_124 = arith.cmpi eq, %rem3A_123, %eq3A : i32
        %ge3A_125 = arith.constant 2 : i32
        %ge3A_126 = arith.cmpi sge, %div3A_119, %ge3A_125 : i32
        %and3A = arith.andi %eq3A_124, %ge3A_126 : i1
        %convert_element_type3A_127 = arith.extui %and3A : i1 to i32
        %cond3A_128 = arith.constant 0 : i32
        %cond3A_129 = arith.cmpi ne, %convert_element_type3A_127, %cond3A_128 : i32
        scf.if %cond3A_129 {
          %mul3A_160 = arith.constant 4 : i32
          %mul3A_161 = arith.muli %div3A_119, %mul3A_160 : i32
          %dma_wait3A_162 = arith.constant 0 : i32
          %dma_wait3A_163 = arith.constant 0 : i32
          %dma_wait3A_164 = tpu.memref_slice %arg7[%rem3A_121, %dma_wait3A_162, %dma_wait3A_163] : memref<3x4x120xi32, #tpu.memory_space<vmem>> -> memref<1x4x120xi32, #tpu.memory_space<vmem>>
          %dma_wait3A_165 = tpu.memref_squeeze %dma_wait3A_164 : memref<1x4x120xi32, #tpu.memory_space<vmem>> -> memref<4x120xi32, #tpu.memory_space<vmem>>
          %dma_wait3A_166 = arith.constant 0 : i32
          %dma_wait3A_167 = tpu.memref_slice %arg4[%add3A, %mul3A_161, %dma_wait3A_166] : memref<32x84x120xi32, #tpu.memory_space<hbm>> -> memref<1x4x120xi32, #tpu.memory_space<hbm>>
          %dma_wait3A_168 = tpu.memref_squeeze %dma_wait3A_167 : memref<1x4x120xi32, #tpu.memory_space<hbm>> -> memref<4x120xi32, #tpu.memory_space<hbm>>
          %dma_wait3A_169 = tpu.memref_slice %arg13[%rem3A_121] : memref<3x!tpu.dma_semaphore, #tpu.memory_space<semaphore_mem>> -> memref<1x!tpu.dma_semaphore, #tpu.memory_space<semaphore_mem>>
          %dma_wait3A_170 = tpu.memref_squeeze %dma_wait3A_169 : memref<1x!tpu.dma_semaphore, #tpu.memory_space<semaphore_mem>> -> memref<!tpu.dma_semaphore, #tpu.memory_space<semaphore_mem>>
          %dma_wait3A_171 = arith.constant 0 : i32
          %dma_wait3A_172 = arith.constant 0 : i32
          %dma_wait3A_173 = tpu.memref_slice %arg7[%rem3A_121, %dma_wait3A_171, %dma_wait3A_172] : memref<3x4x120xi32, #tpu.memory_space<vmem>> -> memref<1x4x120xi32, #tpu.memory_space<vmem>>
          %dma_wait3A_174 = tpu.memref_squeeze %dma_wait3A_173 : memref<1x4x120xi32, #tpu.memory_space<vmem>> -> memref<4x120xi32, #tpu.memory_space<vmem>>
          %dma_wait3A_175 = arith.constant 0 : i32
          %dma_wait3A_176 = tpu.memref_slice %arg4[%add3A, %mul3A_161, %dma_wait3A_175] : memref<32x84x120xi32, #tpu.memory_space<hbm>> -> memref<1x4x120xi32, #tpu.memory_space<hbm>>
          %dma_wait3A_177 = tpu.memref_squeeze %dma_wait3A_176 : memref<1x4x120xi32, #tpu.memory_space<hbm>> -> memref<4x120xi32, #tpu.memory_space<hbm>>
          tpu.wait_dma2 semaphore(%dma_wait3A_170 : memref<!tpu.dma_semaphore, #tpu.memory_space<semaphore_mem>>) src(%dma_wait3A_177 : memref<4x120xi32, #tpu.memory_space<hbm>>) dst(%dma_wait3A_174 : memref<4x120xi32, #tpu.memory_space<vmem>>)
          %mul3A_178 = arith.constant 4 : i32
          %mul3A_179 = arith.muli %div3A_119, %mul3A_178 : i32
          %dma_wait3A_180 = arith.constant 0 : i32
          %dma_wait3A_181 = arith.constant 0 : i32
          %dma_wait3A_182 = tpu.memref_slice %arg8[%rem3A_121, %dma_wait3A_180, %dma_wait3A_181] : memref<3x4x120xi32, #tpu.memory_space<vmem>> -> memref<1x4x120xi32, #tpu.memory_space<vmem>>
          %dma_wait3A_183 = tpu.memref_squeeze %dma_wait3A_182 : memref<1x4x120xi32, #tpu.memory_space<vmem>> -> memref<4x120xi32, #tpu.memory_space<vmem>>
          %dma_wait3A_184 = arith.constant 0 : i32
          %dma_wait3A_185 = tpu.memref_slice %arg5[%add3A, %mul3A_179, %dma_wait3A_184] : memref<32x84x120xi32, #tpu.memory_space<hbm>> -> memref<1x4x120xi32, #tpu.memory_space<hbm>>
          %dma_wait3A_186 = tpu.memref_squeeze %dma_wait3A_185 : memref<1x4x120xi32, #tpu.memory_space<hbm>> -> memref<4x120xi32, #tpu.memory_space<hbm>>
          %dma_wait3A_187 = tpu.memref_slice %arg14[%rem3A_121] : memref<3x!tpu.dma_semaphore, #tpu.memory_space<semaphore_mem>> -> memref<1x!tpu.dma_semaphore, #tpu.memory_space<semaphore_mem>>
          %dma_wait3A_188 = tpu.memref_squeeze %dma_wait3A_187 : memref<1x!tpu.dma_semaphore, #tpu.memory_space<semaphore_mem>> -> memref<!tpu.dma_semaphore, #tpu.memory_space<semaphore_mem>>
          %dma_wait3A_189 = arith.constant 0 : i32
          %dma_wait3A_190 = arith.constant 0 : i32
          %dma_wait3A_191 = tpu.memref_slice %arg8[%rem3A_121, %dma_wait3A_189, %dma_wait3A_190] : memref<3x4x120xi32, #tpu.memory_space<vmem>> -> memref<1x4x120xi32, #tpu.memory_space<vmem>>
          %dma_wait3A_192 = tpu.memref_squeeze %dma_wait3A_191 : memref<1x4x120xi32, #tpu.memory_space<vmem>> -> memref<4x120xi32, #tpu.memory_space<vmem>>
          %dma_wait3A_193 = arith.constant 0 : i32
          %dma_wait3A_194 = tpu.memref_slice %arg5[%add3A, %mul3A_179, %dma_wait3A_193] : memref<32x84x120xi32, #tpu.memory_space<hbm>> -> memref<1x4x120xi32, #tpu.memory_space<hbm>>
          %dma_wait3A_195 = tpu.memref_squeeze %dma_wait3A_194 : memref<1x4x120xi32, #tpu.memory_space<hbm>> -> memref<4x120xi32, #tpu.memory_space<hbm>>
          tpu.wait_dma2 semaphore(%dma_wait3A_188 : memref<!tpu.dma_semaphore, #tpu.memory_space<semaphore_mem>>) src(%dma_wait3A_195 : memref<4x120xi32, #tpu.memory_space<hbm>>) dst(%dma_wait3A_192 : memref<4x120xi32, #tpu.memory_space<vmem>>)
        } else {
        }
        %rem3A_130 = arith.constant 4 : i32
        %rem3A_131 = arith.remsi %sub3A_113, %rem3A_130 : i32
        %eq3A_132 = arith.constant 0 : i32
        %eq3A_133 = arith.cmpi eq, %rem3A_131, %eq3A_132 : i32
        %add3A_134 = arith.constant 1 : i32
        %add3A_135 = arith.addi %div3A_119, %add3A_134 : i32
        %lt3A_136 = arith.constant 21 : i32
        %lt3A_137 = arith.cmpi slt, %add3A_135, %lt3A_136 : i32
        %and3A_138 = arith.andi %eq3A_133, %lt3A_137 : i1
        %convert_element_type3A_139 = arith.extui %and3A_138 : i1 to i32
        %cond3A_140 = arith.constant 0 : i32
        %cond3A_141 = arith.cmpi ne, %convert_element_type3A_139, %cond3A_140 : i32
        scf.if %cond3A_141 {
          %add3A_160 = arith.constant 1 : i32
          %add3A_161 = arith.addi %div3A_119, %add3A_160 : i32
          %rem3A_162 = arith.constant 3 : i32
          %rem3A_163 = arith.remsi %add3A_161, %rem3A_162 : i32
          %mul3A_164 = arith.constant 4 : i32
          %mul3A_165 = arith.muli %add3A_161, %mul3A_164 : i32
          %dma_start3A_166 = arith.constant 0 : i32
          %dma_start3A_167 = arith.constant 0 : i32
          %dma_start3A_168 = tpu.memref_slice %arg7[%rem3A_163, %dma_start3A_166, %dma_start3A_167] : memref<3x4x120xi32, #tpu.memory_space<vmem>> -> memref<1x4x120xi32, #tpu.memory_space<vmem>>
          %dma_start3A_169 = tpu.memref_squeeze %dma_start3A_168 : memref<1x4x120xi32, #tpu.memory_space<vmem>> -> memref<4x120xi32, #tpu.memory_space<vmem>>
          %dma_start3A_170 = arith.constant 0 : i32
          %dma_start3A_171 = tpu.memref_slice %arg4[%add3A, %mul3A_165, %dma_start3A_170] : memref<32x84x120xi32, #tpu.memory_space<hbm>> -> memref<1x4x120xi32, #tpu.memory_space<hbm>>
          %dma_start3A_172 = tpu.memref_squeeze %dma_start3A_171 : memref<1x4x120xi32, #tpu.memory_space<hbm>> -> memref<4x120xi32, #tpu.memory_space<hbm>>
          %dma_start3A_173 = tpu.memref_slice %arg13[%rem3A_163] : memref<3x!tpu.dma_semaphore, #tpu.memory_space<semaphore_mem>> -> memref<1x!tpu.dma_semaphore, #tpu.memory_space<semaphore_mem>>
          %dma_start3A_174 = tpu.memref_squeeze %dma_start3A_173 : memref<1x!tpu.dma_semaphore, #tpu.memory_space<semaphore_mem>> -> memref<!tpu.dma_semaphore, #tpu.memory_space<semaphore_mem>>
          %dma_start3A_175 = arith.constant 0 : i32
          %dma_start3A_176 = arith.constant 0 : i32
          %dma_start3A_177 = tpu.memref_slice %arg7[%rem3A_163, %dma_start3A_175, %dma_start3A_176] : memref<3x4x120xi32, #tpu.memory_space<vmem>> -> memref<1x4x120xi32, #tpu.memory_space<vmem>>
          %dma_start3A_178 = tpu.memref_squeeze %dma_start3A_177 : memref<1x4x120xi32, #tpu.memory_space<vmem>> -> memref<4x120xi32, #tpu.memory_space<vmem>>
          %dma_start3A_179 = arith.constant 0 : i32
          %dma_start3A_180 = tpu.memref_slice %arg4[%add3A, %mul3A_165, %dma_start3A_179] : memref<32x84x120xi32, #tpu.memory_space<hbm>> -> memref<1x4x120xi32, #tpu.memory_space<hbm>>
          %dma_start3A_181 = tpu.memref_squeeze %dma_start3A_180 : memref<1x4x120xi32, #tpu.memory_space<hbm>> -> memref<4x120xi32, #tpu.memory_space<hbm>>
          tpu.enqueue_dma source(%dma_start3A_181 : memref<4x120xi32, #tpu.memory_space<hbm>>) target(%dma_start3A_178 : memref<4x120xi32, #tpu.memory_space<vmem>>) target_semaphore(%dma_start3A_174 : memref<!tpu.dma_semaphore, #tpu.memory_space<semaphore_mem>>)
          %mul3A_182 = arith.constant 4 : i32
          %mul3A_183 = arith.muli %add3A_161, %mul3A_182 : i32
          %dma_start3A_184 = arith.constant 0 : i32
          %dma_start3A_185 = arith.constant 0 : i32
          %dma_start3A_186 = tpu.memref_slice %arg8[%rem3A_163, %dma_start3A_184, %dma_start3A_185] : memref<3x4x120xi32, #tpu.memory_space<vmem>> -> memref<1x4x120xi32, #tpu.memory_space<vmem>>
          %dma_start3A_187 = tpu.memref_squeeze %dma_start3A_186 : memref<1x4x120xi32, #tpu.memory_space<vmem>> -> memref<4x120xi32, #tpu.memory_space<vmem>>
          %dma_start3A_188 = arith.constant 0 : i32
          %dma_start3A_189 = tpu.memref_slice %arg5[%add3A, %mul3A_183, %dma_start3A_188] : memref<32x84x120xi32, #tpu.memory_space<hbm>> -> memref<1x4x120xi32, #tpu.memory_space<hbm>>
          %dma_start3A_190 = tpu.memref_squeeze %dma_start3A_189 : memref<1x4x120xi32, #tpu.memory_space<hbm>> -> memref<4x120xi32, #tpu.memory_space<hbm>>
          %dma_start3A_191 = tpu.memref_slice %arg14[%rem3A_163] : memref<3x!tpu.dma_semaphore, #tpu.memory_space<semaphore_mem>> -> memref<1x!tpu.dma_semaphore, #tpu.memory_space<semaphore_mem>>
          %dma_start3A_192 = tpu.memref_squeeze %dma_start3A_191 : memref<1x!tpu.dma_semaphore, #tpu.memory_space<semaphore_mem>> -> memref<!tpu.dma_semaphore, #tpu.memory_space<semaphore_mem>>
          %dma_start3A_193 = arith.constant 0 : i32
          %dma_start3A_194 = arith.constant 0 : i32
          %dma_start3A_195 = tpu.memref_slice %arg8[%rem3A_163, %dma_start3A_193, %dma_start3A_194] : memref<3x4x120xi32, #tpu.memory_space<vmem>> -> memref<1x4x120xi32, #tpu.memory_space<vmem>>
          %dma_start3A_196 = tpu.memref_squeeze %dma_start3A_195 : memref<1x4x120xi32, #tpu.memory_space<vmem>> -> memref<4x120xi32, #tpu.memory_space<vmem>>
          %dma_start3A_197 = arith.constant 0 : i32
          %dma_start3A_198 = tpu.memref_slice %arg5[%add3A, %mul3A_183, %dma_start3A_197] : memref<32x84x120xi32, #tpu.memory_space<hbm>> -> memref<1x4x120xi32, #tpu.memory_space<hbm>>
          %dma_start3A_199 = tpu.memref_squeeze %dma_start3A_198 : memref<1x4x120xi32, #tpu.memory_space<hbm>> -> memref<4x120xi32, #tpu.memory_space<hbm>>
          tpu.enqueue_dma source(%dma_start3A_199 : memref<4x120xi32, #tpu.memory_space<hbm>>) target(%dma_start3A_196 : memref<4x120xi32, #tpu.memory_space<vmem>>) target_semaphore(%dma_start3A_192 : memref<!tpu.dma_semaphore, #tpu.memory_space<semaphore_mem>>)
        } else {
        }
        %rem3A_142 = arith.constant 4 : i32
        %rem3A_143 = arith.remsi %sub3A_113, %rem3A_142 : i32
        %rem3A_144 = arith.constant 3 : i32
        %rem3A_145 = arith.remsi %sub3A_113, %rem3A_144 : i32
        %rem3A_146 = arith.constant 3 : i32
        %rem3A_147 = arith.remsi %sub3A_113, %rem3A_146 : i32
        %dma_start3A_148 = arith.constant 0 : i32
        %dma_start3A_149 = arith.constant 0 : i32
        %dma_start3A_150 = tpu.memref_slice %arg9[%rem3A_145, %dma_start3A_148, %dma_start3A_149] : memref<3x120x128xf32, #tpu.memory_space<vmem>> -> memref<1x120x128xf32, #tpu.memory_space<vmem>>
        %dma_start3A_151 = tpu.memref_squeeze %dma_start3A_150 : memref<1x120x128xf32, #tpu.memory_space<vmem>> -> memref<120x128xf32, #tpu.memory_space<vmem>>
        %dma_start3A_152 = arith.constant 0 : i32
        %dma_start3A_153 = tpu.memref_slice %arg7[%rem3A_121, %rem3A_143, %dma_start3A_152] : memref<3x4x120xi32, #tpu.memory_space<vmem>> -> memref<1x1x120xi32, #tpu.memory_space<vmem>>
        %dma_start3A_154 = tpu.memref_squeeze %dma_start3A_153 : memref<1x1x120xi32, #tpu.memory_space<vmem>> -> memref<120xi32, #tpu.memory_space<vmem>>
        %dma_start3A_155 = arith.constant 0 : i32
        %dma_start3A_156 = arith.constant 0 : i32
        %dma_start3A_157 = tpu.memref_slice %arg2[%dma_start3A_155, %dma_start3A_156] : memref<10112x128xf32, #tpu.memory_space<hbm>> -> memref<10112x128xf32, #tpu.memory_space<hbm>>
        %dma_start3A_158 = tpu.memref_slice %arg11[%rem3A_147] : memref<3x!tpu.dma_semaphore, #tpu.memory_space<semaphore_mem>> -> memref<1x!tpu.dma_semaphore, #tpu.memory_space<semaphore_mem>>
        %dma_start3A_159 = tpu.memref_squeeze %dma_start3A_158 : memref<1x!tpu.dma_semaphore, #tpu.memory_space<semaphore_mem>> -> memref<!tpu.dma_semaphore, #tpu.memory_space<semaphore_mem>>
        tpu.enqueue_indirect_dma source(%dma_start3A_157 : memref<10112x128xf32, #tpu.memory_space<hbm>>) target(%dma_start3A_151 : memref<120x128xf32, #tpu.memory_space<vmem>>) offsets(%dma_start3A_154 : memref<120xi32, #tpu.memory_space<vmem>>) semaphore(%dma_start3A_159 : memref<!tpu.dma_semaphore, #tpu.memory_space<semaphore_mem>>)
      } else {
      }
    }
    %scan3A_56 = arith.constant 84 : i32
    %dma_wait3A_57 = arith.constant 2 : i32
    %dma_wait3A_58 = arith.constant 2 : i32
    %dma_wait3A_59 = arith.constant 3 : i32
    %dma_wait3A_60 = arith.constant 2 : i32
    %dma_wait3A_61 = arith.constant 0 : i32
    %dma_wait3A_62 = arith.constant 0 : i32
    %dma_wait3A_63 = tpu.memref_slice %arg9[%dma_wait3A_57, %dma_wait3A_61, %dma_wait3A_62] : memref<3x120x128xf32, #tpu.memory_space<vmem>> -> memref<1x120x128xf32, #tpu.memory_space<vmem>>
    %dma_wait3A_64 = tpu.memref_squeeze %dma_wait3A_63 : memref<1x120x128xf32, #tpu.memory_space<vmem>> -> memref<120x128xf32, #tpu.memory_space<vmem>>
    %dma_wait3A_65 = arith.constant 0 : i32
    %dma_wait3A_66 = tpu.memref_slice %arg8[%dma_wait3A_58, %dma_wait3A_59, %dma_wait3A_65] : memref<3x4x120xi32, #tpu.memory_space<vmem>> -> memref<1x1x120xi32, #tpu.memory_space<vmem>>
    %dma_wait3A_67 = tpu.memref_squeeze %dma_wait3A_66 : memref<1x1x120xi32, #tpu.memory_space<vmem>> -> memref<120xi32, #tpu.memory_space<vmem>>
    %dma_wait3A_68 = arith.constant 0 : i32
    %dma_wait3A_69 = arith.constant 0 : i32
    %dma_wait3A_70 = tpu.memref_slice %arg10[%dma_wait3A_68, %dma_wait3A_69] : memref<10112x128xf32, #tpu.memory_space<vmem_shared>> -> memref<10112x128xf32, #tpu.memory_space<vmem_shared>>
    %dma_wait3A_71 = tpu.memref_slice %arg12[%dma_wait3A_60] : memref<3x!tpu.dma_semaphore, #tpu.memory_space<semaphore_mem>> -> memref<1x!tpu.dma_semaphore, #tpu.memory_space<semaphore_mem>>
    %dma_wait3A_72 = tpu.memref_squeeze %dma_wait3A_71 : memref<1x!tpu.dma_semaphore, #tpu.memory_space<semaphore_mem>> -> memref<!tpu.dma_semaphore, #tpu.memory_space<semaphore_mem>>
    tpu.wait_indirect_dma semaphore(%dma_wait3A_72 : memref<!tpu.dma_semaphore, #tpu.memory_space<semaphore_mem>>) src(%dma_wait3A_64 : memref<120x128xf32, #tpu.memory_space<vmem>>) dst(%dma_wait3A_70 : memref<10112x128xf32, #tpu.memory_space<vmem_shared>>)
    %barrier3A_73 = arith.constant 0 : index
    tpu.barrier barrier_id(%barrier3A_73)
    %mul3A_74 = arith.constant 632 : i32
    %mul3A_75 = arith.muli %arg1, %mul3A_74 : i32
    %mul3A_76 = arith.constant 632 : i32
    %mul3A_77 = arith.muli %arg1, %mul3A_76 : i32
    "tpu.region"() ({
      %run_scoped3A_78 = tpu.sem_alloc : memref<!tpu.dma_semaphore, #tpu.memory_space<semaphore_mem>>
      %dma_start3A_79 = arith.constant 0 : i32
      %dma_start3A_80 = tpu.memref_slice %arg6[%arg0, %mul3A_77, %dma_start3A_79] : memref<2x10112x128xf32, #tpu.memory_space<hbm>> -> memref<1x632x128xf32, #tpu.memory_space<hbm>>
      %dma_start3A_81 = tpu.memref_squeeze %dma_start3A_80 : memref<1x632x128xf32, #tpu.memory_space<hbm>> -> memref<632x128xf32, #tpu.memory_space<hbm>>
      %dma_start3A_82 = arith.constant 0 : i32
      %dma_start3A_83 = tpu.memref_slice %arg10[%mul3A_75, %dma_start3A_82] : memref<10112x128xf32, #tpu.memory_space<vmem_shared>> -> memref<632x128xf32, #tpu.memory_space<vmem_shared>>
      tpu.enqueue_dma source(%dma_start3A_83 : memref<632x128xf32, #tpu.memory_space<vmem_shared>>) target(%dma_start3A_81 : memref<632x128xf32, #tpu.memory_space<hbm>>) target_semaphore(%run_scoped3A_78 : memref<!tpu.dma_semaphore, #tpu.memory_space<semaphore_mem>>)
      %dma_wait3A_84 = arith.constant 0 : i32
      %dma_wait3A_85 = tpu.memref_slice %arg6[%arg0, %mul3A_77, %dma_wait3A_84] : memref<2x10112x128xf32, #tpu.memory_space<hbm>> -> memref<1x632x128xf32, #tpu.memory_space<hbm>>
      %dma_wait3A_86 = tpu.memref_squeeze %dma_wait3A_85 : memref<1x632x128xf32, #tpu.memory_space<hbm>> -> memref<632x128xf32, #tpu.memory_space<hbm>>
      %dma_wait3A_87 = arith.constant 0 : i32
      %dma_wait3A_88 = tpu.memref_slice %arg10[%mul3A_75, %dma_wait3A_87] : memref<10112x128xf32, #tpu.memory_space<vmem_shared>> -> memref<632x128xf32, #tpu.memory_space<vmem_shared>>
      tpu.wait_dma2 semaphore(%run_scoped3A_78 : memref<!tpu.dma_semaphore, #tpu.memory_space<semaphore_mem>>) src(%dma_wait3A_88 : memref<632x128xf32, #tpu.memory_space<vmem_shared>>) dst(%dma_wait3A_86 : memref<632x128xf32, #tpu.memory_space<hbm>>)
      tpu.yield
    }) : () -> ()
    return
  }
}

#map = affine_map<(d0, d1) -> (0, 0)>
#map1 = affine_map<(d0, d1) -> (0, 0, 0)>
module attributes {stable_mosaic.version = 14 : i64} {
  func.func @agg(%arg0: i32, %arg1: i32, %arg2: memref<10112x128xf32, #tpu.memory_space<hbm>>, %arg3: memref<10112x128xf32, #tpu.memory_space<hbm>>, %arg4: memref<32x84x120xi32, #tpu.memory_space<hbm>>, %arg5: memref<32x84x120xi32, #tpu.memory_space<hbm>>, %arg6: memref<2x10112x128xf32, #tpu.memory_space<hbm>>, %arg7: memref<3x4x120xi32, #tpu.memory_space<vmem>>, %arg8: memref<3x4x120xi32, #tpu.memory_space<vmem>>, %arg9: memref<3x120x128xf32, #tpu.memory_space<vmem>>, %arg10: memref<10112x128xf32, #tpu.memory_space<vmem_shared>>, %arg11: memref<3x!tpu.dma_semaphore, #tpu.memory_space<semaphore_mem>>, %arg12: memref<3x!tpu.dma_semaphore, #tpu.memory_space<semaphore_mem>>, %arg13: memref<3x!tpu.dma_semaphore, #tpu.memory_space<semaphore_mem>>, %arg14: memref<3x!tpu.dma_semaphore, #tpu.memory_space<semaphore_mem>>) attributes {dimension_semantics = [#tpu.dimension_semantics<core_parallel>, #tpu.dimension_semantics<subcore_parallel>], iteration_bounds = array<i64: 2, 16>, scalar_prefetch = 0 : i64, scratch_operands = 8 : i64, tpu.core_type = #tpu.core_type<sc_vector_subcore>, window_params = [{transform_indices = #map}, {transform_indices = #map}, {transform_indices = #map1}, {transform_indices = #map1}, {transform_indices = #map1}]} {
    %mul3A = arith.constant 2 : i32
    %mul3A_0 = arith.muli %arg1, %mul3A : i32
    %add3A = arith.addi %mul3A_0, %arg0 : i32
    %mul3A_1 = arith.constant 632 : i32
    %mul3A_2 = arith.muli %arg1, %mul3A_1 : i32
    %mul3A_3 = arith.constant 632 : i32
    %mul3A_4 = arith.muli %arg1, %mul3A_3 : i32
    %dma_start3A = arith.constant 2 : i32
    %dma_start3A_5 = tpu.memref_slice %arg13[%dma_start3A] : memref<3x!tpu.dma_semaphore, #tpu.memory_space<semaphore_mem>> -> memref<1x!tpu.dma_semaphore, #tpu.memory_space<semaphore_mem>>
    %dma_start3A_6 = tpu.memref_squeeze %dma_start3A_5 : memref<1x!tpu.dma_semaphore, #tpu.memory_space<semaphore_mem>> -> memref<!tpu.dma_semaphore, #tpu.memory_space<semaphore_mem>>
    %dma_start3A_7 = arith.constant 0 : i32
    %dma_start3A_8 = tpu.memref_slice %arg10[%mul3A_4, %dma_start3A_7] : memref<10112x128xf32, #tpu.memory_space<vmem_shared>> -> memref<632x128xf32, #tpu.memory_space<vmem_shared>>
    %dma_start3A_9 = arith.constant 0 : i32
    %dma_start3A_10 = tpu.memref_slice %arg3[%mul3A_2, %dma_start3A_9] : memref<10112x128xf32, #tpu.memory_space<hbm>> -> memref<632x128xf32, #tpu.memory_space<hbm>>
    tpu.enqueue_dma source(%dma_start3A_10 : memref<632x128xf32, #tpu.memory_space<hbm>>) target(%dma_start3A_8 : memref<632x128xf32, #tpu.memory_space<vmem_shared>>) target_semaphore(%dma_start3A_6 : memref<!tpu.dma_semaphore, #tpu.memory_space<semaphore_mem>>)
    %run_scoped3A = arith.constant 0 : i32
    "tpu.region"() ({
      %run_scoped3A_78 = tpu.sem_alloc : memref<!tpu.dma_semaphore, #tpu.memory_space<semaphore_mem>>
      %dma_start3A_79 = arith.constant 0 : i32
      %dma_start3A_80 = arith.constant 0 : i32
      %dma_start3A_81 = tpu.memref_slice %arg7[%run_scoped3A, %dma_start3A_79, %dma_start3A_80] : memref<3x4x120xi32, #tpu.memory_space<vmem>> -> memref<1x4x120xi32, #tpu.memory_space<vmem>>
      %dma_start3A_82 = tpu.memref_squeeze %dma_start3A_81 : memref<1x4x120xi32, #tpu.memory_space<vmem>> -> memref<4x120xi32, #tpu.memory_space<vmem>>
      %dma_start3A_83 = arith.constant 0 : i32
      %dma_start3A_84 = arith.constant 0 : i32
      %dma_start3A_85 = tpu.memref_slice %arg4[%add3A, %dma_start3A_83, %dma_start3A_84] : memref<32x84x120xi32, #tpu.memory_space<hbm>> -> memref<1x4x120xi32, #tpu.memory_space<hbm>>
      %dma_start3A_86 = tpu.memref_squeeze %dma_start3A_85 : memref<1x4x120xi32, #tpu.memory_space<hbm>> -> memref<4x120xi32, #tpu.memory_space<hbm>>
      %dma_start3A_87 = arith.constant 0 : i32
      %dma_start3A_88 = arith.constant 0 : i32
      %dma_start3A_89 = tpu.memref_slice %arg7[%run_scoped3A, %dma_start3A_87, %dma_start3A_88] : memref<3x4x120xi32, #tpu.memory_space<vmem>> -> memref<1x4x120xi32, #tpu.memory_space<vmem>>
      %dma_start3A_90 = tpu.memref_squeeze %dma_start3A_89 : memref<1x4x120xi32, #tpu.memory_space<vmem>> -> memref<4x120xi32, #tpu.memory_space<vmem>>
      %dma_start3A_91 = arith.constant 0 : i32
      %dma_start3A_92 = arith.constant 0 : i32
      %dma_start3A_93 = tpu.memref_slice %arg4[%add3A, %dma_start3A_91, %dma_start3A_92] : memref<32x84x120xi32, #tpu.memory_space<hbm>> -> memref<1x4x120xi32, #tpu.memory_space<hbm>>
      %dma_start3A_94 = tpu.memref_squeeze %dma_start3A_93 : memref<1x4x120xi32, #tpu.memory_space<hbm>> -> memref<4x120xi32, #tpu.memory_space<hbm>>
      tpu.enqueue_dma source(%dma_start3A_94 : memref<4x120xi32, #tpu.memory_space<hbm>>) target(%dma_start3A_90 : memref<4x120xi32, #tpu.memory_space<vmem>>) target_semaphore(%run_scoped3A_78 : memref<!tpu.dma_semaphore, #tpu.memory_space<semaphore_mem>>)
      %dma_wait3A_95 = arith.constant 0 : i32
      %dma_wait3A_96 = arith.constant 0 : i32
      %dma_wait3A_97 = tpu.memref_slice %arg7[%run_scoped3A, %dma_wait3A_95, %dma_wait3A_96] : memref<3x4x120xi32, #tpu.memory_space<vmem>> -> memref<1x4x120xi32, #tpu.memory_space<vmem>>
      %dma_wait3A_98 = tpu.memref_squeeze %dma_wait3A_97 : memref<1x4x120xi32, #tpu.memory_space<vmem>> -> memref<4x120xi32, #tpu.memory_space<vmem>>
      %dma_wait3A_99 = arith.constant 0 : i32
      %dma_wait3A_100 = arith.constant 0 : i32
      %dma_wait3A_101 = tpu.memref_slice %arg4[%add3A, %dma_wait3A_99, %dma_wait3A_100] : memref<32x84x120xi32, #tpu.memory_space<hbm>> -> memref<1x4x120xi32, #tpu.memory_space<hbm>>
      %dma_wait3A_102 = tpu.memref_squeeze %dma_wait3A_101 : memref<1x4x120xi32, #tpu.memory_space<hbm>> -> memref<4x120xi32, #tpu.memory_space<hbm>>
      %dma_wait3A_103 = arith.constant 0 : i32
      %dma_wait3A_104 = arith.constant 0 : i32
      %dma_wait3A_105 = tpu.memref_slice %arg7[%run_scoped3A, %dma_wait3A_103, %dma_wait3A_104] : memref<3x4x120xi32, #tpu.memory_space<vmem>> -> memref<1x4x120xi32, #tpu.memory_space<vmem>>
      %dma_wait3A_106 = tpu.memref_squeeze %dma_wait3A_105 : memref<1x4x120xi32, #tpu.memory_space<vmem>> -> memref<4x120xi32, #tpu.memory_space<vmem>>
      %dma_wait3A_107 = arith.constant 0 : i32
      %dma_wait3A_108 = arith.constant 0 : i32
      %dma_wait3A_109 = tpu.memref_slice %arg4[%add3A, %dma_wait3A_107, %dma_wait3A_108] : memref<32x84x120xi32, #tpu.memory_space<hbm>> -> memref<1x4x120xi32, #tpu.memory_space<hbm>>
      %dma_wait3A_110 = tpu.memref_squeeze %dma_wait3A_109 : memref<1x4x120xi32, #tpu.memory_space<hbm>> -> memref<4x120xi32, #tpu.memory_space<hbm>>
      tpu.wait_dma2 semaphore(%run_scoped3A_78 : memref<!tpu.dma_semaphore, #tpu.memory_space<semaphore_mem>>) src(%dma_wait3A_110 : memref<4x120xi32, #tpu.memory_space<hbm>>) dst(%dma_wait3A_106 : memref<4x120xi32, #tpu.memory_space<vmem>>)
      tpu.yield
    }) : () -> ()
    %run_scoped3A_11 = arith.constant 0 : i32
    "tpu.region"() ({
      %run_scoped3A_78 = tpu.sem_alloc : memref<!tpu.dma_semaphore, #tpu.memory_space<semaphore_mem>>
      %dma_start3A_79 = arith.constant 0 : i32
      %dma_start3A_80 = arith.constant 0 : i32
      %dma_start3A_81 = tpu.memref_slice %arg8[%run_scoped3A_11, %dma_start3A_79, %dma_start3A_80] : memref<3x4x120xi32, #tpu.memory_space<vmem>> -> memref<1x4x120xi32, #tpu.memory_space<vmem>>
      %dma_start3A_82 = tpu.memref_squeeze %dma_start3A_81 : memref<1x4x120xi32, #tpu.memory_space<vmem>> -> memref<4x120xi32, #tpu.memory_space<vmem>>
      %dma_start3A_83 = arith.constant 0 : i32
      %dma_start3A_84 = arith.constant 0 : i32
      %dma_start3A_85 = tpu.memref_slice %arg5[%add3A, %dma_start3A_83, %dma_start3A_84] : memref<32x84x120xi32, #tpu.memory_space<hbm>> -> memref<1x4x120xi32, #tpu.memory_space<hbm>>
      %dma_start3A_86 = tpu.memref_squeeze %dma_start3A_85 : memref<1x4x120xi32, #tpu.memory_space<hbm>> -> memref<4x120xi32, #tpu.memory_space<hbm>>
      %dma_start3A_87 = arith.constant 0 : i32
      %dma_start3A_88 = arith.constant 0 : i32
      %dma_start3A_89 = tpu.memref_slice %arg8[%run_scoped3A_11, %dma_start3A_87, %dma_start3A_88] : memref<3x4x120xi32, #tpu.memory_space<vmem>> -> memref<1x4x120xi32, #tpu.memory_space<vmem>>
      %dma_start3A_90 = tpu.memref_squeeze %dma_start3A_89 : memref<1x4x120xi32, #tpu.memory_space<vmem>> -> memref<4x120xi32, #tpu.memory_space<vmem>>
      %dma_start3A_91 = arith.constant 0 : i32
      %dma_start3A_92 = arith.constant 0 : i32
      %dma_start3A_93 = tpu.memref_slice %arg5[%add3A, %dma_start3A_91, %dma_start3A_92] : memref<32x84x120xi32, #tpu.memory_space<hbm>> -> memref<1x4x120xi32, #tpu.memory_space<hbm>>
      %dma_start3A_94 = tpu.memref_squeeze %dma_start3A_93 : memref<1x4x120xi32, #tpu.memory_space<hbm>> -> memref<4x120xi32, #tpu.memory_space<hbm>>
      tpu.enqueue_dma source(%dma_start3A_94 : memref<4x120xi32, #tpu.memory_space<hbm>>) target(%dma_start3A_90 : memref<4x120xi32, #tpu.memory_space<vmem>>) target_semaphore(%run_scoped3A_78 : memref<!tpu.dma_semaphore, #tpu.memory_space<semaphore_mem>>)
      %dma_wait3A_95 = arith.constant 0 : i32
      %dma_wait3A_96 = arith.constant 0 : i32
      %dma_wait3A_97 = tpu.memref_slice %arg8[%run_scoped3A_11, %dma_wait3A_95, %dma_wait3A_96] : memref<3x4x120xi32, #tpu.memory_space<vmem>> -> memref<1x4x120xi32, #tpu.memory_space<vmem>>
      %dma_wait3A_98 = tpu.memref_squeeze %dma_wait3A_97 : memref<1x4x120xi32, #tpu.memory_space<vmem>> -> memref<4x120xi32, #tpu.memory_space<vmem>>
      %dma_wait3A_99 = arith.constant 0 : i32
      %dma_wait3A_100 = arith.constant 0 : i32
      %dma_wait3A_101 = tpu.memref_slice %arg5[%add3A, %dma_wait3A_99, %dma_wait3A_100] : memref<32x84x120xi32, #tpu.memory_space<hbm>> -> memref<1x4x120xi32, #tpu.memory_space<hbm>>
      %dma_wait3A_102 = tpu.memref_squeeze %dma_wait3A_101 : memref<1x4x120xi32, #tpu.memory_space<hbm>> -> memref<4x120xi32, #tpu.memory_space<hbm>>
      %dma_wait3A_103 = arith.constant 0 : i32
      %dma_wait3A_104 = arith.constant 0 : i32
      %dma_wait3A_105 = tpu.memref_slice %arg8[%run_scoped3A_11, %dma_wait3A_103, %dma_wait3A_104] : memref<3x4x120xi32, #tpu.memory_space<vmem>> -> memref<1x4x120xi32, #tpu.memory_space<vmem>>
      %dma_wait3A_106 = tpu.memref_squeeze %dma_wait3A_105 : memref<1x4x120xi32, #tpu.memory_space<vmem>> -> memref<4x120xi32, #tpu.memory_space<vmem>>
      %dma_wait3A_107 = arith.constant 0 : i32
      %dma_wait3A_108 = arith.constant 0 : i32
      %dma_wait3A_109 = tpu.memref_slice %arg5[%add3A, %dma_wait3A_107, %dma_wait3A_108] : memref<32x84x120xi32, #tpu.memory_space<hbm>> -> memref<1x4x120xi32, #tpu.memory_space<hbm>>
      %dma_wait3A_110 = tpu.memref_squeeze %dma_wait3A_109 : memref<1x4x120xi32, #tpu.memory_space<hbm>> -> memref<4x120xi32, #tpu.memory_space<hbm>>
      tpu.wait_dma2 semaphore(%run_scoped3A_78 : memref<!tpu.dma_semaphore, #tpu.memory_space<semaphore_mem>>) src(%dma_wait3A_110 : memref<4x120xi32, #tpu.memory_space<hbm>>) dst(%dma_wait3A_106 : memref<4x120xi32, #tpu.memory_space<vmem>>)
      tpu.yield
    }) : () -> ()
    %run_scoped3A_12 = arith.constant 1 : i32
    "tpu.region"() ({
      %run_scoped3A_78 = tpu.sem_alloc : memref<!tpu.dma_semaphore, #tpu.memory_space<semaphore_mem>>
      %dma_start3A_79 = arith.constant 0 : i32
      %dma_start3A_80 = arith.constant 0 : i32
      %dma_start3A_81 = tpu.memref_slice %arg7[%run_scoped3A_12, %dma_start3A_79, %dma_start3A_80] : memref<3x4x120xi32, #tpu.memory_space<vmem>> -> memref<1x4x120xi32, #tpu.memory_space<vmem>>
      %dma_start3A_82 = tpu.memref_squeeze %dma_start3A_81 : memref<1x4x120xi32, #tpu.memory_space<vmem>> -> memref<4x120xi32, #tpu.memory_space<vmem>>
      %dma_start3A_83 = arith.constant 4 : i32
      %dma_start3A_84 = arith.constant 0 : i32
      %dma_start3A_85 = tpu.memref_slice %arg4[%add3A, %dma_start3A_83, %dma_start3A_84] : memref<32x84x120xi32, #tpu.memory_space<hbm>> -> memref<1x4x120xi32, #tpu.memory_space<hbm>>
      %dma_start3A_86 = tpu.memref_squeeze %dma_start3A_85 : memref<1x4x120xi32, #tpu.memory_space<hbm>> -> memref<4x120xi32, #tpu.memory_space<hbm>>
      %dma_start3A_87 = arith.constant 0 : i32
      %dma_start3A_88 = arith.constant 0 : i32
      %dma_start3A_89 = tpu.memref_slice %arg7[%run_scoped3A_12, %dma_start3A_87, %dma_start3A_88] : memref<3x4x120xi32, #tpu.memory_space<vmem>> -> memref<1x4x120xi32, #tpu.memory_space<vmem>>
      %dma_start3A_90 = tpu.memref_squeeze %dma_start3A_89 : memref<1x4x120xi32, #tpu.memory_space<vmem>> -> memref<4x120xi32, #tpu.memory_space<vmem>>
      %dma_start3A_91 = arith.constant 4 : i32
      %dma_start3A_92 = arith.constant 0 : i32
      %dma_start3A_93 = tpu.memref_slice %arg4[%add3A, %dma_start3A_91, %dma_start3A_92] : memref<32x84x120xi32, #tpu.memory_space<hbm>> -> memref<1x4x120xi32, #tpu.memory_space<hbm>>
      %dma_start3A_94 = tpu.memref_squeeze %dma_start3A_93 : memref<1x4x120xi32, #tpu.memory_space<hbm>> -> memref<4x120xi32, #tpu.memory_space<hbm>>
      tpu.enqueue_dma source(%dma_start3A_94 : memref<4x120xi32, #tpu.memory_space<hbm>>) target(%dma_start3A_90 : memref<4x120xi32, #tpu.memory_space<vmem>>) target_semaphore(%run_scoped3A_78 : memref<!tpu.dma_semaphore, #tpu.memory_space<semaphore_mem>>)
      %dma_wait3A_95 = arith.constant 0 : i32
      %dma_wait3A_96 = arith.constant 0 : i32
      %dma_wait3A_97 = tpu.memref_slice %arg7[%run_scoped3A_12, %dma_wait3A_95, %dma_wait3A_96] : memref<3x4x120xi32, #tpu.memory_space<vmem>> -> memref<1x4x120xi32, #tpu.memory_space<vmem>>
      %dma_wait3A_98 = tpu.memref_squeeze %dma_wait3A_97 : memref<1x4x120xi32, #tpu.memory_space<vmem>> -> memref<4x120xi32, #tpu.memory_space<vmem>>
      %dma_wait3A_99 = arith.constant 4 : i32
      %dma_wait3A_100 = arith.constant 0 : i32
      %dma_wait3A_101 = tpu.memref_slice %arg4[%add3A, %dma_wait3A_99, %dma_wait3A_100] : memref<32x84x120xi32, #tpu.memory_space<hbm>> -> memref<1x4x120xi32, #tpu.memory_space<hbm>>
      %dma_wait3A_102 = tpu.memref_squeeze %dma_wait3A_101 : memref<1x4x120xi32, #tpu.memory_space<hbm>> -> memref<4x120xi32, #tpu.memory_space<hbm>>
      %dma_wait3A_103 = arith.constant 0 : i32
      %dma_wait3A_104 = arith.constant 0 : i32
      %dma_wait3A_105 = tpu.memref_slice %arg7[%run_scoped3A_12, %dma_wait3A_103, %dma_wait3A_104] : memref<3x4x120xi32, #tpu.memory_space<vmem>> -> memref<1x4x120xi32, #tpu.memory_space<vmem>>
      %dma_wait3A_106 = tpu.memref_squeeze %dma_wait3A_105 : memref<1x4x120xi32, #tpu.memory_space<vmem>> -> memref<4x120xi32, #tpu.memory_space<vmem>>
      %dma_wait3A_107 = arith.constant 4 : i32
      %dma_wait3A_108 = arith.constant 0 : i32
      %dma_wait3A_109 = tpu.memref_slice %arg4[%add3A, %dma_wait3A_107, %dma_wait3A_108] : memref<32x84x120xi32, #tpu.memory_space<hbm>> -> memref<1x4x120xi32, #tpu.memory_space<hbm>>
      %dma_wait3A_110 = tpu.memref_squeeze %dma_wait3A_109 : memref<1x4x120xi32, #tpu.memory_space<hbm>> -> memref<4x120xi32, #tpu.memory_space<hbm>>
      tpu.wait_dma2 semaphore(%run_scoped3A_78 : memref<!tpu.dma_semaphore, #tpu.memory_space<semaphore_mem>>) src(%dma_wait3A_110 : memref<4x120xi32, #tpu.memory_space<hbm>>) dst(%dma_wait3A_106 : memref<4x120xi32, #tpu.memory_space<vmem>>)
      tpu.yield
    }) : () -> ()
    %run_scoped3A_13 = arith.constant 1 : i32
    "tpu.region"() ({
      %run_scoped3A_78 = tpu.sem_alloc : memref<!tpu.dma_semaphore, #tpu.memory_space<semaphore_mem>>
      %dma_start3A_79 = arith.constant 0 : i32
      %dma_start3A_80 = arith.constant 0 : i32
      %dma_start3A_81 = tpu.memref_slice %arg8[%run_scoped3A_13, %dma_start3A_79, %dma_start3A_80] : memref<3x4x120xi32, #tpu.memory_space<vmem>> -> memref<1x4x120xi32, #tpu.memory_space<vmem>>
      %dma_start3A_82 = tpu.memref_squeeze %dma_start3A_81 : memref<1x4x120xi32, #tpu.memory_space<vmem>> -> memref<4x120xi32, #tpu.memory_space<vmem>>
      %dma_start3A_83 = arith.constant 4 : i32
      %dma_start3A_84 = arith.constant 0 : i32
      %dma_start3A_85 = tpu.memref_slice %arg5[%add3A, %dma_start3A_83, %dma_start3A_84] : memref<32x84x120xi32, #tpu.memory_space<hbm>> -> memref<1x4x120xi32, #tpu.memory_space<hbm>>
      %dma_start3A_86 = tpu.memref_squeeze %dma_start3A_85 : memref<1x4x120xi32, #tpu.memory_space<hbm>> -> memref<4x120xi32, #tpu.memory_space<hbm>>
      %dma_start3A_87 = arith.constant 0 : i32
      %dma_start3A_88 = arith.constant 0 : i32
      %dma_start3A_89 = tpu.memref_slice %arg8[%run_scoped3A_13, %dma_start3A_87, %dma_start3A_88] : memref<3x4x120xi32, #tpu.memory_space<vmem>> -> memref<1x4x120xi32, #tpu.memory_space<vmem>>
      %dma_start3A_90 = tpu.memref_squeeze %dma_start3A_89 : memref<1x4x120xi32, #tpu.memory_space<vmem>> -> memref<4x120xi32, #tpu.memory_space<vmem>>
      %dma_start3A_91 = arith.constant 4 : i32
      %dma_start3A_92 = arith.constant 0 : i32
      %dma_start3A_93 = tpu.memref_slice %arg5[%add3A, %dma_start3A_91, %dma_start3A_92] : memref<32x84x120xi32, #tpu.memory_space<hbm>> -> memref<1x4x120xi32, #tpu.memory_space<hbm>>
      %dma_start3A_94 = tpu.memref_squeeze %dma_start3A_93 : memref<1x4x120xi32, #tpu.memory_space<hbm>> -> memref<4x120xi32, #tpu.memory_space<hbm>>
      tpu.enqueue_dma source(%dma_start3A_94 : memref<4x120xi32, #tpu.memory_space<hbm>>) target(%dma_start3A_90 : memref<4x120xi32, #tpu.memory_space<vmem>>) target_semaphore(%run_scoped3A_78 : memref<!tpu.dma_semaphore, #tpu.memory_space<semaphore_mem>>)
      %dma_wait3A_95 = arith.constant 0 : i32
      %dma_wait3A_96 = arith.constant 0 : i32
      %dma_wait3A_97 = tpu.memref_slice %arg8[%run_scoped3A_13, %dma_wait3A_95, %dma_wait3A_96] : memref<3x4x120xi32, #tpu.memory_space<vmem>> -> memref<1x4x120xi32, #tpu.memory_space<vmem>>
      %dma_wait3A_98 = tpu.memref_squeeze %dma_wait3A_97 : memref<1x4x120xi32, #tpu.memory_space<vmem>> -> memref<4x120xi32, #tpu.memory_space<vmem>>
      %dma_wait3A_99 = arith.constant 4 : i32
      %dma_wait3A_100 = arith.constant 0 : i32
      %dma_wait3A_101 = tpu.memref_slice %arg5[%add3A, %dma_wait3A_99, %dma_wait3A_100] : memref<32x84x120xi32, #tpu.memory_space<hbm>> -> memref<1x4x120xi32, #tpu.memory_space<hbm>>
      %dma_wait3A_102 = tpu.memref_squeeze %dma_wait3A_101 : memref<1x4x120xi32, #tpu.memory_space<hbm>> -> memref<4x120xi32, #tpu.memory_space<hbm>>
      %dma_wait3A_103 = arith.constant 0 : i32
      %dma_wait3A_104 = arith.constant 0 : i32
      %dma_wait3A_105 = tpu.memref_slice %arg8[%run_scoped3A_13, %dma_wait3A_103, %dma_wait3A_104] : memref<3x4x120xi32, #tpu.memory_space<vmem>> -> memref<1x4x120xi32, #tpu.memory_space<vmem>>
      %dma_wait3A_106 = tpu.memref_squeeze %dma_wait3A_105 : memref<1x4x120xi32, #tpu.memory_space<vmem>> -> memref<4x120xi32, #tpu.memory_space<vmem>>
      %dma_wait3A_107 = arith.constant 4 : i32
      %dma_wait3A_108 = arith.constant 0 : i32
      %dma_wait3A_109 = tpu.memref_slice %arg5[%add3A, %dma_wait3A_107, %dma_wait3A_108] : memref<32x84x120xi32, #tpu.memory_space<hbm>> -> memref<1x4x120xi32, #tpu.memory_space<hbm>>
      %dma_wait3A_110 = tpu.memref_squeeze %dma_wait3A_109 : memref<1x4x120xi32, #tpu.memory_space<hbm>> -> memref<4x120xi32, #tpu.memory_space<hbm>>
      tpu.wait_dma2 semaphore(%run_scoped3A_78 : memref<!tpu.dma_semaphore, #tpu.memory_space<semaphore_mem>>) src(%dma_wait3A_110 : memref<4x120xi32, #tpu.memory_space<hbm>>) dst(%dma_wait3A_106 : memref<4x120xi32, #tpu.memory_space<vmem>>)
      tpu.yield
    }) : () -> ()
    %dma_wait3A = arith.constant 2 : i32
    %dma_wait3A_14 = tpu.memref_slice %arg13[%dma_wait3A] : memref<3x!tpu.dma_semaphore, #tpu.memory_space<semaphore_mem>> -> memref<1x!tpu.dma_semaphore, #tpu.memory_space<semaphore_mem>>
    %dma_wait3A_15 = tpu.memref_squeeze %dma_wait3A_14 : memref<1x!tpu.dma_semaphore, #tpu.memory_space<semaphore_mem>> -> memref<!tpu.dma_semaphore, #tpu.memory_space<semaphore_mem>>
    %dma_wait3A_16 = arith.constant 0 : i32
    %dma_wait3A_17 = tpu.memref_slice %arg10[%mul3A_4, %dma_wait3A_16] : memref<10112x128xf32, #tpu.memory_space<vmem_shared>> -> memref<632x128xf32, #tpu.memory_space<vmem_shared>>
    %dma_wait3A_18 = arith.constant 0 : i32
    %dma_wait3A_19 = tpu.memref_slice %arg3[%mul3A_2, %dma_wait3A_18] : memref<10112x128xf32, #tpu.memory_space<hbm>> -> memref<632x128xf32, #tpu.memory_space<hbm>>
    tpu.wait_dma2 semaphore(%dma_wait3A_15 : memref<!tpu.dma_semaphore, #tpu.memory_space<semaphore_mem>>) src(%dma_wait3A_19 : memref<632x128xf32, #tpu.memory_space<hbm>>) dst(%dma_wait3A_17 : memref<632x128xf32, #tpu.memory_space<vmem_shared>>)
    %barrier3A = arith.constant 0 : index
    tpu.barrier barrier_id(%barrier3A)
    %dma_start3A_20 = arith.constant 0 : i32
    %dma_start3A_21 = arith.constant 0 : i32
    %dma_start3A_22 = arith.constant 0 : i32
    %dma_start3A_23 = arith.constant 0 : i32
    %dma_start3A_24 = arith.constant 0 : i32
    %dma_start3A_25 = arith.constant 0 : i32
    %dma_start3A_26 = tpu.memref_slice %arg9[%dma_start3A_22, %dma_start3A_24, %dma_start3A_25] : memref<3x120x128xf32, #tpu.memory_space<vmem>> -> memref<1x120x128xf32, #tpu.memory_space<vmem>>
    %dma_start3A_27 = tpu.memref_squeeze %dma_start3A_26 : memref<1x120x128xf32, #tpu.memory_space<vmem>> -> memref<120x128xf32, #tpu.memory_space<vmem>>
    %dma_start3A_28 = arith.constant 0 : i32
    %dma_start3A_29 = tpu.memref_slice %arg7[%dma_start3A_20, %dma_start3A_21, %dma_start3A_28] : memref<3x4x120xi32, #tpu.memory_space<vmem>> -> memref<1x1x120xi32, #tpu.memory_space<vmem>>
    %dma_start3A_30 = tpu.memref_squeeze %dma_start3A_29 : memref<1x1x120xi32, #tpu.memory_space<vmem>> -> memref<120xi32, #tpu.memory_space<vmem>>
    %dma_start3A_31 = arith.constant 0 : i32
    %dma_start3A_32 = arith.constant 0 : i32
    %dma_start3A_33 = tpu.memref_slice %arg2[%dma_start3A_31, %dma_start3A_32] : memref<10112x128xf32, #tpu.memory_space<hbm>> -> memref<10112x128xf32, #tpu.memory_space<hbm>>
    %dma_start3A_34 = tpu.memref_slice %arg11[%dma_start3A_23] : memref<3x!tpu.dma_semaphore, #tpu.memory_space<semaphore_mem>> -> memref<1x!tpu.dma_semaphore, #tpu.memory_space<semaphore_mem>>
    %dma_start3A_35 = tpu.memref_squeeze %dma_start3A_34 : memref<1x!tpu.dma_semaphore, #tpu.memory_space<semaphore_mem>> -> memref<!tpu.dma_semaphore, #tpu.memory_space<semaphore_mem>>
    tpu.enqueue_indirect_dma source(%dma_start3A_33 : memref<10112x128xf32, #tpu.memory_space<hbm>>) target(%dma_start3A_27 : memref<120x128xf32, #tpu.memory_space<vmem>>) offsets(%dma_start3A_30 : memref<120xi32, #tpu.memory_space<vmem>>) semaphore(%dma_start3A_35 : memref<!tpu.dma_semaphore, #tpu.memory_space<semaphore_mem>>)
    %dma_start3A_36 = arith.constant 0 : i32
    %dma_start3A_37 = arith.constant 1 : i32
    %dma_start3A_38 = arith.constant 1 : i32
    %dma_start3A_39 = arith.constant 1 : i32
    %dma_start3A_40 = arith.constant 0 : i32
    %dma_start3A_41 = arith.constant 0 : i32
    %dma_start3A_42 = tpu.memref_slice %arg9[%dma_start3A_38, %dma_start3A_40, %dma_start3A_41] : memref<3x120x128xf32, #tpu.memory_space<vmem>> -> memref<1x120x128xf32, #tpu.memory_space<vmem>>
    %dma_start3A_43 = tpu.memref_squeeze %dma_start3A_42 : memref<1x120x128xf32, #tpu.memory_space<vmem>> -> memref<120x128xf32, #tpu.memory_space<vmem>>
    %dma_start3A_44 = arith.constant 0 : i32
    %dma_start3A_45 = tpu.memref_slice %arg7[%dma_start3A_36, %dma_start3A_37, %dma_start3A_44] : memref<3x4x120xi32, #tpu.memory_space<vmem>> -> memref<1x1x120xi32, #tpu.memory_space<vmem>>
    %dma_start3A_46 = tpu.memref_squeeze %dma_start3A_45 : memref<1x1x120xi32, #tpu.memory_space<vmem>> -> memref<120xi32, #tpu.memory_space<vmem>>
    %dma_start3A_47 = arith.constant 0 : i32
    %dma_start3A_48 = arith.constant 0 : i32
    %dma_start3A_49 = tpu.memref_slice %arg2[%dma_start3A_47, %dma_start3A_48] : memref<10112x128xf32, #tpu.memory_space<hbm>> -> memref<10112x128xf32, #tpu.memory_space<hbm>>
    %dma_start3A_50 = tpu.memref_slice %arg11[%dma_start3A_39] : memref<3x!tpu.dma_semaphore, #tpu.memory_space<semaphore_mem>> -> memref<1x!tpu.dma_semaphore, #tpu.memory_space<semaphore_mem>>
    %dma_start3A_51 = tpu.memref_squeeze %dma_start3A_50 : memref<1x!tpu.dma_semaphore, #tpu.memory_space<semaphore_mem>> -> memref<!tpu.dma_semaphore, #tpu.memory_space<semaphore_mem>>
    tpu.enqueue_indirect_dma source(%dma_start3A_49 : memref<10112x128xf32, #tpu.memory_space<hbm>>) target(%dma_start3A_43 : memref<120x128xf32, #tpu.memory_space<vmem>>) offsets(%dma_start3A_46 : memref<120xi32, #tpu.memory_space<vmem>>) semaphore(%dma_start3A_51 : memref<!tpu.dma_semaphore, #tpu.memory_space<semaphore_mem>>)
    %scan3A = arith.constant 0 : i32
    %scan3A_52 = arith.constant 0 : i32
    %scan3A_53 = arith.constant 84 : i32
    %scan3A_54 = arith.addi %scan3A_52, %scan3A_53 : i32
    %scan3A_55 = arith.constant 1 : i32
    scf.for %scan3A_78 = %scan3A_52 to %scan3A_54 step %scan3A_55  : i32 {
      %rem3A = arith.constant 3 : i32
      %rem3A_79 = arith.remsi %scan3A_78, %rem3A : i32
      %div3A = arith.constant 4 : i32
      %div3A_80 = arith.divsi %scan3A_78, %div3A : i32
      %rem3A_81 = arith.constant 4 : i32
      %rem3A_82 = arith.remsi %scan3A_78, %rem3A_81 : i32
      %rem3A_83 = arith.constant 3 : i32
      %rem3A_84 = arith.remsi %div3A_80, %rem3A_83 : i32
      %dma_wait3A_85 = arith.constant 0 : i32
      %dma_wait3A_86 = arith.constant 0 : i32
      %dma_wait3A_87 = tpu.memref_slice %arg9[%rem3A_79, %dma_wait3A_85, %dma_wait3A_86] : memref<3x120x128xf32, #tpu.memory_space<vmem>> -> memref<1x120x128xf32, #tpu.memory_space<vmem>>
      %dma_wait3A_88 = tpu.memref_squeeze %dma_wait3A_87 : memref<1x120x128xf32, #tpu.memory_space<vmem>> -> memref<120x128xf32, #tpu.memory_space<vmem>>
      %dma_wait3A_89 = arith.constant 0 : i32
      %dma_wait3A_90 = tpu.memref_slice %arg7[%rem3A_84, %rem3A_82, %dma_wait3A_89] : memref<3x4x120xi32, #tpu.memory_space<vmem>> -> memref<1x1x120xi32, #tpu.memory_space<vmem>>
      %dma_wait3A_91 = tpu.memref_squeeze %dma_wait3A_90 : memref<1x1x120xi32, #tpu.memory_space<vmem>> -> memref<120xi32, #tpu.memory_space<vmem>>
      %dma_wait3A_92 = arith.constant 0 : i32
      %dma_wait3A_93 = arith.constant 0 : i32
      %dma_wait3A_94 = tpu.memref_slice %arg2[%dma_wait3A_92, %dma_wait3A_93] : memref<10112x128xf32, #tpu.memory_space<hbm>> -> memref<10112x128xf32, #tpu.memory_space<hbm>>
      %dma_wait3A_95 = tpu.memref_slice %arg11[%rem3A_79] : memref<3x!tpu.dma_semaphore, #tpu.memory_space<semaphore_mem>> -> memref<1x!tpu.dma_semaphore, #tpu.memory_space<semaphore_mem>>
      %dma_wait3A_96 = tpu.memref_squeeze %dma_wait3A_95 : memref<1x!tpu.dma_semaphore, #tpu.memory_space<semaphore_mem>> -> memref<!tpu.dma_semaphore, #tpu.memory_space<semaphore_mem>>
      tpu.wait_indirect_dma semaphore(%dma_wait3A_96 : memref<!tpu.dma_semaphore, #tpu.memory_space<semaphore_mem>>) src(%dma_wait3A_94 : memref<10112x128xf32, #tpu.memory_space<hbm>>) dst(%dma_wait3A_88 : memref<120x128xf32, #tpu.memory_space<vmem>>)
      %dma_start3A_97 = arith.constant 0 : i32
      %dma_start3A_98 = arith.constant 0 : i32
      %dma_start3A_99 = tpu.memref_slice %arg9[%rem3A_79, %dma_start3A_97, %dma_start3A_98] : memref<3x120x128xf32, #tpu.memory_space<vmem>> -> memref<1x120x128xf32, #tpu.memory_space<vmem>>
      %dma_start3A_100 = tpu.memref_squeeze %dma_start3A_99 : memref<1x120x128xf32, #tpu.memory_space<vmem>> -> memref<120x128xf32, #tpu.memory_space<vmem>>
      %dma_start3A_101 = arith.constant 0 : i32
      %dma_start3A_102 = tpu.memref_slice %arg8[%rem3A_84, %rem3A_82, %dma_start3A_101] : memref<3x4x120xi32, #tpu.memory_space<vmem>> -> memref<1x1x120xi32, #tpu.memory_space<vmem>>
      %dma_start3A_103 = tpu.memref_squeeze %dma_start3A_102 : memref<1x1x120xi32, #tpu.memory_space<vmem>> -> memref<120xi32, #tpu.memory_space<vmem>>
      %dma_start3A_104 = arith.constant 0 : i32
      %dma_start3A_105 = arith.constant 0 : i32
      %dma_start3A_106 = tpu.memref_slice %arg10[%dma_start3A_104, %dma_start3A_105] : memref<10112x128xf32, #tpu.memory_space<vmem_shared>> -> memref<10112x128xf32, #tpu.memory_space<vmem_shared>>
      %dma_start3A_107 = tpu.memref_slice %arg12[%rem3A_79] : memref<3x!tpu.dma_semaphore, #tpu.memory_space<semaphore_mem>> -> memref<1x!tpu.dma_semaphore, #tpu.memory_space<semaphore_mem>>
      %dma_start3A_108 = tpu.memref_squeeze %dma_start3A_107 : memref<1x!tpu.dma_semaphore, #tpu.memory_space<semaphore_mem>> -> memref<!tpu.dma_semaphore, #tpu.memory_space<semaphore_mem>>
      tpu.enqueue_indirect_dma source(%dma_start3A_100 : memref<120x128xf32, #tpu.memory_space<vmem>>) target(%dma_start3A_106 : memref<10112x128xf32, #tpu.memory_space<vmem_shared>>) offsets(%dma_start3A_103 : memref<120xi32, #tpu.memory_space<vmem>>) semaphore(%dma_start3A_108 : memref<!tpu.dma_semaphore, #tpu.memory_space<semaphore_mem>>) {add = true}
      %ge3A = arith.constant 1 : i32
      %ge3A_109 = arith.cmpi sge, %scan3A_78, %ge3A : i32
      %convert_element_type3A = arith.extui %ge3A_109 : i1 to i32
      %cond3A = arith.constant 0 : i32
      %cond3A_110 = arith.cmpi ne, %convert_element_type3A, %cond3A : i32
      scf.if %cond3A_110 {
        %sub3A_118 = arith.constant 1 : i32
        %sub3A_119 = arith.subi %scan3A_78, %sub3A_118 : i32
        %rem3A_120 = arith.constant 3 : i32
        %rem3A_121 = arith.remsi %sub3A_119, %rem3A_120 : i32
        %div3A_122 = arith.constant 4 : i32
        %div3A_123 = arith.divsi %sub3A_119, %div3A_122 : i32
        %rem3A_124 = arith.constant 3 : i32
        %rem3A_125 = arith.remsi %div3A_123, %rem3A_124 : i32
        %rem3A_126 = arith.constant 4 : i32
        %rem3A_127 = arith.remsi %sub3A_119, %rem3A_126 : i32
        %dma_wait3A_128 = arith.constant 0 : i32
        %dma_wait3A_129 = arith.constant 0 : i32
        %dma_wait3A_130 = tpu.memref_slice %arg9[%rem3A_121, %dma_wait3A_128, %dma_wait3A_129] : memref<3x120x128xf32, #tpu.memory_space<vmem>> -> memref<1x120x128xf32, #tpu.memory_space<vmem>>
        %dma_wait3A_131 = tpu.memref_squeeze %dma_wait3A_130 : memref<1x120x128xf32, #tpu.memory_space<vmem>> -> memref<120x128xf32, #tpu.memory_space<vmem>>
        %dma_wait3A_132 = arith.constant 0 : i32
        %dma_wait3A_133 = tpu.memref_slice %arg8[%rem3A_125, %rem3A_127, %dma_wait3A_132] : memref<3x4x120xi32, #tpu.memory_space<vmem>> -> memref<1x1x120xi32, #tpu.memory_space<vmem>>
        %dma_wait3A_134 = tpu.memref_squeeze %dma_wait3A_133 : memref<1x1x120xi32, #tpu.memory_space<vmem>> -> memref<120xi32, #tpu.memory_space<vmem>>
        %dma_wait3A_135 = arith.constant 0 : i32
        %dma_wait3A_136 = arith.constant 0 : i32
        %dma_wait3A_137 = tpu.memref_slice %arg10[%dma_wait3A_135, %dma_wait3A_136] : memref<10112x128xf32, #tpu.memory_space<vmem_shared>> -> memref<10112x128xf32, #tpu.memory_space<vmem_shared>>
        %dma_wait3A_138 = tpu.memref_slice %arg12[%rem3A_121] : memref<3x!tpu.dma_semaphore, #tpu.memory_space<semaphore_mem>> -> memref<1x!tpu.dma_semaphore, #tpu.memory_space<semaphore_mem>>
        %dma_wait3A_139 = tpu.memref_squeeze %dma_wait3A_138 : memref<1x!tpu.dma_semaphore, #tpu.memory_space<semaphore_mem>> -> memref<!tpu.dma_semaphore, #tpu.memory_space<semaphore_mem>>
        tpu.wait_indirect_dma semaphore(%dma_wait3A_139 : memref<!tpu.dma_semaphore, #tpu.memory_space<semaphore_mem>>) src(%dma_wait3A_131 : memref<120x128xf32, #tpu.memory_space<vmem>>) dst(%dma_wait3A_137 : memref<10112x128xf32, #tpu.memory_space<vmem_shared>>)
      } else {
      }
      %add3A_111 = arith.constant 3 : i32
      %add3A_112 = arith.addi %scan3A_78, %add3A_111 : i32
      %sub3A = arith.constant 1 : i32
      %sub3A_113 = arith.subi %add3A_112, %sub3A : i32
      %lt3A = arith.constant 84 : i32
      %lt3A_114 = arith.cmpi slt, %sub3A_113, %lt3A : i32
      %convert_element_type3A_115 = arith.extui %lt3A_114 : i1 to i32
      %cond3A_116 = arith.constant 0 : i32
      %cond3A_117 = arith.cmpi ne, %convert_element_type3A_115, %cond3A_116 : i32
      scf.if %cond3A_117 {
        %div3A_118 = arith.constant 4 : i32
        %div3A_119 = arith.divsi %sub3A_113, %div3A_118 : i32
        %rem3A_120 = arith.constant 3 : i32
        %rem3A_121 = arith.remsi %div3A_119, %rem3A_120 : i32
        %rem3A_122 = arith.constant 4 : i32
        %rem3A_123 = arith.remsi %sub3A_113, %rem3A_122 : i32
        %eq3A = arith.constant 0 : i32
        %eq3A_124 = arith.cmpi eq, %rem3A_123, %eq3A : i32
        %ge3A_125 = arith.constant 2 : i32
        %ge3A_126 = arith.cmpi sge, %div3A_119, %ge3A_125 : i32
        %and3A = arith.andi %eq3A_124, %ge3A_126 : i1
        %convert_element_type3A_127 = arith.extui %and3A : i1 to i32
        %cond3A_128 = arith.constant 0 : i32
        %cond3A_129 = arith.cmpi ne, %convert_element_type3A_127, %cond3A_128 : i32
        scf.if %cond3A_129 {
          %mul3A_160 = arith.constant 4 : i32
          %mul3A_161 = arith.muli %div3A_119, %mul3A_160 : i32
          %dma_wait3A_162 = arith.constant 0 : i32
          %dma_wait3A_163 = arith.constant 0 : i32
          %dma_wait3A_164 = tpu.memref_slice %arg7[%rem3A_121, %dma_wait3A_162, %dma_wait3A_163] : memref<3x4x120xi32, #tpu.memory_space<vmem>> -> memref<1x4x120xi32, #tpu.memory_space<vmem>>
          %dma_wait3A_165 = tpu.memref_squeeze %dma_wait3A_164 : memref<1x4x120xi32, #tpu.memory_space<vmem>> -> memref<4x120xi32, #tpu.memory_space<vmem>>
          %dma_wait3A_166 = arith.constant 0 : i32
          %dma_wait3A_167 = tpu.memref_slice %arg4[%add3A, %mul3A_161, %dma_wait3A_166] : memref<32x84x120xi32, #tpu.memory_space<hbm>> -> memref<1x4x120xi32, #tpu.memory_space<hbm>>
          %dma_wait3A_168 = tpu.memref_squeeze %dma_wait3A_167 : memref<1x4x120xi32, #tpu.memory_space<hbm>> -> memref<4x120xi32, #tpu.memory_space<hbm>>
          %dma_wait3A_169 = tpu.memref_slice %arg13[%rem3A_121] : memref<3x!tpu.dma_semaphore, #tpu.memory_space<semaphore_mem>> -> memref<1x!tpu.dma_semaphore, #tpu.memory_space<semaphore_mem>>
          %dma_wait3A_170 = tpu.memref_squeeze %dma_wait3A_169 : memref<1x!tpu.dma_semaphore, #tpu.memory_space<semaphore_mem>> -> memref<!tpu.dma_semaphore, #tpu.memory_space<semaphore_mem>>
          %dma_wait3A_171 = arith.constant 0 : i32
          %dma_wait3A_172 = arith.constant 0 : i32
          %dma_wait3A_173 = tpu.memref_slice %arg7[%rem3A_121, %dma_wait3A_171, %dma_wait3A_172] : memref<3x4x120xi32, #tpu.memory_space<vmem>> -> memref<1x4x120xi32, #tpu.memory_space<vmem>>
          %dma_wait3A_174 = tpu.memref_squeeze %dma_wait3A_173 : memref<1x4x120xi32, #tpu.memory_space<vmem>> -> memref<4x120xi32, #tpu.memory_space<vmem>>
          %dma_wait3A_175 = arith.constant 0 : i32
          %dma_wait3A_176 = tpu.memref_slice %arg4[%add3A, %mul3A_161, %dma_wait3A_175] : memref<32x84x120xi32, #tpu.memory_space<hbm>> -> memref<1x4x120xi32, #tpu.memory_space<hbm>>
          %dma_wait3A_177 = tpu.memref_squeeze %dma_wait3A_176 : memref<1x4x120xi32, #tpu.memory_space<hbm>> -> memref<4x120xi32, #tpu.memory_space<hbm>>
          tpu.wait_dma2 semaphore(%dma_wait3A_170 : memref<!tpu.dma_semaphore, #tpu.memory_space<semaphore_mem>>) src(%dma_wait3A_177 : memref<4x120xi32, #tpu.memory_space<hbm>>) dst(%dma_wait3A_174 : memref<4x120xi32, #tpu.memory_space<vmem>>)
          %mul3A_178 = arith.constant 4 : i32
          %mul3A_179 = arith.muli %div3A_119, %mul3A_178 : i32
          %dma_wait3A_180 = arith.constant 0 : i32
          %dma_wait3A_181 = arith.constant 0 : i32
          %dma_wait3A_182 = tpu.memref_slice %arg8[%rem3A_121, %dma_wait3A_180, %dma_wait3A_181] : memref<3x4x120xi32, #tpu.memory_space<vmem>> -> memref<1x4x120xi32, #tpu.memory_space<vmem>>
          %dma_wait3A_183 = tpu.memref_squeeze %dma_wait3A_182 : memref<1x4x120xi32, #tpu.memory_space<vmem>> -> memref<4x120xi32, #tpu.memory_space<vmem>>
          %dma_wait3A_184 = arith.constant 0 : i32
          %dma_wait3A_185 = tpu.memref_slice %arg5[%add3A, %mul3A_179, %dma_wait3A_184] : memref<32x84x120xi32, #tpu.memory_space<hbm>> -> memref<1x4x120xi32, #tpu.memory_space<hbm>>
          %dma_wait3A_186 = tpu.memref_squeeze %dma_wait3A_185 : memref<1x4x120xi32, #tpu.memory_space<hbm>> -> memref<4x120xi32, #tpu.memory_space<hbm>>
          %dma_wait3A_187 = tpu.memref_slice %arg14[%rem3A_121] : memref<3x!tpu.dma_semaphore, #tpu.memory_space<semaphore_mem>> -> memref<1x!tpu.dma_semaphore, #tpu.memory_space<semaphore_mem>>
          %dma_wait3A_188 = tpu.memref_squeeze %dma_wait3A_187 : memref<1x!tpu.dma_semaphore, #tpu.memory_space<semaphore_mem>> -> memref<!tpu.dma_semaphore, #tpu.memory_space<semaphore_mem>>
          %dma_wait3A_189 = arith.constant 0 : i32
          %dma_wait3A_190 = arith.constant 0 : i32
          %dma_wait3A_191 = tpu.memref_slice %arg8[%rem3A_121, %dma_wait3A_189, %dma_wait3A_190] : memref<3x4x120xi32, #tpu.memory_space<vmem>> -> memref<1x4x120xi32, #tpu.memory_space<vmem>>
          %dma_wait3A_192 = tpu.memref_squeeze %dma_wait3A_191 : memref<1x4x120xi32, #tpu.memory_space<vmem>> -> memref<4x120xi32, #tpu.memory_space<vmem>>
          %dma_wait3A_193 = arith.constant 0 : i32
          %dma_wait3A_194 = tpu.memref_slice %arg5[%add3A, %mul3A_179, %dma_wait3A_193] : memref<32x84x120xi32, #tpu.memory_space<hbm>> -> memref<1x4x120xi32, #tpu.memory_space<hbm>>
          %dma_wait3A_195 = tpu.memref_squeeze %dma_wait3A_194 : memref<1x4x120xi32, #tpu.memory_space<hbm>> -> memref<4x120xi32, #tpu.memory_space<hbm>>
          tpu.wait_dma2 semaphore(%dma_wait3A_188 : memref<!tpu.dma_semaphore, #tpu.memory_space<semaphore_mem>>) src(%dma_wait3A_195 : memref<4x120xi32, #tpu.memory_space<hbm>>) dst(%dma_wait3A_192 : memref<4x120xi32, #tpu.memory_space<vmem>>)
        } else {
        }
        %rem3A_130 = arith.constant 4 : i32
        %rem3A_131 = arith.remsi %sub3A_113, %rem3A_130 : i32
        %eq3A_132 = arith.constant 0 : i32
        %eq3A_133 = arith.cmpi eq, %rem3A_131, %eq3A_132 : i32
        %add3A_134 = arith.constant 1 : i32
        %add3A_135 = arith.addi %div3A_119, %add3A_134 : i32
        %lt3A_136 = arith.constant 21 : i32
        %lt3A_137 = arith.cmpi slt, %add3A_135, %lt3A_136 : i32
        %and3A_138 = arith.andi %eq3A_133, %lt3A_137 : i1
        %convert_element_type3A_139 = arith.extui %and3A_138 : i1 to i32
        %cond3A_140 = arith.constant 0 : i32
        %cond3A_141 = arith.cmpi ne, %convert_element_type3A_139, %cond3A_140 : i32
        scf.if %cond3A_141 {
          %add3A_160 = arith.constant 1 : i32
          %add3A_161 = arith.addi %div3A_119, %add3A_160 : i32
          %rem3A_162 = arith.constant 3 : i32
          %rem3A_163 = arith.remsi %add3A_161, %rem3A_162 : i32
          %mul3A_164 = arith.constant 4 : i32
          %mul3A_165 = arith.muli %add3A_161, %mul3A_164 : i32
          %dma_start3A_166 = arith.constant 0 : i32
          %dma_start3A_167 = arith.constant 0 : i32
          %dma_start3A_168 = tpu.memref_slice %arg7[%rem3A_163, %dma_start3A_166, %dma_start3A_167] : memref<3x4x120xi32, #tpu.memory_space<vmem>> -> memref<1x4x120xi32, #tpu.memory_space<vmem>>
          %dma_start3A_169 = tpu.memref_squeeze %dma_start3A_168 : memref<1x4x120xi32, #tpu.memory_space<vmem>> -> memref<4x120xi32, #tpu.memory_space<vmem>>
          %dma_start3A_170 = arith.constant 0 : i32
          %dma_start3A_171 = tpu.memref_slice %arg4[%add3A, %mul3A_165, %dma_start3A_170] : memref<32x84x120xi32, #tpu.memory_space<hbm>> -> memref<1x4x120xi32, #tpu.memory_space<hbm>>
          %dma_start3A_172 = tpu.memref_squeeze %dma_start3A_171 : memref<1x4x120xi32, #tpu.memory_space<hbm>> -> memref<4x120xi32, #tpu.memory_space<hbm>>
          %dma_start3A_173 = tpu.memref_slice %arg13[%rem3A_163] : memref<3x!tpu.dma_semaphore, #tpu.memory_space<semaphore_mem>> -> memref<1x!tpu.dma_semaphore, #tpu.memory_space<semaphore_mem>>
          %dma_start3A_174 = tpu.memref_squeeze %dma_start3A_173 : memref<1x!tpu.dma_semaphore, #tpu.memory_space<semaphore_mem>> -> memref<!tpu.dma_semaphore, #tpu.memory_space<semaphore_mem>>
          %dma_start3A_175 = arith.constant 0 : i32
          %dma_start3A_176 = arith.constant 0 : i32
          %dma_start3A_177 = tpu.memref_slice %arg7[%rem3A_163, %dma_start3A_175, %dma_start3A_176] : memref<3x4x120xi32, #tpu.memory_space<vmem>> -> memref<1x4x120xi32, #tpu.memory_space<vmem>>
          %dma_start3A_178 = tpu.memref_squeeze %dma_start3A_177 : memref<1x4x120xi32, #tpu.memory_space<vmem>> -> memref<4x120xi32, #tpu.memory_space<vmem>>
          %dma_start3A_179 = arith.constant 0 : i32
          %dma_start3A_180 = tpu.memref_slice %arg4[%add3A, %mul3A_165, %dma_start3A_179] : memref<32x84x120xi32, #tpu.memory_space<hbm>> -> memref<1x4x120xi32, #tpu.memory_space<hbm>>
          %dma_start3A_181 = tpu.memref_squeeze %dma_start3A_180 : memref<1x4x120xi32, #tpu.memory_space<hbm>> -> memref<4x120xi32, #tpu.memory_space<hbm>>
          tpu.enqueue_dma source(%dma_start3A_181 : memref<4x120xi32, #tpu.memory_space<hbm>>) target(%dma_start3A_178 : memref<4x120xi32, #tpu.memory_space<vmem>>) target_semaphore(%dma_start3A_174 : memref<!tpu.dma_semaphore, #tpu.memory_space<semaphore_mem>>)
          %mul3A_182 = arith.constant 4 : i32
          %mul3A_183 = arith.muli %add3A_161, %mul3A_182 : i32
          %dma_start3A_184 = arith.constant 0 : i32
          %dma_start3A_185 = arith.constant 0 : i32
          %dma_start3A_186 = tpu.memref_slice %arg8[%rem3A_163, %dma_start3A_184, %dma_start3A_185] : memref<3x4x120xi32, #tpu.memory_space<vmem>> -> memref<1x4x120xi32, #tpu.memory_space<vmem>>
          %dma_start3A_187 = tpu.memref_squeeze %dma_start3A_186 : memref<1x4x120xi32, #tpu.memory_space<vmem>> -> memref<4x120xi32, #tpu.memory_space<vmem>>
          %dma_start3A_188 = arith.constant 0 : i32
          %dma_start3A_189 = tpu.memref_slice %arg5[%add3A, %mul3A_183, %dma_start3A_188] : memref<32x84x120xi32, #tpu.memory_space<hbm>> -> memref<1x4x120xi32, #tpu.memory_space<hbm>>
          %dma_start3A_190 = tpu.memref_squeeze %dma_start3A_189 : memref<1x4x120xi32, #tpu.memory_space<hbm>> -> memref<4x120xi32, #tpu.memory_space<hbm>>
          %dma_start3A_191 = tpu.memref_slice %arg14[%rem3A_163] : memref<3x!tpu.dma_semaphore, #tpu.memory_space<semaphore_mem>> -> memref<1x!tpu.dma_semaphore, #tpu.memory_space<semaphore_mem>>
          %dma_start3A_192 = tpu.memref_squeeze %dma_start3A_191 : memref<1x!tpu.dma_semaphore, #tpu.memory_space<semaphore_mem>> -> memref<!tpu.dma_semaphore, #tpu.memory_space<semaphore_mem>>
          %dma_start3A_193 = arith.constant 0 : i32
          %dma_start3A_194 = arith.constant 0 : i32
          %dma_start3A_195 = tpu.memref_slice %arg8[%rem3A_163, %dma_start3A_193, %dma_start3A_194] : memref<3x4x120xi32, #tpu.memory_space<vmem>> -> memref<1x4x120xi32, #tpu.memory_space<vmem>>
          %dma_start3A_196 = tpu.memref_squeeze %dma_start3A_195 : memref<1x4x120xi32, #tpu.memory_space<vmem>> -> memref<4x120xi32, #tpu.memory_space<vmem>>
          %dma_start3A_197 = arith.constant 0 : i32
          %dma_start3A_198 = tpu.memref_slice %arg5[%add3A, %mul3A_183, %dma_start3A_197] : memref<32x84x120xi32, #tpu.memory_space<hbm>> -> memref<1x4x120xi32, #tpu.memory_space<hbm>>
          %dma_start3A_199 = tpu.memref_squeeze %dma_start3A_198 : memref<1x4x120xi32, #tpu.memory_space<hbm>> -> memref<4x120xi32, #tpu.memory_space<hbm>>
          tpu.enqueue_dma source(%dma_start3A_199 : memref<4x120xi32, #tpu.memory_space<hbm>>) target(%dma_start3A_196 : memref<4x120xi32, #tpu.memory_space<vmem>>) target_semaphore(%dma_start3A_192 : memref<!tpu.dma_semaphore, #tpu.memory_space<semaphore_mem>>)
        } else {
        }
        %rem3A_142 = arith.constant 4 : i32
        %rem3A_143 = arith.remsi %sub3A_113, %rem3A_142 : i32
        %rem3A_144 = arith.constant 3 : i32
        %rem3A_145 = arith.remsi %sub3A_113, %rem3A_144 : i32
        %rem3A_146 = arith.constant 3 : i32
        %rem3A_147 = arith.remsi %sub3A_113, %rem3A_146 : i32
        %dma_start3A_148 = arith.constant 0 : i32
        %dma_start3A_149 = arith.constant 0 : i32
        %dma_start3A_150 = tpu.memref_slice %arg9[%rem3A_145, %dma_start3A_148, %dma_start3A_149] : memref<3x120x128xf32, #tpu.memory_space<vmem>> -> memref<1x120x128xf32, #tpu.memory_space<vmem>>
        %dma_start3A_151 = tpu.memref_squeeze %dma_start3A_150 : memref<1x120x128xf32, #tpu.memory_space<vmem>> -> memref<120x128xf32, #tpu.memory_space<vmem>>
        %dma_start3A_152 = arith.constant 0 : i32
        %dma_start3A_153 = tpu.memref_slice %arg7[%rem3A_121, %rem3A_143, %dma_start3A_152] : memref<3x4x120xi32, #tpu.memory_space<vmem>> -> memref<1x1x120xi32, #tpu.memory_space<vmem>>
        %dma_start3A_154 = tpu.memref_squeeze %dma_start3A_153 : memref<1x1x120xi32, #tpu.memory_space<vmem>> -> memref<120xi32, #tpu.memory_space<vmem>>
        %dma_start3A_155 = arith.constant 0 : i32
        %dma_start3A_156 = arith.constant 0 : i32
        %dma_start3A_157 = tpu.memref_slice %arg2[%dma_start3A_155, %dma_start3A_156] : memref<10112x128xf32, #tpu.memory_space<hbm>> -> memref<10112x128xf32, #tpu.memory_space<hbm>>
        %dma_start3A_158 = tpu.memref_slice %arg11[%rem3A_147] : memref<3x!tpu.dma_semaphore, #tpu.memory_space<semaphore_mem>> -> memref<1x!tpu.dma_semaphore, #tpu.memory_space<semaphore_mem>>
        %dma_start3A_159 = tpu.memref_squeeze %dma_start3A_158 : memref<1x!tpu.dma_semaphore, #tpu.memory_space<semaphore_mem>> -> memref<!tpu.dma_semaphore, #tpu.memory_space<semaphore_mem>>
        tpu.enqueue_indirect_dma source(%dma_start3A_157 : memref<10112x128xf32, #tpu.memory_space<hbm>>) target(%dma_start3A_151 : memref<120x128xf32, #tpu.memory_space<vmem>>) offsets(%dma_start3A_154 : memref<120xi32, #tpu.memory_space<vmem>>) semaphore(%dma_start3A_159 : memref<!tpu.dma_semaphore, #tpu.memory_space<semaphore_mem>>)
      } else {
      }
    }
    %scan3A_56 = arith.constant 84 : i32
    %dma_wait3A_57 = arith.constant 2 : i32
    %dma_wait3A_58 = arith.constant 2 : i32
    %dma_wait3A_59 = arith.constant 3 : i32
    %dma_wait3A_60 = arith.constant 2 : i32
    %dma_wait3A_61 = arith.constant 0 : i32
    %dma_wait3A_62 = arith.constant 0 : i32
    %dma_wait3A_63 = tpu.memref_slice %arg9[%dma_wait3A_57, %dma_wait3A_61, %dma_wait3A_62] : memref<3x120x128xf32, #tpu.memory_space<vmem>> -> memref<1x120x128xf32, #tpu.memory_space<vmem>>
    %dma_wait3A_64 = tpu.memref_squeeze %dma_wait3A_63 : memref<1x120x128xf32, #tpu.memory_space<vmem>> -> memref<120x128xf32, #tpu.memory_space<vmem>>
    %dma_wait3A_65 = arith.constant 0 : i32
    %dma_wait3A_66 = tpu.memref_slice %arg8[%dma_wait3A_58, %dma_wait3A_59, %dma_wait3A_65] : memref<3x4x120xi32, #tpu.memory_space<vmem>> -> memref<1x1x120xi32, #tpu.memory_space<vmem>>
    %dma_wait3A_67 = tpu.memref_squeeze %dma_wait3A_66 : memref<1x1x120xi32, #tpu.memory_space<vmem>> -> memref<120xi32, #tpu.memory_space<vmem>>
    %dma_wait3A_68 = arith.constant 0 : i32
    %dma_wait3A_69 = arith.constant 0 : i32
    %dma_wait3A_70 = tpu.memref_slice %arg10[%dma_wait3A_68, %dma_wait3A_69] : memref<10112x128xf32, #tpu.memory_space<vmem_shared>> -> memref<10112x128xf32, #tpu.memory_space<vmem_shared>>
    %dma_wait3A_71 = tpu.memref_slice %arg12[%dma_wait3A_60] : memref<3x!tpu.dma_semaphore, #tpu.memory_space<semaphore_mem>> -> memref<1x!tpu.dma_semaphore, #tpu.memory_space<semaphore_mem>>
    %dma_wait3A_72 = tpu.memref_squeeze %dma_wait3A_71 : memref<1x!tpu.dma_semaphore, #tpu.memory_space<semaphore_mem>> -> memref<!tpu.dma_semaphore, #tpu.memory_space<semaphore_mem>>
    tpu.wait_indirect_dma semaphore(%dma_wait3A_72 : memref<!tpu.dma_semaphore, #tpu.memory_space<semaphore_mem>>) src(%dma_wait3A_64 : memref<120x128xf32, #tpu.memory_space<vmem>>) dst(%dma_wait3A_70 : memref<10112x128xf32, #tpu.memory_space<vmem_shared>>)
    %barrier3A_73 = arith.constant 0 : index
    tpu.barrier barrier_id(%barrier3A_73)
    %mul3A_74 = arith.constant 632 : i32
    %mul3A_75 = arith.muli %arg1, %mul3A_74 : i32
    %mul3A_76 = arith.constant 632 : i32
    %mul3A_77 = arith.muli %arg1, %mul3A_76 : i32
    "tpu.region"() ({
      %run_scoped3A_78 = tpu.sem_alloc : memref<!tpu.dma_semaphore, #tpu.memory_space<semaphore_mem>>
      %dma_start3A_79 = arith.constant 0 : i32
      %dma_start3A_80 = tpu.memref_slice %arg6[%arg0, %mul3A_77, %dma_start3A_79] : memref<2x10112x128xf32, #tpu.memory_space<hbm>> -> memref<1x632x128xf32, #tpu.memory_space<hbm>>
      %dma_start3A_81 = tpu.memref_squeeze %dma_start3A_80 : memref<1x632x128xf32, #tpu.memory_space<hbm>> -> memref<632x128xf32, #tpu.memory_space<hbm>>
      %dma_start3A_82 = arith.constant 0 : i32
      %dma_start3A_83 = tpu.memref_slice %arg10[%mul3A_75, %dma_start3A_82] : memref<10112x128xf32, #tpu.memory_space<vmem_shared>> -> memref<632x128xf32, #tpu.memory_space<vmem_shared>>
      tpu.enqueue_dma source(%dma_start3A_83 : memref<632x128xf32, #tpu.memory_space<vmem_shared>>) target(%dma_start3A_81 : memref<632x128xf32, #tpu.memory_space<hbm>>) target_semaphore(%run_scoped3A_78 : memref<!tpu.dma_semaphore, #tpu.memory_space<semaphore_mem>>)
      %dma_wait3A_84 = arith.constant 0 : i32
      %dma_wait3A_85 = tpu.memref_slice %arg6[%arg0, %mul3A_77, %dma_wait3A_84] : memref<2x10112x128xf32, #tpu.memory_space<hbm>> -> memref<1x632x128xf32, #tpu.memory_space<hbm>>
      %dma_wait3A_86 = tpu.memref_squeeze %dma_wait3A_85 : memref<1x632x128xf32, #tpu.memory_space<hbm>> -> memref<632x128xf32, #tpu.memory_space<hbm>>
      %dma_wait3A_87 = arith.constant 0 : i32
      %dma_wait3A_88 = tpu.memref_slice %arg10[%mul3A_75, %dma_wait3A_87] : memref<10112x128xf32, #tpu.memory_space<vmem_shared>> -> memref<632x128xf32, #tpu.memory_space<vmem_shared>>
      tpu.wait_dma2 semaphore(%run_scoped3A_78 : memref<!tpu.dma_semaphore, #tpu.memory_space<semaphore_mem>>) src(%dma_wait3A_88 : memref<632x128xf32, #tpu.memory_space<vmem_shared>>) dst(%dma_wait3A_86 : memref<632x128xf32, #tpu.memory_space<hbm>>)
      tpu.yield
    }) : () -> ()
    return
  }
}

#map = affine_map<(d0, d1) -> (0, 0)>
#map1 = affine_map<(d0, d1) -> (0, 0, 0)>
module attributes {stable_mosaic.version = 14 : i64} {
  func.func @agg(%arg0: i32, %arg1: i32, %arg2: memref<10112x128xf32, #tpu.memory_space<hbm>>, %arg3: memref<10112x128xf32, #tpu.memory_space<hbm>>, %arg4: memref<32x84x120xi32, #tpu.memory_space<hbm>>, %arg5: memref<32x84x120xi32, #tpu.memory_space<hbm>>, %arg6: memref<2x10112x128xf32, #tpu.memory_space<hbm>>, %arg7: memref<3x4x120xi32, #tpu.memory_space<vmem>>, %arg8: memref<3x4x120xi32, #tpu.memory_space<vmem>>, %arg9: memref<3x120x128xf32, #tpu.memory_space<vmem>>, %arg10: memref<10112x128xf32, #tpu.memory_space<vmem_shared>>, %arg11: memref<3x!tpu.dma_semaphore, #tpu.memory_space<semaphore_mem>>, %arg12: memref<3x!tpu.dma_semaphore, #tpu.memory_space<semaphore_mem>>, %arg13: memref<3x!tpu.dma_semaphore, #tpu.memory_space<semaphore_mem>>, %arg14: memref<3x!tpu.dma_semaphore, #tpu.memory_space<semaphore_mem>>) attributes {dimension_semantics = [#tpu.dimension_semantics<core_parallel>, #tpu.dimension_semantics<subcore_parallel>], iteration_bounds = array<i64: 2, 16>, scalar_prefetch = 0 : i64, scratch_operands = 8 : i64, tpu.core_type = #tpu.core_type<sc_vector_subcore>, window_params = [{transform_indices = #map}, {transform_indices = #map}, {transform_indices = #map1}, {transform_indices = #map1}, {transform_indices = #map1}]} {
    %mul3A = arith.constant 2 : i32
    %mul3A_0 = arith.muli %arg1, %mul3A : i32
    %add3A = arith.addi %mul3A_0, %arg0 : i32
    %mul3A_1 = arith.constant 632 : i32
    %mul3A_2 = arith.muli %arg1, %mul3A_1 : i32
    %mul3A_3 = arith.constant 632 : i32
    %mul3A_4 = arith.muli %arg1, %mul3A_3 : i32
    %dma_start3A = arith.constant 2 : i32
    %dma_start3A_5 = tpu.memref_slice %arg13[%dma_start3A] : memref<3x!tpu.dma_semaphore, #tpu.memory_space<semaphore_mem>> -> memref<1x!tpu.dma_semaphore, #tpu.memory_space<semaphore_mem>>
    %dma_start3A_6 = tpu.memref_squeeze %dma_start3A_5 : memref<1x!tpu.dma_semaphore, #tpu.memory_space<semaphore_mem>> -> memref<!tpu.dma_semaphore, #tpu.memory_space<semaphore_mem>>
    %dma_start3A_7 = arith.constant 0 : i32
    %dma_start3A_8 = tpu.memref_slice %arg10[%mul3A_4, %dma_start3A_7] : memref<10112x128xf32, #tpu.memory_space<vmem_shared>> -> memref<632x128xf32, #tpu.memory_space<vmem_shared>>
    %dma_start3A_9 = arith.constant 0 : i32
    %dma_start3A_10 = tpu.memref_slice %arg3[%mul3A_2, %dma_start3A_9] : memref<10112x128xf32, #tpu.memory_space<hbm>> -> memref<632x128xf32, #tpu.memory_space<hbm>>
    tpu.enqueue_dma source(%dma_start3A_10 : memref<632x128xf32, #tpu.memory_space<hbm>>) target(%dma_start3A_8 : memref<632x128xf32, #tpu.memory_space<vmem_shared>>) target_semaphore(%dma_start3A_6 : memref<!tpu.dma_semaphore, #tpu.memory_space<semaphore_mem>>)
    %run_scoped3A = arith.constant 0 : i32
    "tpu.region"() ({
      %run_scoped3A_78 = tpu.sem_alloc : memref<!tpu.dma_semaphore, #tpu.memory_space<semaphore_mem>>
      %dma_start3A_79 = arith.constant 0 : i32
      %dma_start3A_80 = arith.constant 0 : i32
      %dma_start3A_81 = tpu.memref_slice %arg7[%run_scoped3A, %dma_start3A_79, %dma_start3A_80] : memref<3x4x120xi32, #tpu.memory_space<vmem>> -> memref<1x4x120xi32, #tpu.memory_space<vmem>>
      %dma_start3A_82 = tpu.memref_squeeze %dma_start3A_81 : memref<1x4x120xi32, #tpu.memory_space<vmem>> -> memref<4x120xi32, #tpu.memory_space<vmem>>
      %dma_start3A_83 = arith.constant 0 : i32
      %dma_start3A_84 = arith.constant 0 : i32
      %dma_start3A_85 = tpu.memref_slice %arg4[%add3A, %dma_start3A_83, %dma_start3A_84] : memref<32x84x120xi32, #tpu.memory_space<hbm>> -> memref<1x4x120xi32, #tpu.memory_space<hbm>>
      %dma_start3A_86 = tpu.memref_squeeze %dma_start3A_85 : memref<1x4x120xi32, #tpu.memory_space<hbm>> -> memref<4x120xi32, #tpu.memory_space<hbm>>
      %dma_start3A_87 = arith.constant 0 : i32
      %dma_start3A_88 = arith.constant 0 : i32
      %dma_start3A_89 = tpu.memref_slice %arg7[%run_scoped3A, %dma_start3A_87, %dma_start3A_88] : memref<3x4x120xi32, #tpu.memory_space<vmem>> -> memref<1x4x120xi32, #tpu.memory_space<vmem>>
      %dma_start3A_90 = tpu.memref_squeeze %dma_start3A_89 : memref<1x4x120xi32, #tpu.memory_space<vmem>> -> memref<4x120xi32, #tpu.memory_space<vmem>>
      %dma_start3A_91 = arith.constant 0 : i32
      %dma_start3A_92 = arith.constant 0 : i32
      %dma_start3A_93 = tpu.memref_slice %arg4[%add3A, %dma_start3A_91, %dma_start3A_92] : memref<32x84x120xi32, #tpu.memory_space<hbm>> -> memref<1x4x120xi32, #tpu.memory_space<hbm>>
      %dma_start3A_94 = tpu.memref_squeeze %dma_start3A_93 : memref<1x4x120xi32, #tpu.memory_space<hbm>> -> memref<4x120xi32, #tpu.memory_space<hbm>>
      tpu.enqueue_dma source(%dma_start3A_94 : memref<4x120xi32, #tpu.memory_space<hbm>>) target(%dma_start3A_90 : memref<4x120xi32, #tpu.memory_space<vmem>>) target_semaphore(%run_scoped3A_78 : memref<!tpu.dma_semaphore, #tpu.memory_space<semaphore_mem>>)
      %dma_wait3A_95 = arith.constant 0 : i32
      %dma_wait3A_96 = arith.constant 0 : i32
      %dma_wait3A_97 = tpu.memref_slice %arg7[%run_scoped3A, %dma_wait3A_95, %dma_wait3A_96] : memref<3x4x120xi32, #tpu.memory_space<vmem>> -> memref<1x4x120xi32, #tpu.memory_space<vmem>>
      %dma_wait3A_98 = tpu.memref_squeeze %dma_wait3A_97 : memref<1x4x120xi32, #tpu.memory_space<vmem>> -> memref<4x120xi32, #tpu.memory_space<vmem>>
      %dma_wait3A_99 = arith.constant 0 : i32
      %dma_wait3A_100 = arith.constant 0 : i32
      %dma_wait3A_101 = tpu.memref_slice %arg4[%add3A, %dma_wait3A_99, %dma_wait3A_100] : memref<32x84x120xi32, #tpu.memory_space<hbm>> -> memref<1x4x120xi32, #tpu.memory_space<hbm>>
      %dma_wait3A_102 = tpu.memref_squeeze %dma_wait3A_101 : memref<1x4x120xi32, #tpu.memory_space<hbm>> -> memref<4x120xi32, #tpu.memory_space<hbm>>
      %dma_wait3A_103 = arith.constant 0 : i32
      %dma_wait3A_104 = arith.constant 0 : i32
      %dma_wait3A_105 = tpu.memref_slice %arg7[%run_scoped3A, %dma_wait3A_103, %dma_wait3A_104] : memref<3x4x120xi32, #tpu.memory_space<vmem>> -> memref<1x4x120xi32, #tpu.memory_space<vmem>>
      %dma_wait3A_106 = tpu.memref_squeeze %dma_wait3A_105 : memref<1x4x120xi32, #tpu.memory_space<vmem>> -> memref<4x120xi32, #tpu.memory_space<vmem>>
      %dma_wait3A_107 = arith.constant 0 : i32
      %dma_wait3A_108 = arith.constant 0 : i32
      %dma_wait3A_109 = tpu.memref_slice %arg4[%add3A, %dma_wait3A_107, %dma_wait3A_108] : memref<32x84x120xi32, #tpu.memory_space<hbm>> -> memref<1x4x120xi32, #tpu.memory_space<hbm>>
      %dma_wait3A_110 = tpu.memref_squeeze %dma_wait3A_109 : memref<1x4x120xi32, #tpu.memory_space<hbm>> -> memref<4x120xi32, #tpu.memory_space<hbm>>
      tpu.wait_dma2 semaphore(%run_scoped3A_78 : memref<!tpu.dma_semaphore, #tpu.memory_space<semaphore_mem>>) src(%dma_wait3A_110 : memref<4x120xi32, #tpu.memory_space<hbm>>) dst(%dma_wait3A_106 : memref<4x120xi32, #tpu.memory_space<vmem>>)
      tpu.yield
    }) : () -> ()
    %run_scoped3A_11 = arith.constant 0 : i32
    "tpu.region"() ({
      %run_scoped3A_78 = tpu.sem_alloc : memref<!tpu.dma_semaphore, #tpu.memory_space<semaphore_mem>>
      %dma_start3A_79 = arith.constant 0 : i32
      %dma_start3A_80 = arith.constant 0 : i32
      %dma_start3A_81 = tpu.memref_slice %arg8[%run_scoped3A_11, %dma_start3A_79, %dma_start3A_80] : memref<3x4x120xi32, #tpu.memory_space<vmem>> -> memref<1x4x120xi32, #tpu.memory_space<vmem>>
      %dma_start3A_82 = tpu.memref_squeeze %dma_start3A_81 : memref<1x4x120xi32, #tpu.memory_space<vmem>> -> memref<4x120xi32, #tpu.memory_space<vmem>>
      %dma_start3A_83 = arith.constant 0 : i32
      %dma_start3A_84 = arith.constant 0 : i32
      %dma_start3A_85 = tpu.memref_slice %arg5[%add3A, %dma_start3A_83, %dma_start3A_84] : memref<32x84x120xi32, #tpu.memory_space<hbm>> -> memref<1x4x120xi32, #tpu.memory_space<hbm>>
      %dma_start3A_86 = tpu.memref_squeeze %dma_start3A_85 : memref<1x4x120xi32, #tpu.memory_space<hbm>> -> memref<4x120xi32, #tpu.memory_space<hbm>>
      %dma_start3A_87 = arith.constant 0 : i32
      %dma_start3A_88 = arith.constant 0 : i32
      %dma_start3A_89 = tpu.memref_slice %arg8[%run_scoped3A_11, %dma_start3A_87, %dma_start3A_88] : memref<3x4x120xi32, #tpu.memory_space<vmem>> -> memref<1x4x120xi32, #tpu.memory_space<vmem>>
      %dma_start3A_90 = tpu.memref_squeeze %dma_start3A_89 : memref<1x4x120xi32, #tpu.memory_space<vmem>> -> memref<4x120xi32, #tpu.memory_space<vmem>>
      %dma_start3A_91 = arith.constant 0 : i32
      %dma_start3A_92 = arith.constant 0 : i32
      %dma_start3A_93 = tpu.memref_slice %arg5[%add3A, %dma_start3A_91, %dma_start3A_92] : memref<32x84x120xi32, #tpu.memory_space<hbm>> -> memref<1x4x120xi32, #tpu.memory_space<hbm>>
      %dma_start3A_94 = tpu.memref_squeeze %dma_start3A_93 : memref<1x4x120xi32, #tpu.memory_space<hbm>> -> memref<4x120xi32, #tpu.memory_space<hbm>>
      tpu.enqueue_dma source(%dma_start3A_94 : memref<4x120xi32, #tpu.memory_space<hbm>>) target(%dma_start3A_90 : memref<4x120xi32, #tpu.memory_space<vmem>>) target_semaphore(%run_scoped3A_78 : memref<!tpu.dma_semaphore, #tpu.memory_space<semaphore_mem>>)
      %dma_wait3A_95 = arith.constant 0 : i32
      %dma_wait3A_96 = arith.constant 0 : i32
      %dma_wait3A_97 = tpu.memref_slice %arg8[%run_scoped3A_11, %dma_wait3A_95, %dma_wait3A_96] : memref<3x4x120xi32, #tpu.memory_space<vmem>> -> memref<1x4x120xi32, #tpu.memory_space<vmem>>
      %dma_wait3A_98 = tpu.memref_squeeze %dma_wait3A_97 : memref<1x4x120xi32, #tpu.memory_space<vmem>> -> memref<4x120xi32, #tpu.memory_space<vmem>>
      %dma_wait3A_99 = arith.constant 0 : i32
      %dma_wait3A_100 = arith.constant 0 : i32
      %dma_wait3A_101 = tpu.memref_slice %arg5[%add3A, %dma_wait3A_99, %dma_wait3A_100] : memref<32x84x120xi32, #tpu.memory_space<hbm>> -> memref<1x4x120xi32, #tpu.memory_space<hbm>>
      %dma_wait3A_102 = tpu.memref_squeeze %dma_wait3A_101 : memref<1x4x120xi32, #tpu.memory_space<hbm>> -> memref<4x120xi32, #tpu.memory_space<hbm>>
      %dma_wait3A_103 = arith.constant 0 : i32
      %dma_wait3A_104 = arith.constant 0 : i32
      %dma_wait3A_105 = tpu.memref_slice %arg8[%run_scoped3A_11, %dma_wait3A_103, %dma_wait3A_104] : memref<3x4x120xi32, #tpu.memory_space<vmem>> -> memref<1x4x120xi32, #tpu.memory_space<vmem>>
      %dma_wait3A_106 = tpu.memref_squeeze %dma_wait3A_105 : memref<1x4x120xi32, #tpu.memory_space<vmem>> -> memref<4x120xi32, #tpu.memory_space<vmem>>
      %dma_wait3A_107 = arith.constant 0 : i32
      %dma_wait3A_108 = arith.constant 0 : i32
      %dma_wait3A_109 = tpu.memref_slice %arg5[%add3A, %dma_wait3A_107, %dma_wait3A_108] : memref<32x84x120xi32, #tpu.memory_space<hbm>> -> memref<1x4x120xi32, #tpu.memory_space<hbm>>
      %dma_wait3A_110 = tpu.memref_squeeze %dma_wait3A_109 : memref<1x4x120xi32, #tpu.memory_space<hbm>> -> memref<4x120xi32, #tpu.memory_space<hbm>>
      tpu.wait_dma2 semaphore(%run_scoped3A_78 : memref<!tpu.dma_semaphore, #tpu.memory_space<semaphore_mem>>) src(%dma_wait3A_110 : memref<4x120xi32, #tpu.memory_space<hbm>>) dst(%dma_wait3A_106 : memref<4x120xi32, #tpu.memory_space<vmem>>)
      tpu.yield
    }) : () -> ()
    %run_scoped3A_12 = arith.constant 1 : i32
    "tpu.region"() ({
      %run_scoped3A_78 = tpu.sem_alloc : memref<!tpu.dma_semaphore, #tpu.memory_space<semaphore_mem>>
      %dma_start3A_79 = arith.constant 0 : i32
      %dma_start3A_80 = arith.constant 0 : i32
      %dma_start3A_81 = tpu.memref_slice %arg7[%run_scoped3A_12, %dma_start3A_79, %dma_start3A_80] : memref<3x4x120xi32, #tpu.memory_space<vmem>> -> memref<1x4x120xi32, #tpu.memory_space<vmem>>
      %dma_start3A_82 = tpu.memref_squeeze %dma_start3A_81 : memref<1x4x120xi32, #tpu.memory_space<vmem>> -> memref<4x120xi32, #tpu.memory_space<vmem>>
      %dma_start3A_83 = arith.constant 4 : i32
      %dma_start3A_84 = arith.constant 0 : i32
      %dma_start3A_85 = tpu.memref_slice %arg4[%add3A, %dma_start3A_83, %dma_start3A_84] : memref<32x84x120xi32, #tpu.memory_space<hbm>> -> memref<1x4x120xi32, #tpu.memory_space<hbm>>
      %dma_start3A_86 = tpu.memref_squeeze %dma_start3A_85 : memref<1x4x120xi32, #tpu.memory_space<hbm>> -> memref<4x120xi32, #tpu.memory_space<hbm>>
      %dma_start3A_87 = arith.constant 0 : i32
      %dma_start3A_88 = arith.constant 0 : i32
      %dma_start3A_89 = tpu.memref_slice %arg7[%run_scoped3A_12, %dma_start3A_87, %dma_start3A_88] : memref<3x4x120xi32, #tpu.memory_space<vmem>> -> memref<1x4x120xi32, #tpu.memory_space<vmem>>
      %dma_start3A_90 = tpu.memref_squeeze %dma_start3A_89 : memref<1x4x120xi32, #tpu.memory_space<vmem>> -> memref<4x120xi32, #tpu.memory_space<vmem>>
      %dma_start3A_91 = arith.constant 4 : i32
      %dma_start3A_92 = arith.constant 0 : i32
      %dma_start3A_93 = tpu.memref_slice %arg4[%add3A, %dma_start3A_91, %dma_start3A_92] : memref<32x84x120xi32, #tpu.memory_space<hbm>> -> memref<1x4x120xi32, #tpu.memory_space<hbm>>
      %dma_start3A_94 = tpu.memref_squeeze %dma_start3A_93 : memref<1x4x120xi32, #tpu.memory_space<hbm>> -> memref<4x120xi32, #tpu.memory_space<hbm>>
      tpu.enqueue_dma source(%dma_start3A_94 : memref<4x120xi32, #tpu.memory_space<hbm>>) target(%dma_start3A_90 : memref<4x120xi32, #tpu.memory_space<vmem>>) target_semaphore(%run_scoped3A_78 : memref<!tpu.dma_semaphore, #tpu.memory_space<semaphore_mem>>)
      %dma_wait3A_95 = arith.constant 0 : i32
      %dma_wait3A_96 = arith.constant 0 : i32
      %dma_wait3A_97 = tpu.memref_slice %arg7[%run_scoped3A_12, %dma_wait3A_95, %dma_wait3A_96] : memref<3x4x120xi32, #tpu.memory_space<vmem>> -> memref<1x4x120xi32, #tpu.memory_space<vmem>>
      %dma_wait3A_98 = tpu.memref_squeeze %dma_wait3A_97 : memref<1x4x120xi32, #tpu.memory_space<vmem>> -> memref<4x120xi32, #tpu.memory_space<vmem>>
      %dma_wait3A_99 = arith.constant 4 : i32
      %dma_wait3A_100 = arith.constant 0 : i32
      %dma_wait3A_101 = tpu.memref_slice %arg4[%add3A, %dma_wait3A_99, %dma_wait3A_100] : memref<32x84x120xi32, #tpu.memory_space<hbm>> -> memref<1x4x120xi32, #tpu.memory_space<hbm>>
      %dma_wait3A_102 = tpu.memref_squeeze %dma_wait3A_101 : memref<1x4x120xi32, #tpu.memory_space<hbm>> -> memref<4x120xi32, #tpu.memory_space<hbm>>
      %dma_wait3A_103 = arith.constant 0 : i32
      %dma_wait3A_104 = arith.constant 0 : i32
      %dma_wait3A_105 = tpu.memref_slice %arg7[%run_scoped3A_12, %dma_wait3A_103, %dma_wait3A_104] : memref<3x4x120xi32, #tpu.memory_space<vmem>> -> memref<1x4x120xi32, #tpu.memory_space<vmem>>
      %dma_wait3A_106 = tpu.memref_squeeze %dma_wait3A_105 : memref<1x4x120xi32, #tpu.memory_space<vmem>> -> memref<4x120xi32, #tpu.memory_space<vmem>>
      %dma_wait3A_107 = arith.constant 4 : i32
      %dma_wait3A_108 = arith.constant 0 : i32
      %dma_wait3A_109 = tpu.memref_slice %arg4[%add3A, %dma_wait3A_107, %dma_wait3A_108] : memref<32x84x120xi32, #tpu.memory_space<hbm>> -> memref<1x4x120xi32, #tpu.memory_space<hbm>>
      %dma_wait3A_110 = tpu.memref_squeeze %dma_wait3A_109 : memref<1x4x120xi32, #tpu.memory_space<hbm>> -> memref<4x120xi32, #tpu.memory_space<hbm>>
      tpu.wait_dma2 semaphore(%run_scoped3A_78 : memref<!tpu.dma_semaphore, #tpu.memory_space<semaphore_mem>>) src(%dma_wait3A_110 : memref<4x120xi32, #tpu.memory_space<hbm>>) dst(%dma_wait3A_106 : memref<4x120xi32, #tpu.memory_space<vmem>>)
      tpu.yield
    }) : () -> ()
    %run_scoped3A_13 = arith.constant 1 : i32
    "tpu.region"() ({
      %run_scoped3A_78 = tpu.sem_alloc : memref<!tpu.dma_semaphore, #tpu.memory_space<semaphore_mem>>
      %dma_start3A_79 = arith.constant 0 : i32
      %dma_start3A_80 = arith.constant 0 : i32
      %dma_start3A_81 = tpu.memref_slice %arg8[%run_scoped3A_13, %dma_start3A_79, %dma_start3A_80] : memref<3x4x120xi32, #tpu.memory_space<vmem>> -> memref<1x4x120xi32, #tpu.memory_space<vmem>>
      %dma_start3A_82 = tpu.memref_squeeze %dma_start3A_81 : memref<1x4x120xi32, #tpu.memory_space<vmem>> -> memref<4x120xi32, #tpu.memory_space<vmem>>
      %dma_start3A_83 = arith.constant 4 : i32
      %dma_start3A_84 = arith.constant 0 : i32
      %dma_start3A_85 = tpu.memref_slice %arg5[%add3A, %dma_start3A_83, %dma_start3A_84] : memref<32x84x120xi32, #tpu.memory_space<hbm>> -> memref<1x4x120xi32, #tpu.memory_space<hbm>>
      %dma_start3A_86 = tpu.memref_squeeze %dma_start3A_85 : memref<1x4x120xi32, #tpu.memory_space<hbm>> -> memref<4x120xi32, #tpu.memory_space<hbm>>
      %dma_start3A_87 = arith.constant 0 : i32
      %dma_start3A_88 = arith.constant 0 : i32
      %dma_start3A_89 = tpu.memref_slice %arg8[%run_scoped3A_13, %dma_start3A_87, %dma_start3A_88] : memref<3x4x120xi32, #tpu.memory_space<vmem>> -> memref<1x4x120xi32, #tpu.memory_space<vmem>>
      %dma_start3A_90 = tpu.memref_squeeze %dma_start3A_89 : memref<1x4x120xi32, #tpu.memory_space<vmem>> -> memref<4x120xi32, #tpu.memory_space<vmem>>
      %dma_start3A_91 = arith.constant 4 : i32
      %dma_start3A_92 = arith.constant 0 : i32
      %dma_start3A_93 = tpu.memref_slice %arg5[%add3A, %dma_start3A_91, %dma_start3A_92] : memref<32x84x120xi32, #tpu.memory_space<hbm>> -> memref<1x4x120xi32, #tpu.memory_space<hbm>>
      %dma_start3A_94 = tpu.memref_squeeze %dma_start3A_93 : memref<1x4x120xi32, #tpu.memory_space<hbm>> -> memref<4x120xi32, #tpu.memory_space<hbm>>
      tpu.enqueue_dma source(%dma_start3A_94 : memref<4x120xi32, #tpu.memory_space<hbm>>) target(%dma_start3A_90 : memref<4x120xi32, #tpu.memory_space<vmem>>) target_semaphore(%run_scoped3A_78 : memref<!tpu.dma_semaphore, #tpu.memory_space<semaphore_mem>>)
      %dma_wait3A_95 = arith.constant 0 : i32
      %dma_wait3A_96 = arith.constant 0 : i32
      %dma_wait3A_97 = tpu.memref_slice %arg8[%run_scoped3A_13, %dma_wait3A_95, %dma_wait3A_96] : memref<3x4x120xi32, #tpu.memory_space<vmem>> -> memref<1x4x120xi32, #tpu.memory_space<vmem>>
      %dma_wait3A_98 = tpu.memref_squeeze %dma_wait3A_97 : memref<1x4x120xi32, #tpu.memory_space<vmem>> -> memref<4x120xi32, #tpu.memory_space<vmem>>
      %dma_wait3A_99 = arith.constant 4 : i32
      %dma_wait3A_100 = arith.constant 0 : i32
      %dma_wait3A_101 = tpu.memref_slice %arg5[%add3A, %dma_wait3A_99, %dma_wait3A_100] : memref<32x84x120xi32, #tpu.memory_space<hbm>> -> memref<1x4x120xi32, #tpu.memory_space<hbm>>
      %dma_wait3A_102 = tpu.memref_squeeze %dma_wait3A_101 : memref<1x4x120xi32, #tpu.memory_space<hbm>> -> memref<4x120xi32, #tpu.memory_space<hbm>>
      %dma_wait3A_103 = arith.constant 0 : i32
      %dma_wait3A_104 = arith.constant 0 : i32
      %dma_wait3A_105 = tpu.memref_slice %arg8[%run_scoped3A_13, %dma_wait3A_103, %dma_wait3A_104] : memref<3x4x120xi32, #tpu.memory_space<vmem>> -> memref<1x4x120xi32, #tpu.memory_space<vmem>>
      %dma_wait3A_106 = tpu.memref_squeeze %dma_wait3A_105 : memref<1x4x120xi32, #tpu.memory_space<vmem>> -> memref<4x120xi32, #tpu.memory_space<vmem>>
      %dma_wait3A_107 = arith.constant 4 : i32
      %dma_wait3A_108 = arith.constant 0 : i32
      %dma_wait3A_109 = tpu.memref_slice %arg5[%add3A, %dma_wait3A_107, %dma_wait3A_108] : memref<32x84x120xi32, #tpu.memory_space<hbm>> -> memref<1x4x120xi32, #tpu.memory_space<hbm>>
      %dma_wait3A_110 = tpu.memref_squeeze %dma_wait3A_109 : memref<1x4x120xi32, #tpu.memory_space<hbm>> -> memref<4x120xi32, #tpu.memory_space<hbm>>
      tpu.wait_dma2 semaphore(%run_scoped3A_78 : memref<!tpu.dma_semaphore, #tpu.memory_space<semaphore_mem>>) src(%dma_wait3A_110 : memref<4x120xi32, #tpu.memory_space<hbm>>) dst(%dma_wait3A_106 : memref<4x120xi32, #tpu.memory_space<vmem>>)
      tpu.yield
    }) : () -> ()
    %dma_wait3A = arith.constant 2 : i32
    %dma_wait3A_14 = tpu.memref_slice %arg13[%dma_wait3A] : memref<3x!tpu.dma_semaphore, #tpu.memory_space<semaphore_mem>> -> memref<1x!tpu.dma_semaphore, #tpu.memory_space<semaphore_mem>>
    %dma_wait3A_15 = tpu.memref_squeeze %dma_wait3A_14 : memref<1x!tpu.dma_semaphore, #tpu.memory_space<semaphore_mem>> -> memref<!tpu.dma_semaphore, #tpu.memory_space<semaphore_mem>>
    %dma_wait3A_16 = arith.constant 0 : i32
    %dma_wait3A_17 = tpu.memref_slice %arg10[%mul3A_4, %dma_wait3A_16] : memref<10112x128xf32, #tpu.memory_space<vmem_shared>> -> memref<632x128xf32, #tpu.memory_space<vmem_shared>>
    %dma_wait3A_18 = arith.constant 0 : i32
    %dma_wait3A_19 = tpu.memref_slice %arg3[%mul3A_2, %dma_wait3A_18] : memref<10112x128xf32, #tpu.memory_space<hbm>> -> memref<632x128xf32, #tpu.memory_space<hbm>>
    tpu.wait_dma2 semaphore(%dma_wait3A_15 : memref<!tpu.dma_semaphore, #tpu.memory_space<semaphore_mem>>) src(%dma_wait3A_19 : memref<632x128xf32, #tpu.memory_space<hbm>>) dst(%dma_wait3A_17 : memref<632x128xf32, #tpu.memory_space<vmem_shared>>)
    %barrier3A = arith.constant 0 : index
    tpu.barrier barrier_id(%barrier3A)
    %dma_start3A_20 = arith.constant 0 : i32
    %dma_start3A_21 = arith.constant 0 : i32
    %dma_start3A_22 = arith.constant 0 : i32
    %dma_start3A_23 = arith.constant 0 : i32
    %dma_start3A_24 = arith.constant 0 : i32
    %dma_start3A_25 = arith.constant 0 : i32
    %dma_start3A_26 = tpu.memref_slice %arg9[%dma_start3A_22, %dma_start3A_24, %dma_start3A_25] : memref<3x120x128xf32, #tpu.memory_space<vmem>> -> memref<1x120x128xf32, #tpu.memory_space<vmem>>
    %dma_start3A_27 = tpu.memref_squeeze %dma_start3A_26 : memref<1x120x128xf32, #tpu.memory_space<vmem>> -> memref<120x128xf32, #tpu.memory_space<vmem>>
    %dma_start3A_28 = arith.constant 0 : i32
    %dma_start3A_29 = tpu.memref_slice %arg7[%dma_start3A_20, %dma_start3A_21, %dma_start3A_28] : memref<3x4x120xi32, #tpu.memory_space<vmem>> -> memref<1x1x120xi32, #tpu.memory_space<vmem>>
    %dma_start3A_30 = tpu.memref_squeeze %dma_start3A_29 : memref<1x1x120xi32, #tpu.memory_space<vmem>> -> memref<120xi32, #tpu.memory_space<vmem>>
    %dma_start3A_31 = arith.constant 0 : i32
    %dma_start3A_32 = arith.constant 0 : i32
    %dma_start3A_33 = tpu.memref_slice %arg2[%dma_start3A_31, %dma_start3A_32] : memref<10112x128xf32, #tpu.memory_space<hbm>> -> memref<10112x128xf32, #tpu.memory_space<hbm>>
    %dma_start3A_34 = tpu.memref_slice %arg11[%dma_start3A_23] : memref<3x!tpu.dma_semaphore, #tpu.memory_space<semaphore_mem>> -> memref<1x!tpu.dma_semaphore, #tpu.memory_space<semaphore_mem>>
    %dma_start3A_35 = tpu.memref_squeeze %dma_start3A_34 : memref<1x!tpu.dma_semaphore, #tpu.memory_space<semaphore_mem>> -> memref<!tpu.dma_semaphore, #tpu.memory_space<semaphore_mem>>
    tpu.enqueue_indirect_dma source(%dma_start3A_33 : memref<10112x128xf32, #tpu.memory_space<hbm>>) target(%dma_start3A_27 : memref<120x128xf32, #tpu.memory_space<vmem>>) offsets(%dma_start3A_30 : memref<120xi32, #tpu.memory_space<vmem>>) semaphore(%dma_start3A_35 : memref<!tpu.dma_semaphore, #tpu.memory_space<semaphore_mem>>)
    %dma_start3A_36 = arith.constant 0 : i32
    %dma_start3A_37 = arith.constant 1 : i32
    %dma_start3A_38 = arith.constant 1 : i32
    %dma_start3A_39 = arith.constant 1 : i32
    %dma_start3A_40 = arith.constant 0 : i32
    %dma_start3A_41 = arith.constant 0 : i32
    %dma_start3A_42 = tpu.memref_slice %arg9[%dma_start3A_38, %dma_start3A_40, %dma_start3A_41] : memref<3x120x128xf32, #tpu.memory_space<vmem>> -> memref<1x120x128xf32, #tpu.memory_space<vmem>>
    %dma_start3A_43 = tpu.memref_squeeze %dma_start3A_42 : memref<1x120x128xf32, #tpu.memory_space<vmem>> -> memref<120x128xf32, #tpu.memory_space<vmem>>
    %dma_start3A_44 = arith.constant 0 : i32
    %dma_start3A_45 = tpu.memref_slice %arg7[%dma_start3A_36, %dma_start3A_37, %dma_start3A_44] : memref<3x4x120xi32, #tpu.memory_space<vmem>> -> memref<1x1x120xi32, #tpu.memory_space<vmem>>
    %dma_start3A_46 = tpu.memref_squeeze %dma_start3A_45 : memref<1x1x120xi32, #tpu.memory_space<vmem>> -> memref<120xi32, #tpu.memory_space<vmem>>
    %dma_start3A_47 = arith.constant 0 : i32
    %dma_start3A_48 = arith.constant 0 : i32
    %dma_start3A_49 = tpu.memref_slice %arg2[%dma_start3A_47, %dma_start3A_48] : memref<10112x128xf32, #tpu.memory_space<hbm>> -> memref<10112x128xf32, #tpu.memory_space<hbm>>
    %dma_start3A_50 = tpu.memref_slice %arg11[%dma_start3A_39] : memref<3x!tpu.dma_semaphore, #tpu.memory_space<semaphore_mem>> -> memref<1x!tpu.dma_semaphore, #tpu.memory_space<semaphore_mem>>
    %dma_start3A_51 = tpu.memref_squeeze %dma_start3A_50 : memref<1x!tpu.dma_semaphore, #tpu.memory_space<semaphore_mem>> -> memref<!tpu.dma_semaphore, #tpu.memory_space<semaphore_mem>>
    tpu.enqueue_indirect_dma source(%dma_start3A_49 : memref<10112x128xf32, #tpu.memory_space<hbm>>) target(%dma_start3A_43 : memref<120x128xf32, #tpu.memory_space<vmem>>) offsets(%dma_start3A_46 : memref<120xi32, #tpu.memory_space<vmem>>) semaphore(%dma_start3A_51 : memref<!tpu.dma_semaphore, #tpu.memory_space<semaphore_mem>>)
    %scan3A = arith.constant 0 : i32
    %scan3A_52 = arith.constant 0 : i32
    %scan3A_53 = arith.constant 84 : i32
    %scan3A_54 = arith.addi %scan3A_52, %scan3A_53 : i32
    %scan3A_55 = arith.constant 1 : i32
    scf.for %scan3A_78 = %scan3A_52 to %scan3A_54 step %scan3A_55  : i32 {
      %rem3A = arith.constant 3 : i32
      %rem3A_79 = arith.remsi %scan3A_78, %rem3A : i32
      %div3A = arith.constant 4 : i32
      %div3A_80 = arith.divsi %scan3A_78, %div3A : i32
      %rem3A_81 = arith.constant 4 : i32
      %rem3A_82 = arith.remsi %scan3A_78, %rem3A_81 : i32
      %rem3A_83 = arith.constant 3 : i32
      %rem3A_84 = arith.remsi %div3A_80, %rem3A_83 : i32
      %dma_wait3A_85 = arith.constant 0 : i32
      %dma_wait3A_86 = arith.constant 0 : i32
      %dma_wait3A_87 = tpu.memref_slice %arg9[%rem3A_79, %dma_wait3A_85, %dma_wait3A_86] : memref<3x120x128xf32, #tpu.memory_space<vmem>> -> memref<1x120x128xf32, #tpu.memory_space<vmem>>
      %dma_wait3A_88 = tpu.memref_squeeze %dma_wait3A_87 : memref<1x120x128xf32, #tpu.memory_space<vmem>> -> memref<120x128xf32, #tpu.memory_space<vmem>>
      %dma_wait3A_89 = arith.constant 0 : i32
      %dma_wait3A_90 = tpu.memref_slice %arg7[%rem3A_84, %rem3A_82, %dma_wait3A_89] : memref<3x4x120xi32, #tpu.memory_space<vmem>> -> memref<1x1x120xi32, #tpu.memory_space<vmem>>
      %dma_wait3A_91 = tpu.memref_squeeze %dma_wait3A_90 : memref<1x1x120xi32, #tpu.memory_space<vmem>> -> memref<120xi32, #tpu.memory_space<vmem>>
      %dma_wait3A_92 = arith.constant 0 : i32
      %dma_wait3A_93 = arith.constant 0 : i32
      %dma_wait3A_94 = tpu.memref_slice %arg2[%dma_wait3A_92, %dma_wait3A_93] : memref<10112x128xf32, #tpu.memory_space<hbm>> -> memref<10112x128xf32, #tpu.memory_space<hbm>>
      %dma_wait3A_95 = tpu.memref_slice %arg11[%rem3A_79] : memref<3x!tpu.dma_semaphore, #tpu.memory_space<semaphore_mem>> -> memref<1x!tpu.dma_semaphore, #tpu.memory_space<semaphore_mem>>
      %dma_wait3A_96 = tpu.memref_squeeze %dma_wait3A_95 : memref<1x!tpu.dma_semaphore, #tpu.memory_space<semaphore_mem>> -> memref<!tpu.dma_semaphore, #tpu.memory_space<semaphore_mem>>
      tpu.wait_indirect_dma semaphore(%dma_wait3A_96 : memref<!tpu.dma_semaphore, #tpu.memory_space<semaphore_mem>>) src(%dma_wait3A_94 : memref<10112x128xf32, #tpu.memory_space<hbm>>) dst(%dma_wait3A_88 : memref<120x128xf32, #tpu.memory_space<vmem>>)
      %dma_start3A_97 = arith.constant 0 : i32
      %dma_start3A_98 = arith.constant 0 : i32
      %dma_start3A_99 = tpu.memref_slice %arg9[%rem3A_79, %dma_start3A_97, %dma_start3A_98] : memref<3x120x128xf32, #tpu.memory_space<vmem>> -> memref<1x120x128xf32, #tpu.memory_space<vmem>>
      %dma_start3A_100 = tpu.memref_squeeze %dma_start3A_99 : memref<1x120x128xf32, #tpu.memory_space<vmem>> -> memref<120x128xf32, #tpu.memory_space<vmem>>
      %dma_start3A_101 = arith.constant 0 : i32
      %dma_start3A_102 = tpu.memref_slice %arg8[%rem3A_84, %rem3A_82, %dma_start3A_101] : memref<3x4x120xi32, #tpu.memory_space<vmem>> -> memref<1x1x120xi32, #tpu.memory_space<vmem>>
      %dma_start3A_103 = tpu.memref_squeeze %dma_start3A_102 : memref<1x1x120xi32, #tpu.memory_space<vmem>> -> memref<120xi32, #tpu.memory_space<vmem>>
      %dma_start3A_104 = arith.constant 0 : i32
      %dma_start3A_105 = arith.constant 0 : i32
      %dma_start3A_106 = tpu.memref_slice %arg10[%dma_start3A_104, %dma_start3A_105] : memref<10112x128xf32, #tpu.memory_space<vmem_shared>> -> memref<10112x128xf32, #tpu.memory_space<vmem_shared>>
      %dma_start3A_107 = tpu.memref_slice %arg12[%rem3A_79] : memref<3x!tpu.dma_semaphore, #tpu.memory_space<semaphore_mem>> -> memref<1x!tpu.dma_semaphore, #tpu.memory_space<semaphore_mem>>
      %dma_start3A_108 = tpu.memref_squeeze %dma_start3A_107 : memref<1x!tpu.dma_semaphore, #tpu.memory_space<semaphore_mem>> -> memref<!tpu.dma_semaphore, #tpu.memory_space<semaphore_mem>>
      tpu.enqueue_indirect_dma source(%dma_start3A_100 : memref<120x128xf32, #tpu.memory_space<vmem>>) target(%dma_start3A_106 : memref<10112x128xf32, #tpu.memory_space<vmem_shared>>) offsets(%dma_start3A_103 : memref<120xi32, #tpu.memory_space<vmem>>) semaphore(%dma_start3A_108 : memref<!tpu.dma_semaphore, #tpu.memory_space<semaphore_mem>>) {add = true}
      %ge3A = arith.constant 1 : i32
      %ge3A_109 = arith.cmpi sge, %scan3A_78, %ge3A : i32
      %convert_element_type3A = arith.extui %ge3A_109 : i1 to i32
      %cond3A = arith.constant 0 : i32
      %cond3A_110 = arith.cmpi ne, %convert_element_type3A, %cond3A : i32
      scf.if %cond3A_110 {
        %sub3A_118 = arith.constant 1 : i32
        %sub3A_119 = arith.subi %scan3A_78, %sub3A_118 : i32
        %rem3A_120 = arith.constant 3 : i32
        %rem3A_121 = arith.remsi %sub3A_119, %rem3A_120 : i32
        %div3A_122 = arith.constant 4 : i32
        %div3A_123 = arith.divsi %sub3A_119, %div3A_122 : i32
        %rem3A_124 = arith.constant 3 : i32
        %rem3A_125 = arith.remsi %div3A_123, %rem3A_124 : i32
        %rem3A_126 = arith.constant 4 : i32
        %rem3A_127 = arith.remsi %sub3A_119, %rem3A_126 : i32
        %dma_wait3A_128 = arith.constant 0 : i32
        %dma_wait3A_129 = arith.constant 0 : i32
        %dma_wait3A_130 = tpu.memref_slice %arg9[%rem3A_121, %dma_wait3A_128, %dma_wait3A_129] : memref<3x120x128xf32, #tpu.memory_space<vmem>> -> memref<1x120x128xf32, #tpu.memory_space<vmem>>
        %dma_wait3A_131 = tpu.memref_squeeze %dma_wait3A_130 : memref<1x120x128xf32, #tpu.memory_space<vmem>> -> memref<120x128xf32, #tpu.memory_space<vmem>>
        %dma_wait3A_132 = arith.constant 0 : i32
        %dma_wait3A_133 = tpu.memref_slice %arg8[%rem3A_125, %rem3A_127, %dma_wait3A_132] : memref<3x4x120xi32, #tpu.memory_space<vmem>> -> memref<1x1x120xi32, #tpu.memory_space<vmem>>
        %dma_wait3A_134 = tpu.memref_squeeze %dma_wait3A_133 : memref<1x1x120xi32, #tpu.memory_space<vmem>> -> memref<120xi32, #tpu.memory_space<vmem>>
        %dma_wait3A_135 = arith.constant 0 : i32
        %dma_wait3A_136 = arith.constant 0 : i32
        %dma_wait3A_137 = tpu.memref_slice %arg10[%dma_wait3A_135, %dma_wait3A_136] : memref<10112x128xf32, #tpu.memory_space<vmem_shared>> -> memref<10112x128xf32, #tpu.memory_space<vmem_shared>>
        %dma_wait3A_138 = tpu.memref_slice %arg12[%rem3A_121] : memref<3x!tpu.dma_semaphore, #tpu.memory_space<semaphore_mem>> -> memref<1x!tpu.dma_semaphore, #tpu.memory_space<semaphore_mem>>
        %dma_wait3A_139 = tpu.memref_squeeze %dma_wait3A_138 : memref<1x!tpu.dma_semaphore, #tpu.memory_space<semaphore_mem>> -> memref<!tpu.dma_semaphore, #tpu.memory_space<semaphore_mem>>
        tpu.wait_indirect_dma semaphore(%dma_wait3A_139 : memref<!tpu.dma_semaphore, #tpu.memory_space<semaphore_mem>>) src(%dma_wait3A_131 : memref<120x128xf32, #tpu.memory_space<vmem>>) dst(%dma_wait3A_137 : memref<10112x128xf32, #tpu.memory_space<vmem_shared>>)
      } else {
      }
      %add3A_111 = arith.constant 3 : i32
      %add3A_112 = arith.addi %scan3A_78, %add3A_111 : i32
      %sub3A = arith.constant 1 : i32
      %sub3A_113 = arith.subi %add3A_112, %sub3A : i32
      %lt3A = arith.constant 84 : i32
      %lt3A_114 = arith.cmpi slt, %sub3A_113, %lt3A : i32
      %convert_element_type3A_115 = arith.extui %lt3A_114 : i1 to i32
      %cond3A_116 = arith.constant 0 : i32
      %cond3A_117 = arith.cmpi ne, %convert_element_type3A_115, %cond3A_116 : i32
      scf.if %cond3A_117 {
        %div3A_118 = arith.constant 4 : i32
        %div3A_119 = arith.divsi %sub3A_113, %div3A_118 : i32
        %rem3A_120 = arith.constant 3 : i32
        %rem3A_121 = arith.remsi %div3A_119, %rem3A_120 : i32
        %rem3A_122 = arith.constant 4 : i32
        %rem3A_123 = arith.remsi %sub3A_113, %rem3A_122 : i32
        %eq3A = arith.constant 0 : i32
        %eq3A_124 = arith.cmpi eq, %rem3A_123, %eq3A : i32
        %ge3A_125 = arith.constant 2 : i32
        %ge3A_126 = arith.cmpi sge, %div3A_119, %ge3A_125 : i32
        %and3A = arith.andi %eq3A_124, %ge3A_126 : i1
        %convert_element_type3A_127 = arith.extui %and3A : i1 to i32
        %cond3A_128 = arith.constant 0 : i32
        %cond3A_129 = arith.cmpi ne, %convert_element_type3A_127, %cond3A_128 : i32
        scf.if %cond3A_129 {
          %mul3A_160 = arith.constant 4 : i32
          %mul3A_161 = arith.muli %div3A_119, %mul3A_160 : i32
          %dma_wait3A_162 = arith.constant 0 : i32
          %dma_wait3A_163 = arith.constant 0 : i32
          %dma_wait3A_164 = tpu.memref_slice %arg7[%rem3A_121, %dma_wait3A_162, %dma_wait3A_163] : memref<3x4x120xi32, #tpu.memory_space<vmem>> -> memref<1x4x120xi32, #tpu.memory_space<vmem>>
          %dma_wait3A_165 = tpu.memref_squeeze %dma_wait3A_164 : memref<1x4x120xi32, #tpu.memory_space<vmem>> -> memref<4x120xi32, #tpu.memory_space<vmem>>
          %dma_wait3A_166 = arith.constant 0 : i32
          %dma_wait3A_167 = tpu.memref_slice %arg4[%add3A, %mul3A_161, %dma_wait3A_166] : memref<32x84x120xi32, #tpu.memory_space<hbm>> -> memref<1x4x120xi32, #tpu.memory_space<hbm>>
          %dma_wait3A_168 = tpu.memref_squeeze %dma_wait3A_167 : memref<1x4x120xi32, #tpu.memory_space<hbm>> -> memref<4x120xi32, #tpu.memory_space<hbm>>
          %dma_wait3A_169 = tpu.memref_slice %arg13[%rem3A_121] : memref<3x!tpu.dma_semaphore, #tpu.memory_space<semaphore_mem>> -> memref<1x!tpu.dma_semaphore, #tpu.memory_space<semaphore_mem>>
          %dma_wait3A_170 = tpu.memref_squeeze %dma_wait3A_169 : memref<1x!tpu.dma_semaphore, #tpu.memory_space<semaphore_mem>> -> memref<!tpu.dma_semaphore, #tpu.memory_space<semaphore_mem>>
          %dma_wait3A_171 = arith.constant 0 : i32
          %dma_wait3A_172 = arith.constant 0 : i32
          %dma_wait3A_173 = tpu.memref_slice %arg7[%rem3A_121, %dma_wait3A_171, %dma_wait3A_172] : memref<3x4x120xi32, #tpu.memory_space<vmem>> -> memref<1x4x120xi32, #tpu.memory_space<vmem>>
          %dma_wait3A_174 = tpu.memref_squeeze %dma_wait3A_173 : memref<1x4x120xi32, #tpu.memory_space<vmem>> -> memref<4x120xi32, #tpu.memory_space<vmem>>
          %dma_wait3A_175 = arith.constant 0 : i32
          %dma_wait3A_176 = tpu.memref_slice %arg4[%add3A, %mul3A_161, %dma_wait3A_175] : memref<32x84x120xi32, #tpu.memory_space<hbm>> -> memref<1x4x120xi32, #tpu.memory_space<hbm>>
          %dma_wait3A_177 = tpu.memref_squeeze %dma_wait3A_176 : memref<1x4x120xi32, #tpu.memory_space<hbm>> -> memref<4x120xi32, #tpu.memory_space<hbm>>
          tpu.wait_dma2 semaphore(%dma_wait3A_170 : memref<!tpu.dma_semaphore, #tpu.memory_space<semaphore_mem>>) src(%dma_wait3A_177 : memref<4x120xi32, #tpu.memory_space<hbm>>) dst(%dma_wait3A_174 : memref<4x120xi32, #tpu.memory_space<vmem>>)
          %mul3A_178 = arith.constant 4 : i32
          %mul3A_179 = arith.muli %div3A_119, %mul3A_178 : i32
          %dma_wait3A_180 = arith.constant 0 : i32
          %dma_wait3A_181 = arith.constant 0 : i32
          %dma_wait3A_182 = tpu.memref_slice %arg8[%rem3A_121, %dma_wait3A_180, %dma_wait3A_181] : memref<3x4x120xi32, #tpu.memory_space<vmem>> -> memref<1x4x120xi32, #tpu.memory_space<vmem>>
          %dma_wait3A_183 = tpu.memref_squeeze %dma_wait3A_182 : memref<1x4x120xi32, #tpu.memory_space<vmem>> -> memref<4x120xi32, #tpu.memory_space<vmem>>
          %dma_wait3A_184 = arith.constant 0 : i32
          %dma_wait3A_185 = tpu.memref_slice %arg5[%add3A, %mul3A_179, %dma_wait3A_184] : memref<32x84x120xi32, #tpu.memory_space<hbm>> -> memref<1x4x120xi32, #tpu.memory_space<hbm>>
          %dma_wait3A_186 = tpu.memref_squeeze %dma_wait3A_185 : memref<1x4x120xi32, #tpu.memory_space<hbm>> -> memref<4x120xi32, #tpu.memory_space<hbm>>
          %dma_wait3A_187 = tpu.memref_slice %arg14[%rem3A_121] : memref<3x!tpu.dma_semaphore, #tpu.memory_space<semaphore_mem>> -> memref<1x!tpu.dma_semaphore, #tpu.memory_space<semaphore_mem>>
          %dma_wait3A_188 = tpu.memref_squeeze %dma_wait3A_187 : memref<1x!tpu.dma_semaphore, #tpu.memory_space<semaphore_mem>> -> memref<!tpu.dma_semaphore, #tpu.memory_space<semaphore_mem>>
          %dma_wait3A_189 = arith.constant 0 : i32
          %dma_wait3A_190 = arith.constant 0 : i32
          %dma_wait3A_191 = tpu.memref_slice %arg8[%rem3A_121, %dma_wait3A_189, %dma_wait3A_190] : memref<3x4x120xi32, #tpu.memory_space<vmem>> -> memref<1x4x120xi32, #tpu.memory_space<vmem>>
          %dma_wait3A_192 = tpu.memref_squeeze %dma_wait3A_191 : memref<1x4x120xi32, #tpu.memory_space<vmem>> -> memref<4x120xi32, #tpu.memory_space<vmem>>
          %dma_wait3A_193 = arith.constant 0 : i32
          %dma_wait3A_194 = tpu.memref_slice %arg5[%add3A, %mul3A_179, %dma_wait3A_193] : memref<32x84x120xi32, #tpu.memory_space<hbm>> -> memref<1x4x120xi32, #tpu.memory_space<hbm>>
          %dma_wait3A_195 = tpu.memref_squeeze %dma_wait3A_194 : memref<1x4x120xi32, #tpu.memory_space<hbm>> -> memref<4x120xi32, #tpu.memory_space<hbm>>
          tpu.wait_dma2 semaphore(%dma_wait3A_188 : memref<!tpu.dma_semaphore, #tpu.memory_space<semaphore_mem>>) src(%dma_wait3A_195 : memref<4x120xi32, #tpu.memory_space<hbm>>) dst(%dma_wait3A_192 : memref<4x120xi32, #tpu.memory_space<vmem>>)
        } else {
        }
        %rem3A_130 = arith.constant 4 : i32
        %rem3A_131 = arith.remsi %sub3A_113, %rem3A_130 : i32
        %eq3A_132 = arith.constant 0 : i32
        %eq3A_133 = arith.cmpi eq, %rem3A_131, %eq3A_132 : i32
        %add3A_134 = arith.constant 1 : i32
        %add3A_135 = arith.addi %div3A_119, %add3A_134 : i32
        %lt3A_136 = arith.constant 21 : i32
        %lt3A_137 = arith.cmpi slt, %add3A_135, %lt3A_136 : i32
        %and3A_138 = arith.andi %eq3A_133, %lt3A_137 : i1
        %convert_element_type3A_139 = arith.extui %and3A_138 : i1 to i32
        %cond3A_140 = arith.constant 0 : i32
        %cond3A_141 = arith.cmpi ne, %convert_element_type3A_139, %cond3A_140 : i32
        scf.if %cond3A_141 {
          %add3A_160 = arith.constant 1 : i32
          %add3A_161 = arith.addi %div3A_119, %add3A_160 : i32
          %rem3A_162 = arith.constant 3 : i32
          %rem3A_163 = arith.remsi %add3A_161, %rem3A_162 : i32
          %mul3A_164 = arith.constant 4 : i32
          %mul3A_165 = arith.muli %add3A_161, %mul3A_164 : i32
          %dma_start3A_166 = arith.constant 0 : i32
          %dma_start3A_167 = arith.constant 0 : i32
          %dma_start3A_168 = tpu.memref_slice %arg7[%rem3A_163, %dma_start3A_166, %dma_start3A_167] : memref<3x4x120xi32, #tpu.memory_space<vmem>> -> memref<1x4x120xi32, #tpu.memory_space<vmem>>
          %dma_start3A_169 = tpu.memref_squeeze %dma_start3A_168 : memref<1x4x120xi32, #tpu.memory_space<vmem>> -> memref<4x120xi32, #tpu.memory_space<vmem>>
          %dma_start3A_170 = arith.constant 0 : i32
          %dma_start3A_171 = tpu.memref_slice %arg4[%add3A, %mul3A_165, %dma_start3A_170] : memref<32x84x120xi32, #tpu.memory_space<hbm>> -> memref<1x4x120xi32, #tpu.memory_space<hbm>>
          %dma_start3A_172 = tpu.memref_squeeze %dma_start3A_171 : memref<1x4x120xi32, #tpu.memory_space<hbm>> -> memref<4x120xi32, #tpu.memory_space<hbm>>
          %dma_start3A_173 = tpu.memref_slice %arg13[%rem3A_163] : memref<3x!tpu.dma_semaphore, #tpu.memory_space<semaphore_mem>> -> memref<1x!tpu.dma_semaphore, #tpu.memory_space<semaphore_mem>>
          %dma_start3A_174 = tpu.memref_squeeze %dma_start3A_173 : memref<1x!tpu.dma_semaphore, #tpu.memory_space<semaphore_mem>> -> memref<!tpu.dma_semaphore, #tpu.memory_space<semaphore_mem>>
          %dma_start3A_175 = arith.constant 0 : i32
          %dma_start3A_176 = arith.constant 0 : i32
          %dma_start3A_177 = tpu.memref_slice %arg7[%rem3A_163, %dma_start3A_175, %dma_start3A_176] : memref<3x4x120xi32, #tpu.memory_space<vmem>> -> memref<1x4x120xi32, #tpu.memory_space<vmem>>
          %dma_start3A_178 = tpu.memref_squeeze %dma_start3A_177 : memref<1x4x120xi32, #tpu.memory_space<vmem>> -> memref<4x120xi32, #tpu.memory_space<vmem>>
          %dma_start3A_179 = arith.constant 0 : i32
          %dma_start3A_180 = tpu.memref_slice %arg4[%add3A, %mul3A_165, %dma_start3A_179] : memref<32x84x120xi32, #tpu.memory_space<hbm>> -> memref<1x4x120xi32, #tpu.memory_space<hbm>>
          %dma_start3A_181 = tpu.memref_squeeze %dma_start3A_180 : memref<1x4x120xi32, #tpu.memory_space<hbm>> -> memref<4x120xi32, #tpu.memory_space<hbm>>
          tpu.enqueue_dma source(%dma_start3A_181 : memref<4x120xi32, #tpu.memory_space<hbm>>) target(%dma_start3A_178 : memref<4x120xi32, #tpu.memory_space<vmem>>) target_semaphore(%dma_start3A_174 : memref<!tpu.dma_semaphore, #tpu.memory_space<semaphore_mem>>)
          %mul3A_182 = arith.constant 4 : i32
          %mul3A_183 = arith.muli %add3A_161, %mul3A_182 : i32
          %dma_start3A_184 = arith.constant 0 : i32
          %dma_start3A_185 = arith.constant 0 : i32
          %dma_start3A_186 = tpu.memref_slice %arg8[%rem3A_163, %dma_start3A_184, %dma_start3A_185] : memref<3x4x120xi32, #tpu.memory_space<vmem>> -> memref<1x4x120xi32, #tpu.memory_space<vmem>>
          %dma_start3A_187 = tpu.memref_squeeze %dma_start3A_186 : memref<1x4x120xi32, #tpu.memory_space<vmem>> -> memref<4x120xi32, #tpu.memory_space<vmem>>
          %dma_start3A_188 = arith.constant 0 : i32
          %dma_start3A_189 = tpu.memref_slice %arg5[%add3A, %mul3A_183, %dma_start3A_188] : memref<32x84x120xi32, #tpu.memory_space<hbm>> -> memref<1x4x120xi32, #tpu.memory_space<hbm>>
          %dma_start3A_190 = tpu.memref_squeeze %dma_start3A_189 : memref<1x4x120xi32, #tpu.memory_space<hbm>> -> memref<4x120xi32, #tpu.memory_space<hbm>>
          %dma_start3A_191 = tpu.memref_slice %arg14[%rem3A_163] : memref<3x!tpu.dma_semaphore, #tpu.memory_space<semaphore_mem>> -> memref<1x!tpu.dma_semaphore, #tpu.memory_space<semaphore_mem>>
          %dma_start3A_192 = tpu.memref_squeeze %dma_start3A_191 : memref<1x!tpu.dma_semaphore, #tpu.memory_space<semaphore_mem>> -> memref<!tpu.dma_semaphore, #tpu.memory_space<semaphore_mem>>
          %dma_start3A_193 = arith.constant 0 : i32
          %dma_start3A_194 = arith.constant 0 : i32
          %dma_start3A_195 = tpu.memref_slice %arg8[%rem3A_163, %dma_start3A_193, %dma_start3A_194] : memref<3x4x120xi32, #tpu.memory_space<vmem>> -> memref<1x4x120xi32, #tpu.memory_space<vmem>>
          %dma_start3A_196 = tpu.memref_squeeze %dma_start3A_195 : memref<1x4x120xi32, #tpu.memory_space<vmem>> -> memref<4x120xi32, #tpu.memory_space<vmem>>
          %dma_start3A_197 = arith.constant 0 : i32
          %dma_start3A_198 = tpu.memref_slice %arg5[%add3A, %mul3A_183, %dma_start3A_197] : memref<32x84x120xi32, #tpu.memory_space<hbm>> -> memref<1x4x120xi32, #tpu.memory_space<hbm>>
          %dma_start3A_199 = tpu.memref_squeeze %dma_start3A_198 : memref<1x4x120xi32, #tpu.memory_space<hbm>> -> memref<4x120xi32, #tpu.memory_space<hbm>>
          tpu.enqueue_dma source(%dma_start3A_199 : memref<4x120xi32, #tpu.memory_space<hbm>>) target(%dma_start3A_196 : memref<4x120xi32, #tpu.memory_space<vmem>>) target_semaphore(%dma_start3A_192 : memref<!tpu.dma_semaphore, #tpu.memory_space<semaphore_mem>>)
        } else {
        }
        %rem3A_142 = arith.constant 4 : i32
        %rem3A_143 = arith.remsi %sub3A_113, %rem3A_142 : i32
        %rem3A_144 = arith.constant 3 : i32
        %rem3A_145 = arith.remsi %sub3A_113, %rem3A_144 : i32
        %rem3A_146 = arith.constant 3 : i32
        %rem3A_147 = arith.remsi %sub3A_113, %rem3A_146 : i32
        %dma_start3A_148 = arith.constant 0 : i32
        %dma_start3A_149 = arith.constant 0 : i32
        %dma_start3A_150 = tpu.memref_slice %arg9[%rem3A_145, %dma_start3A_148, %dma_start3A_149] : memref<3x120x128xf32, #tpu.memory_space<vmem>> -> memref<1x120x128xf32, #tpu.memory_space<vmem>>
        %dma_start3A_151 = tpu.memref_squeeze %dma_start3A_150 : memref<1x120x128xf32, #tpu.memory_space<vmem>> -> memref<120x128xf32, #tpu.memory_space<vmem>>
        %dma_start3A_152 = arith.constant 0 : i32
        %dma_start3A_153 = tpu.memref_slice %arg7[%rem3A_121, %rem3A_143, %dma_start3A_152] : memref<3x4x120xi32, #tpu.memory_space<vmem>> -> memref<1x1x120xi32, #tpu.memory_space<vmem>>
        %dma_start3A_154 = tpu.memref_squeeze %dma_start3A_153 : memref<1x1x120xi32, #tpu.memory_space<vmem>> -> memref<120xi32, #tpu.memory_space<vmem>>
        %dma_start3A_155 = arith.constant 0 : i32
        %dma_start3A_156 = arith.constant 0 : i32
        %dma_start3A_157 = tpu.memref_slice %arg2[%dma_start3A_155, %dma_start3A_156] : memref<10112x128xf32, #tpu.memory_space<hbm>> -> memref<10112x128xf32, #tpu.memory_space<hbm>>
        %dma_start3A_158 = tpu.memref_slice %arg11[%rem3A_147] : memref<3x!tpu.dma_semaphore, #tpu.memory_space<semaphore_mem>> -> memref<1x!tpu.dma_semaphore, #tpu.memory_space<semaphore_mem>>
        %dma_start3A_159 = tpu.memref_squeeze %dma_start3A_158 : memref<1x!tpu.dma_semaphore, #tpu.memory_space<semaphore_mem>> -> memref<!tpu.dma_semaphore, #tpu.memory_space<semaphore_mem>>
        tpu.enqueue_indirect_dma source(%dma_start3A_157 : memref<10112x128xf32, #tpu.memory_space<hbm>>) target(%dma_start3A_151 : memref<120x128xf32, #tpu.memory_space<vmem>>) offsets(%dma_start3A_154 : memref<120xi32, #tpu.memory_space<vmem>>) semaphore(%dma_start3A_159 : memref<!tpu.dma_semaphore, #tpu.memory_space<semaphore_mem>>)
      } else {
      }
    }
    %scan3A_56 = arith.constant 84 : i32
    %dma_wait3A_57 = arith.constant 2 : i32
    %dma_wait3A_58 = arith.constant 2 : i32
    %dma_wait3A_59 = arith.constant 3 : i32
    %dma_wait3A_60 = arith.constant 2 : i32
    %dma_wait3A_61 = arith.constant 0 : i32
    %dma_wait3A_62 = arith.constant 0 : i32
    %dma_wait3A_63 = tpu.memref_slice %arg9[%dma_wait3A_57, %dma_wait3A_61, %dma_wait3A_62] : memref<3x120x128xf32, #tpu.memory_space<vmem>> -> memref<1x120x128xf32, #tpu.memory_space<vmem>>
    %dma_wait3A_64 = tpu.memref_squeeze %dma_wait3A_63 : memref<1x120x128xf32, #tpu.memory_space<vmem>> -> memref<120x128xf32, #tpu.memory_space<vmem>>
    %dma_wait3A_65 = arith.constant 0 : i32
    %dma_wait3A_66 = tpu.memref_slice %arg8[%dma_wait3A_58, %dma_wait3A_59, %dma_wait3A_65] : memref<3x4x120xi32, #tpu.memory_space<vmem>> -> memref<1x1x120xi32, #tpu.memory_space<vmem>>
    %dma_wait3A_67 = tpu.memref_squeeze %dma_wait3A_66 : memref<1x1x120xi32, #tpu.memory_space<vmem>> -> memref<120xi32, #tpu.memory_space<vmem>>
    %dma_wait3A_68 = arith.constant 0 : i32
    %dma_wait3A_69 = arith.constant 0 : i32
    %dma_wait3A_70 = tpu.memref_slice %arg10[%dma_wait3A_68, %dma_wait3A_69] : memref<10112x128xf32, #tpu.memory_space<vmem_shared>> -> memref<10112x128xf32, #tpu.memory_space<vmem_shared>>
    %dma_wait3A_71 = tpu.memref_slice %arg12[%dma_wait3A_60] : memref<3x!tpu.dma_semaphore, #tpu.memory_space<semaphore_mem>> -> memref<1x!tpu.dma_semaphore, #tpu.memory_space<semaphore_mem>>
    %dma_wait3A_72 = tpu.memref_squeeze %dma_wait3A_71 : memref<1x!tpu.dma_semaphore, #tpu.memory_space<semaphore_mem>> -> memref<!tpu.dma_semaphore, #tpu.memory_space<semaphore_mem>>
    tpu.wait_indirect_dma semaphore(%dma_wait3A_72 : memref<!tpu.dma_semaphore, #tpu.memory_space<semaphore_mem>>) src(%dma_wait3A_64 : memref<120x128xf32, #tpu.memory_space<vmem>>) dst(%dma_wait3A_70 : memref<10112x128xf32, #tpu.memory_space<vmem_shared>>)
    %barrier3A_73 = arith.constant 0 : index
    tpu.barrier barrier_id(%barrier3A_73)
    %mul3A_74 = arith.constant 632 : i32
    %mul3A_75 = arith.muli %arg1, %mul3A_74 : i32
    %mul3A_76 = arith.constant 632 : i32
    %mul3A_77 = arith.muli %arg1, %mul3A_76 : i32
    "tpu.region"() ({
      %run_scoped3A_78 = tpu.sem_alloc : memref<!tpu.dma_semaphore, #tpu.memory_space<semaphore_mem>>
      %dma_start3A_79 = arith.constant 0 : i32
      %dma_start3A_80 = tpu.memref_slice %arg6[%arg0, %mul3A_77, %dma_start3A_79] : memref<2x10112x128xf32, #tpu.memory_space<hbm>> -> memref<1x632x128xf32, #tpu.memory_space<hbm>>
      %dma_start3A_81 = tpu.memref_squeeze %dma_start3A_80 : memref<1x632x128xf32, #tpu.memory_space<hbm>> -> memref<632x128xf32, #tpu.memory_space<hbm>>
      %dma_start3A_82 = arith.constant 0 : i32
      %dma_start3A_83 = tpu.memref_slice %arg10[%mul3A_75, %dma_start3A_82] : memref<10112x128xf32, #tpu.memory_space<vmem_shared>> -> memref<632x128xf32, #tpu.memory_space<vmem_shared>>
      tpu.enqueue_dma source(%dma_start3A_83 : memref<632x128xf32, #tpu.memory_space<vmem_shared>>) target(%dma_start3A_81 : memref<632x128xf32, #tpu.memory_space<hbm>>) target_semaphore(%run_scoped3A_78 : memref<!tpu.dma_semaphore, #tpu.memory_space<semaphore_mem>>)
      %dma_wait3A_84 = arith.constant 0 : i32
      %dma_wait3A_85 = tpu.memref_slice %arg6[%arg0, %mul3A_77, %dma_wait3A_84] : memref<2x10112x128xf32, #tpu.memory_space<hbm>> -> memref<1x632x128xf32, #tpu.memory_space<hbm>>
      %dma_wait3A_86 = tpu.memref_squeeze %dma_wait3A_85 : memref<1x632x128xf32, #tpu.memory_space<hbm>> -> memref<632x128xf32, #tpu.memory_space<hbm>>
      %dma_wait3A_87 = arith.constant 0 : i32
      %dma_wait3A_88 = tpu.memref_slice %arg10[%mul3A_75, %dma_wait3A_87] : memref<10112x128xf32, #tpu.memory_space<vmem_shared>> -> memref<632x128xf32, #tpu.memory_space<vmem_shared>>
      tpu.wait_dma2 semaphore(%run_scoped3A_78 : memref<!tpu.dma_semaphore, #tpu.memory_space<semaphore_mem>>) src(%dma_wait3A_88 : memref<632x128xf32, #tpu.memory_space<vmem_shared>>) dst(%dma_wait3A_86 : memref<632x128xf32, #tpu.memory_space<hbm>>)
      tpu.yield
    }) : () -> ()
    return
  }
}

#map = affine_map<(d0, d1) -> (0, 0)>
#map1 = affine_map<(d0, d1) -> (0, 0, 0)>
module attributes {stable_mosaic.version = 14 : i64} {
  func.func @agg(%arg0: i32, %arg1: i32, %arg2: memref<10112x128xf32, #tpu.memory_space<hbm>>, %arg3: memref<10112x128xf32, #tpu.memory_space<hbm>>, %arg4: memref<32x84x120xi32, #tpu.memory_space<hbm>>, %arg5: memref<32x84x120xi32, #tpu.memory_space<hbm>>, %arg6: memref<2x10112x128xf32, #tpu.memory_space<hbm>>, %arg7: memref<3x4x120xi32, #tpu.memory_space<vmem>>, %arg8: memref<3x4x120xi32, #tpu.memory_space<vmem>>, %arg9: memref<3x120x128xf32, #tpu.memory_space<vmem>>, %arg10: memref<10112x128xf32, #tpu.memory_space<vmem_shared>>, %arg11: memref<3x!tpu.dma_semaphore, #tpu.memory_space<semaphore_mem>>, %arg12: memref<3x!tpu.dma_semaphore, #tpu.memory_space<semaphore_mem>>, %arg13: memref<3x!tpu.dma_semaphore, #tpu.memory_space<semaphore_mem>>, %arg14: memref<3x!tpu.dma_semaphore, #tpu.memory_space<semaphore_mem>>) attributes {dimension_semantics = [#tpu.dimension_semantics<core_parallel>, #tpu.dimension_semantics<subcore_parallel>], iteration_bounds = array<i64: 2, 16>, scalar_prefetch = 0 : i64, scratch_operands = 8 : i64, tpu.core_type = #tpu.core_type<sc_vector_subcore>, window_params = [{transform_indices = #map}, {transform_indices = #map}, {transform_indices = #map1}, {transform_indices = #map1}, {transform_indices = #map1}]} {
    %mul3A = arith.constant 2 : i32
    %mul3A_0 = arith.muli %arg1, %mul3A : i32
    %add3A = arith.addi %mul3A_0, %arg0 : i32
    %mul3A_1 = arith.constant 632 : i32
    %mul3A_2 = arith.muli %arg1, %mul3A_1 : i32
    %mul3A_3 = arith.constant 632 : i32
    %mul3A_4 = arith.muli %arg1, %mul3A_3 : i32
    %dma_start3A = arith.constant 2 : i32
    %dma_start3A_5 = tpu.memref_slice %arg13[%dma_start3A] : memref<3x!tpu.dma_semaphore, #tpu.memory_space<semaphore_mem>> -> memref<1x!tpu.dma_semaphore, #tpu.memory_space<semaphore_mem>>
    %dma_start3A_6 = tpu.memref_squeeze %dma_start3A_5 : memref<1x!tpu.dma_semaphore, #tpu.memory_space<semaphore_mem>> -> memref<!tpu.dma_semaphore, #tpu.memory_space<semaphore_mem>>
    %dma_start3A_7 = arith.constant 0 : i32
    %dma_start3A_8 = tpu.memref_slice %arg10[%mul3A_4, %dma_start3A_7] : memref<10112x128xf32, #tpu.memory_space<vmem_shared>> -> memref<632x128xf32, #tpu.memory_space<vmem_shared>>
    %dma_start3A_9 = arith.constant 0 : i32
    %dma_start3A_10 = tpu.memref_slice %arg3[%mul3A_2, %dma_start3A_9] : memref<10112x128xf32, #tpu.memory_space<hbm>> -> memref<632x128xf32, #tpu.memory_space<hbm>>
    tpu.enqueue_dma source(%dma_start3A_10 : memref<632x128xf32, #tpu.memory_space<hbm>>) target(%dma_start3A_8 : memref<632x128xf32, #tpu.memory_space<vmem_shared>>) target_semaphore(%dma_start3A_6 : memref<!tpu.dma_semaphore, #tpu.memory_space<semaphore_mem>>)
    %run_scoped3A = arith.constant 0 : i32
    "tpu.region"() ({
      %run_scoped3A_78 = tpu.sem_alloc : memref<!tpu.dma_semaphore, #tpu.memory_space<semaphore_mem>>
      %dma_start3A_79 = arith.constant 0 : i32
      %dma_start3A_80 = arith.constant 0 : i32
      %dma_start3A_81 = tpu.memref_slice %arg7[%run_scoped3A, %dma_start3A_79, %dma_start3A_80] : memref<3x4x120xi32, #tpu.memory_space<vmem>> -> memref<1x4x120xi32, #tpu.memory_space<vmem>>
      %dma_start3A_82 = tpu.memref_squeeze %dma_start3A_81 : memref<1x4x120xi32, #tpu.memory_space<vmem>> -> memref<4x120xi32, #tpu.memory_space<vmem>>
      %dma_start3A_83 = arith.constant 0 : i32
      %dma_start3A_84 = arith.constant 0 : i32
      %dma_start3A_85 = tpu.memref_slice %arg4[%add3A, %dma_start3A_83, %dma_start3A_84] : memref<32x84x120xi32, #tpu.memory_space<hbm>> -> memref<1x4x120xi32, #tpu.memory_space<hbm>>
      %dma_start3A_86 = tpu.memref_squeeze %dma_start3A_85 : memref<1x4x120xi32, #tpu.memory_space<hbm>> -> memref<4x120xi32, #tpu.memory_space<hbm>>
      %dma_start3A_87 = arith.constant 0 : i32
      %dma_start3A_88 = arith.constant 0 : i32
      %dma_start3A_89 = tpu.memref_slice %arg7[%run_scoped3A, %dma_start3A_87, %dma_start3A_88] : memref<3x4x120xi32, #tpu.memory_space<vmem>> -> memref<1x4x120xi32, #tpu.memory_space<vmem>>
      %dma_start3A_90 = tpu.memref_squeeze %dma_start3A_89 : memref<1x4x120xi32, #tpu.memory_space<vmem>> -> memref<4x120xi32, #tpu.memory_space<vmem>>
      %dma_start3A_91 = arith.constant 0 : i32
      %dma_start3A_92 = arith.constant 0 : i32
      %dma_start3A_93 = tpu.memref_slice %arg4[%add3A, %dma_start3A_91, %dma_start3A_92] : memref<32x84x120xi32, #tpu.memory_space<hbm>> -> memref<1x4x120xi32, #tpu.memory_space<hbm>>
      %dma_start3A_94 = tpu.memref_squeeze %dma_start3A_93 : memref<1x4x120xi32, #tpu.memory_space<hbm>> -> memref<4x120xi32, #tpu.memory_space<hbm>>
      tpu.enqueue_dma source(%dma_start3A_94 : memref<4x120xi32, #tpu.memory_space<hbm>>) target(%dma_start3A_90 : memref<4x120xi32, #tpu.memory_space<vmem>>) target_semaphore(%run_scoped3A_78 : memref<!tpu.dma_semaphore, #tpu.memory_space<semaphore_mem>>)
      %dma_wait3A_95 = arith.constant 0 : i32
      %dma_wait3A_96 = arith.constant 0 : i32
      %dma_wait3A_97 = tpu.memref_slice %arg7[%run_scoped3A, %dma_wait3A_95, %dma_wait3A_96] : memref<3x4x120xi32, #tpu.memory_space<vmem>> -> memref<1x4x120xi32, #tpu.memory_space<vmem>>
      %dma_wait3A_98 = tpu.memref_squeeze %dma_wait3A_97 : memref<1x4x120xi32, #tpu.memory_space<vmem>> -> memref<4x120xi32, #tpu.memory_space<vmem>>
      %dma_wait3A_99 = arith.constant 0 : i32
      %dma_wait3A_100 = arith.constant 0 : i32
      %dma_wait3A_101 = tpu.memref_slice %arg4[%add3A, %dma_wait3A_99, %dma_wait3A_100] : memref<32x84x120xi32, #tpu.memory_space<hbm>> -> memref<1x4x120xi32, #tpu.memory_space<hbm>>
      %dma_wait3A_102 = tpu.memref_squeeze %dma_wait3A_101 : memref<1x4x120xi32, #tpu.memory_space<hbm>> -> memref<4x120xi32, #tpu.memory_space<hbm>>
      %dma_wait3A_103 = arith.constant 0 : i32
      %dma_wait3A_104 = arith.constant 0 : i32
      %dma_wait3A_105 = tpu.memref_slice %arg7[%run_scoped3A, %dma_wait3A_103, %dma_wait3A_104] : memref<3x4x120xi32, #tpu.memory_space<vmem>> -> memref<1x4x120xi32, #tpu.memory_space<vmem>>
      %dma_wait3A_106 = tpu.memref_squeeze %dma_wait3A_105 : memref<1x4x120xi32, #tpu.memory_space<vmem>> -> memref<4x120xi32, #tpu.memory_space<vmem>>
      %dma_wait3A_107 = arith.constant 0 : i32
      %dma_wait3A_108 = arith.constant 0 : i32
      %dma_wait3A_109 = tpu.memref_slice %arg4[%add3A, %dma_wait3A_107, %dma_wait3A_108] : memref<32x84x120xi32, #tpu.memory_space<hbm>> -> memref<1x4x120xi32, #tpu.memory_space<hbm>>
      %dma_wait3A_110 = tpu.memref_squeeze %dma_wait3A_109 : memref<1x4x120xi32, #tpu.memory_space<hbm>> -> memref<4x120xi32, #tpu.memory_space<hbm>>
      tpu.wait_dma2 semaphore(%run_scoped3A_78 : memref<!tpu.dma_semaphore, #tpu.memory_space<semaphore_mem>>) src(%dma_wait3A_110 : memref<4x120xi32, #tpu.memory_space<hbm>>) dst(%dma_wait3A_106 : memref<4x120xi32, #tpu.memory_space<vmem>>)
      tpu.yield
    }) : () -> ()
    %run_scoped3A_11 = arith.constant 0 : i32
    "tpu.region"() ({
      %run_scoped3A_78 = tpu.sem_alloc : memref<!tpu.dma_semaphore, #tpu.memory_space<semaphore_mem>>
      %dma_start3A_79 = arith.constant 0 : i32
      %dma_start3A_80 = arith.constant 0 : i32
      %dma_start3A_81 = tpu.memref_slice %arg8[%run_scoped3A_11, %dma_start3A_79, %dma_start3A_80] : memref<3x4x120xi32, #tpu.memory_space<vmem>> -> memref<1x4x120xi32, #tpu.memory_space<vmem>>
      %dma_start3A_82 = tpu.memref_squeeze %dma_start3A_81 : memref<1x4x120xi32, #tpu.memory_space<vmem>> -> memref<4x120xi32, #tpu.memory_space<vmem>>
      %dma_start3A_83 = arith.constant 0 : i32
      %dma_start3A_84 = arith.constant 0 : i32
      %dma_start3A_85 = tpu.memref_slice %arg5[%add3A, %dma_start3A_83, %dma_start3A_84] : memref<32x84x120xi32, #tpu.memory_space<hbm>> -> memref<1x4x120xi32, #tpu.memory_space<hbm>>
      %dma_start3A_86 = tpu.memref_squeeze %dma_start3A_85 : memref<1x4x120xi32, #tpu.memory_space<hbm>> -> memref<4x120xi32, #tpu.memory_space<hbm>>
      %dma_start3A_87 = arith.constant 0 : i32
      %dma_start3A_88 = arith.constant 0 : i32
      %dma_start3A_89 = tpu.memref_slice %arg8[%run_scoped3A_11, %dma_start3A_87, %dma_start3A_88] : memref<3x4x120xi32, #tpu.memory_space<vmem>> -> memref<1x4x120xi32, #tpu.memory_space<vmem>>
      %dma_start3A_90 = tpu.memref_squeeze %dma_start3A_89 : memref<1x4x120xi32, #tpu.memory_space<vmem>> -> memref<4x120xi32, #tpu.memory_space<vmem>>
      %dma_start3A_91 = arith.constant 0 : i32
      %dma_start3A_92 = arith.constant 0 : i32
      %dma_start3A_93 = tpu.memref_slice %arg5[%add3A, %dma_start3A_91, %dma_start3A_92] : memref<32x84x120xi32, #tpu.memory_space<hbm>> -> memref<1x4x120xi32, #tpu.memory_space<hbm>>
      %dma_start3A_94 = tpu.memref_squeeze %dma_start3A_93 : memref<1x4x120xi32, #tpu.memory_space<hbm>> -> memref<4x120xi32, #tpu.memory_space<hbm>>
      tpu.enqueue_dma source(%dma_start3A_94 : memref<4x120xi32, #tpu.memory_space<hbm>>) target(%dma_start3A_90 : memref<4x120xi32, #tpu.memory_space<vmem>>) target_semaphore(%run_scoped3A_78 : memref<!tpu.dma_semaphore, #tpu.memory_space<semaphore_mem>>)
      %dma_wait3A_95 = arith.constant 0 : i32
      %dma_wait3A_96 = arith.constant 0 : i32
      %dma_wait3A_97 = tpu.memref_slice %arg8[%run_scoped3A_11, %dma_wait3A_95, %dma_wait3A_96] : memref<3x4x120xi32, #tpu.memory_space<vmem>> -> memref<1x4x120xi32, #tpu.memory_space<vmem>>
      %dma_wait3A_98 = tpu.memref_squeeze %dma_wait3A_97 : memref<1x4x120xi32, #tpu.memory_space<vmem>> -> memref<4x120xi32, #tpu.memory_space<vmem>>
      %dma_wait3A_99 = arith.constant 0 : i32
      %dma_wait3A_100 = arith.constant 0 : i32
      %dma_wait3A_101 = tpu.memref_slice %arg5[%add3A, %dma_wait3A_99, %dma_wait3A_100] : memref<32x84x120xi32, #tpu.memory_space<hbm>> -> memref<1x4x120xi32, #tpu.memory_space<hbm>>
      %dma_wait3A_102 = tpu.memref_squeeze %dma_wait3A_101 : memref<1x4x120xi32, #tpu.memory_space<hbm>> -> memref<4x120xi32, #tpu.memory_space<hbm>>
      %dma_wait3A_103 = arith.constant 0 : i32
      %dma_wait3A_104 = arith.constant 0 : i32
      %dma_wait3A_105 = tpu.memref_slice %arg8[%run_scoped3A_11, %dma_wait3A_103, %dma_wait3A_104] : memref<3x4x120xi32, #tpu.memory_space<vmem>> -> memref<1x4x120xi32, #tpu.memory_space<vmem>>
      %dma_wait3A_106 = tpu.memref_squeeze %dma_wait3A_105 : memref<1x4x120xi32, #tpu.memory_space<vmem>> -> memref<4x120xi32, #tpu.memory_space<vmem>>
      %dma_wait3A_107 = arith.constant 0 : i32
      %dma_wait3A_108 = arith.constant 0 : i32
      %dma_wait3A_109 = tpu.memref_slice %arg5[%add3A, %dma_wait3A_107, %dma_wait3A_108] : memref<32x84x120xi32, #tpu.memory_space<hbm>> -> memref<1x4x120xi32, #tpu.memory_space<hbm>>
      %dma_wait3A_110 = tpu.memref_squeeze %dma_wait3A_109 : memref<1x4x120xi32, #tpu.memory_space<hbm>> -> memref<4x120xi32, #tpu.memory_space<hbm>>
      tpu.wait_dma2 semaphore(%run_scoped3A_78 : memref<!tpu.dma_semaphore, #tpu.memory_space<semaphore_mem>>) src(%dma_wait3A_110 : memref<4x120xi32, #tpu.memory_space<hbm>>) dst(%dma_wait3A_106 : memref<4x120xi32, #tpu.memory_space<vmem>>)
      tpu.yield
    }) : () -> ()
    %run_scoped3A_12 = arith.constant 1 : i32
    "tpu.region"() ({
      %run_scoped3A_78 = tpu.sem_alloc : memref<!tpu.dma_semaphore, #tpu.memory_space<semaphore_mem>>
      %dma_start3A_79 = arith.constant 0 : i32
      %dma_start3A_80 = arith.constant 0 : i32
      %dma_start3A_81 = tpu.memref_slice %arg7[%run_scoped3A_12, %dma_start3A_79, %dma_start3A_80] : memref<3x4x120xi32, #tpu.memory_space<vmem>> -> memref<1x4x120xi32, #tpu.memory_space<vmem>>
      %dma_start3A_82 = tpu.memref_squeeze %dma_start3A_81 : memref<1x4x120xi32, #tpu.memory_space<vmem>> -> memref<4x120xi32, #tpu.memory_space<vmem>>
      %dma_start3A_83 = arith.constant 4 : i32
      %dma_start3A_84 = arith.constant 0 : i32
      %dma_start3A_85 = tpu.memref_slice %arg4[%add3A, %dma_start3A_83, %dma_start3A_84] : memref<32x84x120xi32, #tpu.memory_space<hbm>> -> memref<1x4x120xi32, #tpu.memory_space<hbm>>
      %dma_start3A_86 = tpu.memref_squeeze %dma_start3A_85 : memref<1x4x120xi32, #tpu.memory_space<hbm>> -> memref<4x120xi32, #tpu.memory_space<hbm>>
      %dma_start3A_87 = arith.constant 0 : i32
      %dma_start3A_88 = arith.constant 0 : i32
      %dma_start3A_89 = tpu.memref_slice %arg7[%run_scoped3A_12, %dma_start3A_87, %dma_start3A_88] : memref<3x4x120xi32, #tpu.memory_space<vmem>> -> memref<1x4x120xi32, #tpu.memory_space<vmem>>
      %dma_start3A_90 = tpu.memref_squeeze %dma_start3A_89 : memref<1x4x120xi32, #tpu.memory_space<vmem>> -> memref<4x120xi32, #tpu.memory_space<vmem>>
      %dma_start3A_91 = arith.constant 4 : i32
      %dma_start3A_92 = arith.constant 0 : i32
      %dma_start3A_93 = tpu.memref_slice %arg4[%add3A, %dma_start3A_91, %dma_start3A_92] : memref<32x84x120xi32, #tpu.memory_space<hbm>> -> memref<1x4x120xi32, #tpu.memory_space<hbm>>
      %dma_start3A_94 = tpu.memref_squeeze %dma_start3A_93 : memref<1x4x120xi32, #tpu.memory_space<hbm>> -> memref<4x120xi32, #tpu.memory_space<hbm>>
      tpu.enqueue_dma source(%dma_start3A_94 : memref<4x120xi32, #tpu.memory_space<hbm>>) target(%dma_start3A_90 : memref<4x120xi32, #tpu.memory_space<vmem>>) target_semaphore(%run_scoped3A_78 : memref<!tpu.dma_semaphore, #tpu.memory_space<semaphore_mem>>)
      %dma_wait3A_95 = arith.constant 0 : i32
      %dma_wait3A_96 = arith.constant 0 : i32
      %dma_wait3A_97 = tpu.memref_slice %arg7[%run_scoped3A_12, %dma_wait3A_95, %dma_wait3A_96] : memref<3x4x120xi32, #tpu.memory_space<vmem>> -> memref<1x4x120xi32, #tpu.memory_space<vmem>>
      %dma_wait3A_98 = tpu.memref_squeeze %dma_wait3A_97 : memref<1x4x120xi32, #tpu.memory_space<vmem>> -> memref<4x120xi32, #tpu.memory_space<vmem>>
      %dma_wait3A_99 = arith.constant 4 : i32
      %dma_wait3A_100 = arith.constant 0 : i32
      %dma_wait3A_101 = tpu.memref_slice %arg4[%add3A, %dma_wait3A_99, %dma_wait3A_100] : memref<32x84x120xi32, #tpu.memory_space<hbm>> -> memref<1x4x120xi32, #tpu.memory_space<hbm>>
      %dma_wait3A_102 = tpu.memref_squeeze %dma_wait3A_101 : memref<1x4x120xi32, #tpu.memory_space<hbm>> -> memref<4x120xi32, #tpu.memory_space<hbm>>
      %dma_wait3A_103 = arith.constant 0 : i32
      %dma_wait3A_104 = arith.constant 0 : i32
      %dma_wait3A_105 = tpu.memref_slice %arg7[%run_scoped3A_12, %dma_wait3A_103, %dma_wait3A_104] : memref<3x4x120xi32, #tpu.memory_space<vmem>> -> memref<1x4x120xi32, #tpu.memory_space<vmem>>
      %dma_wait3A_106 = tpu.memref_squeeze %dma_wait3A_105 : memref<1x4x120xi32, #tpu.memory_space<vmem>> -> memref<4x120xi32, #tpu.memory_space<vmem>>
      %dma_wait3A_107 = arith.constant 4 : i32
      %dma_wait3A_108 = arith.constant 0 : i32
      %dma_wait3A_109 = tpu.memref_slice %arg4[%add3A, %dma_wait3A_107, %dma_wait3A_108] : memref<32x84x120xi32, #tpu.memory_space<hbm>> -> memref<1x4x120xi32, #tpu.memory_space<hbm>>
      %dma_wait3A_110 = tpu.memref_squeeze %dma_wait3A_109 : memref<1x4x120xi32, #tpu.memory_space<hbm>> -> memref<4x120xi32, #tpu.memory_space<hbm>>
      tpu.wait_dma2 semaphore(%run_scoped3A_78 : memref<!tpu.dma_semaphore, #tpu.memory_space<semaphore_mem>>) src(%dma_wait3A_110 : memref<4x120xi32, #tpu.memory_space<hbm>>) dst(%dma_wait3A_106 : memref<4x120xi32, #tpu.memory_space<vmem>>)
      tpu.yield
    }) : () -> ()
    %run_scoped3A_13 = arith.constant 1 : i32
    "tpu.region"() ({
      %run_scoped3A_78 = tpu.sem_alloc : memref<!tpu.dma_semaphore, #tpu.memory_space<semaphore_mem>>
      %dma_start3A_79 = arith.constant 0 : i32
      %dma_start3A_80 = arith.constant 0 : i32
      %dma_start3A_81 = tpu.memref_slice %arg8[%run_scoped3A_13, %dma_start3A_79, %dma_start3A_80] : memref<3x4x120xi32, #tpu.memory_space<vmem>> -> memref<1x4x120xi32, #tpu.memory_space<vmem>>
      %dma_start3A_82 = tpu.memref_squeeze %dma_start3A_81 : memref<1x4x120xi32, #tpu.memory_space<vmem>> -> memref<4x120xi32, #tpu.memory_space<vmem>>
      %dma_start3A_83 = arith.constant 4 : i32
      %dma_start3A_84 = arith.constant 0 : i32
      %dma_start3A_85 = tpu.memref_slice %arg5[%add3A, %dma_start3A_83, %dma_start3A_84] : memref<32x84x120xi32, #tpu.memory_space<hbm>> -> memref<1x4x120xi32, #tpu.memory_space<hbm>>
      %dma_start3A_86 = tpu.memref_squeeze %dma_start3A_85 : memref<1x4x120xi32, #tpu.memory_space<hbm>> -> memref<4x120xi32, #tpu.memory_space<hbm>>
      %dma_start3A_87 = arith.constant 0 : i32
      %dma_start3A_88 = arith.constant 0 : i32
      %dma_start3A_89 = tpu.memref_slice %arg8[%run_scoped3A_13, %dma_start3A_87, %dma_start3A_88] : memref<3x4x120xi32, #tpu.memory_space<vmem>> -> memref<1x4x120xi32, #tpu.memory_space<vmem>>
      %dma_start3A_90 = tpu.memref_squeeze %dma_start3A_89 : memref<1x4x120xi32, #tpu.memory_space<vmem>> -> memref<4x120xi32, #tpu.memory_space<vmem>>
      %dma_start3A_91 = arith.constant 4 : i32
      %dma_start3A_92 = arith.constant 0 : i32
      %dma_start3A_93 = tpu.memref_slice %arg5[%add3A, %dma_start3A_91, %dma_start3A_92] : memref<32x84x120xi32, #tpu.memory_space<hbm>> -> memref<1x4x120xi32, #tpu.memory_space<hbm>>
      %dma_start3A_94 = tpu.memref_squeeze %dma_start3A_93 : memref<1x4x120xi32, #tpu.memory_space<hbm>> -> memref<4x120xi32, #tpu.memory_space<hbm>>
      tpu.enqueue_dma source(%dma_start3A_94 : memref<4x120xi32, #tpu.memory_space<hbm>>) target(%dma_start3A_90 : memref<4x120xi32, #tpu.memory_space<vmem>>) target_semaphore(%run_scoped3A_78 : memref<!tpu.dma_semaphore, #tpu.memory_space<semaphore_mem>>)
      %dma_wait3A_95 = arith.constant 0 : i32
      %dma_wait3A_96 = arith.constant 0 : i32
      %dma_wait3A_97 = tpu.memref_slice %arg8[%run_scoped3A_13, %dma_wait3A_95, %dma_wait3A_96] : memref<3x4x120xi32, #tpu.memory_space<vmem>> -> memref<1x4x120xi32, #tpu.memory_space<vmem>>
      %dma_wait3A_98 = tpu.memref_squeeze %dma_wait3A_97 : memref<1x4x120xi32, #tpu.memory_space<vmem>> -> memref<4x120xi32, #tpu.memory_space<vmem>>
      %dma_wait3A_99 = arith.constant 4 : i32
      %dma_wait3A_100 = arith.constant 0 : i32
      %dma_wait3A_101 = tpu.memref_slice %arg5[%add3A, %dma_wait3A_99, %dma_wait3A_100] : memref<32x84x120xi32, #tpu.memory_space<hbm>> -> memref<1x4x120xi32, #tpu.memory_space<hbm>>
      %dma_wait3A_102 = tpu.memref_squeeze %dma_wait3A_101 : memref<1x4x120xi32, #tpu.memory_space<hbm>> -> memref<4x120xi32, #tpu.memory_space<hbm>>
      %dma_wait3A_103 = arith.constant 0 : i32
      %dma_wait3A_104 = arith.constant 0 : i32
      %dma_wait3A_105 = tpu.memref_slice %arg8[%run_scoped3A_13, %dma_wait3A_103, %dma_wait3A_104] : memref<3x4x120xi32, #tpu.memory_space<vmem>> -> memref<1x4x120xi32, #tpu.memory_space<vmem>>
      %dma_wait3A_106 = tpu.memref_squeeze %dma_wait3A_105 : memref<1x4x120xi32, #tpu.memory_space<vmem>> -> memref<4x120xi32, #tpu.memory_space<vmem>>
      %dma_wait3A_107 = arith.constant 4 : i32
      %dma_wait3A_108 = arith.constant 0 : i32
      %dma_wait3A_109 = tpu.memref_slice %arg5[%add3A, %dma_wait3A_107, %dma_wait3A_108] : memref<32x84x120xi32, #tpu.memory_space<hbm>> -> memref<1x4x120xi32, #tpu.memory_space<hbm>>
      %dma_wait3A_110 = tpu.memref_squeeze %dma_wait3A_109 : memref<1x4x120xi32, #tpu.memory_space<hbm>> -> memref<4x120xi32, #tpu.memory_space<hbm>>
      tpu.wait_dma2 semaphore(%run_scoped3A_78 : memref<!tpu.dma_semaphore, #tpu.memory_space<semaphore_mem>>) src(%dma_wait3A_110 : memref<4x120xi32, #tpu.memory_space<hbm>>) dst(%dma_wait3A_106 : memref<4x120xi32, #tpu.memory_space<vmem>>)
      tpu.yield
    }) : () -> ()
    %dma_wait3A = arith.constant 2 : i32
    %dma_wait3A_14 = tpu.memref_slice %arg13[%dma_wait3A] : memref<3x!tpu.dma_semaphore, #tpu.memory_space<semaphore_mem>> -> memref<1x!tpu.dma_semaphore, #tpu.memory_space<semaphore_mem>>
    %dma_wait3A_15 = tpu.memref_squeeze %dma_wait3A_14 : memref<1x!tpu.dma_semaphore, #tpu.memory_space<semaphore_mem>> -> memref<!tpu.dma_semaphore, #tpu.memory_space<semaphore_mem>>
    %dma_wait3A_16 = arith.constant 0 : i32
    %dma_wait3A_17 = tpu.memref_slice %arg10[%mul3A_4, %dma_wait3A_16] : memref<10112x128xf32, #tpu.memory_space<vmem_shared>> -> memref<632x128xf32, #tpu.memory_space<vmem_shared>>
    %dma_wait3A_18 = arith.constant 0 : i32
    %dma_wait3A_19 = tpu.memref_slice %arg3[%mul3A_2, %dma_wait3A_18] : memref<10112x128xf32, #tpu.memory_space<hbm>> -> memref<632x128xf32, #tpu.memory_space<hbm>>
    tpu.wait_dma2 semaphore(%dma_wait3A_15 : memref<!tpu.dma_semaphore, #tpu.memory_space<semaphore_mem>>) src(%dma_wait3A_19 : memref<632x128xf32, #tpu.memory_space<hbm>>) dst(%dma_wait3A_17 : memref<632x128xf32, #tpu.memory_space<vmem_shared>>)
    %barrier3A = arith.constant 0 : index
    tpu.barrier barrier_id(%barrier3A)
    %dma_start3A_20 = arith.constant 0 : i32
    %dma_start3A_21 = arith.constant 0 : i32
    %dma_start3A_22 = arith.constant 0 : i32
    %dma_start3A_23 = arith.constant 0 : i32
    %dma_start3A_24 = arith.constant 0 : i32
    %dma_start3A_25 = arith.constant 0 : i32
    %dma_start3A_26 = tpu.memref_slice %arg9[%dma_start3A_22, %dma_start3A_24, %dma_start3A_25] : memref<3x120x128xf32, #tpu.memory_space<vmem>> -> memref<1x120x128xf32, #tpu.memory_space<vmem>>
    %dma_start3A_27 = tpu.memref_squeeze %dma_start3A_26 : memref<1x120x128xf32, #tpu.memory_space<vmem>> -> memref<120x128xf32, #tpu.memory_space<vmem>>
    %dma_start3A_28 = arith.constant 0 : i32
    %dma_start3A_29 = tpu.memref_slice %arg7[%dma_start3A_20, %dma_start3A_21, %dma_start3A_28] : memref<3x4x120xi32, #tpu.memory_space<vmem>> -> memref<1x1x120xi32, #tpu.memory_space<vmem>>
    %dma_start3A_30 = tpu.memref_squeeze %dma_start3A_29 : memref<1x1x120xi32, #tpu.memory_space<vmem>> -> memref<120xi32, #tpu.memory_space<vmem>>
    %dma_start3A_31 = arith.constant 0 : i32
    %dma_start3A_32 = arith.constant 0 : i32
    %dma_start3A_33 = tpu.memref_slice %arg2[%dma_start3A_31, %dma_start3A_32] : memref<10112x128xf32, #tpu.memory_space<hbm>> -> memref<10112x128xf32, #tpu.memory_space<hbm>>
    %dma_start3A_34 = tpu.memref_slice %arg11[%dma_start3A_23] : memref<3x!tpu.dma_semaphore, #tpu.memory_space<semaphore_mem>> -> memref<1x!tpu.dma_semaphore, #tpu.memory_space<semaphore_mem>>
    %dma_start3A_35 = tpu.memref_squeeze %dma_start3A_34 : memref<1x!tpu.dma_semaphore, #tpu.memory_space<semaphore_mem>> -> memref<!tpu.dma_semaphore, #tpu.memory_space<semaphore_mem>>
    tpu.enqueue_indirect_dma source(%dma_start3A_33 : memref<10112x128xf32, #tpu.memory_space<hbm>>) target(%dma_start3A_27 : memref<120x128xf32, #tpu.memory_space<vmem>>) offsets(%dma_start3A_30 : memref<120xi32, #tpu.memory_space<vmem>>) semaphore(%dma_start3A_35 : memref<!tpu.dma_semaphore, #tpu.memory_space<semaphore_mem>>)
    %dma_start3A_36 = arith.constant 0 : i32
    %dma_start3A_37 = arith.constant 1 : i32
    %dma_start3A_38 = arith.constant 1 : i32
    %dma_start3A_39 = arith.constant 1 : i32
    %dma_start3A_40 = arith.constant 0 : i32
    %dma_start3A_41 = arith.constant 0 : i32
    %dma_start3A_42 = tpu.memref_slice %arg9[%dma_start3A_38, %dma_start3A_40, %dma_start3A_41] : memref<3x120x128xf32, #tpu.memory_space<vmem>> -> memref<1x120x128xf32, #tpu.memory_space<vmem>>
    %dma_start3A_43 = tpu.memref_squeeze %dma_start3A_42 : memref<1x120x128xf32, #tpu.memory_space<vmem>> -> memref<120x128xf32, #tpu.memory_space<vmem>>
    %dma_start3A_44 = arith.constant 0 : i32
    %dma_start3A_45 = tpu.memref_slice %arg7[%dma_start3A_36, %dma_start3A_37, %dma_start3A_44] : memref<3x4x120xi32, #tpu.memory_space<vmem>> -> memref<1x1x120xi32, #tpu.memory_space<vmem>>
    %dma_start3A_46 = tpu.memref_squeeze %dma_start3A_45 : memref<1x1x120xi32, #tpu.memory_space<vmem>> -> memref<120xi32, #tpu.memory_space<vmem>>
    %dma_start3A_47 = arith.constant 0 : i32
    %dma_start3A_48 = arith.constant 0 : i32
    %dma_start3A_49 = tpu.memref_slice %arg2[%dma_start3A_47, %dma_start3A_48] : memref<10112x128xf32, #tpu.memory_space<hbm>> -> memref<10112x128xf32, #tpu.memory_space<hbm>>
    %dma_start3A_50 = tpu.memref_slice %arg11[%dma_start3A_39] : memref<3x!tpu.dma_semaphore, #tpu.memory_space<semaphore_mem>> -> memref<1x!tpu.dma_semaphore, #tpu.memory_space<semaphore_mem>>
    %dma_start3A_51 = tpu.memref_squeeze %dma_start3A_50 : memref<1x!tpu.dma_semaphore, #tpu.memory_space<semaphore_mem>> -> memref<!tpu.dma_semaphore, #tpu.memory_space<semaphore_mem>>
    tpu.enqueue_indirect_dma source(%dma_start3A_49 : memref<10112x128xf32, #tpu.memory_space<hbm>>) target(%dma_start3A_43 : memref<120x128xf32, #tpu.memory_space<vmem>>) offsets(%dma_start3A_46 : memref<120xi32, #tpu.memory_space<vmem>>) semaphore(%dma_start3A_51 : memref<!tpu.dma_semaphore, #tpu.memory_space<semaphore_mem>>)
    %scan3A = arith.constant 0 : i32
    %scan3A_52 = arith.constant 0 : i32
    %scan3A_53 = arith.constant 84 : i32
    %scan3A_54 = arith.addi %scan3A_52, %scan3A_53 : i32
    %scan3A_55 = arith.constant 1 : i32
    scf.for %scan3A_78 = %scan3A_52 to %scan3A_54 step %scan3A_55  : i32 {
      %rem3A = arith.constant 3 : i32
      %rem3A_79 = arith.remsi %scan3A_78, %rem3A : i32
      %div3A = arith.constant 4 : i32
      %div3A_80 = arith.divsi %scan3A_78, %div3A : i32
      %rem3A_81 = arith.constant 4 : i32
      %rem3A_82 = arith.remsi %scan3A_78, %rem3A_81 : i32
      %rem3A_83 = arith.constant 3 : i32
      %rem3A_84 = arith.remsi %div3A_80, %rem3A_83 : i32
      %dma_wait3A_85 = arith.constant 0 : i32
      %dma_wait3A_86 = arith.constant 0 : i32
      %dma_wait3A_87 = tpu.memref_slice %arg9[%rem3A_79, %dma_wait3A_85, %dma_wait3A_86] : memref<3x120x128xf32, #tpu.memory_space<vmem>> -> memref<1x120x128xf32, #tpu.memory_space<vmem>>
      %dma_wait3A_88 = tpu.memref_squeeze %dma_wait3A_87 : memref<1x120x128xf32, #tpu.memory_space<vmem>> -> memref<120x128xf32, #tpu.memory_space<vmem>>
      %dma_wait3A_89 = arith.constant 0 : i32
      %dma_wait3A_90 = tpu.memref_slice %arg7[%rem3A_84, %rem3A_82, %dma_wait3A_89] : memref<3x4x120xi32, #tpu.memory_space<vmem>> -> memref<1x1x120xi32, #tpu.memory_space<vmem>>
      %dma_wait3A_91 = tpu.memref_squeeze %dma_wait3A_90 : memref<1x1x120xi32, #tpu.memory_space<vmem>> -> memref<120xi32, #tpu.memory_space<vmem>>
      %dma_wait3A_92 = arith.constant 0 : i32
      %dma_wait3A_93 = arith.constant 0 : i32
      %dma_wait3A_94 = tpu.memref_slice %arg2[%dma_wait3A_92, %dma_wait3A_93] : memref<10112x128xf32, #tpu.memory_space<hbm>> -> memref<10112x128xf32, #tpu.memory_space<hbm>>
      %dma_wait3A_95 = tpu.memref_slice %arg11[%rem3A_79] : memref<3x!tpu.dma_semaphore, #tpu.memory_space<semaphore_mem>> -> memref<1x!tpu.dma_semaphore, #tpu.memory_space<semaphore_mem>>
      %dma_wait3A_96 = tpu.memref_squeeze %dma_wait3A_95 : memref<1x!tpu.dma_semaphore, #tpu.memory_space<semaphore_mem>> -> memref<!tpu.dma_semaphore, #tpu.memory_space<semaphore_mem>>
      tpu.wait_indirect_dma semaphore(%dma_wait3A_96 : memref<!tpu.dma_semaphore, #tpu.memory_space<semaphore_mem>>) src(%dma_wait3A_94 : memref<10112x128xf32, #tpu.memory_space<hbm>>) dst(%dma_wait3A_88 : memref<120x128xf32, #tpu.memory_space<vmem>>)
      %dma_start3A_97 = arith.constant 0 : i32
      %dma_start3A_98 = arith.constant 0 : i32
      %dma_start3A_99 = tpu.memref_slice %arg9[%rem3A_79, %dma_start3A_97, %dma_start3A_98] : memref<3x120x128xf32, #tpu.memory_space<vmem>> -> memref<1x120x128xf32, #tpu.memory_space<vmem>>
      %dma_start3A_100 = tpu.memref_squeeze %dma_start3A_99 : memref<1x120x128xf32, #tpu.memory_space<vmem>> -> memref<120x128xf32, #tpu.memory_space<vmem>>
      %dma_start3A_101 = arith.constant 0 : i32
      %dma_start3A_102 = tpu.memref_slice %arg8[%rem3A_84, %rem3A_82, %dma_start3A_101] : memref<3x4x120xi32, #tpu.memory_space<vmem>> -> memref<1x1x120xi32, #tpu.memory_space<vmem>>
      %dma_start3A_103 = tpu.memref_squeeze %dma_start3A_102 : memref<1x1x120xi32, #tpu.memory_space<vmem>> -> memref<120xi32, #tpu.memory_space<vmem>>
      %dma_start3A_104 = arith.constant 0 : i32
      %dma_start3A_105 = arith.constant 0 : i32
      %dma_start3A_106 = tpu.memref_slice %arg10[%dma_start3A_104, %dma_start3A_105] : memref<10112x128xf32, #tpu.memory_space<vmem_shared>> -> memref<10112x128xf32, #tpu.memory_space<vmem_shared>>
      %dma_start3A_107 = tpu.memref_slice %arg12[%rem3A_79] : memref<3x!tpu.dma_semaphore, #tpu.memory_space<semaphore_mem>> -> memref<1x!tpu.dma_semaphore, #tpu.memory_space<semaphore_mem>>
      %dma_start3A_108 = tpu.memref_squeeze %dma_start3A_107 : memref<1x!tpu.dma_semaphore, #tpu.memory_space<semaphore_mem>> -> memref<!tpu.dma_semaphore, #tpu.memory_space<semaphore_mem>>
      tpu.enqueue_indirect_dma source(%dma_start3A_100 : memref<120x128xf32, #tpu.memory_space<vmem>>) target(%dma_start3A_106 : memref<10112x128xf32, #tpu.memory_space<vmem_shared>>) offsets(%dma_start3A_103 : memref<120xi32, #tpu.memory_space<vmem>>) semaphore(%dma_start3A_108 : memref<!tpu.dma_semaphore, #tpu.memory_space<semaphore_mem>>) {add = true}
      %ge3A = arith.constant 1 : i32
      %ge3A_109 = arith.cmpi sge, %scan3A_78, %ge3A : i32
      %convert_element_type3A = arith.extui %ge3A_109 : i1 to i32
      %cond3A = arith.constant 0 : i32
      %cond3A_110 = arith.cmpi ne, %convert_element_type3A, %cond3A : i32
      scf.if %cond3A_110 {
        %sub3A_118 = arith.constant 1 : i32
        %sub3A_119 = arith.subi %scan3A_78, %sub3A_118 : i32
        %rem3A_120 = arith.constant 3 : i32
        %rem3A_121 = arith.remsi %sub3A_119, %rem3A_120 : i32
        %div3A_122 = arith.constant 4 : i32
        %div3A_123 = arith.divsi %sub3A_119, %div3A_122 : i32
        %rem3A_124 = arith.constant 3 : i32
        %rem3A_125 = arith.remsi %div3A_123, %rem3A_124 : i32
        %rem3A_126 = arith.constant 4 : i32
        %rem3A_127 = arith.remsi %sub3A_119, %rem3A_126 : i32
        %dma_wait3A_128 = arith.constant 0 : i32
        %dma_wait3A_129 = arith.constant 0 : i32
        %dma_wait3A_130 = tpu.memref_slice %arg9[%rem3A_121, %dma_wait3A_128, %dma_wait3A_129] : memref<3x120x128xf32, #tpu.memory_space<vmem>> -> memref<1x120x128xf32, #tpu.memory_space<vmem>>
        %dma_wait3A_131 = tpu.memref_squeeze %dma_wait3A_130 : memref<1x120x128xf32, #tpu.memory_space<vmem>> -> memref<120x128xf32, #tpu.memory_space<vmem>>
        %dma_wait3A_132 = arith.constant 0 : i32
        %dma_wait3A_133 = tpu.memref_slice %arg8[%rem3A_125, %rem3A_127, %dma_wait3A_132] : memref<3x4x120xi32, #tpu.memory_space<vmem>> -> memref<1x1x120xi32, #tpu.memory_space<vmem>>
        %dma_wait3A_134 = tpu.memref_squeeze %dma_wait3A_133 : memref<1x1x120xi32, #tpu.memory_space<vmem>> -> memref<120xi32, #tpu.memory_space<vmem>>
        %dma_wait3A_135 = arith.constant 0 : i32
        %dma_wait3A_136 = arith.constant 0 : i32
        %dma_wait3A_137 = tpu.memref_slice %arg10[%dma_wait3A_135, %dma_wait3A_136] : memref<10112x128xf32, #tpu.memory_space<vmem_shared>> -> memref<10112x128xf32, #tpu.memory_space<vmem_shared>>
        %dma_wait3A_138 = tpu.memref_slice %arg12[%rem3A_121] : memref<3x!tpu.dma_semaphore, #tpu.memory_space<semaphore_mem>> -> memref<1x!tpu.dma_semaphore, #tpu.memory_space<semaphore_mem>>
        %dma_wait3A_139 = tpu.memref_squeeze %dma_wait3A_138 : memref<1x!tpu.dma_semaphore, #tpu.memory_space<semaphore_mem>> -> memref<!tpu.dma_semaphore, #tpu.memory_space<semaphore_mem>>
        tpu.wait_indirect_dma semaphore(%dma_wait3A_139 : memref<!tpu.dma_semaphore, #tpu.memory_space<semaphore_mem>>) src(%dma_wait3A_131 : memref<120x128xf32, #tpu.memory_space<vmem>>) dst(%dma_wait3A_137 : memref<10112x128xf32, #tpu.memory_space<vmem_shared>>)
      } else {
      }
      %add3A_111 = arith.constant 3 : i32
      %add3A_112 = arith.addi %scan3A_78, %add3A_111 : i32
      %sub3A = arith.constant 1 : i32
      %sub3A_113 = arith.subi %add3A_112, %sub3A : i32
      %lt3A = arith.constant 84 : i32
      %lt3A_114 = arith.cmpi slt, %sub3A_113, %lt3A : i32
      %convert_element_type3A_115 = arith.extui %lt3A_114 : i1 to i32
      %cond3A_116 = arith.constant 0 : i32
      %cond3A_117 = arith.cmpi ne, %convert_element_type3A_115, %cond3A_116 : i32
      scf.if %cond3A_117 {
        %div3A_118 = arith.constant 4 : i32
        %div3A_119 = arith.divsi %sub3A_113, %div3A_118 : i32
        %rem3A_120 = arith.constant 3 : i32
        %rem3A_121 = arith.remsi %div3A_119, %rem3A_120 : i32
        %rem3A_122 = arith.constant 4 : i32
        %rem3A_123 = arith.remsi %sub3A_113, %rem3A_122 : i32
        %eq3A = arith.constant 0 : i32
        %eq3A_124 = arith.cmpi eq, %rem3A_123, %eq3A : i32
        %ge3A_125 = arith.constant 2 : i32
        %ge3A_126 = arith.cmpi sge, %div3A_119, %ge3A_125 : i32
        %and3A = arith.andi %eq3A_124, %ge3A_126 : i1
        %convert_element_type3A_127 = arith.extui %and3A : i1 to i32
        %cond3A_128 = arith.constant 0 : i32
        %cond3A_129 = arith.cmpi ne, %convert_element_type3A_127, %cond3A_128 : i32
        scf.if %cond3A_129 {
          %mul3A_160 = arith.constant 4 : i32
          %mul3A_161 = arith.muli %div3A_119, %mul3A_160 : i32
          %dma_wait3A_162 = arith.constant 0 : i32
          %dma_wait3A_163 = arith.constant 0 : i32
          %dma_wait3A_164 = tpu.memref_slice %arg7[%rem3A_121, %dma_wait3A_162, %dma_wait3A_163] : memref<3x4x120xi32, #tpu.memory_space<vmem>> -> memref<1x4x120xi32, #tpu.memory_space<vmem>>
          %dma_wait3A_165 = tpu.memref_squeeze %dma_wait3A_164 : memref<1x4x120xi32, #tpu.memory_space<vmem>> -> memref<4x120xi32, #tpu.memory_space<vmem>>
          %dma_wait3A_166 = arith.constant 0 : i32
          %dma_wait3A_167 = tpu.memref_slice %arg4[%add3A, %mul3A_161, %dma_wait3A_166] : memref<32x84x120xi32, #tpu.memory_space<hbm>> -> memref<1x4x120xi32, #tpu.memory_space<hbm>>
          %dma_wait3A_168 = tpu.memref_squeeze %dma_wait3A_167 : memref<1x4x120xi32, #tpu.memory_space<hbm>> -> memref<4x120xi32, #tpu.memory_space<hbm>>
          %dma_wait3A_169 = tpu.memref_slice %arg13[%rem3A_121] : memref<3x!tpu.dma_semaphore, #tpu.memory_space<semaphore_mem>> -> memref<1x!tpu.dma_semaphore, #tpu.memory_space<semaphore_mem>>
          %dma_wait3A_170 = tpu.memref_squeeze %dma_wait3A_169 : memref<1x!tpu.dma_semaphore, #tpu.memory_space<semaphore_mem>> -> memref<!tpu.dma_semaphore, #tpu.memory_space<semaphore_mem>>
          %dma_wait3A_171 = arith.constant 0 : i32
          %dma_wait3A_172 = arith.constant 0 : i32
          %dma_wait3A_173 = tpu.memref_slice %arg7[%rem3A_121, %dma_wait3A_171, %dma_wait3A_172] : memref<3x4x120xi32, #tpu.memory_space<vmem>> -> memref<1x4x120xi32, #tpu.memory_space<vmem>>
          %dma_wait3A_174 = tpu.memref_squeeze %dma_wait3A_173 : memref<1x4x120xi32, #tpu.memory_space<vmem>> -> memref<4x120xi32, #tpu.memory_space<vmem>>
          %dma_wait3A_175 = arith.constant 0 : i32
          %dma_wait3A_176 = tpu.memref_slice %arg4[%add3A, %mul3A_161, %dma_wait3A_175] : memref<32x84x120xi32, #tpu.memory_space<hbm>> -> memref<1x4x120xi32, #tpu.memory_space<hbm>>
          %dma_wait3A_177 = tpu.memref_squeeze %dma_wait3A_176 : memref<1x4x120xi32, #tpu.memory_space<hbm>> -> memref<4x120xi32, #tpu.memory_space<hbm>>
          tpu.wait_dma2 semaphore(%dma_wait3A_170 : memref<!tpu.dma_semaphore, #tpu.memory_space<semaphore_mem>>) src(%dma_wait3A_177 : memref<4x120xi32, #tpu.memory_space<hbm>>) dst(%dma_wait3A_174 : memref<4x120xi32, #tpu.memory_space<vmem>>)
          %mul3A_178 = arith.constant 4 : i32
          %mul3A_179 = arith.muli %div3A_119, %mul3A_178 : i32
          %dma_wait3A_180 = arith.constant 0 : i32
          %dma_wait3A_181 = arith.constant 0 : i32
          %dma_wait3A_182 = tpu.memref_slice %arg8[%rem3A_121, %dma_wait3A_180, %dma_wait3A_181] : memref<3x4x120xi32, #tpu.memory_space<vmem>> -> memref<1x4x120xi32, #tpu.memory_space<vmem>>
          %dma_wait3A_183 = tpu.memref_squeeze %dma_wait3A_182 : memref<1x4x120xi32, #tpu.memory_space<vmem>> -> memref<4x120xi32, #tpu.memory_space<vmem>>
          %dma_wait3A_184 = arith.constant 0 : i32
          %dma_wait3A_185 = tpu.memref_slice %arg5[%add3A, %mul3A_179, %dma_wait3A_184] : memref<32x84x120xi32, #tpu.memory_space<hbm>> -> memref<1x4x120xi32, #tpu.memory_space<hbm>>
          %dma_wait3A_186 = tpu.memref_squeeze %dma_wait3A_185 : memref<1x4x120xi32, #tpu.memory_space<hbm>> -> memref<4x120xi32, #tpu.memory_space<hbm>>
          %dma_wait3A_187 = tpu.memref_slice %arg14[%rem3A_121] : memref<3x!tpu.dma_semaphore, #tpu.memory_space<semaphore_mem>> -> memref<1x!tpu.dma_semaphore, #tpu.memory_space<semaphore_mem>>
          %dma_wait3A_188 = tpu.memref_squeeze %dma_wait3A_187 : memref<1x!tpu.dma_semaphore, #tpu.memory_space<semaphore_mem>> -> memref<!tpu.dma_semaphore, #tpu.memory_space<semaphore_mem>>
          %dma_wait3A_189 = arith.constant 0 : i32
          %dma_wait3A_190 = arith.constant 0 : i32
          %dma_wait3A_191 = tpu.memref_slice %arg8[%rem3A_121, %dma_wait3A_189, %dma_wait3A_190] : memref<3x4x120xi32, #tpu.memory_space<vmem>> -> memref<1x4x120xi32, #tpu.memory_space<vmem>>
          %dma_wait3A_192 = tpu.memref_squeeze %dma_wait3A_191 : memref<1x4x120xi32, #tpu.memory_space<vmem>> -> memref<4x120xi32, #tpu.memory_space<vmem>>
          %dma_wait3A_193 = arith.constant 0 : i32
          %dma_wait3A_194 = tpu.memref_slice %arg5[%add3A, %mul3A_179, %dma_wait3A_193] : memref<32x84x120xi32, #tpu.memory_space<hbm>> -> memref<1x4x120xi32, #tpu.memory_space<hbm>>
          %dma_wait3A_195 = tpu.memref_squeeze %dma_wait3A_194 : memref<1x4x120xi32, #tpu.memory_space<hbm>> -> memref<4x120xi32, #tpu.memory_space<hbm>>
          tpu.wait_dma2 semaphore(%dma_wait3A_188 : memref<!tpu.dma_semaphore, #tpu.memory_space<semaphore_mem>>) src(%dma_wait3A_195 : memref<4x120xi32, #tpu.memory_space<hbm>>) dst(%dma_wait3A_192 : memref<4x120xi32, #tpu.memory_space<vmem>>)
        } else {
        }
        %rem3A_130 = arith.constant 4 : i32
        %rem3A_131 = arith.remsi %sub3A_113, %rem3A_130 : i32
        %eq3A_132 = arith.constant 0 : i32
        %eq3A_133 = arith.cmpi eq, %rem3A_131, %eq3A_132 : i32
        %add3A_134 = arith.constant 1 : i32
        %add3A_135 = arith.addi %div3A_119, %add3A_134 : i32
        %lt3A_136 = arith.constant 21 : i32
        %lt3A_137 = arith.cmpi slt, %add3A_135, %lt3A_136 : i32
        %and3A_138 = arith.andi %eq3A_133, %lt3A_137 : i1
        %convert_element_type3A_139 = arith.extui %and3A_138 : i1 to i32
        %cond3A_140 = arith.constant 0 : i32
        %cond3A_141 = arith.cmpi ne, %convert_element_type3A_139, %cond3A_140 : i32
        scf.if %cond3A_141 {
          %add3A_160 = arith.constant 1 : i32
          %add3A_161 = arith.addi %div3A_119, %add3A_160 : i32
          %rem3A_162 = arith.constant 3 : i32
          %rem3A_163 = arith.remsi %add3A_161, %rem3A_162 : i32
          %mul3A_164 = arith.constant 4 : i32
          %mul3A_165 = arith.muli %add3A_161, %mul3A_164 : i32
          %dma_start3A_166 = arith.constant 0 : i32
          %dma_start3A_167 = arith.constant 0 : i32
          %dma_start3A_168 = tpu.memref_slice %arg7[%rem3A_163, %dma_start3A_166, %dma_start3A_167] : memref<3x4x120xi32, #tpu.memory_space<vmem>> -> memref<1x4x120xi32, #tpu.memory_space<vmem>>
          %dma_start3A_169 = tpu.memref_squeeze %dma_start3A_168 : memref<1x4x120xi32, #tpu.memory_space<vmem>> -> memref<4x120xi32, #tpu.memory_space<vmem>>
          %dma_start3A_170 = arith.constant 0 : i32
          %dma_start3A_171 = tpu.memref_slice %arg4[%add3A, %mul3A_165, %dma_start3A_170] : memref<32x84x120xi32, #tpu.memory_space<hbm>> -> memref<1x4x120xi32, #tpu.memory_space<hbm>>
          %dma_start3A_172 = tpu.memref_squeeze %dma_start3A_171 : memref<1x4x120xi32, #tpu.memory_space<hbm>> -> memref<4x120xi32, #tpu.memory_space<hbm>>
          %dma_start3A_173 = tpu.memref_slice %arg13[%rem3A_163] : memref<3x!tpu.dma_semaphore, #tpu.memory_space<semaphore_mem>> -> memref<1x!tpu.dma_semaphore, #tpu.memory_space<semaphore_mem>>
          %dma_start3A_174 = tpu.memref_squeeze %dma_start3A_173 : memref<1x!tpu.dma_semaphore, #tpu.memory_space<semaphore_mem>> -> memref<!tpu.dma_semaphore, #tpu.memory_space<semaphore_mem>>
          %dma_start3A_175 = arith.constant 0 : i32
          %dma_start3A_176 = arith.constant 0 : i32
          %dma_start3A_177 = tpu.memref_slice %arg7[%rem3A_163, %dma_start3A_175, %dma_start3A_176] : memref<3x4x120xi32, #tpu.memory_space<vmem>> -> memref<1x4x120xi32, #tpu.memory_space<vmem>>
          %dma_start3A_178 = tpu.memref_squeeze %dma_start3A_177 : memref<1x4x120xi32, #tpu.memory_space<vmem>> -> memref<4x120xi32, #tpu.memory_space<vmem>>
          %dma_start3A_179 = arith.constant 0 : i32
          %dma_start3A_180 = tpu.memref_slice %arg4[%add3A, %mul3A_165, %dma_start3A_179] : memref<32x84x120xi32, #tpu.memory_space<hbm>> -> memref<1x4x120xi32, #tpu.memory_space<hbm>>
          %dma_start3A_181 = tpu.memref_squeeze %dma_start3A_180 : memref<1x4x120xi32, #tpu.memory_space<hbm>> -> memref<4x120xi32, #tpu.memory_space<hbm>>
          tpu.enqueue_dma source(%dma_start3A_181 : memref<4x120xi32, #tpu.memory_space<hbm>>) target(%dma_start3A_178 : memref<4x120xi32, #tpu.memory_space<vmem>>) target_semaphore(%dma_start3A_174 : memref<!tpu.dma_semaphore, #tpu.memory_space<semaphore_mem>>)
          %mul3A_182 = arith.constant 4 : i32
          %mul3A_183 = arith.muli %add3A_161, %mul3A_182 : i32
          %dma_start3A_184 = arith.constant 0 : i32
          %dma_start3A_185 = arith.constant 0 : i32
          %dma_start3A_186 = tpu.memref_slice %arg8[%rem3A_163, %dma_start3A_184, %dma_start3A_185] : memref<3x4x120xi32, #tpu.memory_space<vmem>> -> memref<1x4x120xi32, #tpu.memory_space<vmem>>
          %dma_start3A_187 = tpu.memref_squeeze %dma_start3A_186 : memref<1x4x120xi32, #tpu.memory_space<vmem>> -> memref<4x120xi32, #tpu.memory_space<vmem>>
          %dma_start3A_188 = arith.constant 0 : i32
          %dma_start3A_189 = tpu.memref_slice %arg5[%add3A, %mul3A_183, %dma_start3A_188] : memref<32x84x120xi32, #tpu.memory_space<hbm>> -> memref<1x4x120xi32, #tpu.memory_space<hbm>>
          %dma_start3A_190 = tpu.memref_squeeze %dma_start3A_189 : memref<1x4x120xi32, #tpu.memory_space<hbm>> -> memref<4x120xi32, #tpu.memory_space<hbm>>
          %dma_start3A_191 = tpu.memref_slice %arg14[%rem3A_163] : memref<3x!tpu.dma_semaphore, #tpu.memory_space<semaphore_mem>> -> memref<1x!tpu.dma_semaphore, #tpu.memory_space<semaphore_mem>>
          %dma_start3A_192 = tpu.memref_squeeze %dma_start3A_191 : memref<1x!tpu.dma_semaphore, #tpu.memory_space<semaphore_mem>> -> memref<!tpu.dma_semaphore, #tpu.memory_space<semaphore_mem>>
          %dma_start3A_193 = arith.constant 0 : i32
          %dma_start3A_194 = arith.constant 0 : i32
          %dma_start3A_195 = tpu.memref_slice %arg8[%rem3A_163, %dma_start3A_193, %dma_start3A_194] : memref<3x4x120xi32, #tpu.memory_space<vmem>> -> memref<1x4x120xi32, #tpu.memory_space<vmem>>
          %dma_start3A_196 = tpu.memref_squeeze %dma_start3A_195 : memref<1x4x120xi32, #tpu.memory_space<vmem>> -> memref<4x120xi32, #tpu.memory_space<vmem>>
          %dma_start3A_197 = arith.constant 0 : i32
          %dma_start3A_198 = tpu.memref_slice %arg5[%add3A, %mul3A_183, %dma_start3A_197] : memref<32x84x120xi32, #tpu.memory_space<hbm>> -> memref<1x4x120xi32, #tpu.memory_space<hbm>>
          %dma_start3A_199 = tpu.memref_squeeze %dma_start3A_198 : memref<1x4x120xi32, #tpu.memory_space<hbm>> -> memref<4x120xi32, #tpu.memory_space<hbm>>
          tpu.enqueue_dma source(%dma_start3A_199 : memref<4x120xi32, #tpu.memory_space<hbm>>) target(%dma_start3A_196 : memref<4x120xi32, #tpu.memory_space<vmem>>) target_semaphore(%dma_start3A_192 : memref<!tpu.dma_semaphore, #tpu.memory_space<semaphore_mem>>)
        } else {
        }
        %rem3A_142 = arith.constant 4 : i32
        %rem3A_143 = arith.remsi %sub3A_113, %rem3A_142 : i32
        %rem3A_144 = arith.constant 3 : i32
        %rem3A_145 = arith.remsi %sub3A_113, %rem3A_144 : i32
        %rem3A_146 = arith.constant 3 : i32
        %rem3A_147 = arith.remsi %sub3A_113, %rem3A_146 : i32
        %dma_start3A_148 = arith.constant 0 : i32
        %dma_start3A_149 = arith.constant 0 : i32
        %dma_start3A_150 = tpu.memref_slice %arg9[%rem3A_145, %dma_start3A_148, %dma_start3A_149] : memref<3x120x128xf32, #tpu.memory_space<vmem>> -> memref<1x120x128xf32, #tpu.memory_space<vmem>>
        %dma_start3A_151 = tpu.memref_squeeze %dma_start3A_150 : memref<1x120x128xf32, #tpu.memory_space<vmem>> -> memref<120x128xf32, #tpu.memory_space<vmem>>
        %dma_start3A_152 = arith.constant 0 : i32
        %dma_start3A_153 = tpu.memref_slice %arg7[%rem3A_121, %rem3A_143, %dma_start3A_152] : memref<3x4x120xi32, #tpu.memory_space<vmem>> -> memref<1x1x120xi32, #tpu.memory_space<vmem>>
        %dma_start3A_154 = tpu.memref_squeeze %dma_start3A_153 : memref<1x1x120xi32, #tpu.memory_space<vmem>> -> memref<120xi32, #tpu.memory_space<vmem>>
        %dma_start3A_155 = arith.constant 0 : i32
        %dma_start3A_156 = arith.constant 0 : i32
        %dma_start3A_157 = tpu.memref_slice %arg2[%dma_start3A_155, %dma_start3A_156] : memref<10112x128xf32, #tpu.memory_space<hbm>> -> memref<10112x128xf32, #tpu.memory_space<hbm>>
        %dma_start3A_158 = tpu.memref_slice %arg11[%rem3A_147] : memref<3x!tpu.dma_semaphore, #tpu.memory_space<semaphore_mem>> -> memref<1x!tpu.dma_semaphore, #tpu.memory_space<semaphore_mem>>
        %dma_start3A_159 = tpu.memref_squeeze %dma_start3A_158 : memref<1x!tpu.dma_semaphore, #tpu.memory_space<semaphore_mem>> -> memref<!tpu.dma_semaphore, #tpu.memory_space<semaphore_mem>>
        tpu.enqueue_indirect_dma source(%dma_start3A_157 : memref<10112x128xf32, #tpu.memory_space<hbm>>) target(%dma_start3A_151 : memref<120x128xf32, #tpu.memory_space<vmem>>) offsets(%dma_start3A_154 : memref<120xi32, #tpu.memory_space<vmem>>) semaphore(%dma_start3A_159 : memref<!tpu.dma_semaphore, #tpu.memory_space<semaphore_mem>>)
      } else {
      }
    }
    %scan3A_56 = arith.constant 84 : i32
    %dma_wait3A_57 = arith.constant 2 : i32
    %dma_wait3A_58 = arith.constant 2 : i32
    %dma_wait3A_59 = arith.constant 3 : i32
    %dma_wait3A_60 = arith.constant 2 : i32
    %dma_wait3A_61 = arith.constant 0 : i32
    %dma_wait3A_62 = arith.constant 0 : i32
    %dma_wait3A_63 = tpu.memref_slice %arg9[%dma_wait3A_57, %dma_wait3A_61, %dma_wait3A_62] : memref<3x120x128xf32, #tpu.memory_space<vmem>> -> memref<1x120x128xf32, #tpu.memory_space<vmem>>
    %dma_wait3A_64 = tpu.memref_squeeze %dma_wait3A_63 : memref<1x120x128xf32, #tpu.memory_space<vmem>> -> memref<120x128xf32, #tpu.memory_space<vmem>>
    %dma_wait3A_65 = arith.constant 0 : i32
    %dma_wait3A_66 = tpu.memref_slice %arg8[%dma_wait3A_58, %dma_wait3A_59, %dma_wait3A_65] : memref<3x4x120xi32, #tpu.memory_space<vmem>> -> memref<1x1x120xi32, #tpu.memory_space<vmem>>
    %dma_wait3A_67 = tpu.memref_squeeze %dma_wait3A_66 : memref<1x1x120xi32, #tpu.memory_space<vmem>> -> memref<120xi32, #tpu.memory_space<vmem>>
    %dma_wait3A_68 = arith.constant 0 : i32
    %dma_wait3A_69 = arith.constant 0 : i32
    %dma_wait3A_70 = tpu.memref_slice %arg10[%dma_wait3A_68, %dma_wait3A_69] : memref<10112x128xf32, #tpu.memory_space<vmem_shared>> -> memref<10112x128xf32, #tpu.memory_space<vmem_shared>>
    %dma_wait3A_71 = tpu.memref_slice %arg12[%dma_wait3A_60] : memref<3x!tpu.dma_semaphore, #tpu.memory_space<semaphore_mem>> -> memref<1x!tpu.dma_semaphore, #tpu.memory_space<semaphore_mem>>
    %dma_wait3A_72 = tpu.memref_squeeze %dma_wait3A_71 : memref<1x!tpu.dma_semaphore, #tpu.memory_space<semaphore_mem>> -> memref<!tpu.dma_semaphore, #tpu.memory_space<semaphore_mem>>
    tpu.wait_indirect_dma semaphore(%dma_wait3A_72 : memref<!tpu.dma_semaphore, #tpu.memory_space<semaphore_mem>>) src(%dma_wait3A_64 : memref<120x128xf32, #tpu.memory_space<vmem>>) dst(%dma_wait3A_70 : memref<10112x128xf32, #tpu.memory_space<vmem_shared>>)
    %barrier3A_73 = arith.constant 0 : index
    tpu.barrier barrier_id(%barrier3A_73)
    %mul3A_74 = arith.constant 632 : i32
    %mul3A_75 = arith.muli %arg1, %mul3A_74 : i32
    %mul3A_76 = arith.constant 632 : i32
    %mul3A_77 = arith.muli %arg1, %mul3A_76 : i32
    "tpu.region"() ({
      %run_scoped3A_78 = tpu.sem_alloc : memref<!tpu.dma_semaphore, #tpu.memory_space<semaphore_mem>>
      %dma_start3A_79 = arith.constant 0 : i32
      %dma_start3A_80 = tpu.memref_slice %arg6[%arg0, %mul3A_77, %dma_start3A_79] : memref<2x10112x128xf32, #tpu.memory_space<hbm>> -> memref<1x632x128xf32, #tpu.memory_space<hbm>>
      %dma_start3A_81 = tpu.memref_squeeze %dma_start3A_80 : memref<1x632x128xf32, #tpu.memory_space<hbm>> -> memref<632x128xf32, #tpu.memory_space<hbm>>
      %dma_start3A_82 = arith.constant 0 : i32
      %dma_start3A_83 = tpu.memref_slice %arg10[%mul3A_75, %dma_start3A_82] : memref<10112x128xf32, #tpu.memory_space<vmem_shared>> -> memref<632x128xf32, #tpu.memory_space<vmem_shared>>
      tpu.enqueue_dma source(%dma_start3A_83 : memref<632x128xf32, #tpu.memory_space<vmem_shared>>) target(%dma_start3A_81 : memref<632x128xf32, #tpu.memory_space<hbm>>) target_semaphore(%run_scoped3A_78 : memref<!tpu.dma_semaphore, #tpu.memory_space<semaphore_mem>>)
      %dma_wait3A_84 = arith.constant 0 : i32
      %dma_wait3A_85 = tpu.memref_slice %arg6[%arg0, %mul3A_77, %dma_wait3A_84] : memref<2x10112x128xf32, #tpu.memory_space<hbm>> -> memref<1x632x128xf32, #tpu.memory_space<hbm>>
      %dma_wait3A_86 = tpu.memref_squeeze %dma_wait3A_85 : memref<1x632x128xf32, #tpu.memory_space<hbm>> -> memref<632x128xf32, #tpu.memory_space<hbm>>
      %dma_wait3A_87 = arith.constant 0 : i32
      %dma_wait3A_88 = tpu.memref_slice %arg10[%mul3A_75, %dma_wait3A_87] : memref<10112x128xf32, #tpu.memory_space<vmem_shared>> -> memref<632x128xf32, #tpu.memory_space<vmem_shared>>
      tpu.wait_dma2 semaphore(%run_scoped3A_78 : memref<!tpu.dma_semaphore, #tpu.memory_space<semaphore_mem>>) src(%dma_wait3A_88 : memref<632x128xf32, #tpu.memory_space<vmem_shared>>) dst(%dma_wait3A_86 : memref<632x128xf32, #tpu.memory_space<hbm>>)
      tpu.yield
    }) : () -> ()
    return
  }
}

#map = affine_map<(d0, d1) -> (0, 0)>
#map1 = affine_map<(d0, d1) -> (0, 0, 0)>
module attributes {stable_mosaic.version = 14 : i64} {
  func.func @agg(%arg0: i32, %arg1: i32, %arg2: memref<10112x128xf32, #tpu.memory_space<hbm>>, %arg3: memref<10112x128xf32, #tpu.memory_space<hbm>>, %arg4: memref<32x84x120xi32, #tpu.memory_space<hbm>>, %arg5: memref<32x84x120xi32, #tpu.memory_space<hbm>>, %arg6: memref<2x10112x128xf32, #tpu.memory_space<hbm>>, %arg7: memref<3x4x120xi32, #tpu.memory_space<vmem>>, %arg8: memref<3x4x120xi32, #tpu.memory_space<vmem>>, %arg9: memref<3x120x128xf32, #tpu.memory_space<vmem>>, %arg10: memref<10112x128xf32, #tpu.memory_space<vmem_shared>>, %arg11: memref<3x!tpu.dma_semaphore, #tpu.memory_space<semaphore_mem>>, %arg12: memref<3x!tpu.dma_semaphore, #tpu.memory_space<semaphore_mem>>, %arg13: memref<3x!tpu.dma_semaphore, #tpu.memory_space<semaphore_mem>>, %arg14: memref<3x!tpu.dma_semaphore, #tpu.memory_space<semaphore_mem>>) attributes {dimension_semantics = [#tpu.dimension_semantics<core_parallel>, #tpu.dimension_semantics<subcore_parallel>], iteration_bounds = array<i64: 2, 16>, scalar_prefetch = 0 : i64, scratch_operands = 8 : i64, tpu.core_type = #tpu.core_type<sc_vector_subcore>, window_params = [{transform_indices = #map}, {transform_indices = #map}, {transform_indices = #map1}, {transform_indices = #map1}, {transform_indices = #map1}]} {
    %mul3A = arith.constant 2 : i32
    %mul3A_0 = arith.muli %arg1, %mul3A : i32
    %add3A = arith.addi %mul3A_0, %arg0 : i32
    %mul3A_1 = arith.constant 632 : i32
    %mul3A_2 = arith.muli %arg1, %mul3A_1 : i32
    %mul3A_3 = arith.constant 632 : i32
    %mul3A_4 = arith.muli %arg1, %mul3A_3 : i32
    %dma_start3A = arith.constant 2 : i32
    %dma_start3A_5 = tpu.memref_slice %arg13[%dma_start3A] : memref<3x!tpu.dma_semaphore, #tpu.memory_space<semaphore_mem>> -> memref<1x!tpu.dma_semaphore, #tpu.memory_space<semaphore_mem>>
    %dma_start3A_6 = tpu.memref_squeeze %dma_start3A_5 : memref<1x!tpu.dma_semaphore, #tpu.memory_space<semaphore_mem>> -> memref<!tpu.dma_semaphore, #tpu.memory_space<semaphore_mem>>
    %dma_start3A_7 = arith.constant 0 : i32
    %dma_start3A_8 = tpu.memref_slice %arg10[%mul3A_4, %dma_start3A_7] : memref<10112x128xf32, #tpu.memory_space<vmem_shared>> -> memref<632x128xf32, #tpu.memory_space<vmem_shared>>
    %dma_start3A_9 = arith.constant 0 : i32
    %dma_start3A_10 = tpu.memref_slice %arg3[%mul3A_2, %dma_start3A_9] : memref<10112x128xf32, #tpu.memory_space<hbm>> -> memref<632x128xf32, #tpu.memory_space<hbm>>
    tpu.enqueue_dma source(%dma_start3A_10 : memref<632x128xf32, #tpu.memory_space<hbm>>) target(%dma_start3A_8 : memref<632x128xf32, #tpu.memory_space<vmem_shared>>) target_semaphore(%dma_start3A_6 : memref<!tpu.dma_semaphore, #tpu.memory_space<semaphore_mem>>)
    %run_scoped3A = arith.constant 0 : i32
    "tpu.region"() ({
      %run_scoped3A_78 = tpu.sem_alloc : memref<!tpu.dma_semaphore, #tpu.memory_space<semaphore_mem>>
      %dma_start3A_79 = arith.constant 0 : i32
      %dma_start3A_80 = arith.constant 0 : i32
      %dma_start3A_81 = tpu.memref_slice %arg7[%run_scoped3A, %dma_start3A_79, %dma_start3A_80] : memref<3x4x120xi32, #tpu.memory_space<vmem>> -> memref<1x4x120xi32, #tpu.memory_space<vmem>>
      %dma_start3A_82 = tpu.memref_squeeze %dma_start3A_81 : memref<1x4x120xi32, #tpu.memory_space<vmem>> -> memref<4x120xi32, #tpu.memory_space<vmem>>
      %dma_start3A_83 = arith.constant 0 : i32
      %dma_start3A_84 = arith.constant 0 : i32
      %dma_start3A_85 = tpu.memref_slice %arg4[%add3A, %dma_start3A_83, %dma_start3A_84] : memref<32x84x120xi32, #tpu.memory_space<hbm>> -> memref<1x4x120xi32, #tpu.memory_space<hbm>>
      %dma_start3A_86 = tpu.memref_squeeze %dma_start3A_85 : memref<1x4x120xi32, #tpu.memory_space<hbm>> -> memref<4x120xi32, #tpu.memory_space<hbm>>
      %dma_start3A_87 = arith.constant 0 : i32
      %dma_start3A_88 = arith.constant 0 : i32
      %dma_start3A_89 = tpu.memref_slice %arg7[%run_scoped3A, %dma_start3A_87, %dma_start3A_88] : memref<3x4x120xi32, #tpu.memory_space<vmem>> -> memref<1x4x120xi32, #tpu.memory_space<vmem>>
      %dma_start3A_90 = tpu.memref_squeeze %dma_start3A_89 : memref<1x4x120xi32, #tpu.memory_space<vmem>> -> memref<4x120xi32, #tpu.memory_space<vmem>>
      %dma_start3A_91 = arith.constant 0 : i32
      %dma_start3A_92 = arith.constant 0 : i32
      %dma_start3A_93 = tpu.memref_slice %arg4[%add3A, %dma_start3A_91, %dma_start3A_92] : memref<32x84x120xi32, #tpu.memory_space<hbm>> -> memref<1x4x120xi32, #tpu.memory_space<hbm>>
      %dma_start3A_94 = tpu.memref_squeeze %dma_start3A_93 : memref<1x4x120xi32, #tpu.memory_space<hbm>> -> memref<4x120xi32, #tpu.memory_space<hbm>>
      tpu.enqueue_dma source(%dma_start3A_94 : memref<4x120xi32, #tpu.memory_space<hbm>>) target(%dma_start3A_90 : memref<4x120xi32, #tpu.memory_space<vmem>>) target_semaphore(%run_scoped3A_78 : memref<!tpu.dma_semaphore, #tpu.memory_space<semaphore_mem>>)
      %dma_wait3A_95 = arith.constant 0 : i32
      %dma_wait3A_96 = arith.constant 0 : i32
      %dma_wait3A_97 = tpu.memref_slice %arg7[%run_scoped3A, %dma_wait3A_95, %dma_wait3A_96] : memref<3x4x120xi32, #tpu.memory_space<vmem>> -> memref<1x4x120xi32, #tpu.memory_space<vmem>>
      %dma_wait3A_98 = tpu.memref_squeeze %dma_wait3A_97 : memref<1x4x120xi32, #tpu.memory_space<vmem>> -> memref<4x120xi32, #tpu.memory_space<vmem>>
      %dma_wait3A_99 = arith.constant 0 : i32
      %dma_wait3A_100 = arith.constant 0 : i32
      %dma_wait3A_101 = tpu.memref_slice %arg4[%add3A, %dma_wait3A_99, %dma_wait3A_100] : memref<32x84x120xi32, #tpu.memory_space<hbm>> -> memref<1x4x120xi32, #tpu.memory_space<hbm>>
      %dma_wait3A_102 = tpu.memref_squeeze %dma_wait3A_101 : memref<1x4x120xi32, #tpu.memory_space<hbm>> -> memref<4x120xi32, #tpu.memory_space<hbm>>
      %dma_wait3A_103 = arith.constant 0 : i32
      %dma_wait3A_104 = arith.constant 0 : i32
      %dma_wait3A_105 = tpu.memref_slice %arg7[%run_scoped3A, %dma_wait3A_103, %dma_wait3A_104] : memref<3x4x120xi32, #tpu.memory_space<vmem>> -> memref<1x4x120xi32, #tpu.memory_space<vmem>>
      %dma_wait3A_106 = tpu.memref_squeeze %dma_wait3A_105 : memref<1x4x120xi32, #tpu.memory_space<vmem>> -> memref<4x120xi32, #tpu.memory_space<vmem>>
      %dma_wait3A_107 = arith.constant 0 : i32
      %dma_wait3A_108 = arith.constant 0 : i32
      %dma_wait3A_109 = tpu.memref_slice %arg4[%add3A, %dma_wait3A_107, %dma_wait3A_108] : memref<32x84x120xi32, #tpu.memory_space<hbm>> -> memref<1x4x120xi32, #tpu.memory_space<hbm>>
      %dma_wait3A_110 = tpu.memref_squeeze %dma_wait3A_109 : memref<1x4x120xi32, #tpu.memory_space<hbm>> -> memref<4x120xi32, #tpu.memory_space<hbm>>
      tpu.wait_dma2 semaphore(%run_scoped3A_78 : memref<!tpu.dma_semaphore, #tpu.memory_space<semaphore_mem>>) src(%dma_wait3A_110 : memref<4x120xi32, #tpu.memory_space<hbm>>) dst(%dma_wait3A_106 : memref<4x120xi32, #tpu.memory_space<vmem>>)
      tpu.yield
    }) : () -> ()
    %run_scoped3A_11 = arith.constant 0 : i32
    "tpu.region"() ({
      %run_scoped3A_78 = tpu.sem_alloc : memref<!tpu.dma_semaphore, #tpu.memory_space<semaphore_mem>>
      %dma_start3A_79 = arith.constant 0 : i32
      %dma_start3A_80 = arith.constant 0 : i32
      %dma_start3A_81 = tpu.memref_slice %arg8[%run_scoped3A_11, %dma_start3A_79, %dma_start3A_80] : memref<3x4x120xi32, #tpu.memory_space<vmem>> -> memref<1x4x120xi32, #tpu.memory_space<vmem>>
      %dma_start3A_82 = tpu.memref_squeeze %dma_start3A_81 : memref<1x4x120xi32, #tpu.memory_space<vmem>> -> memref<4x120xi32, #tpu.memory_space<vmem>>
      %dma_start3A_83 = arith.constant 0 : i32
      %dma_start3A_84 = arith.constant 0 : i32
      %dma_start3A_85 = tpu.memref_slice %arg5[%add3A, %dma_start3A_83, %dma_start3A_84] : memref<32x84x120xi32, #tpu.memory_space<hbm>> -> memref<1x4x120xi32, #tpu.memory_space<hbm>>
      %dma_start3A_86 = tpu.memref_squeeze %dma_start3A_85 : memref<1x4x120xi32, #tpu.memory_space<hbm>> -> memref<4x120xi32, #tpu.memory_space<hbm>>
      %dma_start3A_87 = arith.constant 0 : i32
      %dma_start3A_88 = arith.constant 0 : i32
      %dma_start3A_89 = tpu.memref_slice %arg8[%run_scoped3A_11, %dma_start3A_87, %dma_start3A_88] : memref<3x4x120xi32, #tpu.memory_space<vmem>> -> memref<1x4x120xi32, #tpu.memory_space<vmem>>
      %dma_start3A_90 = tpu.memref_squeeze %dma_start3A_89 : memref<1x4x120xi32, #tpu.memory_space<vmem>> -> memref<4x120xi32, #tpu.memory_space<vmem>>
      %dma_start3A_91 = arith.constant 0 : i32
      %dma_start3A_92 = arith.constant 0 : i32
      %dma_start3A_93 = tpu.memref_slice %arg5[%add3A, %dma_start3A_91, %dma_start3A_92] : memref<32x84x120xi32, #tpu.memory_space<hbm>> -> memref<1x4x120xi32, #tpu.memory_space<hbm>>
      %dma_start3A_94 = tpu.memref_squeeze %dma_start3A_93 : memref<1x4x120xi32, #tpu.memory_space<hbm>> -> memref<4x120xi32, #tpu.memory_space<hbm>>
      tpu.enqueue_dma source(%dma_start3A_94 : memref<4x120xi32, #tpu.memory_space<hbm>>) target(%dma_start3A_90 : memref<4x120xi32, #tpu.memory_space<vmem>>) target_semaphore(%run_scoped3A_78 : memref<!tpu.dma_semaphore, #tpu.memory_space<semaphore_mem>>)
      %dma_wait3A_95 = arith.constant 0 : i32
      %dma_wait3A_96 = arith.constant 0 : i32
      %dma_wait3A_97 = tpu.memref_slice %arg8[%run_scoped3A_11, %dma_wait3A_95, %dma_wait3A_96] : memref<3x4x120xi32, #tpu.memory_space<vmem>> -> memref<1x4x120xi32, #tpu.memory_space<vmem>>
      %dma_wait3A_98 = tpu.memref_squeeze %dma_wait3A_97 : memref<1x4x120xi32, #tpu.memory_space<vmem>> -> memref<4x120xi32, #tpu.memory_space<vmem>>
      %dma_wait3A_99 = arith.constant 0 : i32
      %dma_wait3A_100 = arith.constant 0 : i32
      %dma_wait3A_101 = tpu.memref_slice %arg5[%add3A, %dma_wait3A_99, %dma_wait3A_100] : memref<32x84x120xi32, #tpu.memory_space<hbm>> -> memref<1x4x120xi32, #tpu.memory_space<hbm>>
      %dma_wait3A_102 = tpu.memref_squeeze %dma_wait3A_101 : memref<1x4x120xi32, #tpu.memory_space<hbm>> -> memref<4x120xi32, #tpu.memory_space<hbm>>
      %dma_wait3A_103 = arith.constant 0 : i32
      %dma_wait3A_104 = arith.constant 0 : i32
      %dma_wait3A_105 = tpu.memref_slice %arg8[%run_scoped3A_11, %dma_wait3A_103, %dma_wait3A_104] : memref<3x4x120xi32, #tpu.memory_space<vmem>> -> memref<1x4x120xi32, #tpu.memory_space<vmem>>
      %dma_wait3A_106 = tpu.memref_squeeze %dma_wait3A_105 : memref<1x4x120xi32, #tpu.memory_space<vmem>> -> memref<4x120xi32, #tpu.memory_space<vmem>>
      %dma_wait3A_107 = arith.constant 0 : i32
      %dma_wait3A_108 = arith.constant 0 : i32
      %dma_wait3A_109 = tpu.memref_slice %arg5[%add3A, %dma_wait3A_107, %dma_wait3A_108] : memref<32x84x120xi32, #tpu.memory_space<hbm>> -> memref<1x4x120xi32, #tpu.memory_space<hbm>>
      %dma_wait3A_110 = tpu.memref_squeeze %dma_wait3A_109 : memref<1x4x120xi32, #tpu.memory_space<hbm>> -> memref<4x120xi32, #tpu.memory_space<hbm>>
      tpu.wait_dma2 semaphore(%run_scoped3A_78 : memref<!tpu.dma_semaphore, #tpu.memory_space<semaphore_mem>>) src(%dma_wait3A_110 : memref<4x120xi32, #tpu.memory_space<hbm>>) dst(%dma_wait3A_106 : memref<4x120xi32, #tpu.memory_space<vmem>>)
      tpu.yield
    }) : () -> ()
    %run_scoped3A_12 = arith.constant 1 : i32
    "tpu.region"() ({
      %run_scoped3A_78 = tpu.sem_alloc : memref<!tpu.dma_semaphore, #tpu.memory_space<semaphore_mem>>
      %dma_start3A_79 = arith.constant 0 : i32
      %dma_start3A_80 = arith.constant 0 : i32
      %dma_start3A_81 = tpu.memref_slice %arg7[%run_scoped3A_12, %dma_start3A_79, %dma_start3A_80] : memref<3x4x120xi32, #tpu.memory_space<vmem>> -> memref<1x4x120xi32, #tpu.memory_space<vmem>>
      %dma_start3A_82 = tpu.memref_squeeze %dma_start3A_81 : memref<1x4x120xi32, #tpu.memory_space<vmem>> -> memref<4x120xi32, #tpu.memory_space<vmem>>
      %dma_start3A_83 = arith.constant 4 : i32
      %dma_start3A_84 = arith.constant 0 : i32
      %dma_start3A_85 = tpu.memref_slice %arg4[%add3A, %dma_start3A_83, %dma_start3A_84] : memref<32x84x120xi32, #tpu.memory_space<hbm>> -> memref<1x4x120xi32, #tpu.memory_space<hbm>>
      %dma_start3A_86 = tpu.memref_squeeze %dma_start3A_85 : memref<1x4x120xi32, #tpu.memory_space<hbm>> -> memref<4x120xi32, #tpu.memory_space<hbm>>
      %dma_start3A_87 = arith.constant 0 : i32
      %dma_start3A_88 = arith.constant 0 : i32
      %dma_start3A_89 = tpu.memref_slice %arg7[%run_scoped3A_12, %dma_start3A_87, %dma_start3A_88] : memref<3x4x120xi32, #tpu.memory_space<vmem>> -> memref<1x4x120xi32, #tpu.memory_space<vmem>>
      %dma_start3A_90 = tpu.memref_squeeze %dma_start3A_89 : memref<1x4x120xi32, #tpu.memory_space<vmem>> -> memref<4x120xi32, #tpu.memory_space<vmem>>
      %dma_start3A_91 = arith.constant 4 : i32
      %dma_start3A_92 = arith.constant 0 : i32
      %dma_start3A_93 = tpu.memref_slice %arg4[%add3A, %dma_start3A_91, %dma_start3A_92] : memref<32x84x120xi32, #tpu.memory_space<hbm>> -> memref<1x4x120xi32, #tpu.memory_space<hbm>>
      %dma_start3A_94 = tpu.memref_squeeze %dma_start3A_93 : memref<1x4x120xi32, #tpu.memory_space<hbm>> -> memref<4x120xi32, #tpu.memory_space<hbm>>
      tpu.enqueue_dma source(%dma_start3A_94 : memref<4x120xi32, #tpu.memory_space<hbm>>) target(%dma_start3A_90 : memref<4x120xi32, #tpu.memory_space<vmem>>) target_semaphore(%run_scoped3A_78 : memref<!tpu.dma_semaphore, #tpu.memory_space<semaphore_mem>>)
      %dma_wait3A_95 = arith.constant 0 : i32
      %dma_wait3A_96 = arith.constant 0 : i32
      %dma_wait3A_97 = tpu.memref_slice %arg7[%run_scoped3A_12, %dma_wait3A_95, %dma_wait3A_96] : memref<3x4x120xi32, #tpu.memory_space<vmem>> -> memref<1x4x120xi32, #tpu.memory_space<vmem>>
      %dma_wait3A_98 = tpu.memref_squeeze %dma_wait3A_97 : memref<1x4x120xi32, #tpu.memory_space<vmem>> -> memref<4x120xi32, #tpu.memory_space<vmem>>
      %dma_wait3A_99 = arith.constant 4 : i32
      %dma_wait3A_100 = arith.constant 0 : i32
      %dma_wait3A_101 = tpu.memref_slice %arg4[%add3A, %dma_wait3A_99, %dma_wait3A_100] : memref<32x84x120xi32, #tpu.memory_space<hbm>> -> memref<1x4x120xi32, #tpu.memory_space<hbm>>
      %dma_wait3A_102 = tpu.memref_squeeze %dma_wait3A_101 : memref<1x4x120xi32, #tpu.memory_space<hbm>> -> memref<4x120xi32, #tpu.memory_space<hbm>>
      %dma_wait3A_103 = arith.constant 0 : i32
      %dma_wait3A_104 = arith.constant 0 : i32
      %dma_wait3A_105 = tpu.memref_slice %arg7[%run_scoped3A_12, %dma_wait3A_103, %dma_wait3A_104] : memref<3x4x120xi32, #tpu.memory_space<vmem>> -> memref<1x4x120xi32, #tpu.memory_space<vmem>>
      %dma_wait3A_106 = tpu.memref_squeeze %dma_wait3A_105 : memref<1x4x120xi32, #tpu.memory_space<vmem>> -> memref<4x120xi32, #tpu.memory_space<vmem>>
      %dma_wait3A_107 = arith.constant 4 : i32
      %dma_wait3A_108 = arith.constant 0 : i32
      %dma_wait3A_109 = tpu.memref_slice %arg4[%add3A, %dma_wait3A_107, %dma_wait3A_108] : memref<32x84x120xi32, #tpu.memory_space<hbm>> -> memref<1x4x120xi32, #tpu.memory_space<hbm>>
      %dma_wait3A_110 = tpu.memref_squeeze %dma_wait3A_109 : memref<1x4x120xi32, #tpu.memory_space<hbm>> -> memref<4x120xi32, #tpu.memory_space<hbm>>
      tpu.wait_dma2 semaphore(%run_scoped3A_78 : memref<!tpu.dma_semaphore, #tpu.memory_space<semaphore_mem>>) src(%dma_wait3A_110 : memref<4x120xi32, #tpu.memory_space<hbm>>) dst(%dma_wait3A_106 : memref<4x120xi32, #tpu.memory_space<vmem>>)
      tpu.yield
    }) : () -> ()
    %run_scoped3A_13 = arith.constant 1 : i32
    "tpu.region"() ({
      %run_scoped3A_78 = tpu.sem_alloc : memref<!tpu.dma_semaphore, #tpu.memory_space<semaphore_mem>>
      %dma_start3A_79 = arith.constant 0 : i32
      %dma_start3A_80 = arith.constant 0 : i32
      %dma_start3A_81 = tpu.memref_slice %arg8[%run_scoped3A_13, %dma_start3A_79, %dma_start3A_80] : memref<3x4x120xi32, #tpu.memory_space<vmem>> -> memref<1x4x120xi32, #tpu.memory_space<vmem>>
      %dma_start3A_82 = tpu.memref_squeeze %dma_start3A_81 : memref<1x4x120xi32, #tpu.memory_space<vmem>> -> memref<4x120xi32, #tpu.memory_space<vmem>>
      %dma_start3A_83 = arith.constant 4 : i32
      %dma_start3A_84 = arith.constant 0 : i32
      %dma_start3A_85 = tpu.memref_slice %arg5[%add3A, %dma_start3A_83, %dma_start3A_84] : memref<32x84x120xi32, #tpu.memory_space<hbm>> -> memref<1x4x120xi32, #tpu.memory_space<hbm>>
      %dma_start3A_86 = tpu.memref_squeeze %dma_start3A_85 : memref<1x4x120xi32, #tpu.memory_space<hbm>> -> memref<4x120xi32, #tpu.memory_space<hbm>>
      %dma_start3A_87 = arith.constant 0 : i32
      %dma_start3A_88 = arith.constant 0 : i32
      %dma_start3A_89 = tpu.memref_slice %arg8[%run_scoped3A_13, %dma_start3A_87, %dma_start3A_88] : memref<3x4x120xi32, #tpu.memory_space<vmem>> -> memref<1x4x120xi32, #tpu.memory_space<vmem>>
      %dma_start3A_90 = tpu.memref_squeeze %dma_start3A_89 : memref<1x4x120xi32, #tpu.memory_space<vmem>> -> memref<4x120xi32, #tpu.memory_space<vmem>>
      %dma_start3A_91 = arith.constant 4 : i32
      %dma_start3A_92 = arith.constant 0 : i32
      %dma_start3A_93 = tpu.memref_slice %arg5[%add3A, %dma_start3A_91, %dma_start3A_92] : memref<32x84x120xi32, #tpu.memory_space<hbm>> -> memref<1x4x120xi32, #tpu.memory_space<hbm>>
      %dma_start3A_94 = tpu.memref_squeeze %dma_start3A_93 : memref<1x4x120xi32, #tpu.memory_space<hbm>> -> memref<4x120xi32, #tpu.memory_space<hbm>>
      tpu.enqueue_dma source(%dma_start3A_94 : memref<4x120xi32, #tpu.memory_space<hbm>>) target(%dma_start3A_90 : memref<4x120xi32, #tpu.memory_space<vmem>>) target_semaphore(%run_scoped3A_78 : memref<!tpu.dma_semaphore, #tpu.memory_space<semaphore_mem>>)
      %dma_wait3A_95 = arith.constant 0 : i32
      %dma_wait3A_96 = arith.constant 0 : i32
      %dma_wait3A_97 = tpu.memref_slice %arg8[%run_scoped3A_13, %dma_wait3A_95, %dma_wait3A_96] : memref<3x4x120xi32, #tpu.memory_space<vmem>> -> memref<1x4x120xi32, #tpu.memory_space<vmem>>
      %dma_wait3A_98 = tpu.memref_squeeze %dma_wait3A_97 : memref<1x4x120xi32, #tpu.memory_space<vmem>> -> memref<4x120xi32, #tpu.memory_space<vmem>>
      %dma_wait3A_99 = arith.constant 4 : i32
      %dma_wait3A_100 = arith.constant 0 : i32
      %dma_wait3A_101 = tpu.memref_slice %arg5[%add3A, %dma_wait3A_99, %dma_wait3A_100] : memref<32x84x120xi32, #tpu.memory_space<hbm>> -> memref<1x4x120xi32, #tpu.memory_space<hbm>>
      %dma_wait3A_102 = tpu.memref_squeeze %dma_wait3A_101 : memref<1x4x120xi32, #tpu.memory_space<hbm>> -> memref<4x120xi32, #tpu.memory_space<hbm>>
      %dma_wait3A_103 = arith.constant 0 : i32
      %dma_wait3A_104 = arith.constant 0 : i32
      %dma_wait3A_105 = tpu.memref_slice %arg8[%run_scoped3A_13, %dma_wait3A_103, %dma_wait3A_104] : memref<3x4x120xi32, #tpu.memory_space<vmem>> -> memref<1x4x120xi32, #tpu.memory_space<vmem>>
      %dma_wait3A_106 = tpu.memref_squeeze %dma_wait3A_105 : memref<1x4x120xi32, #tpu.memory_space<vmem>> -> memref<4x120xi32, #tpu.memory_space<vmem>>
      %dma_wait3A_107 = arith.constant 4 : i32
      %dma_wait3A_108 = arith.constant 0 : i32
      %dma_wait3A_109 = tpu.memref_slice %arg5[%add3A, %dma_wait3A_107, %dma_wait3A_108] : memref<32x84x120xi32, #tpu.memory_space<hbm>> -> memref<1x4x120xi32, #tpu.memory_space<hbm>>
      %dma_wait3A_110 = tpu.memref_squeeze %dma_wait3A_109 : memref<1x4x120xi32, #tpu.memory_space<hbm>> -> memref<4x120xi32, #tpu.memory_space<hbm>>
      tpu.wait_dma2 semaphore(%run_scoped3A_78 : memref<!tpu.dma_semaphore, #tpu.memory_space<semaphore_mem>>) src(%dma_wait3A_110 : memref<4x120xi32, #tpu.memory_space<hbm>>) dst(%dma_wait3A_106 : memref<4x120xi32, #tpu.memory_space<vmem>>)
      tpu.yield
    }) : () -> ()
    %dma_wait3A = arith.constant 2 : i32
    %dma_wait3A_14 = tpu.memref_slice %arg13[%dma_wait3A] : memref<3x!tpu.dma_semaphore, #tpu.memory_space<semaphore_mem>> -> memref<1x!tpu.dma_semaphore, #tpu.memory_space<semaphore_mem>>
    %dma_wait3A_15 = tpu.memref_squeeze %dma_wait3A_14 : memref<1x!tpu.dma_semaphore, #tpu.memory_space<semaphore_mem>> -> memref<!tpu.dma_semaphore, #tpu.memory_space<semaphore_mem>>
    %dma_wait3A_16 = arith.constant 0 : i32
    %dma_wait3A_17 = tpu.memref_slice %arg10[%mul3A_4, %dma_wait3A_16] : memref<10112x128xf32, #tpu.memory_space<vmem_shared>> -> memref<632x128xf32, #tpu.memory_space<vmem_shared>>
    %dma_wait3A_18 = arith.constant 0 : i32
    %dma_wait3A_19 = tpu.memref_slice %arg3[%mul3A_2, %dma_wait3A_18] : memref<10112x128xf32, #tpu.memory_space<hbm>> -> memref<632x128xf32, #tpu.memory_space<hbm>>
    tpu.wait_dma2 semaphore(%dma_wait3A_15 : memref<!tpu.dma_semaphore, #tpu.memory_space<semaphore_mem>>) src(%dma_wait3A_19 : memref<632x128xf32, #tpu.memory_space<hbm>>) dst(%dma_wait3A_17 : memref<632x128xf32, #tpu.memory_space<vmem_shared>>)
    %barrier3A = arith.constant 0 : index
    tpu.barrier barrier_id(%barrier3A)
    %dma_start3A_20 = arith.constant 0 : i32
    %dma_start3A_21 = arith.constant 0 : i32
    %dma_start3A_22 = arith.constant 0 : i32
    %dma_start3A_23 = arith.constant 0 : i32
    %dma_start3A_24 = arith.constant 0 : i32
    %dma_start3A_25 = arith.constant 0 : i32
    %dma_start3A_26 = tpu.memref_slice %arg9[%dma_start3A_22, %dma_start3A_24, %dma_start3A_25] : memref<3x120x128xf32, #tpu.memory_space<vmem>> -> memref<1x120x128xf32, #tpu.memory_space<vmem>>
    %dma_start3A_27 = tpu.memref_squeeze %dma_start3A_26 : memref<1x120x128xf32, #tpu.memory_space<vmem>> -> memref<120x128xf32, #tpu.memory_space<vmem>>
    %dma_start3A_28 = arith.constant 0 : i32
    %dma_start3A_29 = tpu.memref_slice %arg7[%dma_start3A_20, %dma_start3A_21, %dma_start3A_28] : memref<3x4x120xi32, #tpu.memory_space<vmem>> -> memref<1x1x120xi32, #tpu.memory_space<vmem>>
    %dma_start3A_30 = tpu.memref_squeeze %dma_start3A_29 : memref<1x1x120xi32, #tpu.memory_space<vmem>> -> memref<120xi32, #tpu.memory_space<vmem>>
    %dma_start3A_31 = arith.constant 0 : i32
    %dma_start3A_32 = arith.constant 0 : i32
    %dma_start3A_33 = tpu.memref_slice %arg2[%dma_start3A_31, %dma_start3A_32] : memref<10112x128xf32, #tpu.memory_space<hbm>> -> memref<10112x128xf32, #tpu.memory_space<hbm>>
    %dma_start3A_34 = tpu.memref_slice %arg11[%dma_start3A_23] : memref<3x!tpu.dma_semaphore, #tpu.memory_space<semaphore_mem>> -> memref<1x!tpu.dma_semaphore, #tpu.memory_space<semaphore_mem>>
    %dma_start3A_35 = tpu.memref_squeeze %dma_start3A_34 : memref<1x!tpu.dma_semaphore, #tpu.memory_space<semaphore_mem>> -> memref<!tpu.dma_semaphore, #tpu.memory_space<semaphore_mem>>
    tpu.enqueue_indirect_dma source(%dma_start3A_33 : memref<10112x128xf32, #tpu.memory_space<hbm>>) target(%dma_start3A_27 : memref<120x128xf32, #tpu.memory_space<vmem>>) offsets(%dma_start3A_30 : memref<120xi32, #tpu.memory_space<vmem>>) semaphore(%dma_start3A_35 : memref<!tpu.dma_semaphore, #tpu.memory_space<semaphore_mem>>)
    %dma_start3A_36 = arith.constant 0 : i32
    %dma_start3A_37 = arith.constant 1 : i32
    %dma_start3A_38 = arith.constant 1 : i32
    %dma_start3A_39 = arith.constant 1 : i32
    %dma_start3A_40 = arith.constant 0 : i32
    %dma_start3A_41 = arith.constant 0 : i32
    %dma_start3A_42 = tpu.memref_slice %arg9[%dma_start3A_38, %dma_start3A_40, %dma_start3A_41] : memref<3x120x128xf32, #tpu.memory_space<vmem>> -> memref<1x120x128xf32, #tpu.memory_space<vmem>>
    %dma_start3A_43 = tpu.memref_squeeze %dma_start3A_42 : memref<1x120x128xf32, #tpu.memory_space<vmem>> -> memref<120x128xf32, #tpu.memory_space<vmem>>
    %dma_start3A_44 = arith.constant 0 : i32
    %dma_start3A_45 = tpu.memref_slice %arg7[%dma_start3A_36, %dma_start3A_37, %dma_start3A_44] : memref<3x4x120xi32, #tpu.memory_space<vmem>> -> memref<1x1x120xi32, #tpu.memory_space<vmem>>
    %dma_start3A_46 = tpu.memref_squeeze %dma_start3A_45 : memref<1x1x120xi32, #tpu.memory_space<vmem>> -> memref<120xi32, #tpu.memory_space<vmem>>
    %dma_start3A_47 = arith.constant 0 : i32
    %dma_start3A_48 = arith.constant 0 : i32
    %dma_start3A_49 = tpu.memref_slice %arg2[%dma_start3A_47, %dma_start3A_48] : memref<10112x128xf32, #tpu.memory_space<hbm>> -> memref<10112x128xf32, #tpu.memory_space<hbm>>
    %dma_start3A_50 = tpu.memref_slice %arg11[%dma_start3A_39] : memref<3x!tpu.dma_semaphore, #tpu.memory_space<semaphore_mem>> -> memref<1x!tpu.dma_semaphore, #tpu.memory_space<semaphore_mem>>
    %dma_start3A_51 = tpu.memref_squeeze %dma_start3A_50 : memref<1x!tpu.dma_semaphore, #tpu.memory_space<semaphore_mem>> -> memref<!tpu.dma_semaphore, #tpu.memory_space<semaphore_mem>>
    tpu.enqueue_indirect_dma source(%dma_start3A_49 : memref<10112x128xf32, #tpu.memory_space<hbm>>) target(%dma_start3A_43 : memref<120x128xf32, #tpu.memory_space<vmem>>) offsets(%dma_start3A_46 : memref<120xi32, #tpu.memory_space<vmem>>) semaphore(%dma_start3A_51 : memref<!tpu.dma_semaphore, #tpu.memory_space<semaphore_mem>>)
    %scan3A = arith.constant 0 : i32
    %scan3A_52 = arith.constant 0 : i32
    %scan3A_53 = arith.constant 84 : i32
    %scan3A_54 = arith.addi %scan3A_52, %scan3A_53 : i32
    %scan3A_55 = arith.constant 1 : i32
    scf.for %scan3A_78 = %scan3A_52 to %scan3A_54 step %scan3A_55  : i32 {
      %rem3A = arith.constant 3 : i32
      %rem3A_79 = arith.remsi %scan3A_78, %rem3A : i32
      %div3A = arith.constant 4 : i32
      %div3A_80 = arith.divsi %scan3A_78, %div3A : i32
      %rem3A_81 = arith.constant 4 : i32
      %rem3A_82 = arith.remsi %scan3A_78, %rem3A_81 : i32
      %rem3A_83 = arith.constant 3 : i32
      %rem3A_84 = arith.remsi %div3A_80, %rem3A_83 : i32
      %dma_wait3A_85 = arith.constant 0 : i32
      %dma_wait3A_86 = arith.constant 0 : i32
      %dma_wait3A_87 = tpu.memref_slice %arg9[%rem3A_79, %dma_wait3A_85, %dma_wait3A_86] : memref<3x120x128xf32, #tpu.memory_space<vmem>> -> memref<1x120x128xf32, #tpu.memory_space<vmem>>
      %dma_wait3A_88 = tpu.memref_squeeze %dma_wait3A_87 : memref<1x120x128xf32, #tpu.memory_space<vmem>> -> memref<120x128xf32, #tpu.memory_space<vmem>>
      %dma_wait3A_89 = arith.constant 0 : i32
      %dma_wait3A_90 = tpu.memref_slice %arg7[%rem3A_84, %rem3A_82, %dma_wait3A_89] : memref<3x4x120xi32, #tpu.memory_space<vmem>> -> memref<1x1x120xi32, #tpu.memory_space<vmem>>
      %dma_wait3A_91 = tpu.memref_squeeze %dma_wait3A_90 : memref<1x1x120xi32, #tpu.memory_space<vmem>> -> memref<120xi32, #tpu.memory_space<vmem>>
      %dma_wait3A_92 = arith.constant 0 : i32
      %dma_wait3A_93 = arith.constant 0 : i32
      %dma_wait3A_94 = tpu.memref_slice %arg2[%dma_wait3A_92, %dma_wait3A_93] : memref<10112x128xf32, #tpu.memory_space<hbm>> -> memref<10112x128xf32, #tpu.memory_space<hbm>>
      %dma_wait3A_95 = tpu.memref_slice %arg11[%rem3A_79] : memref<3x!tpu.dma_semaphore, #tpu.memory_space<semaphore_mem>> -> memref<1x!tpu.dma_semaphore, #tpu.memory_space<semaphore_mem>>
      %dma_wait3A_96 = tpu.memref_squeeze %dma_wait3A_95 : memref<1x!tpu.dma_semaphore, #tpu.memory_space<semaphore_mem>> -> memref<!tpu.dma_semaphore, #tpu.memory_space<semaphore_mem>>
      tpu.wait_indirect_dma semaphore(%dma_wait3A_96 : memref<!tpu.dma_semaphore, #tpu.memory_space<semaphore_mem>>) src(%dma_wait3A_94 : memref<10112x128xf32, #tpu.memory_space<hbm>>) dst(%dma_wait3A_88 : memref<120x128xf32, #tpu.memory_space<vmem>>)
      %dma_start3A_97 = arith.constant 0 : i32
      %dma_start3A_98 = arith.constant 0 : i32
      %dma_start3A_99 = tpu.memref_slice %arg9[%rem3A_79, %dma_start3A_97, %dma_start3A_98] : memref<3x120x128xf32, #tpu.memory_space<vmem>> -> memref<1x120x128xf32, #tpu.memory_space<vmem>>
      %dma_start3A_100 = tpu.memref_squeeze %dma_start3A_99 : memref<1x120x128xf32, #tpu.memory_space<vmem>> -> memref<120x128xf32, #tpu.memory_space<vmem>>
      %dma_start3A_101 = arith.constant 0 : i32
      %dma_start3A_102 = tpu.memref_slice %arg8[%rem3A_84, %rem3A_82, %dma_start3A_101] : memref<3x4x120xi32, #tpu.memory_space<vmem>> -> memref<1x1x120xi32, #tpu.memory_space<vmem>>
      %dma_start3A_103 = tpu.memref_squeeze %dma_start3A_102 : memref<1x1x120xi32, #tpu.memory_space<vmem>> -> memref<120xi32, #tpu.memory_space<vmem>>
      %dma_start3A_104 = arith.constant 0 : i32
      %dma_start3A_105 = arith.constant 0 : i32
      %dma_start3A_106 = tpu.memref_slice %arg10[%dma_start3A_104, %dma_start3A_105] : memref<10112x128xf32, #tpu.memory_space<vmem_shared>> -> memref<10112x128xf32, #tpu.memory_space<vmem_shared>>
      %dma_start3A_107 = tpu.memref_slice %arg12[%rem3A_79] : memref<3x!tpu.dma_semaphore, #tpu.memory_space<semaphore_mem>> -> memref<1x!tpu.dma_semaphore, #tpu.memory_space<semaphore_mem>>
      %dma_start3A_108 = tpu.memref_squeeze %dma_start3A_107 : memref<1x!tpu.dma_semaphore, #tpu.memory_space<semaphore_mem>> -> memref<!tpu.dma_semaphore, #tpu.memory_space<semaphore_mem>>
      tpu.enqueue_indirect_dma source(%dma_start3A_100 : memref<120x128xf32, #tpu.memory_space<vmem>>) target(%dma_start3A_106 : memref<10112x128xf32, #tpu.memory_space<vmem_shared>>) offsets(%dma_start3A_103 : memref<120xi32, #tpu.memory_space<vmem>>) semaphore(%dma_start3A_108 : memref<!tpu.dma_semaphore, #tpu.memory_space<semaphore_mem>>) {add = true}
      %ge3A = arith.constant 1 : i32
      %ge3A_109 = arith.cmpi sge, %scan3A_78, %ge3A : i32
      %convert_element_type3A = arith.extui %ge3A_109 : i1 to i32
      %cond3A = arith.constant 0 : i32
      %cond3A_110 = arith.cmpi ne, %convert_element_type3A, %cond3A : i32
      scf.if %cond3A_110 {
        %sub3A_118 = arith.constant 1 : i32
        %sub3A_119 = arith.subi %scan3A_78, %sub3A_118 : i32
        %rem3A_120 = arith.constant 3 : i32
        %rem3A_121 = arith.remsi %sub3A_119, %rem3A_120 : i32
        %div3A_122 = arith.constant 4 : i32
        %div3A_123 = arith.divsi %sub3A_119, %div3A_122 : i32
        %rem3A_124 = arith.constant 3 : i32
        %rem3A_125 = arith.remsi %div3A_123, %rem3A_124 : i32
        %rem3A_126 = arith.constant 4 : i32
        %rem3A_127 = arith.remsi %sub3A_119, %rem3A_126 : i32
        %dma_wait3A_128 = arith.constant 0 : i32
        %dma_wait3A_129 = arith.constant 0 : i32
        %dma_wait3A_130 = tpu.memref_slice %arg9[%rem3A_121, %dma_wait3A_128, %dma_wait3A_129] : memref<3x120x128xf32, #tpu.memory_space<vmem>> -> memref<1x120x128xf32, #tpu.memory_space<vmem>>
        %dma_wait3A_131 = tpu.memref_squeeze %dma_wait3A_130 : memref<1x120x128xf32, #tpu.memory_space<vmem>> -> memref<120x128xf32, #tpu.memory_space<vmem>>
        %dma_wait3A_132 = arith.constant 0 : i32
        %dma_wait3A_133 = tpu.memref_slice %arg8[%rem3A_125, %rem3A_127, %dma_wait3A_132] : memref<3x4x120xi32, #tpu.memory_space<vmem>> -> memref<1x1x120xi32, #tpu.memory_space<vmem>>
        %dma_wait3A_134 = tpu.memref_squeeze %dma_wait3A_133 : memref<1x1x120xi32, #tpu.memory_space<vmem>> -> memref<120xi32, #tpu.memory_space<vmem>>
        %dma_wait3A_135 = arith.constant 0 : i32
        %dma_wait3A_136 = arith.constant 0 : i32
        %dma_wait3A_137 = tpu.memref_slice %arg10[%dma_wait3A_135, %dma_wait3A_136] : memref<10112x128xf32, #tpu.memory_space<vmem_shared>> -> memref<10112x128xf32, #tpu.memory_space<vmem_shared>>
        %dma_wait3A_138 = tpu.memref_slice %arg12[%rem3A_121] : memref<3x!tpu.dma_semaphore, #tpu.memory_space<semaphore_mem>> -> memref<1x!tpu.dma_semaphore, #tpu.memory_space<semaphore_mem>>
        %dma_wait3A_139 = tpu.memref_squeeze %dma_wait3A_138 : memref<1x!tpu.dma_semaphore, #tpu.memory_space<semaphore_mem>> -> memref<!tpu.dma_semaphore, #tpu.memory_space<semaphore_mem>>
        tpu.wait_indirect_dma semaphore(%dma_wait3A_139 : memref<!tpu.dma_semaphore, #tpu.memory_space<semaphore_mem>>) src(%dma_wait3A_131 : memref<120x128xf32, #tpu.memory_space<vmem>>) dst(%dma_wait3A_137 : memref<10112x128xf32, #tpu.memory_space<vmem_shared>>)
      } else {
      }
      %add3A_111 = arith.constant 3 : i32
      %add3A_112 = arith.addi %scan3A_78, %add3A_111 : i32
      %sub3A = arith.constant 1 : i32
      %sub3A_113 = arith.subi %add3A_112, %sub3A : i32
      %lt3A = arith.constant 84 : i32
      %lt3A_114 = arith.cmpi slt, %sub3A_113, %lt3A : i32
      %convert_element_type3A_115 = arith.extui %lt3A_114 : i1 to i32
      %cond3A_116 = arith.constant 0 : i32
      %cond3A_117 = arith.cmpi ne, %convert_element_type3A_115, %cond3A_116 : i32
      scf.if %cond3A_117 {
        %div3A_118 = arith.constant 4 : i32
        %div3A_119 = arith.divsi %sub3A_113, %div3A_118 : i32
        %rem3A_120 = arith.constant 3 : i32
        %rem3A_121 = arith.remsi %div3A_119, %rem3A_120 : i32
        %rem3A_122 = arith.constant 4 : i32
        %rem3A_123 = arith.remsi %sub3A_113, %rem3A_122 : i32
        %eq3A = arith.constant 0 : i32
        %eq3A_124 = arith.cmpi eq, %rem3A_123, %eq3A : i32
        %ge3A_125 = arith.constant 2 : i32
        %ge3A_126 = arith.cmpi sge, %div3A_119, %ge3A_125 : i32
        %and3A = arith.andi %eq3A_124, %ge3A_126 : i1
        %convert_element_type3A_127 = arith.extui %and3A : i1 to i32
        %cond3A_128 = arith.constant 0 : i32
        %cond3A_129 = arith.cmpi ne, %convert_element_type3A_127, %cond3A_128 : i32
        scf.if %cond3A_129 {
          %mul3A_160 = arith.constant 4 : i32
          %mul3A_161 = arith.muli %div3A_119, %mul3A_160 : i32
          %dma_wait3A_162 = arith.constant 0 : i32
          %dma_wait3A_163 = arith.constant 0 : i32
          %dma_wait3A_164 = tpu.memref_slice %arg7[%rem3A_121, %dma_wait3A_162, %dma_wait3A_163] : memref<3x4x120xi32, #tpu.memory_space<vmem>> -> memref<1x4x120xi32, #tpu.memory_space<vmem>>
          %dma_wait3A_165 = tpu.memref_squeeze %dma_wait3A_164 : memref<1x4x120xi32, #tpu.memory_space<vmem>> -> memref<4x120xi32, #tpu.memory_space<vmem>>
          %dma_wait3A_166 = arith.constant 0 : i32
          %dma_wait3A_167 = tpu.memref_slice %arg4[%add3A, %mul3A_161, %dma_wait3A_166] : memref<32x84x120xi32, #tpu.memory_space<hbm>> -> memref<1x4x120xi32, #tpu.memory_space<hbm>>
          %dma_wait3A_168 = tpu.memref_squeeze %dma_wait3A_167 : memref<1x4x120xi32, #tpu.memory_space<hbm>> -> memref<4x120xi32, #tpu.memory_space<hbm>>
          %dma_wait3A_169 = tpu.memref_slice %arg13[%rem3A_121] : memref<3x!tpu.dma_semaphore, #tpu.memory_space<semaphore_mem>> -> memref<1x!tpu.dma_semaphore, #tpu.memory_space<semaphore_mem>>
          %dma_wait3A_170 = tpu.memref_squeeze %dma_wait3A_169 : memref<1x!tpu.dma_semaphore, #tpu.memory_space<semaphore_mem>> -> memref<!tpu.dma_semaphore, #tpu.memory_space<semaphore_mem>>
          %dma_wait3A_171 = arith.constant 0 : i32
          %dma_wait3A_172 = arith.constant 0 : i32
          %dma_wait3A_173 = tpu.memref_slice %arg7[%rem3A_121, %dma_wait3A_171, %dma_wait3A_172] : memref<3x4x120xi32, #tpu.memory_space<vmem>> -> memref<1x4x120xi32, #tpu.memory_space<vmem>>
          %dma_wait3A_174 = tpu.memref_squeeze %dma_wait3A_173 : memref<1x4x120xi32, #tpu.memory_space<vmem>> -> memref<4x120xi32, #tpu.memory_space<vmem>>
          %dma_wait3A_175 = arith.constant 0 : i32
          %dma_wait3A_176 = tpu.memref_slice %arg4[%add3A, %mul3A_161, %dma_wait3A_175] : memref<32x84x120xi32, #tpu.memory_space<hbm>> -> memref<1x4x120xi32, #tpu.memory_space<hbm>>
          %dma_wait3A_177 = tpu.memref_squeeze %dma_wait3A_176 : memref<1x4x120xi32, #tpu.memory_space<hbm>> -> memref<4x120xi32, #tpu.memory_space<hbm>>
          tpu.wait_dma2 semaphore(%dma_wait3A_170 : memref<!tpu.dma_semaphore, #tpu.memory_space<semaphore_mem>>) src(%dma_wait3A_177 : memref<4x120xi32, #tpu.memory_space<hbm>>) dst(%dma_wait3A_174 : memref<4x120xi32, #tpu.memory_space<vmem>>)
          %mul3A_178 = arith.constant 4 : i32
          %mul3A_179 = arith.muli %div3A_119, %mul3A_178 : i32
          %dma_wait3A_180 = arith.constant 0 : i32
          %dma_wait3A_181 = arith.constant 0 : i32
          %dma_wait3A_182 = tpu.memref_slice %arg8[%rem3A_121, %dma_wait3A_180, %dma_wait3A_181] : memref<3x4x120xi32, #tpu.memory_space<vmem>> -> memref<1x4x120xi32, #tpu.memory_space<vmem>>
          %dma_wait3A_183 = tpu.memref_squeeze %dma_wait3A_182 : memref<1x4x120xi32, #tpu.memory_space<vmem>> -> memref<4x120xi32, #tpu.memory_space<vmem>>
          %dma_wait3A_184 = arith.constant 0 : i32
          %dma_wait3A_185 = tpu.memref_slice %arg5[%add3A, %mul3A_179, %dma_wait3A_184] : memref<32x84x120xi32, #tpu.memory_space<hbm>> -> memref<1x4x120xi32, #tpu.memory_space<hbm>>
          %dma_wait3A_186 = tpu.memref_squeeze %dma_wait3A_185 : memref<1x4x120xi32, #tpu.memory_space<hbm>> -> memref<4x120xi32, #tpu.memory_space<hbm>>
          %dma_wait3A_187 = tpu.memref_slice %arg14[%rem3A_121] : memref<3x!tpu.dma_semaphore, #tpu.memory_space<semaphore_mem>> -> memref<1x!tpu.dma_semaphore, #tpu.memory_space<semaphore_mem>>
          %dma_wait3A_188 = tpu.memref_squeeze %dma_wait3A_187 : memref<1x!tpu.dma_semaphore, #tpu.memory_space<semaphore_mem>> -> memref<!tpu.dma_semaphore, #tpu.memory_space<semaphore_mem>>
          %dma_wait3A_189 = arith.constant 0 : i32
          %dma_wait3A_190 = arith.constant 0 : i32
          %dma_wait3A_191 = tpu.memref_slice %arg8[%rem3A_121, %dma_wait3A_189, %dma_wait3A_190] : memref<3x4x120xi32, #tpu.memory_space<vmem>> -> memref<1x4x120xi32, #tpu.memory_space<vmem>>
          %dma_wait3A_192 = tpu.memref_squeeze %dma_wait3A_191 : memref<1x4x120xi32, #tpu.memory_space<vmem>> -> memref<4x120xi32, #tpu.memory_space<vmem>>
          %dma_wait3A_193 = arith.constant 0 : i32
          %dma_wait3A_194 = tpu.memref_slice %arg5[%add3A, %mul3A_179, %dma_wait3A_193] : memref<32x84x120xi32, #tpu.memory_space<hbm>> -> memref<1x4x120xi32, #tpu.memory_space<hbm>>
          %dma_wait3A_195 = tpu.memref_squeeze %dma_wait3A_194 : memref<1x4x120xi32, #tpu.memory_space<hbm>> -> memref<4x120xi32, #tpu.memory_space<hbm>>
          tpu.wait_dma2 semaphore(%dma_wait3A_188 : memref<!tpu.dma_semaphore, #tpu.memory_space<semaphore_mem>>) src(%dma_wait3A_195 : memref<4x120xi32, #tpu.memory_space<hbm>>) dst(%dma_wait3A_192 : memref<4x120xi32, #tpu.memory_space<vmem>>)
        } else {
        }
        %rem3A_130 = arith.constant 4 : i32
        %rem3A_131 = arith.remsi %sub3A_113, %rem3A_130 : i32
        %eq3A_132 = arith.constant 0 : i32
        %eq3A_133 = arith.cmpi eq, %rem3A_131, %eq3A_132 : i32
        %add3A_134 = arith.constant 1 : i32
        %add3A_135 = arith.addi %div3A_119, %add3A_134 : i32
        %lt3A_136 = arith.constant 21 : i32
        %lt3A_137 = arith.cmpi slt, %add3A_135, %lt3A_136 : i32
        %and3A_138 = arith.andi %eq3A_133, %lt3A_137 : i1
        %convert_element_type3A_139 = arith.extui %and3A_138 : i1 to i32
        %cond3A_140 = arith.constant 0 : i32
        %cond3A_141 = arith.cmpi ne, %convert_element_type3A_139, %cond3A_140 : i32
        scf.if %cond3A_141 {
          %add3A_160 = arith.constant 1 : i32
          %add3A_161 = arith.addi %div3A_119, %add3A_160 : i32
          %rem3A_162 = arith.constant 3 : i32
          %rem3A_163 = arith.remsi %add3A_161, %rem3A_162 : i32
          %mul3A_164 = arith.constant 4 : i32
          %mul3A_165 = arith.muli %add3A_161, %mul3A_164 : i32
          %dma_start3A_166 = arith.constant 0 : i32
          %dma_start3A_167 = arith.constant 0 : i32
          %dma_start3A_168 = tpu.memref_slice %arg7[%rem3A_163, %dma_start3A_166, %dma_start3A_167] : memref<3x4x120xi32, #tpu.memory_space<vmem>> -> memref<1x4x120xi32, #tpu.memory_space<vmem>>
          %dma_start3A_169 = tpu.memref_squeeze %dma_start3A_168 : memref<1x4x120xi32, #tpu.memory_space<vmem>> -> memref<4x120xi32, #tpu.memory_space<vmem>>
          %dma_start3A_170 = arith.constant 0 : i32
          %dma_start3A_171 = tpu.memref_slice %arg4[%add3A, %mul3A_165, %dma_start3A_170] : memref<32x84x120xi32, #tpu.memory_space<hbm>> -> memref<1x4x120xi32, #tpu.memory_space<hbm>>
          %dma_start3A_172 = tpu.memref_squeeze %dma_start3A_171 : memref<1x4x120xi32, #tpu.memory_space<hbm>> -> memref<4x120xi32, #tpu.memory_space<hbm>>
          %dma_start3A_173 = tpu.memref_slice %arg13[%rem3A_163] : memref<3x!tpu.dma_semaphore, #tpu.memory_space<semaphore_mem>> -> memref<1x!tpu.dma_semaphore, #tpu.memory_space<semaphore_mem>>
          %dma_start3A_174 = tpu.memref_squeeze %dma_start3A_173 : memref<1x!tpu.dma_semaphore, #tpu.memory_space<semaphore_mem>> -> memref<!tpu.dma_semaphore, #tpu.memory_space<semaphore_mem>>
          %dma_start3A_175 = arith.constant 0 : i32
          %dma_start3A_176 = arith.constant 0 : i32
          %dma_start3A_177 = tpu.memref_slice %arg7[%rem3A_163, %dma_start3A_175, %dma_start3A_176] : memref<3x4x120xi32, #tpu.memory_space<vmem>> -> memref<1x4x120xi32, #tpu.memory_space<vmem>>
          %dma_start3A_178 = tpu.memref_squeeze %dma_start3A_177 : memref<1x4x120xi32, #tpu.memory_space<vmem>> -> memref<4x120xi32, #tpu.memory_space<vmem>>
          %dma_start3A_179 = arith.constant 0 : i32
          %dma_start3A_180 = tpu.memref_slice %arg4[%add3A, %mul3A_165, %dma_start3A_179] : memref<32x84x120xi32, #tpu.memory_space<hbm>> -> memref<1x4x120xi32, #tpu.memory_space<hbm>>
          %dma_start3A_181 = tpu.memref_squeeze %dma_start3A_180 : memref<1x4x120xi32, #tpu.memory_space<hbm>> -> memref<4x120xi32, #tpu.memory_space<hbm>>
          tpu.enqueue_dma source(%dma_start3A_181 : memref<4x120xi32, #tpu.memory_space<hbm>>) target(%dma_start3A_178 : memref<4x120xi32, #tpu.memory_space<vmem>>) target_semaphore(%dma_start3A_174 : memref<!tpu.dma_semaphore, #tpu.memory_space<semaphore_mem>>)
          %mul3A_182 = arith.constant 4 : i32
          %mul3A_183 = arith.muli %add3A_161, %mul3A_182 : i32
          %dma_start3A_184 = arith.constant 0 : i32
          %dma_start3A_185 = arith.constant 0 : i32
          %dma_start3A_186 = tpu.memref_slice %arg8[%rem3A_163, %dma_start3A_184, %dma_start3A_185] : memref<3x4x120xi32, #tpu.memory_space<vmem>> -> memref<1x4x120xi32, #tpu.memory_space<vmem>>
          %dma_start3A_187 = tpu.memref_squeeze %dma_start3A_186 : memref<1x4x120xi32, #tpu.memory_space<vmem>> -> memref<4x120xi32, #tpu.memory_space<vmem>>
          %dma_start3A_188 = arith.constant 0 : i32
          %dma_start3A_189 = tpu.memref_slice %arg5[%add3A, %mul3A_183, %dma_start3A_188] : memref<32x84x120xi32, #tpu.memory_space<hbm>> -> memref<1x4x120xi32, #tpu.memory_space<hbm>>
          %dma_start3A_190 = tpu.memref_squeeze %dma_start3A_189 : memref<1x4x120xi32, #tpu.memory_space<hbm>> -> memref<4x120xi32, #tpu.memory_space<hbm>>
          %dma_start3A_191 = tpu.memref_slice %arg14[%rem3A_163] : memref<3x!tpu.dma_semaphore, #tpu.memory_space<semaphore_mem>> -> memref<1x!tpu.dma_semaphore, #tpu.memory_space<semaphore_mem>>
          %dma_start3A_192 = tpu.memref_squeeze %dma_start3A_191 : memref<1x!tpu.dma_semaphore, #tpu.memory_space<semaphore_mem>> -> memref<!tpu.dma_semaphore, #tpu.memory_space<semaphore_mem>>
          %dma_start3A_193 = arith.constant 0 : i32
          %dma_start3A_194 = arith.constant 0 : i32
          %dma_start3A_195 = tpu.memref_slice %arg8[%rem3A_163, %dma_start3A_193, %dma_start3A_194] : memref<3x4x120xi32, #tpu.memory_space<vmem>> -> memref<1x4x120xi32, #tpu.memory_space<vmem>>
          %dma_start3A_196 = tpu.memref_squeeze %dma_start3A_195 : memref<1x4x120xi32, #tpu.memory_space<vmem>> -> memref<4x120xi32, #tpu.memory_space<vmem>>
          %dma_start3A_197 = arith.constant 0 : i32
          %dma_start3A_198 = tpu.memref_slice %arg5[%add3A, %mul3A_183, %dma_start3A_197] : memref<32x84x120xi32, #tpu.memory_space<hbm>> -> memref<1x4x120xi32, #tpu.memory_space<hbm>>
          %dma_start3A_199 = tpu.memref_squeeze %dma_start3A_198 : memref<1x4x120xi32, #tpu.memory_space<hbm>> -> memref<4x120xi32, #tpu.memory_space<hbm>>
          tpu.enqueue_dma source(%dma_start3A_199 : memref<4x120xi32, #tpu.memory_space<hbm>>) target(%dma_start3A_196 : memref<4x120xi32, #tpu.memory_space<vmem>>) target_semaphore(%dma_start3A_192 : memref<!tpu.dma_semaphore, #tpu.memory_space<semaphore_mem>>)
        } else {
        }
        %rem3A_142 = arith.constant 4 : i32
        %rem3A_143 = arith.remsi %sub3A_113, %rem3A_142 : i32
        %rem3A_144 = arith.constant 3 : i32
        %rem3A_145 = arith.remsi %sub3A_113, %rem3A_144 : i32
        %rem3A_146 = arith.constant 3 : i32
        %rem3A_147 = arith.remsi %sub3A_113, %rem3A_146 : i32
        %dma_start3A_148 = arith.constant 0 : i32
        %dma_start3A_149 = arith.constant 0 : i32
        %dma_start3A_150 = tpu.memref_slice %arg9[%rem3A_145, %dma_start3A_148, %dma_start3A_149] : memref<3x120x128xf32, #tpu.memory_space<vmem>> -> memref<1x120x128xf32, #tpu.memory_space<vmem>>
        %dma_start3A_151 = tpu.memref_squeeze %dma_start3A_150 : memref<1x120x128xf32, #tpu.memory_space<vmem>> -> memref<120x128xf32, #tpu.memory_space<vmem>>
        %dma_start3A_152 = arith.constant 0 : i32
        %dma_start3A_153 = tpu.memref_slice %arg7[%rem3A_121, %rem3A_143, %dma_start3A_152] : memref<3x4x120xi32, #tpu.memory_space<vmem>> -> memref<1x1x120xi32, #tpu.memory_space<vmem>>
        %dma_start3A_154 = tpu.memref_squeeze %dma_start3A_153 : memref<1x1x120xi32, #tpu.memory_space<vmem>> -> memref<120xi32, #tpu.memory_space<vmem>>
        %dma_start3A_155 = arith.constant 0 : i32
        %dma_start3A_156 = arith.constant 0 : i32
        %dma_start3A_157 = tpu.memref_slice %arg2[%dma_start3A_155, %dma_start3A_156] : memref<10112x128xf32, #tpu.memory_space<hbm>> -> memref<10112x128xf32, #tpu.memory_space<hbm>>
        %dma_start3A_158 = tpu.memref_slice %arg11[%rem3A_147] : memref<3x!tpu.dma_semaphore, #tpu.memory_space<semaphore_mem>> -> memref<1x!tpu.dma_semaphore, #tpu.memory_space<semaphore_mem>>
        %dma_start3A_159 = tpu.memref_squeeze %dma_start3A_158 : memref<1x!tpu.dma_semaphore, #tpu.memory_space<semaphore_mem>> -> memref<!tpu.dma_semaphore, #tpu.memory_space<semaphore_mem>>
        tpu.enqueue_indirect_dma source(%dma_start3A_157 : memref<10112x128xf32, #tpu.memory_space<hbm>>) target(%dma_start3A_151 : memref<120x128xf32, #tpu.memory_space<vmem>>) offsets(%dma_start3A_154 : memref<120xi32, #tpu.memory_space<vmem>>) semaphore(%dma_start3A_159 : memref<!tpu.dma_semaphore, #tpu.memory_space<semaphore_mem>>)
      } else {
      }
    }
    %scan3A_56 = arith.constant 84 : i32
    %dma_wait3A_57 = arith.constant 2 : i32
    %dma_wait3A_58 = arith.constant 2 : i32
    %dma_wait3A_59 = arith.constant 3 : i32
    %dma_wait3A_60 = arith.constant 2 : i32
    %dma_wait3A_61 = arith.constant 0 : i32
    %dma_wait3A_62 = arith.constant 0 : i32
    %dma_wait3A_63 = tpu.memref_slice %arg9[%dma_wait3A_57, %dma_wait3A_61, %dma_wait3A_62] : memref<3x120x128xf32, #tpu.memory_space<vmem>> -> memref<1x120x128xf32, #tpu.memory_space<vmem>>
    %dma_wait3A_64 = tpu.memref_squeeze %dma_wait3A_63 : memref<1x120x128xf32, #tpu.memory_space<vmem>> -> memref<120x128xf32, #tpu.memory_space<vmem>>
    %dma_wait3A_65 = arith.constant 0 : i32
    %dma_wait3A_66 = tpu.memref_slice %arg8[%dma_wait3A_58, %dma_wait3A_59, %dma_wait3A_65] : memref<3x4x120xi32, #tpu.memory_space<vmem>> -> memref<1x1x120xi32, #tpu.memory_space<vmem>>
    %dma_wait3A_67 = tpu.memref_squeeze %dma_wait3A_66 : memref<1x1x120xi32, #tpu.memory_space<vmem>> -> memref<120xi32, #tpu.memory_space<vmem>>
    %dma_wait3A_68 = arith.constant 0 : i32
    %dma_wait3A_69 = arith.constant 0 : i32
    %dma_wait3A_70 = tpu.memref_slice %arg10[%dma_wait3A_68, %dma_wait3A_69] : memref<10112x128xf32, #tpu.memory_space<vmem_shared>> -> memref<10112x128xf32, #tpu.memory_space<vmem_shared>>
    %dma_wait3A_71 = tpu.memref_slice %arg12[%dma_wait3A_60] : memref<3x!tpu.dma_semaphore, #tpu.memory_space<semaphore_mem>> -> memref<1x!tpu.dma_semaphore, #tpu.memory_space<semaphore_mem>>
    %dma_wait3A_72 = tpu.memref_squeeze %dma_wait3A_71 : memref<1x!tpu.dma_semaphore, #tpu.memory_space<semaphore_mem>> -> memref<!tpu.dma_semaphore, #tpu.memory_space<semaphore_mem>>
    tpu.wait_indirect_dma semaphore(%dma_wait3A_72 : memref<!tpu.dma_semaphore, #tpu.memory_space<semaphore_mem>>) src(%dma_wait3A_64 : memref<120x128xf32, #tpu.memory_space<vmem>>) dst(%dma_wait3A_70 : memref<10112x128xf32, #tpu.memory_space<vmem_shared>>)
    %barrier3A_73 = arith.constant 0 : index
    tpu.barrier barrier_id(%barrier3A_73)
    %mul3A_74 = arith.constant 632 : i32
    %mul3A_75 = arith.muli %arg1, %mul3A_74 : i32
    %mul3A_76 = arith.constant 632 : i32
    %mul3A_77 = arith.muli %arg1, %mul3A_76 : i32
    "tpu.region"() ({
      %run_scoped3A_78 = tpu.sem_alloc : memref<!tpu.dma_semaphore, #tpu.memory_space<semaphore_mem>>
      %dma_start3A_79 = arith.constant 0 : i32
      %dma_start3A_80 = tpu.memref_slice %arg6[%arg0, %mul3A_77, %dma_start3A_79] : memref<2x10112x128xf32, #tpu.memory_space<hbm>> -> memref<1x632x128xf32, #tpu.memory_space<hbm>>
      %dma_start3A_81 = tpu.memref_squeeze %dma_start3A_80 : memref<1x632x128xf32, #tpu.memory_space<hbm>> -> memref<632x128xf32, #tpu.memory_space<hbm>>
      %dma_start3A_82 = arith.constant 0 : i32
      %dma_start3A_83 = tpu.memref_slice %arg10[%mul3A_75, %dma_start3A_82] : memref<10112x128xf32, #tpu.memory_space<vmem_shared>> -> memref<632x128xf32, #tpu.memory_space<vmem_shared>>
      tpu.enqueue_dma source(%dma_start3A_83 : memref<632x128xf32, #tpu.memory_space<vmem_shared>>) target(%dma_start3A_81 : memref<632x128xf32, #tpu.memory_space<hbm>>) target_semaphore(%run_scoped3A_78 : memref<!tpu.dma_semaphore, #tpu.memory_space<semaphore_mem>>)
      %dma_wait3A_84 = arith.constant 0 : i32
      %dma_wait3A_85 = tpu.memref_slice %arg6[%arg0, %mul3A_77, %dma_wait3A_84] : memref<2x10112x128xf32, #tpu.memory_space<hbm>> -> memref<1x632x128xf32, #tpu.memory_space<hbm>>
      %dma_wait3A_86 = tpu.memref_squeeze %dma_wait3A_85 : memref<1x632x128xf32, #tpu.memory_space<hbm>> -> memref<632x128xf32, #tpu.memory_space<hbm>>
      %dma_wait3A_87 = arith.constant 0 : i32
      %dma_wait3A_88 = tpu.memref_slice %arg10[%mul3A_75, %dma_wait3A_87] : memref<10112x128xf32, #tpu.memory_space<vmem_shared>> -> memref<632x128xf32, #tpu.memory_space<vmem_shared>>
      tpu.wait_dma2 semaphore(%run_scoped3A_78 : memref<!tpu.dma_semaphore, #tpu.memory_space<semaphore_mem>>) src(%dma_wait3A_88 : memref<632x128xf32, #tpu.memory_space<vmem_shared>>) dst(%dma_wait3A_86 : memref<632x128xf32, #tpu.memory_space<hbm>>)
      tpu.yield
    }) : () -> ()
    return
  }
}

#map = affine_map<(d0, d1) -> (0, 0)>
#map1 = affine_map<(d0, d1) -> (0, 0, 0)>
module attributes {stable_mosaic.version = 14 : i64} {
  func.func @agg(%arg0: i32, %arg1: i32, %arg2: memref<10112x128xf32, #tpu.memory_space<hbm>>, %arg3: memref<10112x128xf32, #tpu.memory_space<hbm>>, %arg4: memref<32x84x120xi32, #tpu.memory_space<hbm>>, %arg5: memref<32x84x120xi32, #tpu.memory_space<hbm>>, %arg6: memref<2x10112x128xf32, #tpu.memory_space<hbm>>, %arg7: memref<3x4x120xi32, #tpu.memory_space<vmem>>, %arg8: memref<3x4x120xi32, #tpu.memory_space<vmem>>, %arg9: memref<3x120x128xf32, #tpu.memory_space<vmem>>, %arg10: memref<10112x128xf32, #tpu.memory_space<vmem_shared>>, %arg11: memref<3x!tpu.dma_semaphore, #tpu.memory_space<semaphore_mem>>, %arg12: memref<3x!tpu.dma_semaphore, #tpu.memory_space<semaphore_mem>>, %arg13: memref<3x!tpu.dma_semaphore, #tpu.memory_space<semaphore_mem>>, %arg14: memref<3x!tpu.dma_semaphore, #tpu.memory_space<semaphore_mem>>) attributes {dimension_semantics = [#tpu.dimension_semantics<core_parallel>, #tpu.dimension_semantics<subcore_parallel>], iteration_bounds = array<i64: 2, 16>, scalar_prefetch = 0 : i64, scratch_operands = 8 : i64, tpu.core_type = #tpu.core_type<sc_vector_subcore>, window_params = [{transform_indices = #map}, {transform_indices = #map}, {transform_indices = #map1}, {transform_indices = #map1}, {transform_indices = #map1}]} {
    %mul3A = arith.constant 2 : i32
    %mul3A_0 = arith.muli %arg1, %mul3A : i32
    %add3A = arith.addi %mul3A_0, %arg0 : i32
    %mul3A_1 = arith.constant 632 : i32
    %mul3A_2 = arith.muli %arg1, %mul3A_1 : i32
    %mul3A_3 = arith.constant 632 : i32
    %mul3A_4 = arith.muli %arg1, %mul3A_3 : i32
    %dma_start3A = arith.constant 2 : i32
    %dma_start3A_5 = tpu.memref_slice %arg13[%dma_start3A] : memref<3x!tpu.dma_semaphore, #tpu.memory_space<semaphore_mem>> -> memref<1x!tpu.dma_semaphore, #tpu.memory_space<semaphore_mem>>
    %dma_start3A_6 = tpu.memref_squeeze %dma_start3A_5 : memref<1x!tpu.dma_semaphore, #tpu.memory_space<semaphore_mem>> -> memref<!tpu.dma_semaphore, #tpu.memory_space<semaphore_mem>>
    %dma_start3A_7 = arith.constant 0 : i32
    %dma_start3A_8 = tpu.memref_slice %arg10[%mul3A_4, %dma_start3A_7] : memref<10112x128xf32, #tpu.memory_space<vmem_shared>> -> memref<632x128xf32, #tpu.memory_space<vmem_shared>>
    %dma_start3A_9 = arith.constant 0 : i32
    %dma_start3A_10 = tpu.memref_slice %arg3[%mul3A_2, %dma_start3A_9] : memref<10112x128xf32, #tpu.memory_space<hbm>> -> memref<632x128xf32, #tpu.memory_space<hbm>>
    tpu.enqueue_dma source(%dma_start3A_10 : memref<632x128xf32, #tpu.memory_space<hbm>>) target(%dma_start3A_8 : memref<632x128xf32, #tpu.memory_space<vmem_shared>>) target_semaphore(%dma_start3A_6 : memref<!tpu.dma_semaphore, #tpu.memory_space<semaphore_mem>>)
    %run_scoped3A = arith.constant 0 : i32
    "tpu.region"() ({
      %run_scoped3A_78 = tpu.sem_alloc : memref<!tpu.dma_semaphore, #tpu.memory_space<semaphore_mem>>
      %dma_start3A_79 = arith.constant 0 : i32
      %dma_start3A_80 = arith.constant 0 : i32
      %dma_start3A_81 = tpu.memref_slice %arg7[%run_scoped3A, %dma_start3A_79, %dma_start3A_80] : memref<3x4x120xi32, #tpu.memory_space<vmem>> -> memref<1x4x120xi32, #tpu.memory_space<vmem>>
      %dma_start3A_82 = tpu.memref_squeeze %dma_start3A_81 : memref<1x4x120xi32, #tpu.memory_space<vmem>> -> memref<4x120xi32, #tpu.memory_space<vmem>>
      %dma_start3A_83 = arith.constant 0 : i32
      %dma_start3A_84 = arith.constant 0 : i32
      %dma_start3A_85 = tpu.memref_slice %arg4[%add3A, %dma_start3A_83, %dma_start3A_84] : memref<32x84x120xi32, #tpu.memory_space<hbm>> -> memref<1x4x120xi32, #tpu.memory_space<hbm>>
      %dma_start3A_86 = tpu.memref_squeeze %dma_start3A_85 : memref<1x4x120xi32, #tpu.memory_space<hbm>> -> memref<4x120xi32, #tpu.memory_space<hbm>>
      %dma_start3A_87 = arith.constant 0 : i32
      %dma_start3A_88 = arith.constant 0 : i32
      %dma_start3A_89 = tpu.memref_slice %arg7[%run_scoped3A, %dma_start3A_87, %dma_start3A_88] : memref<3x4x120xi32, #tpu.memory_space<vmem>> -> memref<1x4x120xi32, #tpu.memory_space<vmem>>
      %dma_start3A_90 = tpu.memref_squeeze %dma_start3A_89 : memref<1x4x120xi32, #tpu.memory_space<vmem>> -> memref<4x120xi32, #tpu.memory_space<vmem>>
      %dma_start3A_91 = arith.constant 0 : i32
      %dma_start3A_92 = arith.constant 0 : i32
      %dma_start3A_93 = tpu.memref_slice %arg4[%add3A, %dma_start3A_91, %dma_start3A_92] : memref<32x84x120xi32, #tpu.memory_space<hbm>> -> memref<1x4x120xi32, #tpu.memory_space<hbm>>
      %dma_start3A_94 = tpu.memref_squeeze %dma_start3A_93 : memref<1x4x120xi32, #tpu.memory_space<hbm>> -> memref<4x120xi32, #tpu.memory_space<hbm>>
      tpu.enqueue_dma source(%dma_start3A_94 : memref<4x120xi32, #tpu.memory_space<hbm>>) target(%dma_start3A_90 : memref<4x120xi32, #tpu.memory_space<vmem>>) target_semaphore(%run_scoped3A_78 : memref<!tpu.dma_semaphore, #tpu.memory_space<semaphore_mem>>)
      %dma_wait3A_95 = arith.constant 0 : i32
      %dma_wait3A_96 = arith.constant 0 : i32
      %dma_wait3A_97 = tpu.memref_slice %arg7[%run_scoped3A, %dma_wait3A_95, %dma_wait3A_96] : memref<3x4x120xi32, #tpu.memory_space<vmem>> -> memref<1x4x120xi32, #tpu.memory_space<vmem>>
      %dma_wait3A_98 = tpu.memref_squeeze %dma_wait3A_97 : memref<1x4x120xi32, #tpu.memory_space<vmem>> -> memref<4x120xi32, #tpu.memory_space<vmem>>
      %dma_wait3A_99 = arith.constant 0 : i32
      %dma_wait3A_100 = arith.constant 0 : i32
      %dma_wait3A_101 = tpu.memref_slice %arg4[%add3A, %dma_wait3A_99, %dma_wait3A_100] : memref<32x84x120xi32, #tpu.memory_space<hbm>> -> memref<1x4x120xi32, #tpu.memory_space<hbm>>
      %dma_wait3A_102 = tpu.memref_squeeze %dma_wait3A_101 : memref<1x4x120xi32, #tpu.memory_space<hbm>> -> memref<4x120xi32, #tpu.memory_space<hbm>>
      %dma_wait3A_103 = arith.constant 0 : i32
      %dma_wait3A_104 = arith.constant 0 : i32
      %dma_wait3A_105 = tpu.memref_slice %arg7[%run_scoped3A, %dma_wait3A_103, %dma_wait3A_104] : memref<3x4x120xi32, #tpu.memory_space<vmem>> -> memref<1x4x120xi32, #tpu.memory_space<vmem>>
      %dma_wait3A_106 = tpu.memref_squeeze %dma_wait3A_105 : memref<1x4x120xi32, #tpu.memory_space<vmem>> -> memref<4x120xi32, #tpu.memory_space<vmem>>
      %dma_wait3A_107 = arith.constant 0 : i32
      %dma_wait3A_108 = arith.constant 0 : i32
      %dma_wait3A_109 = tpu.memref_slice %arg4[%add3A, %dma_wait3A_107, %dma_wait3A_108] : memref<32x84x120xi32, #tpu.memory_space<hbm>> -> memref<1x4x120xi32, #tpu.memory_space<hbm>>
      %dma_wait3A_110 = tpu.memref_squeeze %dma_wait3A_109 : memref<1x4x120xi32, #tpu.memory_space<hbm>> -> memref<4x120xi32, #tpu.memory_space<hbm>>
      tpu.wait_dma2 semaphore(%run_scoped3A_78 : memref<!tpu.dma_semaphore, #tpu.memory_space<semaphore_mem>>) src(%dma_wait3A_110 : memref<4x120xi32, #tpu.memory_space<hbm>>) dst(%dma_wait3A_106 : memref<4x120xi32, #tpu.memory_space<vmem>>)
      tpu.yield
    }) : () -> ()
    %run_scoped3A_11 = arith.constant 0 : i32
    "tpu.region"() ({
      %run_scoped3A_78 = tpu.sem_alloc : memref<!tpu.dma_semaphore, #tpu.memory_space<semaphore_mem>>
      %dma_start3A_79 = arith.constant 0 : i32
      %dma_start3A_80 = arith.constant 0 : i32
      %dma_start3A_81 = tpu.memref_slice %arg8[%run_scoped3A_11, %dma_start3A_79, %dma_start3A_80] : memref<3x4x120xi32, #tpu.memory_space<vmem>> -> memref<1x4x120xi32, #tpu.memory_space<vmem>>
      %dma_start3A_82 = tpu.memref_squeeze %dma_start3A_81 : memref<1x4x120xi32, #tpu.memory_space<vmem>> -> memref<4x120xi32, #tpu.memory_space<vmem>>
      %dma_start3A_83 = arith.constant 0 : i32
      %dma_start3A_84 = arith.constant 0 : i32
      %dma_start3A_85 = tpu.memref_slice %arg5[%add3A, %dma_start3A_83, %dma_start3A_84] : memref<32x84x120xi32, #tpu.memory_space<hbm>> -> memref<1x4x120xi32, #tpu.memory_space<hbm>>
      %dma_start3A_86 = tpu.memref_squeeze %dma_start3A_85 : memref<1x4x120xi32, #tpu.memory_space<hbm>> -> memref<4x120xi32, #tpu.memory_space<hbm>>
      %dma_start3A_87 = arith.constant 0 : i32
      %dma_start3A_88 = arith.constant 0 : i32
      %dma_start3A_89 = tpu.memref_slice %arg8[%run_scoped3A_11, %dma_start3A_87, %dma_start3A_88] : memref<3x4x120xi32, #tpu.memory_space<vmem>> -> memref<1x4x120xi32, #tpu.memory_space<vmem>>
      %dma_start3A_90 = tpu.memref_squeeze %dma_start3A_89 : memref<1x4x120xi32, #tpu.memory_space<vmem>> -> memref<4x120xi32, #tpu.memory_space<vmem>>
      %dma_start3A_91 = arith.constant 0 : i32
      %dma_start3A_92 = arith.constant 0 : i32
      %dma_start3A_93 = tpu.memref_slice %arg5[%add3A, %dma_start3A_91, %dma_start3A_92] : memref<32x84x120xi32, #tpu.memory_space<hbm>> -> memref<1x4x120xi32, #tpu.memory_space<hbm>>
      %dma_start3A_94 = tpu.memref_squeeze %dma_start3A_93 : memref<1x4x120xi32, #tpu.memory_space<hbm>> -> memref<4x120xi32, #tpu.memory_space<hbm>>
      tpu.enqueue_dma source(%dma_start3A_94 : memref<4x120xi32, #tpu.memory_space<hbm>>) target(%dma_start3A_90 : memref<4x120xi32, #tpu.memory_space<vmem>>) target_semaphore(%run_scoped3A_78 : memref<!tpu.dma_semaphore, #tpu.memory_space<semaphore_mem>>)
      %dma_wait3A_95 = arith.constant 0 : i32
      %dma_wait3A_96 = arith.constant 0 : i32
      %dma_wait3A_97 = tpu.memref_slice %arg8[%run_scoped3A_11, %dma_wait3A_95, %dma_wait3A_96] : memref<3x4x120xi32, #tpu.memory_space<vmem>> -> memref<1x4x120xi32, #tpu.memory_space<vmem>>
      %dma_wait3A_98 = tpu.memref_squeeze %dma_wait3A_97 : memref<1x4x120xi32, #tpu.memory_space<vmem>> -> memref<4x120xi32, #tpu.memory_space<vmem>>
      %dma_wait3A_99 = arith.constant 0 : i32
      %dma_wait3A_100 = arith.constant 0 : i32
      %dma_wait3A_101 = tpu.memref_slice %arg5[%add3A, %dma_wait3A_99, %dma_wait3A_100] : memref<32x84x120xi32, #tpu.memory_space<hbm>> -> memref<1x4x120xi32, #tpu.memory_space<hbm>>
      %dma_wait3A_102 = tpu.memref_squeeze %dma_wait3A_101 : memref<1x4x120xi32, #tpu.memory_space<hbm>> -> memref<4x120xi32, #tpu.memory_space<hbm>>
      %dma_wait3A_103 = arith.constant 0 : i32
      %dma_wait3A_104 = arith.constant 0 : i32
      %dma_wait3A_105 = tpu.memref_slice %arg8[%run_scoped3A_11, %dma_wait3A_103, %dma_wait3A_104] : memref<3x4x120xi32, #tpu.memory_space<vmem>> -> memref<1x4x120xi32, #tpu.memory_space<vmem>>
      %dma_wait3A_106 = tpu.memref_squeeze %dma_wait3A_105 : memref<1x4x120xi32, #tpu.memory_space<vmem>> -> memref<4x120xi32, #tpu.memory_space<vmem>>
      %dma_wait3A_107 = arith.constant 0 : i32
      %dma_wait3A_108 = arith.constant 0 : i32
      %dma_wait3A_109 = tpu.memref_slice %arg5[%add3A, %dma_wait3A_107, %dma_wait3A_108] : memref<32x84x120xi32, #tpu.memory_space<hbm>> -> memref<1x4x120xi32, #tpu.memory_space<hbm>>
      %dma_wait3A_110 = tpu.memref_squeeze %dma_wait3A_109 : memref<1x4x120xi32, #tpu.memory_space<hbm>> -> memref<4x120xi32, #tpu.memory_space<hbm>>
      tpu.wait_dma2 semaphore(%run_scoped3A_78 : memref<!tpu.dma_semaphore, #tpu.memory_space<semaphore_mem>>) src(%dma_wait3A_110 : memref<4x120xi32, #tpu.memory_space<hbm>>) dst(%dma_wait3A_106 : memref<4x120xi32, #tpu.memory_space<vmem>>)
      tpu.yield
    }) : () -> ()
    %run_scoped3A_12 = arith.constant 1 : i32
    "tpu.region"() ({
      %run_scoped3A_78 = tpu.sem_alloc : memref<!tpu.dma_semaphore, #tpu.memory_space<semaphore_mem>>
      %dma_start3A_79 = arith.constant 0 : i32
      %dma_start3A_80 = arith.constant 0 : i32
      %dma_start3A_81 = tpu.memref_slice %arg7[%run_scoped3A_12, %dma_start3A_79, %dma_start3A_80] : memref<3x4x120xi32, #tpu.memory_space<vmem>> -> memref<1x4x120xi32, #tpu.memory_space<vmem>>
      %dma_start3A_82 = tpu.memref_squeeze %dma_start3A_81 : memref<1x4x120xi32, #tpu.memory_space<vmem>> -> memref<4x120xi32, #tpu.memory_space<vmem>>
      %dma_start3A_83 = arith.constant 4 : i32
      %dma_start3A_84 = arith.constant 0 : i32
      %dma_start3A_85 = tpu.memref_slice %arg4[%add3A, %dma_start3A_83, %dma_start3A_84] : memref<32x84x120xi32, #tpu.memory_space<hbm>> -> memref<1x4x120xi32, #tpu.memory_space<hbm>>
      %dma_start3A_86 = tpu.memref_squeeze %dma_start3A_85 : memref<1x4x120xi32, #tpu.memory_space<hbm>> -> memref<4x120xi32, #tpu.memory_space<hbm>>
      %dma_start3A_87 = arith.constant 0 : i32
      %dma_start3A_88 = arith.constant 0 : i32
      %dma_start3A_89 = tpu.memref_slice %arg7[%run_scoped3A_12, %dma_start3A_87, %dma_start3A_88] : memref<3x4x120xi32, #tpu.memory_space<vmem>> -> memref<1x4x120xi32, #tpu.memory_space<vmem>>
      %dma_start3A_90 = tpu.memref_squeeze %dma_start3A_89 : memref<1x4x120xi32, #tpu.memory_space<vmem>> -> memref<4x120xi32, #tpu.memory_space<vmem>>
      %dma_start3A_91 = arith.constant 4 : i32
      %dma_start3A_92 = arith.constant 0 : i32
      %dma_start3A_93 = tpu.memref_slice %arg4[%add3A, %dma_start3A_91, %dma_start3A_92] : memref<32x84x120xi32, #tpu.memory_space<hbm>> -> memref<1x4x120xi32, #tpu.memory_space<hbm>>
      %dma_start3A_94 = tpu.memref_squeeze %dma_start3A_93 : memref<1x4x120xi32, #tpu.memory_space<hbm>> -> memref<4x120xi32, #tpu.memory_space<hbm>>
      tpu.enqueue_dma source(%dma_start3A_94 : memref<4x120xi32, #tpu.memory_space<hbm>>) target(%dma_start3A_90 : memref<4x120xi32, #tpu.memory_space<vmem>>) target_semaphore(%run_scoped3A_78 : memref<!tpu.dma_semaphore, #tpu.memory_space<semaphore_mem>>)
      %dma_wait3A_95 = arith.constant 0 : i32
      %dma_wait3A_96 = arith.constant 0 : i32
      %dma_wait3A_97 = tpu.memref_slice %arg7[%run_scoped3A_12, %dma_wait3A_95, %dma_wait3A_96] : memref<3x4x120xi32, #tpu.memory_space<vmem>> -> memref<1x4x120xi32, #tpu.memory_space<vmem>>
      %dma_wait3A_98 = tpu.memref_squeeze %dma_wait3A_97 : memref<1x4x120xi32, #tpu.memory_space<vmem>> -> memref<4x120xi32, #tpu.memory_space<vmem>>
      %dma_wait3A_99 = arith.constant 4 : i32
      %dma_wait3A_100 = arith.constant 0 : i32
      %dma_wait3A_101 = tpu.memref_slice %arg4[%add3A, %dma_wait3A_99, %dma_wait3A_100] : memref<32x84x120xi32, #tpu.memory_space<hbm>> -> memref<1x4x120xi32, #tpu.memory_space<hbm>>
      %dma_wait3A_102 = tpu.memref_squeeze %dma_wait3A_101 : memref<1x4x120xi32, #tpu.memory_space<hbm>> -> memref<4x120xi32, #tpu.memory_space<hbm>>
      %dma_wait3A_103 = arith.constant 0 : i32
      %dma_wait3A_104 = arith.constant 0 : i32
      %dma_wait3A_105 = tpu.memref_slice %arg7[%run_scoped3A_12, %dma_wait3A_103, %dma_wait3A_104] : memref<3x4x120xi32, #tpu.memory_space<vmem>> -> memref<1x4x120xi32, #tpu.memory_space<vmem>>
      %dma_wait3A_106 = tpu.memref_squeeze %dma_wait3A_105 : memref<1x4x120xi32, #tpu.memory_space<vmem>> -> memref<4x120xi32, #tpu.memory_space<vmem>>
      %dma_wait3A_107 = arith.constant 4 : i32
      %dma_wait3A_108 = arith.constant 0 : i32
      %dma_wait3A_109 = tpu.memref_slice %arg4[%add3A, %dma_wait3A_107, %dma_wait3A_108] : memref<32x84x120xi32, #tpu.memory_space<hbm>> -> memref<1x4x120xi32, #tpu.memory_space<hbm>>
      %dma_wait3A_110 = tpu.memref_squeeze %dma_wait3A_109 : memref<1x4x120xi32, #tpu.memory_space<hbm>> -> memref<4x120xi32, #tpu.memory_space<hbm>>
      tpu.wait_dma2 semaphore(%run_scoped3A_78 : memref<!tpu.dma_semaphore, #tpu.memory_space<semaphore_mem>>) src(%dma_wait3A_110 : memref<4x120xi32, #tpu.memory_space<hbm>>) dst(%dma_wait3A_106 : memref<4x120xi32, #tpu.memory_space<vmem>>)
      tpu.yield
    }) : () -> ()
    %run_scoped3A_13 = arith.constant 1 : i32
    "tpu.region"() ({
      %run_scoped3A_78 = tpu.sem_alloc : memref<!tpu.dma_semaphore, #tpu.memory_space<semaphore_mem>>
      %dma_start3A_79 = arith.constant 0 : i32
      %dma_start3A_80 = arith.constant 0 : i32
      %dma_start3A_81 = tpu.memref_slice %arg8[%run_scoped3A_13, %dma_start3A_79, %dma_start3A_80] : memref<3x4x120xi32, #tpu.memory_space<vmem>> -> memref<1x4x120xi32, #tpu.memory_space<vmem>>
      %dma_start3A_82 = tpu.memref_squeeze %dma_start3A_81 : memref<1x4x120xi32, #tpu.memory_space<vmem>> -> memref<4x120xi32, #tpu.memory_space<vmem>>
      %dma_start3A_83 = arith.constant 4 : i32
      %dma_start3A_84 = arith.constant 0 : i32
      %dma_start3A_85 = tpu.memref_slice %arg5[%add3A, %dma_start3A_83, %dma_start3A_84] : memref<32x84x120xi32, #tpu.memory_space<hbm>> -> memref<1x4x120xi32, #tpu.memory_space<hbm>>
      %dma_start3A_86 = tpu.memref_squeeze %dma_start3A_85 : memref<1x4x120xi32, #tpu.memory_space<hbm>> -> memref<4x120xi32, #tpu.memory_space<hbm>>
      %dma_start3A_87 = arith.constant 0 : i32
      %dma_start3A_88 = arith.constant 0 : i32
      %dma_start3A_89 = tpu.memref_slice %arg8[%run_scoped3A_13, %dma_start3A_87, %dma_start3A_88] : memref<3x4x120xi32, #tpu.memory_space<vmem>> -> memref<1x4x120xi32, #tpu.memory_space<vmem>>
      %dma_start3A_90 = tpu.memref_squeeze %dma_start3A_89 : memref<1x4x120xi32, #tpu.memory_space<vmem>> -> memref<4x120xi32, #tpu.memory_space<vmem>>
      %dma_start3A_91 = arith.constant 4 : i32
      %dma_start3A_92 = arith.constant 0 : i32
      %dma_start3A_93 = tpu.memref_slice %arg5[%add3A, %dma_start3A_91, %dma_start3A_92] : memref<32x84x120xi32, #tpu.memory_space<hbm>> -> memref<1x4x120xi32, #tpu.memory_space<hbm>>
      %dma_start3A_94 = tpu.memref_squeeze %dma_start3A_93 : memref<1x4x120xi32, #tpu.memory_space<hbm>> -> memref<4x120xi32, #tpu.memory_space<hbm>>
      tpu.enqueue_dma source(%dma_start3A_94 : memref<4x120xi32, #tpu.memory_space<hbm>>) target(%dma_start3A_90 : memref<4x120xi32, #tpu.memory_space<vmem>>) target_semaphore(%run_scoped3A_78 : memref<!tpu.dma_semaphore, #tpu.memory_space<semaphore_mem>>)
      %dma_wait3A_95 = arith.constant 0 : i32
      %dma_wait3A_96 = arith.constant 0 : i32
      %dma_wait3A_97 = tpu.memref_slice %arg8[%run_scoped3A_13, %dma_wait3A_95, %dma_wait3A_96] : memref<3x4x120xi32, #tpu.memory_space<vmem>> -> memref<1x4x120xi32, #tpu.memory_space<vmem>>
      %dma_wait3A_98 = tpu.memref_squeeze %dma_wait3A_97 : memref<1x4x120xi32, #tpu.memory_space<vmem>> -> memref<4x120xi32, #tpu.memory_space<vmem>>
      %dma_wait3A_99 = arith.constant 4 : i32
      %dma_wait3A_100 = arith.constant 0 : i32
      %dma_wait3A_101 = tpu.memref_slice %arg5[%add3A, %dma_wait3A_99, %dma_wait3A_100] : memref<32x84x120xi32, #tpu.memory_space<hbm>> -> memref<1x4x120xi32, #tpu.memory_space<hbm>>
      %dma_wait3A_102 = tpu.memref_squeeze %dma_wait3A_101 : memref<1x4x120xi32, #tpu.memory_space<hbm>> -> memref<4x120xi32, #tpu.memory_space<hbm>>
      %dma_wait3A_103 = arith.constant 0 : i32
      %dma_wait3A_104 = arith.constant 0 : i32
      %dma_wait3A_105 = tpu.memref_slice %arg8[%run_scoped3A_13, %dma_wait3A_103, %dma_wait3A_104] : memref<3x4x120xi32, #tpu.memory_space<vmem>> -> memref<1x4x120xi32, #tpu.memory_space<vmem>>
      %dma_wait3A_106 = tpu.memref_squeeze %dma_wait3A_105 : memref<1x4x120xi32, #tpu.memory_space<vmem>> -> memref<4x120xi32, #tpu.memory_space<vmem>>
      %dma_wait3A_107 = arith.constant 4 : i32
      %dma_wait3A_108 = arith.constant 0 : i32
      %dma_wait3A_109 = tpu.memref_slice %arg5[%add3A, %dma_wait3A_107, %dma_wait3A_108] : memref<32x84x120xi32, #tpu.memory_space<hbm>> -> memref<1x4x120xi32, #tpu.memory_space<hbm>>
      %dma_wait3A_110 = tpu.memref_squeeze %dma_wait3A_109 : memref<1x4x120xi32, #tpu.memory_space<hbm>> -> memref<4x120xi32, #tpu.memory_space<hbm>>
      tpu.wait_dma2 semaphore(%run_scoped3A_78 : memref<!tpu.dma_semaphore, #tpu.memory_space<semaphore_mem>>) src(%dma_wait3A_110 : memref<4x120xi32, #tpu.memory_space<hbm>>) dst(%dma_wait3A_106 : memref<4x120xi32, #tpu.memory_space<vmem>>)
      tpu.yield
    }) : () -> ()
    %dma_wait3A = arith.constant 2 : i32
    %dma_wait3A_14 = tpu.memref_slice %arg13[%dma_wait3A] : memref<3x!tpu.dma_semaphore, #tpu.memory_space<semaphore_mem>> -> memref<1x!tpu.dma_semaphore, #tpu.memory_space<semaphore_mem>>
    %dma_wait3A_15 = tpu.memref_squeeze %dma_wait3A_14 : memref<1x!tpu.dma_semaphore, #tpu.memory_space<semaphore_mem>> -> memref<!tpu.dma_semaphore, #tpu.memory_space<semaphore_mem>>
    %dma_wait3A_16 = arith.constant 0 : i32
    %dma_wait3A_17 = tpu.memref_slice %arg10[%mul3A_4, %dma_wait3A_16] : memref<10112x128xf32, #tpu.memory_space<vmem_shared>> -> memref<632x128xf32, #tpu.memory_space<vmem_shared>>
    %dma_wait3A_18 = arith.constant 0 : i32
    %dma_wait3A_19 = tpu.memref_slice %arg3[%mul3A_2, %dma_wait3A_18] : memref<10112x128xf32, #tpu.memory_space<hbm>> -> memref<632x128xf32, #tpu.memory_space<hbm>>
    tpu.wait_dma2 semaphore(%dma_wait3A_15 : memref<!tpu.dma_semaphore, #tpu.memory_space<semaphore_mem>>) src(%dma_wait3A_19 : memref<632x128xf32, #tpu.memory_space<hbm>>) dst(%dma_wait3A_17 : memref<632x128xf32, #tpu.memory_space<vmem_shared>>)
    %barrier3A = arith.constant 0 : index
    tpu.barrier barrier_id(%barrier3A)
    %dma_start3A_20 = arith.constant 0 : i32
    %dma_start3A_21 = arith.constant 0 : i32
    %dma_start3A_22 = arith.constant 0 : i32
    %dma_start3A_23 = arith.constant 0 : i32
    %dma_start3A_24 = arith.constant 0 : i32
    %dma_start3A_25 = arith.constant 0 : i32
    %dma_start3A_26 = tpu.memref_slice %arg9[%dma_start3A_22, %dma_start3A_24, %dma_start3A_25] : memref<3x120x128xf32, #tpu.memory_space<vmem>> -> memref<1x120x128xf32, #tpu.memory_space<vmem>>
    %dma_start3A_27 = tpu.memref_squeeze %dma_start3A_26 : memref<1x120x128xf32, #tpu.memory_space<vmem>> -> memref<120x128xf32, #tpu.memory_space<vmem>>
    %dma_start3A_28 = arith.constant 0 : i32
    %dma_start3A_29 = tpu.memref_slice %arg7[%dma_start3A_20, %dma_start3A_21, %dma_start3A_28] : memref<3x4x120xi32, #tpu.memory_space<vmem>> -> memref<1x1x120xi32, #tpu.memory_space<vmem>>
    %dma_start3A_30 = tpu.memref_squeeze %dma_start3A_29 : memref<1x1x120xi32, #tpu.memory_space<vmem>> -> memref<120xi32, #tpu.memory_space<vmem>>
    %dma_start3A_31 = arith.constant 0 : i32
    %dma_start3A_32 = arith.constant 0 : i32
    %dma_start3A_33 = tpu.memref_slice %arg2[%dma_start3A_31, %dma_start3A_32] : memref<10112x128xf32, #tpu.memory_space<hbm>> -> memref<10112x128xf32, #tpu.memory_space<hbm>>
    %dma_start3A_34 = tpu.memref_slice %arg11[%dma_start3A_23] : memref<3x!tpu.dma_semaphore, #tpu.memory_space<semaphore_mem>> -> memref<1x!tpu.dma_semaphore, #tpu.memory_space<semaphore_mem>>
    %dma_start3A_35 = tpu.memref_squeeze %dma_start3A_34 : memref<1x!tpu.dma_semaphore, #tpu.memory_space<semaphore_mem>> -> memref<!tpu.dma_semaphore, #tpu.memory_space<semaphore_mem>>
    tpu.enqueue_indirect_dma source(%dma_start3A_33 : memref<10112x128xf32, #tpu.memory_space<hbm>>) target(%dma_start3A_27 : memref<120x128xf32, #tpu.memory_space<vmem>>) offsets(%dma_start3A_30 : memref<120xi32, #tpu.memory_space<vmem>>) semaphore(%dma_start3A_35 : memref<!tpu.dma_semaphore, #tpu.memory_space<semaphore_mem>>)
    %dma_start3A_36 = arith.constant 0 : i32
    %dma_start3A_37 = arith.constant 1 : i32
    %dma_start3A_38 = arith.constant 1 : i32
    %dma_start3A_39 = arith.constant 1 : i32
    %dma_start3A_40 = arith.constant 0 : i32
    %dma_start3A_41 = arith.constant 0 : i32
    %dma_start3A_42 = tpu.memref_slice %arg9[%dma_start3A_38, %dma_start3A_40, %dma_start3A_41] : memref<3x120x128xf32, #tpu.memory_space<vmem>> -> memref<1x120x128xf32, #tpu.memory_space<vmem>>
    %dma_start3A_43 = tpu.memref_squeeze %dma_start3A_42 : memref<1x120x128xf32, #tpu.memory_space<vmem>> -> memref<120x128xf32, #tpu.memory_space<vmem>>
    %dma_start3A_44 = arith.constant 0 : i32
    %dma_start3A_45 = tpu.memref_slice %arg7[%dma_start3A_36, %dma_start3A_37, %dma_start3A_44] : memref<3x4x120xi32, #tpu.memory_space<vmem>> -> memref<1x1x120xi32, #tpu.memory_space<vmem>>
    %dma_start3A_46 = tpu.memref_squeeze %dma_start3A_45 : memref<1x1x120xi32, #tpu.memory_space<vmem>> -> memref<120xi32, #tpu.memory_space<vmem>>
    %dma_start3A_47 = arith.constant 0 : i32
    %dma_start3A_48 = arith.constant 0 : i32
    %dma_start3A_49 = tpu.memref_slice %arg2[%dma_start3A_47, %dma_start3A_48] : memref<10112x128xf32, #tpu.memory_space<hbm>> -> memref<10112x128xf32, #tpu.memory_space<hbm>>
    %dma_start3A_50 = tpu.memref_slice %arg11[%dma_start3A_39] : memref<3x!tpu.dma_semaphore, #tpu.memory_space<semaphore_mem>> -> memref<1x!tpu.dma_semaphore, #tpu.memory_space<semaphore_mem>>
    %dma_start3A_51 = tpu.memref_squeeze %dma_start3A_50 : memref<1x!tpu.dma_semaphore, #tpu.memory_space<semaphore_mem>> -> memref<!tpu.dma_semaphore, #tpu.memory_space<semaphore_mem>>
    tpu.enqueue_indirect_dma source(%dma_start3A_49 : memref<10112x128xf32, #tpu.memory_space<hbm>>) target(%dma_start3A_43 : memref<120x128xf32, #tpu.memory_space<vmem>>) offsets(%dma_start3A_46 : memref<120xi32, #tpu.memory_space<vmem>>) semaphore(%dma_start3A_51 : memref<!tpu.dma_semaphore, #tpu.memory_space<semaphore_mem>>)
    %scan3A = arith.constant 0 : i32
    %scan3A_52 = arith.constant 0 : i32
    %scan3A_53 = arith.constant 84 : i32
    %scan3A_54 = arith.addi %scan3A_52, %scan3A_53 : i32
    %scan3A_55 = arith.constant 1 : i32
    scf.for %scan3A_78 = %scan3A_52 to %scan3A_54 step %scan3A_55  : i32 {
      %rem3A = arith.constant 3 : i32
      %rem3A_79 = arith.remsi %scan3A_78, %rem3A : i32
      %div3A = arith.constant 4 : i32
      %div3A_80 = arith.divsi %scan3A_78, %div3A : i32
      %rem3A_81 = arith.constant 4 : i32
      %rem3A_82 = arith.remsi %scan3A_78, %rem3A_81 : i32
      %rem3A_83 = arith.constant 3 : i32
      %rem3A_84 = arith.remsi %div3A_80, %rem3A_83 : i32
      %dma_wait3A_85 = arith.constant 0 : i32
      %dma_wait3A_86 = arith.constant 0 : i32
      %dma_wait3A_87 = tpu.memref_slice %arg9[%rem3A_79, %dma_wait3A_85, %dma_wait3A_86] : memref<3x120x128xf32, #tpu.memory_space<vmem>> -> memref<1x120x128xf32, #tpu.memory_space<vmem>>
      %dma_wait3A_88 = tpu.memref_squeeze %dma_wait3A_87 : memref<1x120x128xf32, #tpu.memory_space<vmem>> -> memref<120x128xf32, #tpu.memory_space<vmem>>
      %dma_wait3A_89 = arith.constant 0 : i32
      %dma_wait3A_90 = tpu.memref_slice %arg7[%rem3A_84, %rem3A_82, %dma_wait3A_89] : memref<3x4x120xi32, #tpu.memory_space<vmem>> -> memref<1x1x120xi32, #tpu.memory_space<vmem>>
      %dma_wait3A_91 = tpu.memref_squeeze %dma_wait3A_90 : memref<1x1x120xi32, #tpu.memory_space<vmem>> -> memref<120xi32, #tpu.memory_space<vmem>>
      %dma_wait3A_92 = arith.constant 0 : i32
      %dma_wait3A_93 = arith.constant 0 : i32
      %dma_wait3A_94 = tpu.memref_slice %arg2[%dma_wait3A_92, %dma_wait3A_93] : memref<10112x128xf32, #tpu.memory_space<hbm>> -> memref<10112x128xf32, #tpu.memory_space<hbm>>
      %dma_wait3A_95 = tpu.memref_slice %arg11[%rem3A_79] : memref<3x!tpu.dma_semaphore, #tpu.memory_space<semaphore_mem>> -> memref<1x!tpu.dma_semaphore, #tpu.memory_space<semaphore_mem>>
      %dma_wait3A_96 = tpu.memref_squeeze %dma_wait3A_95 : memref<1x!tpu.dma_semaphore, #tpu.memory_space<semaphore_mem>> -> memref<!tpu.dma_semaphore, #tpu.memory_space<semaphore_mem>>
      tpu.wait_indirect_dma semaphore(%dma_wait3A_96 : memref<!tpu.dma_semaphore, #tpu.memory_space<semaphore_mem>>) src(%dma_wait3A_94 : memref<10112x128xf32, #tpu.memory_space<hbm>>) dst(%dma_wait3A_88 : memref<120x128xf32, #tpu.memory_space<vmem>>)
      %dma_start3A_97 = arith.constant 0 : i32
      %dma_start3A_98 = arith.constant 0 : i32
      %dma_start3A_99 = tpu.memref_slice %arg9[%rem3A_79, %dma_start3A_97, %dma_start3A_98] : memref<3x120x128xf32, #tpu.memory_space<vmem>> -> memref<1x120x128xf32, #tpu.memory_space<vmem>>
      %dma_start3A_100 = tpu.memref_squeeze %dma_start3A_99 : memref<1x120x128xf32, #tpu.memory_space<vmem>> -> memref<120x128xf32, #tpu.memory_space<vmem>>
      %dma_start3A_101 = arith.constant 0 : i32
      %dma_start3A_102 = tpu.memref_slice %arg8[%rem3A_84, %rem3A_82, %dma_start3A_101] : memref<3x4x120xi32, #tpu.memory_space<vmem>> -> memref<1x1x120xi32, #tpu.memory_space<vmem>>
      %dma_start3A_103 = tpu.memref_squeeze %dma_start3A_102 : memref<1x1x120xi32, #tpu.memory_space<vmem>> -> memref<120xi32, #tpu.memory_space<vmem>>
      %dma_start3A_104 = arith.constant 0 : i32
      %dma_start3A_105 = arith.constant 0 : i32
      %dma_start3A_106 = tpu.memref_slice %arg10[%dma_start3A_104, %dma_start3A_105] : memref<10112x128xf32, #tpu.memory_space<vmem_shared>> -> memref<10112x128xf32, #tpu.memory_space<vmem_shared>>
      %dma_start3A_107 = tpu.memref_slice %arg12[%rem3A_79] : memref<3x!tpu.dma_semaphore, #tpu.memory_space<semaphore_mem>> -> memref<1x!tpu.dma_semaphore, #tpu.memory_space<semaphore_mem>>
      %dma_start3A_108 = tpu.memref_squeeze %dma_start3A_107 : memref<1x!tpu.dma_semaphore, #tpu.memory_space<semaphore_mem>> -> memref<!tpu.dma_semaphore, #tpu.memory_space<semaphore_mem>>
      tpu.enqueue_indirect_dma source(%dma_start3A_100 : memref<120x128xf32, #tpu.memory_space<vmem>>) target(%dma_start3A_106 : memref<10112x128xf32, #tpu.memory_space<vmem_shared>>) offsets(%dma_start3A_103 : memref<120xi32, #tpu.memory_space<vmem>>) semaphore(%dma_start3A_108 : memref<!tpu.dma_semaphore, #tpu.memory_space<semaphore_mem>>) {add = true}
      %ge3A = arith.constant 1 : i32
      %ge3A_109 = arith.cmpi sge, %scan3A_78, %ge3A : i32
      %convert_element_type3A = arith.extui %ge3A_109 : i1 to i32
      %cond3A = arith.constant 0 : i32
      %cond3A_110 = arith.cmpi ne, %convert_element_type3A, %cond3A : i32
      scf.if %cond3A_110 {
        %sub3A_118 = arith.constant 1 : i32
        %sub3A_119 = arith.subi %scan3A_78, %sub3A_118 : i32
        %rem3A_120 = arith.constant 3 : i32
        %rem3A_121 = arith.remsi %sub3A_119, %rem3A_120 : i32
        %div3A_122 = arith.constant 4 : i32
        %div3A_123 = arith.divsi %sub3A_119, %div3A_122 : i32
        %rem3A_124 = arith.constant 3 : i32
        %rem3A_125 = arith.remsi %div3A_123, %rem3A_124 : i32
        %rem3A_126 = arith.constant 4 : i32
        %rem3A_127 = arith.remsi %sub3A_119, %rem3A_126 : i32
        %dma_wait3A_128 = arith.constant 0 : i32
        %dma_wait3A_129 = arith.constant 0 : i32
        %dma_wait3A_130 = tpu.memref_slice %arg9[%rem3A_121, %dma_wait3A_128, %dma_wait3A_129] : memref<3x120x128xf32, #tpu.memory_space<vmem>> -> memref<1x120x128xf32, #tpu.memory_space<vmem>>
        %dma_wait3A_131 = tpu.memref_squeeze %dma_wait3A_130 : memref<1x120x128xf32, #tpu.memory_space<vmem>> -> memref<120x128xf32, #tpu.memory_space<vmem>>
        %dma_wait3A_132 = arith.constant 0 : i32
        %dma_wait3A_133 = tpu.memref_slice %arg8[%rem3A_125, %rem3A_127, %dma_wait3A_132] : memref<3x4x120xi32, #tpu.memory_space<vmem>> -> memref<1x1x120xi32, #tpu.memory_space<vmem>>
        %dma_wait3A_134 = tpu.memref_squeeze %dma_wait3A_133 : memref<1x1x120xi32, #tpu.memory_space<vmem>> -> memref<120xi32, #tpu.memory_space<vmem>>
        %dma_wait3A_135 = arith.constant 0 : i32
        %dma_wait3A_136 = arith.constant 0 : i32
        %dma_wait3A_137 = tpu.memref_slice %arg10[%dma_wait3A_135, %dma_wait3A_136] : memref<10112x128xf32, #tpu.memory_space<vmem_shared>> -> memref<10112x128xf32, #tpu.memory_space<vmem_shared>>
        %dma_wait3A_138 = tpu.memref_slice %arg12[%rem3A_121] : memref<3x!tpu.dma_semaphore, #tpu.memory_space<semaphore_mem>> -> memref<1x!tpu.dma_semaphore, #tpu.memory_space<semaphore_mem>>
        %dma_wait3A_139 = tpu.memref_squeeze %dma_wait3A_138 : memref<1x!tpu.dma_semaphore, #tpu.memory_space<semaphore_mem>> -> memref<!tpu.dma_semaphore, #tpu.memory_space<semaphore_mem>>
        tpu.wait_indirect_dma semaphore(%dma_wait3A_139 : memref<!tpu.dma_semaphore, #tpu.memory_space<semaphore_mem>>) src(%dma_wait3A_131 : memref<120x128xf32, #tpu.memory_space<vmem>>) dst(%dma_wait3A_137 : memref<10112x128xf32, #tpu.memory_space<vmem_shared>>)
      } else {
      }
      %add3A_111 = arith.constant 3 : i32
      %add3A_112 = arith.addi %scan3A_78, %add3A_111 : i32
      %sub3A = arith.constant 1 : i32
      %sub3A_113 = arith.subi %add3A_112, %sub3A : i32
      %lt3A = arith.constant 84 : i32
      %lt3A_114 = arith.cmpi slt, %sub3A_113, %lt3A : i32
      %convert_element_type3A_115 = arith.extui %lt3A_114 : i1 to i32
      %cond3A_116 = arith.constant 0 : i32
      %cond3A_117 = arith.cmpi ne, %convert_element_type3A_115, %cond3A_116 : i32
      scf.if %cond3A_117 {
        %div3A_118 = arith.constant 4 : i32
        %div3A_119 = arith.divsi %sub3A_113, %div3A_118 : i32
        %rem3A_120 = arith.constant 3 : i32
        %rem3A_121 = arith.remsi %div3A_119, %rem3A_120 : i32
        %rem3A_122 = arith.constant 4 : i32
        %rem3A_123 = arith.remsi %sub3A_113, %rem3A_122 : i32
        %eq3A = arith.constant 0 : i32
        %eq3A_124 = arith.cmpi eq, %rem3A_123, %eq3A : i32
        %ge3A_125 = arith.constant 2 : i32
        %ge3A_126 = arith.cmpi sge, %div3A_119, %ge3A_125 : i32
        %and3A = arith.andi %eq3A_124, %ge3A_126 : i1
        %convert_element_type3A_127 = arith.extui %and3A : i1 to i32
        %cond3A_128 = arith.constant 0 : i32
        %cond3A_129 = arith.cmpi ne, %convert_element_type3A_127, %cond3A_128 : i32
        scf.if %cond3A_129 {
          %mul3A_160 = arith.constant 4 : i32
          %mul3A_161 = arith.muli %div3A_119, %mul3A_160 : i32
          %dma_wait3A_162 = arith.constant 0 : i32
          %dma_wait3A_163 = arith.constant 0 : i32
          %dma_wait3A_164 = tpu.memref_slice %arg7[%rem3A_121, %dma_wait3A_162, %dma_wait3A_163] : memref<3x4x120xi32, #tpu.memory_space<vmem>> -> memref<1x4x120xi32, #tpu.memory_space<vmem>>
          %dma_wait3A_165 = tpu.memref_squeeze %dma_wait3A_164 : memref<1x4x120xi32, #tpu.memory_space<vmem>> -> memref<4x120xi32, #tpu.memory_space<vmem>>
          %dma_wait3A_166 = arith.constant 0 : i32
          %dma_wait3A_167 = tpu.memref_slice %arg4[%add3A, %mul3A_161, %dma_wait3A_166] : memref<32x84x120xi32, #tpu.memory_space<hbm>> -> memref<1x4x120xi32, #tpu.memory_space<hbm>>
          %dma_wait3A_168 = tpu.memref_squeeze %dma_wait3A_167 : memref<1x4x120xi32, #tpu.memory_space<hbm>> -> memref<4x120xi32, #tpu.memory_space<hbm>>
          %dma_wait3A_169 = tpu.memref_slice %arg13[%rem3A_121] : memref<3x!tpu.dma_semaphore, #tpu.memory_space<semaphore_mem>> -> memref<1x!tpu.dma_semaphore, #tpu.memory_space<semaphore_mem>>
          %dma_wait3A_170 = tpu.memref_squeeze %dma_wait3A_169 : memref<1x!tpu.dma_semaphore, #tpu.memory_space<semaphore_mem>> -> memref<!tpu.dma_semaphore, #tpu.memory_space<semaphore_mem>>
          %dma_wait3A_171 = arith.constant 0 : i32
          %dma_wait3A_172 = arith.constant 0 : i32
          %dma_wait3A_173 = tpu.memref_slice %arg7[%rem3A_121, %dma_wait3A_171, %dma_wait3A_172] : memref<3x4x120xi32, #tpu.memory_space<vmem>> -> memref<1x4x120xi32, #tpu.memory_space<vmem>>
          %dma_wait3A_174 = tpu.memref_squeeze %dma_wait3A_173 : memref<1x4x120xi32, #tpu.memory_space<vmem>> -> memref<4x120xi32, #tpu.memory_space<vmem>>
          %dma_wait3A_175 = arith.constant 0 : i32
          %dma_wait3A_176 = tpu.memref_slice %arg4[%add3A, %mul3A_161, %dma_wait3A_175] : memref<32x84x120xi32, #tpu.memory_space<hbm>> -> memref<1x4x120xi32, #tpu.memory_space<hbm>>
          %dma_wait3A_177 = tpu.memref_squeeze %dma_wait3A_176 : memref<1x4x120xi32, #tpu.memory_space<hbm>> -> memref<4x120xi32, #tpu.memory_space<hbm>>
          tpu.wait_dma2 semaphore(%dma_wait3A_170 : memref<!tpu.dma_semaphore, #tpu.memory_space<semaphore_mem>>) src(%dma_wait3A_177 : memref<4x120xi32, #tpu.memory_space<hbm>>) dst(%dma_wait3A_174 : memref<4x120xi32, #tpu.memory_space<vmem>>)
          %mul3A_178 = arith.constant 4 : i32
          %mul3A_179 = arith.muli %div3A_119, %mul3A_178 : i32
          %dma_wait3A_180 = arith.constant 0 : i32
          %dma_wait3A_181 = arith.constant 0 : i32
          %dma_wait3A_182 = tpu.memref_slice %arg8[%rem3A_121, %dma_wait3A_180, %dma_wait3A_181] : memref<3x4x120xi32, #tpu.memory_space<vmem>> -> memref<1x4x120xi32, #tpu.memory_space<vmem>>
          %dma_wait3A_183 = tpu.memref_squeeze %dma_wait3A_182 : memref<1x4x120xi32, #tpu.memory_space<vmem>> -> memref<4x120xi32, #tpu.memory_space<vmem>>
          %dma_wait3A_184 = arith.constant 0 : i32
          %dma_wait3A_185 = tpu.memref_slice %arg5[%add3A, %mul3A_179, %dma_wait3A_184] : memref<32x84x120xi32, #tpu.memory_space<hbm>> -> memref<1x4x120xi32, #tpu.memory_space<hbm>>
          %dma_wait3A_186 = tpu.memref_squeeze %dma_wait3A_185 : memref<1x4x120xi32, #tpu.memory_space<hbm>> -> memref<4x120xi32, #tpu.memory_space<hbm>>
          %dma_wait3A_187 = tpu.memref_slice %arg14[%rem3A_121] : memref<3x!tpu.dma_semaphore, #tpu.memory_space<semaphore_mem>> -> memref<1x!tpu.dma_semaphore, #tpu.memory_space<semaphore_mem>>
          %dma_wait3A_188 = tpu.memref_squeeze %dma_wait3A_187 : memref<1x!tpu.dma_semaphore, #tpu.memory_space<semaphore_mem>> -> memref<!tpu.dma_semaphore, #tpu.memory_space<semaphore_mem>>
          %dma_wait3A_189 = arith.constant 0 : i32
          %dma_wait3A_190 = arith.constant 0 : i32
          %dma_wait3A_191 = tpu.memref_slice %arg8[%rem3A_121, %dma_wait3A_189, %dma_wait3A_190] : memref<3x4x120xi32, #tpu.memory_space<vmem>> -> memref<1x4x120xi32, #tpu.memory_space<vmem>>
          %dma_wait3A_192 = tpu.memref_squeeze %dma_wait3A_191 : memref<1x4x120xi32, #tpu.memory_space<vmem>> -> memref<4x120xi32, #tpu.memory_space<vmem>>
          %dma_wait3A_193 = arith.constant 0 : i32
          %dma_wait3A_194 = tpu.memref_slice %arg5[%add3A, %mul3A_179, %dma_wait3A_193] : memref<32x84x120xi32, #tpu.memory_space<hbm>> -> memref<1x4x120xi32, #tpu.memory_space<hbm>>
          %dma_wait3A_195 = tpu.memref_squeeze %dma_wait3A_194 : memref<1x4x120xi32, #tpu.memory_space<hbm>> -> memref<4x120xi32, #tpu.memory_space<hbm>>
          tpu.wait_dma2 semaphore(%dma_wait3A_188 : memref<!tpu.dma_semaphore, #tpu.memory_space<semaphore_mem>>) src(%dma_wait3A_195 : memref<4x120xi32, #tpu.memory_space<hbm>>) dst(%dma_wait3A_192 : memref<4x120xi32, #tpu.memory_space<vmem>>)
        } else {
        }
        %rem3A_130 = arith.constant 4 : i32
        %rem3A_131 = arith.remsi %sub3A_113, %rem3A_130 : i32
        %eq3A_132 = arith.constant 0 : i32
        %eq3A_133 = arith.cmpi eq, %rem3A_131, %eq3A_132 : i32
        %add3A_134 = arith.constant 1 : i32
        %add3A_135 = arith.addi %div3A_119, %add3A_134 : i32
        %lt3A_136 = arith.constant 21 : i32
        %lt3A_137 = arith.cmpi slt, %add3A_135, %lt3A_136 : i32
        %and3A_138 = arith.andi %eq3A_133, %lt3A_137 : i1
        %convert_element_type3A_139 = arith.extui %and3A_138 : i1 to i32
        %cond3A_140 = arith.constant 0 : i32
        %cond3A_141 = arith.cmpi ne, %convert_element_type3A_139, %cond3A_140 : i32
        scf.if %cond3A_141 {
          %add3A_160 = arith.constant 1 : i32
          %add3A_161 = arith.addi %div3A_119, %add3A_160 : i32
          %rem3A_162 = arith.constant 3 : i32
          %rem3A_163 = arith.remsi %add3A_161, %rem3A_162 : i32
          %mul3A_164 = arith.constant 4 : i32
          %mul3A_165 = arith.muli %add3A_161, %mul3A_164 : i32
          %dma_start3A_166 = arith.constant 0 : i32
          %dma_start3A_167 = arith.constant 0 : i32
          %dma_start3A_168 = tpu.memref_slice %arg7[%rem3A_163, %dma_start3A_166, %dma_start3A_167] : memref<3x4x120xi32, #tpu.memory_space<vmem>> -> memref<1x4x120xi32, #tpu.memory_space<vmem>>
          %dma_start3A_169 = tpu.memref_squeeze %dma_start3A_168 : memref<1x4x120xi32, #tpu.memory_space<vmem>> -> memref<4x120xi32, #tpu.memory_space<vmem>>
          %dma_start3A_170 = arith.constant 0 : i32
          %dma_start3A_171 = tpu.memref_slice %arg4[%add3A, %mul3A_165, %dma_start3A_170] : memref<32x84x120xi32, #tpu.memory_space<hbm>> -> memref<1x4x120xi32, #tpu.memory_space<hbm>>
          %dma_start3A_172 = tpu.memref_squeeze %dma_start3A_171 : memref<1x4x120xi32, #tpu.memory_space<hbm>> -> memref<4x120xi32, #tpu.memory_space<hbm>>
          %dma_start3A_173 = tpu.memref_slice %arg13[%rem3A_163] : memref<3x!tpu.dma_semaphore, #tpu.memory_space<semaphore_mem>> -> memref<1x!tpu.dma_semaphore, #tpu.memory_space<semaphore_mem>>
          %dma_start3A_174 = tpu.memref_squeeze %dma_start3A_173 : memref<1x!tpu.dma_semaphore, #tpu.memory_space<semaphore_mem>> -> memref<!tpu.dma_semaphore, #tpu.memory_space<semaphore_mem>>
          %dma_start3A_175 = arith.constant 0 : i32
          %dma_start3A_176 = arith.constant 0 : i32
          %dma_start3A_177 = tpu.memref_slice %arg7[%rem3A_163, %dma_start3A_175, %dma_start3A_176] : memref<3x4x120xi32, #tpu.memory_space<vmem>> -> memref<1x4x120xi32, #tpu.memory_space<vmem>>
          %dma_start3A_178 = tpu.memref_squeeze %dma_start3A_177 : memref<1x4x120xi32, #tpu.memory_space<vmem>> -> memref<4x120xi32, #tpu.memory_space<vmem>>
          %dma_start3A_179 = arith.constant 0 : i32
          %dma_start3A_180 = tpu.memref_slice %arg4[%add3A, %mul3A_165, %dma_start3A_179] : memref<32x84x120xi32, #tpu.memory_space<hbm>> -> memref<1x4x120xi32, #tpu.memory_space<hbm>>
          %dma_start3A_181 = tpu.memref_squeeze %dma_start3A_180 : memref<1x4x120xi32, #tpu.memory_space<hbm>> -> memref<4x120xi32, #tpu.memory_space<hbm>>
          tpu.enqueue_dma source(%dma_start3A_181 : memref<4x120xi32, #tpu.memory_space<hbm>>) target(%dma_start3A_178 : memref<4x120xi32, #tpu.memory_space<vmem>>) target_semaphore(%dma_start3A_174 : memref<!tpu.dma_semaphore, #tpu.memory_space<semaphore_mem>>)
          %mul3A_182 = arith.constant 4 : i32
          %mul3A_183 = arith.muli %add3A_161, %mul3A_182 : i32
          %dma_start3A_184 = arith.constant 0 : i32
          %dma_start3A_185 = arith.constant 0 : i32
          %dma_start3A_186 = tpu.memref_slice %arg8[%rem3A_163, %dma_start3A_184, %dma_start3A_185] : memref<3x4x120xi32, #tpu.memory_space<vmem>> -> memref<1x4x120xi32, #tpu.memory_space<vmem>>
          %dma_start3A_187 = tpu.memref_squeeze %dma_start3A_186 : memref<1x4x120xi32, #tpu.memory_space<vmem>> -> memref<4x120xi32, #tpu.memory_space<vmem>>
          %dma_start3A_188 = arith.constant 0 : i32
          %dma_start3A_189 = tpu.memref_slice %arg5[%add3A, %mul3A_183, %dma_start3A_188] : memref<32x84x120xi32, #tpu.memory_space<hbm>> -> memref<1x4x120xi32, #tpu.memory_space<hbm>>
          %dma_start3A_190 = tpu.memref_squeeze %dma_start3A_189 : memref<1x4x120xi32, #tpu.memory_space<hbm>> -> memref<4x120xi32, #tpu.memory_space<hbm>>
          %dma_start3A_191 = tpu.memref_slice %arg14[%rem3A_163] : memref<3x!tpu.dma_semaphore, #tpu.memory_space<semaphore_mem>> -> memref<1x!tpu.dma_semaphore, #tpu.memory_space<semaphore_mem>>
          %dma_start3A_192 = tpu.memref_squeeze %dma_start3A_191 : memref<1x!tpu.dma_semaphore, #tpu.memory_space<semaphore_mem>> -> memref<!tpu.dma_semaphore, #tpu.memory_space<semaphore_mem>>
          %dma_start3A_193 = arith.constant 0 : i32
          %dma_start3A_194 = arith.constant 0 : i32
          %dma_start3A_195 = tpu.memref_slice %arg8[%rem3A_163, %dma_start3A_193, %dma_start3A_194] : memref<3x4x120xi32, #tpu.memory_space<vmem>> -> memref<1x4x120xi32, #tpu.memory_space<vmem>>
          %dma_start3A_196 = tpu.memref_squeeze %dma_start3A_195 : memref<1x4x120xi32, #tpu.memory_space<vmem>> -> memref<4x120xi32, #tpu.memory_space<vmem>>
          %dma_start3A_197 = arith.constant 0 : i32
          %dma_start3A_198 = tpu.memref_slice %arg5[%add3A, %mul3A_183, %dma_start3A_197] : memref<32x84x120xi32, #tpu.memory_space<hbm>> -> memref<1x4x120xi32, #tpu.memory_space<hbm>>
          %dma_start3A_199 = tpu.memref_squeeze %dma_start3A_198 : memref<1x4x120xi32, #tpu.memory_space<hbm>> -> memref<4x120xi32, #tpu.memory_space<hbm>>
          tpu.enqueue_dma source(%dma_start3A_199 : memref<4x120xi32, #tpu.memory_space<hbm>>) target(%dma_start3A_196 : memref<4x120xi32, #tpu.memory_space<vmem>>) target_semaphore(%dma_start3A_192 : memref<!tpu.dma_semaphore, #tpu.memory_space<semaphore_mem>>)
        } else {
        }
        %rem3A_142 = arith.constant 4 : i32
        %rem3A_143 = arith.remsi %sub3A_113, %rem3A_142 : i32
        %rem3A_144 = arith.constant 3 : i32
        %rem3A_145 = arith.remsi %sub3A_113, %rem3A_144 : i32
        %rem3A_146 = arith.constant 3 : i32
        %rem3A_147 = arith.remsi %sub3A_113, %rem3A_146 : i32
        %dma_start3A_148 = arith.constant 0 : i32
        %dma_start3A_149 = arith.constant 0 : i32
        %dma_start3A_150 = tpu.memref_slice %arg9[%rem3A_145, %dma_start3A_148, %dma_start3A_149] : memref<3x120x128xf32, #tpu.memory_space<vmem>> -> memref<1x120x128xf32, #tpu.memory_space<vmem>>
        %dma_start3A_151 = tpu.memref_squeeze %dma_start3A_150 : memref<1x120x128xf32, #tpu.memory_space<vmem>> -> memref<120x128xf32, #tpu.memory_space<vmem>>
        %dma_start3A_152 = arith.constant 0 : i32
        %dma_start3A_153 = tpu.memref_slice %arg7[%rem3A_121, %rem3A_143, %dma_start3A_152] : memref<3x4x120xi32, #tpu.memory_space<vmem>> -> memref<1x1x120xi32, #tpu.memory_space<vmem>>
        %dma_start3A_154 = tpu.memref_squeeze %dma_start3A_153 : memref<1x1x120xi32, #tpu.memory_space<vmem>> -> memref<120xi32, #tpu.memory_space<vmem>>
        %dma_start3A_155 = arith.constant 0 : i32
        %dma_start3A_156 = arith.constant 0 : i32
        %dma_start3A_157 = tpu.memref_slice %arg2[%dma_start3A_155, %dma_start3A_156] : memref<10112x128xf32, #tpu.memory_space<hbm>> -> memref<10112x128xf32, #tpu.memory_space<hbm>>
        %dma_start3A_158 = tpu.memref_slice %arg11[%rem3A_147] : memref<3x!tpu.dma_semaphore, #tpu.memory_space<semaphore_mem>> -> memref<1x!tpu.dma_semaphore, #tpu.memory_space<semaphore_mem>>
        %dma_start3A_159 = tpu.memref_squeeze %dma_start3A_158 : memref<1x!tpu.dma_semaphore, #tpu.memory_space<semaphore_mem>> -> memref<!tpu.dma_semaphore, #tpu.memory_space<semaphore_mem>>
        tpu.enqueue_indirect_dma source(%dma_start3A_157 : memref<10112x128xf32, #tpu.memory_space<hbm>>) target(%dma_start3A_151 : memref<120x128xf32, #tpu.memory_space<vmem>>) offsets(%dma_start3A_154 : memref<120xi32, #tpu.memory_space<vmem>>) semaphore(%dma_start3A_159 : memref<!tpu.dma_semaphore, #tpu.memory_space<semaphore_mem>>)
      } else {
      }
    }
    %scan3A_56 = arith.constant 84 : i32
    %dma_wait3A_57 = arith.constant 2 : i32
    %dma_wait3A_58 = arith.constant 2 : i32
    %dma_wait3A_59 = arith.constant 3 : i32
    %dma_wait3A_60 = arith.constant 2 : i32
    %dma_wait3A_61 = arith.constant 0 : i32
    %dma_wait3A_62 = arith.constant 0 : i32
    %dma_wait3A_63 = tpu.memref_slice %arg9[%dma_wait3A_57, %dma_wait3A_61, %dma_wait3A_62] : memref<3x120x128xf32, #tpu.memory_space<vmem>> -> memref<1x120x128xf32, #tpu.memory_space<vmem>>
    %dma_wait3A_64 = tpu.memref_squeeze %dma_wait3A_63 : memref<1x120x128xf32, #tpu.memory_space<vmem>> -> memref<120x128xf32, #tpu.memory_space<vmem>>
    %dma_wait3A_65 = arith.constant 0 : i32
    %dma_wait3A_66 = tpu.memref_slice %arg8[%dma_wait3A_58, %dma_wait3A_59, %dma_wait3A_65] : memref<3x4x120xi32, #tpu.memory_space<vmem>> -> memref<1x1x120xi32, #tpu.memory_space<vmem>>
    %dma_wait3A_67 = tpu.memref_squeeze %dma_wait3A_66 : memref<1x1x120xi32, #tpu.memory_space<vmem>> -> memref<120xi32, #tpu.memory_space<vmem>>
    %dma_wait3A_68 = arith.constant 0 : i32
    %dma_wait3A_69 = arith.constant 0 : i32
    %dma_wait3A_70 = tpu.memref_slice %arg10[%dma_wait3A_68, %dma_wait3A_69] : memref<10112x128xf32, #tpu.memory_space<vmem_shared>> -> memref<10112x128xf32, #tpu.memory_space<vmem_shared>>
    %dma_wait3A_71 = tpu.memref_slice %arg12[%dma_wait3A_60] : memref<3x!tpu.dma_semaphore, #tpu.memory_space<semaphore_mem>> -> memref<1x!tpu.dma_semaphore, #tpu.memory_space<semaphore_mem>>
    %dma_wait3A_72 = tpu.memref_squeeze %dma_wait3A_71 : memref<1x!tpu.dma_semaphore, #tpu.memory_space<semaphore_mem>> -> memref<!tpu.dma_semaphore, #tpu.memory_space<semaphore_mem>>
    tpu.wait_indirect_dma semaphore(%dma_wait3A_72 : memref<!tpu.dma_semaphore, #tpu.memory_space<semaphore_mem>>) src(%dma_wait3A_64 : memref<120x128xf32, #tpu.memory_space<vmem>>) dst(%dma_wait3A_70 : memref<10112x128xf32, #tpu.memory_space<vmem_shared>>)
    %barrier3A_73 = arith.constant 0 : index
    tpu.barrier barrier_id(%barrier3A_73)
    %mul3A_74 = arith.constant 632 : i32
    %mul3A_75 = arith.muli %arg1, %mul3A_74 : i32
    %mul3A_76 = arith.constant 632 : i32
    %mul3A_77 = arith.muli %arg1, %mul3A_76 : i32
    "tpu.region"() ({
      %run_scoped3A_78 = tpu.sem_alloc : memref<!tpu.dma_semaphore, #tpu.memory_space<semaphore_mem>>
      %dma_start3A_79 = arith.constant 0 : i32
      %dma_start3A_80 = tpu.memref_slice %arg6[%arg0, %mul3A_77, %dma_start3A_79] : memref<2x10112x128xf32, #tpu.memory_space<hbm>> -> memref<1x632x128xf32, #tpu.memory_space<hbm>>
      %dma_start3A_81 = tpu.memref_squeeze %dma_start3A_80 : memref<1x632x128xf32, #tpu.memory_space<hbm>> -> memref<632x128xf32, #tpu.memory_space<hbm>>
      %dma_start3A_82 = arith.constant 0 : i32
      %dma_start3A_83 = tpu.memref_slice %arg10[%mul3A_75, %dma_start3A_82] : memref<10112x128xf32, #tpu.memory_space<vmem_shared>> -> memref<632x128xf32, #tpu.memory_space<vmem_shared>>
      tpu.enqueue_dma source(%dma_start3A_83 : memref<632x128xf32, #tpu.memory_space<vmem_shared>>) target(%dma_start3A_81 : memref<632x128xf32, #tpu.memory_space<hbm>>) target_semaphore(%run_scoped3A_78 : memref<!tpu.dma_semaphore, #tpu.memory_space<semaphore_mem>>)
      %dma_wait3A_84 = arith.constant 0 : i32
      %dma_wait3A_85 = tpu.memref_slice %arg6[%arg0, %mul3A_77, %dma_wait3A_84] : memref<2x10112x128xf32, #tpu.memory_space<hbm>> -> memref<1x632x128xf32, #tpu.memory_space<hbm>>
      %dma_wait3A_86 = tpu.memref_squeeze %dma_wait3A_85 : memref<1x632x128xf32, #tpu.memory_space<hbm>> -> memref<632x128xf32, #tpu.memory_space<hbm>>
      %dma_wait3A_87 = arith.constant 0 : i32
      %dma_wait3A_88 = tpu.memref_slice %arg10[%mul3A_75, %dma_wait3A_87] : memref<10112x128xf32, #tpu.memory_space<vmem_shared>> -> memref<632x128xf32, #tpu.memory_space<vmem_shared>>
      tpu.wait_dma2 semaphore(%run_scoped3A_78 : memref<!tpu.dma_semaphore, #tpu.memory_space<semaphore_mem>>) src(%dma_wait3A_88 : memref<632x128xf32, #tpu.memory_space<vmem_shared>>) dst(%dma_wait3A_86 : memref<632x128xf32, #tpu.memory_space<hbm>>)
      tpu.yield
    }) : () -> ()
    return
  }
}

module attributes {stable_mosaic.version = 14 : i64} {
  func.func @_matmul_body(%arg0: i32, %arg1: memref<5056x128xf32, #tpu.memory_space<vmem>>, %arg2: memref<128x128xf32, #tpu.memory_space<vmem>>, %arg3: memref<1x128xf32, #tpu.memory_space<vmem>>, %arg4: memref<5056x128xf32, #tpu.memory_space<vmem>>) attributes {dimension_semantics = [#tpu.dimension_semantics<arbitrary>], iteration_bounds = array<i64: 2>, scalar_prefetch = 0 : i64, scratch_operands = 0 : i64, tpu.core_type = #tpu.core_type<tc>, window_params = [{transform_indices = @transform_0, window_bounds = array<i64: 5056, 128>}, {pipeline_mode = #tpu.pipeline_mode<synchronous>, transform_indices = @transform_1, window_bounds = array<i64: 128, 128>}, {pipeline_mode = #tpu.pipeline_mode<synchronous>, transform_indices = @transform_2, window_bounds = array<i64: 1, 128>}, {transform_indices = @transform_3, window_bounds = array<i64: 5056, 128>}]} {
    %get3A = arith.constant 0 : index
    %get3A_0 = arith.constant 0 : index
    %get3A_1 = vector.load %arg1[%get3A, %get3A_0] : memref<5056x128xf32, #tpu.memory_space<vmem>>, vector<5056x128xf32>
    %get3A_2 = arith.constant 0 : index
    %get3A_3 = arith.constant 0 : index
    %get3A_4 = vector.load %arg2[%get3A_2, %get3A_3] : memref<128x128xf32, #tpu.memory_space<vmem>>, vector<128x128xf32>
    %dot_general3A = arith.constant dense<0.000000e+00> : vector<5056x128xf32>
    %dot_general3A_5 = tpu.matmul %get3A_1, %get3A_4, %dot_general3A {dimension_numbers = #tpu.dot_dimension_numbers<[1], [0], [0], [1], [0, 0, 1, 1], [], []>, transpose_lhs_hint = false} : vector<5056x128xf32>, vector<128x128xf32>, vector<5056x128xf32> -> vector<5056x128xf32>
    %get3A_6 = arith.constant 0 : index
    %get3A_7 = arith.constant 0 : index
    %get3A_8 = vector.load %arg3[%get3A_6, %get3A_7] : memref<1x128xf32, #tpu.memory_space<vmem>>, vector<1x128xf32>
    %add3A = vector.broadcast %get3A_8 : vector<1x128xf32> to vector<5056x128xf32>
    %add3A_9 = arith.addf %dot_general3A_5, %add3A : vector<5056x128xf32>
    %swap3A = arith.constant 0 : index
    %swap3A_10 = arith.constant 0 : index
    %swap3A_11 = vector.load %arg4[%swap3A, %swap3A_10] : memref<5056x128xf32, #tpu.memory_space<vmem>>, vector<5056x128xf32>
    tpu.vector_store %arg4[%swap3A, %swap3A_10], %add3A_9 {strides = array<i32>} : memref<5056x128xf32, #tpu.memory_space<vmem>>, vector<5056x128xf32>,
    return
  }
  func.func @transform_0(%arg0: i32) -> (i32, i32) {
    %c0_i32 = arith.constant 0 : i32
    %c0_i32_0 = arith.constant 0 : i32
    return %arg0, %c0_i32 : i32, i32
  }
  func.func @transform_1(%arg0: i32) -> (i32, i32) {
    %c0_i32 = arith.constant 0 : i32
    %c0_i32_0 = arith.constant 0 : i32
    %c0_i32_1 = arith.constant 0 : i32
    return %c0_i32, %c0_i32_0 : i32, i32
  }
  func.func @transform_2(%arg0: i32) -> (i32, i32) {
    %c0_i32 = arith.constant 0 : i32
    %c0_i32_0 = arith.constant 0 : i32
    %c0_i32_1 = arith.constant 0 : i32
    return %c0_i32, %c0_i32_0 : i32, i32
  }
  func.func @transform_3(%arg0: i32) -> (i32, i32) {
    %c0_i32 = arith.constant 0 : i32
    %c0_i32_0 = arith.constant 0 : i32
    return %arg0, %c0_i32 : i32, i32
  }
}

module attributes {stable_mosaic.version = 14 : i64} {
  func.func @_mlp_body(%arg0: i32, %arg1: memref<5056x128xf32, #tpu.memory_space<vmem>>, %arg2: memref<2x5056x128xf32, #tpu.memory_space<vmem>>, %arg3: memref<128x128xf32, #tpu.memory_space<vmem>>, %arg4: memref<1x128xf32, #tpu.memory_space<vmem>>, %arg5: memref<128x128xf32, #tpu.memory_space<vmem>>, %arg6: memref<1x128xf32, #tpu.memory_space<vmem>>, %arg7: memref<5056x128xf32, #tpu.memory_space<vmem>>) attributes {dimension_semantics = [#tpu.dimension_semantics<arbitrary>], iteration_bounds = array<i64: 2>, scalar_prefetch = 0 : i64, scratch_operands = 0 : i64, tpu.core_type = #tpu.core_type<tc>, window_params = [{transform_indices = @transform_0, window_bounds = array<i64: 5056, 128>}, {transform_indices = @transform_1, window_bounds = array<i64: 2, 5056, 128>}, {pipeline_mode = #tpu.pipeline_mode<synchronous>, transform_indices = @transform_2, window_bounds = array<i64: 128, 128>}, {pipeline_mode = #tpu.pipeline_mode<synchronous>, transform_indices = @transform_3, window_bounds = array<i64: 1, 128>}, {pipeline_mode = #tpu.pipeline_mode<synchronous>, transform_indices = @transform_4, window_bounds = array<i64: 128, 128>}, {pipeline_mode = #tpu.pipeline_mode<synchronous>, transform_indices = @transform_5, window_bounds = array<i64: 1, 128>}, {transform_indices = @transform_6, window_bounds = array<i64: 5056, 128>}]} {
    %get3A = arith.constant 0 : index
    %get3A_0 = arith.constant 0 : index
    %get3A_1 = vector.load %arg1[%get3A, %get3A_0] : memref<5056x128xf32, #tpu.memory_space<vmem>>, vector<5056x128xf32>
    %get3A_2 = arith.constant 0 : index
    %get3A_3 = arith.constant 0 : index
    %get3A_4 = arith.constant 0 : index
    %get3A_5 = vector.load %arg2[%get3A_2, %get3A_3, %get3A_4] : memref<2x5056x128xf32, #tpu.memory_space<vmem>>, vector<1x5056x128xf32>
    %get3A_6 = vector.shape_cast %get3A_5 : vector<1x5056x128xf32> to vector<5056x128xf32>
    %add3A = arith.addf %get3A_1, %get3A_6 : vector<5056x128xf32>
    %get3A_7 = arith.constant 1 : index
    %get3A_8 = arith.constant 0 : index
    %get3A_9 = arith.constant 0 : index
    %get3A_10 = vector.load %arg2[%get3A_7, %get3A_8, %get3A_9] : memref<2x5056x128xf32, #tpu.memory_space<vmem>>, vector<1x5056x128xf32>
    %get3A_11 = vector.shape_cast %get3A_10 : vector<1x5056x128xf32> to vector<5056x128xf32>
    %add3A_12 = arith.addf %add3A, %get3A_11 : vector<5056x128xf32>
    %get3A_13 = arith.constant 0 : index
    %get3A_14 = arith.constant 0 : index
    %get3A_15 = vector.load %arg3[%get3A_13, %get3A_14] : memref<128x128xf32, #tpu.memory_space<vmem>>, vector<128x128xf32>
    %dot_general3A = arith.constant dense<0.000000e+00> : vector<5056x128xf32>
    %dot_general3A_16 = tpu.matmul %add3A_12, %get3A_15, %dot_general3A {dimension_numbers = #tpu.dot_dimension_numbers<[1], [0], [0], [1], [0, 0, 1, 1], [], []>, transpose_lhs_hint = false} : vector<5056x128xf32>, vector<128x128xf32>, vector<5056x128xf32> -> vector<5056x128xf32>
    %get3A_17 = arith.constant 0 : index
    %get3A_18 = arith.constant 0 : index
    %get3A_19 = vector.load %arg4[%get3A_17, %get3A_18] : memref<1x128xf32, #tpu.memory_space<vmem>>, vector<1x128xf32>
    %add3A_20 = vector.broadcast %get3A_19 : vector<1x128xf32> to vector<5056x128xf32>
    %add3A_21 = arith.addf %dot_general3A_16, %add3A_20 : vector<5056x128xf32>
    %max3A = arith.constant 0.000000e+00 : f32
    %max3A_22 = vector.broadcast %max3A : f32 to vector<5056x128xf32>
    %max3A_23 = arith.maximumf %add3A_21, %max3A_22 : vector<5056x128xf32>
    %get3A_24 = arith.constant 0 : index
    %get3A_25 = arith.constant 0 : index
    %get3A_26 = vector.load %arg5[%get3A_24, %get3A_25] : memref<128x128xf32, #tpu.memory_space<vmem>>, vector<128x128xf32>
    %dot_general3A_27 = arith.constant dense<0.000000e+00> : vector<5056x128xf32>
    %dot_general3A_28 = tpu.matmul %max3A_23, %get3A_26, %dot_general3A_27 {dimension_numbers = #tpu.dot_dimension_numbers<[1], [0], [0], [1], [0, 0, 1, 1], [], []>, transpose_lhs_hint = false} : vector<5056x128xf32>, vector<128x128xf32>, vector<5056x128xf32> -> vector<5056x128xf32>
    %get3A_29 = arith.constant 0 : index
    %get3A_30 = arith.constant 0 : index
    %get3A_31 = vector.load %arg6[%get3A_29, %get3A_30] : memref<1x128xf32, #tpu.memory_space<vmem>>, vector<1x128xf32>
    %add3A_32 = vector.broadcast %get3A_31 : vector<1x128xf32> to vector<5056x128xf32>
    %add3A_33 = arith.addf %dot_general3A_28, %add3A_32 : vector<5056x128xf32>
    %swap3A = arith.constant 0 : index
    %swap3A_34 = arith.constant 0 : index
    %swap3A_35 = vector.load %arg7[%swap3A, %swap3A_34] : memref<5056x128xf32, #tpu.memory_space<vmem>>, vector<5056x128xf32>
    tpu.vector_store %arg7[%swap3A, %swap3A_34], %add3A_33 {strides = array<i32>} : memref<5056x128xf32, #tpu.memory_space<vmem>>, vector<5056x128xf32>,
    return
  }
  func.func @transform_0(%arg0: i32) -> (i32, i32) {
    %c0_i32 = arith.constant 0 : i32
    %c0_i32_0 = arith.constant 0 : i32
    return %arg0, %c0_i32 : i32, i32
  }
  func.func @transform_1(%arg0: i32) -> (i32, i32, i32) {
    %c0_i32 = arith.constant 0 : i32
    %c0_i32_0 = arith.constant 0 : i32
    %c0_i32_1 = arith.constant 0 : i32
    return %c0_i32, %arg0, %c0_i32_0 : i32, i32, i32
  }
  func.func @transform_2(%arg0: i32) -> (i32, i32) {
    %c0_i32 = arith.constant 0 : i32
    %c0_i32_0 = arith.constant 0 : i32
    %c0_i32_1 = arith.constant 0 : i32
    return %c0_i32, %c0_i32_0 : i32, i32
  }
  func.func @transform_3(%arg0: i32) -> (i32, i32) {
    %c0_i32 = arith.constant 0 : i32
    %c0_i32_0 = arith.constant 0 : i32
    %c0_i32_1 = arith.constant 0 : i32
    return %c0_i32, %c0_i32_0 : i32, i32
  }
  func.func @transform_4(%arg0: i32) -> (i32, i32) {
    %c0_i32 = arith.constant 0 : i32
    %c0_i32_0 = arith.constant 0 : i32
    %c0_i32_1 = arith.constant 0 : i32
    return %c0_i32, %c0_i32_0 : i32, i32
  }
  func.func @transform_5(%arg0: i32) -> (i32, i32) {
    %c0_i32 = arith.constant 0 : i32
    %c0_i32_0 = arith.constant 0 : i32
    %c0_i32_1 = arith.constant 0 : i32
    return %c0_i32, %c0_i32_0 : i32, i32
  }
  func.func @transform_6(%arg0: i32) -> (i32, i32) {
    %c0_i32 = arith.constant 0 : i32
    %c0_i32_0 = arith.constant 0 : i32
    return %arg0, %c0_i32 : i32, i32
  }
}

module attributes {stable_mosaic.version = 14 : i64} {
  func.func @_mlp3_body(%arg0: i32, %arg1: memref<5056x128xf32, #tpu.memory_space<vmem>>, %arg2: memref<2x5056x128xf32, #tpu.memory_space<vmem>>, %arg3: memref<128x128xf32, #tpu.memory_space<vmem>>, %arg4: memref<1x128xf32, #tpu.memory_space<vmem>>, %arg5: memref<128x128xf32, #tpu.memory_space<vmem>>, %arg6: memref<1x128xf32, #tpu.memory_space<vmem>>, %arg7: memref<128x128xf32, #tpu.memory_space<vmem>>, %arg8: memref<1x128xf32, #tpu.memory_space<vmem>>, %arg9: memref<5056x128xf32, #tpu.memory_space<vmem>>) attributes {dimension_semantics = [#tpu.dimension_semantics<arbitrary>], iteration_bounds = array<i64: 2>, scalar_prefetch = 0 : i64, scratch_operands = 0 : i64, tpu.core_type = #tpu.core_type<tc>, window_params = [{transform_indices = @transform_0, window_bounds = array<i64: 5056, 128>}, {transform_indices = @transform_1, window_bounds = array<i64: 2, 5056, 128>}, {pipeline_mode = #tpu.pipeline_mode<synchronous>, transform_indices = @transform_2, window_bounds = array<i64: 128, 128>}, {pipeline_mode = #tpu.pipeline_mode<synchronous>, transform_indices = @transform_3, window_bounds = array<i64: 1, 128>}, {pipeline_mode = #tpu.pipeline_mode<synchronous>, transform_indices = @transform_4, window_bounds = array<i64: 128, 128>}, {pipeline_mode = #tpu.pipeline_mode<synchronous>, transform_indices = @transform_5, window_bounds = array<i64: 1, 128>}, {pipeline_mode = #tpu.pipeline_mode<synchronous>, transform_indices = @transform_6, window_bounds = array<i64: 128, 128>}, {pipeline_mode = #tpu.pipeline_mode<synchronous>, transform_indices = @transform_7, window_bounds = array<i64: 1, 128>}, {transform_indices = @transform_8, window_bounds = array<i64: 5056, 128>}]} {
    %get3A = arith.constant 0 : index
    %get3A_0 = arith.constant 0 : index
    %get3A_1 = vector.load %arg1[%get3A, %get3A_0] : memref<5056x128xf32, #tpu.memory_space<vmem>>, vector<5056x128xf32>
    %get3A_2 = arith.constant 0 : index
    %get3A_3 = arith.constant 0 : index
    %get3A_4 = arith.constant 0 : index
    %get3A_5 = vector.load %arg2[%get3A_2, %get3A_3, %get3A_4] : memref<2x5056x128xf32, #tpu.memory_space<vmem>>, vector<1x5056x128xf32>
    %get3A_6 = vector.shape_cast %get3A_5 : vector<1x5056x128xf32> to vector<5056x128xf32>
    %add3A = arith.addf %get3A_1, %get3A_6 : vector<5056x128xf32>
    %get3A_7 = arith.constant 1 : index
    %get3A_8 = arith.constant 0 : index
    %get3A_9 = arith.constant 0 : index
    %get3A_10 = vector.load %arg2[%get3A_7, %get3A_8, %get3A_9] : memref<2x5056x128xf32, #tpu.memory_space<vmem>>, vector<1x5056x128xf32>
    %get3A_11 = vector.shape_cast %get3A_10 : vector<1x5056x128xf32> to vector<5056x128xf32>
    %add3A_12 = arith.addf %add3A, %get3A_11 : vector<5056x128xf32>
    %get3A_13 = arith.constant 0 : index
    %get3A_14 = arith.constant 0 : index
    %get3A_15 = vector.load %arg3[%get3A_13, %get3A_14] : memref<128x128xf32, #tpu.memory_space<vmem>>, vector<128x128xf32>
    %dot_general3A = arith.constant dense<0.000000e+00> : vector<5056x128xf32>
    %dot_general3A_16 = tpu.matmul %add3A_12, %get3A_15, %dot_general3A {dimension_numbers = #tpu.dot_dimension_numbers<[1], [0], [0], [1], [0, 0, 1, 1], [], []>, transpose_lhs_hint = false} : vector<5056x128xf32>, vector<128x128xf32>, vector<5056x128xf32> -> vector<5056x128xf32>
    %get3A_17 = arith.constant 0 : index
    %get3A_18 = arith.constant 0 : index
    %get3A_19 = vector.load %arg4[%get3A_17, %get3A_18] : memref<1x128xf32, #tpu.memory_space<vmem>>, vector<1x128xf32>
    %add3A_20 = vector.broadcast %get3A_19 : vector<1x128xf32> to vector<5056x128xf32>
    %add3A_21 = arith.addf %dot_general3A_16, %add3A_20 : vector<5056x128xf32>
    %max3A = arith.constant 0.000000e+00 : f32
    %max3A_22 = vector.broadcast %max3A : f32 to vector<5056x128xf32>
    %max3A_23 = arith.maximumf %add3A_21, %max3A_22 : vector<5056x128xf32>
    %get3A_24 = arith.constant 0 : index
    %get3A_25 = arith.constant 0 : index
    %get3A_26 = vector.load %arg5[%get3A_24, %get3A_25] : memref<128x128xf32, #tpu.memory_space<vmem>>, vector<128x128xf32>
    %dot_general3A_27 = arith.constant dense<0.000000e+00> : vector<5056x128xf32>
    %dot_general3A_28 = tpu.matmul %max3A_23, %get3A_26, %dot_general3A_27 {dimension_numbers = #tpu.dot_dimension_numbers<[1], [0], [0], [1], [0, 0, 1, 1], [], []>, transpose_lhs_hint = false} : vector<5056x128xf32>, vector<128x128xf32>, vector<5056x128xf32> -> vector<5056x128xf32>
    %get3A_29 = arith.constant 0 : index
    %get3A_30 = arith.constant 0 : index
    %get3A_31 = vector.load %arg6[%get3A_29, %get3A_30] : memref<1x128xf32, #tpu.memory_space<vmem>>, vector<1x128xf32>
    %add3A_32 = vector.broadcast %get3A_31 : vector<1x128xf32> to vector<5056x128xf32>
    %add3A_33 = arith.addf %dot_general3A_28, %add3A_32 : vector<5056x128xf32>
    %get3A_34 = arith.constant 0 : index
    %get3A_35 = arith.constant 0 : index
    %get3A_36 = vector.load %arg7[%get3A_34, %get3A_35] : memref<128x128xf32, #tpu.memory_space<vmem>>, vector<128x128xf32>
    %dot_general3A_37 = arith.constant dense<0.000000e+00> : vector<5056x128xf32>
    %dot_general3A_38 = tpu.matmul %add3A_33, %get3A_36, %dot_general3A_37 {dimension_numbers = #tpu.dot_dimension_numbers<[1], [0], [0], [1], [0, 0, 1, 1], [], []>, transpose_lhs_hint = false} : vector<5056x128xf32>, vector<128x128xf32>, vector<5056x128xf32> -> vector<5056x128xf32>
    %get3A_39 = arith.constant 0 : index
    %get3A_40 = arith.constant 0 : index
    %get3A_41 = vector.load %arg8[%get3A_39, %get3A_40] : memref<1x128xf32, #tpu.memory_space<vmem>>, vector<1x128xf32>
    %add3A_42 = vector.broadcast %get3A_41 : vector<1x128xf32> to vector<5056x128xf32>
    %add3A_43 = arith.addf %dot_general3A_38, %add3A_42 : vector<5056x128xf32>
    %swap3A = arith.constant 0 : index
    %swap3A_44 = arith.constant 0 : index
    %swap3A_45 = vector.load %arg9[%swap3A, %swap3A_44] : memref<5056x128xf32, #tpu.memory_space<vmem>>, vector<5056x128xf32>
    tpu.vector_store %arg9[%swap3A, %swap3A_44], %add3A_43 {strides = array<i32>} : memref<5056x128xf32, #tpu.memory_space<vmem>>, vector<5056x128xf32>,
    return
  }
  func.func @transform_0(%arg0: i32) -> (i32, i32) {
    %c0_i32 = arith.constant 0 : i32
    %c0_i32_0 = arith.constant 0 : i32
    return %arg0, %c0_i32 : i32, i32
  }
  func.func @transform_1(%arg0: i32) -> (i32, i32, i32) {
    %c0_i32 = arith.constant 0 : i32
    %c0_i32_0 = arith.constant 0 : i32
    %c0_i32_1 = arith.constant 0 : i32
    return %c0_i32, %arg0, %c0_i32_0 : i32, i32, i32
  }
  func.func @transform_2(%arg0: i32) -> (i32, i32) {
    %c0_i32 = arith.constant 0 : i32
    %c0_i32_0 = arith.constant 0 : i32
    %c0_i32_1 = arith.constant 0 : i32
    return %c0_i32, %c0_i32_0 : i32, i32
  }
  func.func @transform_3(%arg0: i32) -> (i32, i32) {
    %c0_i32 = arith.constant 0 : i32
    %c0_i32_0 = arith.constant 0 : i32
    %c0_i32_1 = arith.constant 0 : i32
    return %c0_i32, %c0_i32_0 : i32, i32
  }
  func.func @transform_4(%arg0: i32) -> (i32, i32) {
    %c0_i32 = arith.constant 0 : i32
    %c0_i32_0 = arith.constant 0 : i32
    %c0_i32_1 = arith.constant 0 : i32
    return %c0_i32, %c0_i32_0 : i32, i32
  }
  func.func @transform_5(%arg0: i32) -> (i32, i32) {
    %c0_i32 = arith.constant 0 : i32
    %c0_i32_0 = arith.constant 0 : i32
    %c0_i32_1 = arith.constant 0 : i32
    return %c0_i32, %c0_i32_0 : i32, i32
  }
  func.func @transform_6(%arg0: i32) -> (i32, i32) {
    %c0_i32 = arith.constant 0 : i32
    %c0_i32_0 = arith.constant 0 : i32
    %c0_i32_1 = arith.constant 0 : i32
    return %c0_i32, %c0_i32_0 : i32, i32
  }
  func.func @transform_7(%arg0: i32) -> (i32, i32) {
    %c0_i32 = arith.constant 0 : i32
    %c0_i32_0 = arith.constant 0 : i32
    %c0_i32_1 = arith.constant 0 : i32
    return %c0_i32, %c0_i32_0 : i32, i32
  }
  func.func @transform_8(%arg0: i32) -> (i32, i32) {
    %c0_i32 = arith.constant 0 : i32
    %c0_i32_0 = arith.constant 0 : i32
    return %arg0, %c0_i32 : i32, i32
  }
}

</mosaic_0001>

<sc_bundles>
// kernel: kernel.15.cloned.1.call-start
scs
__scs_entry_jumppad:
0x0: {  	(pc) =	sbr.rel $0x88, $3  }
0x1: {  	(tag) =	ssettag $0x0;
	lr =	simm.s32 $0x1  }
0x2: {  	[smem:$0x3F82] =	sst lr;
	_ =	strace $0xD0000000  }
0x3: {  	_ = 	snop  }
0x4: {  	_ = 	snop  }
0x5: {  	_ = 	snop  }
0x6: {  	_ = 	snop  }
0x7: {  	_ = 	snop  }
__scs_overlays_trampoline_lowered:
0x8: {  	[smem:$0x3F91] =	sst s0  }
0x9: {  	[smem:$0x3F92] =	sst s1  }
0xa: {  	[smem:$0x3F93] =	sst s2  }
0xb: {  	[smem:$0x3F94] =	sst s3  }
0xc: {  	[smem:$0x3F95] =	sst s4  }
0xd: {  	[smem:$0x3F96] =	sst s5  }
0xe: {  	[smem:$0x3F97] =	sst s6  }
0xf: {  	[smem:$0x3F98] =	sst s7  }
0x10: {  	[smem:$0x3F99] =	sst s8  }
0x11: {  	[smem:$0x3F9A] =	sst s9;
	s0 =	simm.s32 @!p0 $0x0  }
0x12: {  	s1 =	sld [smem:$0x3F80];
	s0 =	simm.s32 @p0 $0x1  }
0x13: {  	[smem:$0x3F9B] =	sst s0;
	s0 =	simm.s32 @!p1 $0x0  }
0x14: {  	s2 =	sld [smem:$0x3F7F];
	s0 =	simm.s32 @p1 $0x1  }
0x15: {  	[smem:$0x3F9C] =	sst s0;
	s0 =	simm.s32 @!p2 $0x0  }
0x16: {  	s3 =	sld [smem:$0x3FDB];
	s0 =	simm.s32 @p2 $0x1  }
0x17: {  	s4 =	simm.s32 $0x1BF5;
	[smem:$0x3F9E] =	sst s0  }
0x18: {  	s0 =	sld [smem:$0x3F81];
	_ =	swait.ge [sflag:s4], $0x0  }
0x19: {  	s7 =	sld [smem:$0x3F82]  }
0x1a: {  	s8 =	sadd.s32 $0xFFFFE003, lr  }
0x1b: {  	s9 =	sadd.s32 $0xFFFFFEF7, lr;
	s5 =	simm.s32 $0xFFFFFFFF;
	p2 =	slt.u32 s8, $0xFFFFF086  }
0x1c: {  	p1 =	slt.u32 s9, $0xF7A;
	s5 =	simm.s32 @!p2 $0x0  }
0x1d: {  	s5 =	simm.s32 @p1 $0x1;
	p0 =	seq.s32 s7, s2  }
0x1e: {  	s7 =	smul.u32 @!p0 $0xF7A, s2;
	p2 =	seq.s32 @!p0 s5, $0x0  }
0x1f: {  	s9 =	smul.u32 $0xF7A, s1;
	s8 =	simm.s32 @!p0 $0x1BF5;
	p2 =	por !p2, p0  }
0x20: {  	[sflag:s8] =	ssyncset.s32 @!p0 $0xFFFFF086;
	s6 =	sadd.s32 @!p0 s3, s7;
	s7 =	simm.s32 @!p0 $0x108  }
0x21: {  	s3 =	sadd.s32 s3, s9;
	s6 =	sadd.s32 @!p0 $0x88, s6;
	s7 =	simm.s32 @p2 $0x1082  }
0x22: {  	[simem:s7], [sflag:s8] =	dma.local @!p0 [hbm:s6], $0xF7A  }
0x23: {  	s9 =	sor.u32 $0xD0000000, s2;
	s6 =	simm.s32 $0x108;
	_ =	swait.ge @!p0 [sflag:s8], $0x0  }
0x24: {  	s3 =	sadd.s32 $0x88, s3;
	s6 =	simm.s32 @!p1 $0x1082;
	[sflag:s4] =	ssyncset.s32 $0xFFFFF086  }
0x25: {  	[simem:s6], [sflag:s4] =	dma.local [hbm:s3], $0xF7A  }
0x26: {  	[smem:$0x3F82] =	sst s1;
	(tag) =	ssettag s2;
	_ =	strace s9  }
0x27: {  	s1 =	sld [smem:$0x3F92]  }
0x28: {  	s2 =	sld [smem:$0x3F93]  }
0x29: {  	s4 =	sld [smem:$0x3F95]  }
0x2a: {  	p0 =	seq.s32 s5, $0x0;
	s5 =	sld [smem:$0x3F96]  }
0x2b: {  	s6 =	sld [smem:$0x3F97]  }
0x2c: {  	s7 =	sld [smem:$0x3F98]  }
0x2d: {  	s3 =	simm.s32 $0x108;
	s8 =	sld [smem:$0x3F99]  }
0x2e: {  	s3 =	simm.s32 @!p0 $0x1082;
	s9 =	sld [smem:$0x3F9A]  }
0x2f: {  	lr =	sadd.s32 s0, s3;
	s0 =	sld [smem:$0x3F91]  }
0x30: {  	s3 =	sld [smem:$0x3F94]  }
0x31: {  	[smem:$0x3F9D] =	sst s10  }
0x32: {  	s10 =	sld [smem:$0x3F9B];
	_ =	sdelay $0x3  }
0x33: {  	p0 =	seq.s32 s10, $0x1;
	s10 =	sld [smem:$0x3F9D];
	_ =	sdelay $0x3  }
0x34: {  	[smem:$0x3F9D] =	sst s10  }
0x35: {  	s10 =	sld [smem:$0x3F9C];
	_ =	sdelay $0x3  }
0x36: {  	p1 =	seq.s32 s10, $0x1;
	s10 =	sld [smem:$0x3F9D];
	_ =	sdelay $0x3  }
0x37: {  	[smem:$0x3F9D] =	sst s10  }
0x38: {  	s10 =	sld [smem:$0x3F9E]  }
0x39: {  	_ = 	snop;
	(pc) =	sbr.ind lr, $3  }
0x3a: {  	_ = 	snop  }
0x3b: {  	_ = 	snop  }
0x3c: {  	p2 =	seq.s32 s10, $0x1;
	s10 =	sld [smem:$0x3F9D]  }
0x3d: {  	_ =	shalt  }
0x3e: {  	_ =	shalt  }
0x3f: {  	_ =	shalt  }
0x40: {  	_ =	shalt  }
0x41: {  	_ =	shalt  }
0x42: {  	_ =	shalt  }
0x43: {  	_ =	shalt  }
0x44: {  	_ =	shalt  }
0x45: {  	_ =	shalt  }
0x46: {  	_ =	shalt  }
0x47: {  	_ =	shalt  }
0x48: {  	_ =	shalt  }
0x49: {  	_ =	shalt  }
0x4a: {  	_ =	shalt  }
0x4b: {  	_ =	shalt  }
0x4c: {  	_ =	shalt  }
0x4d: {  	_ =	shalt  }
0x4e: {  	_ =	shalt  }
0x4f: {  	_ =	shalt  }
0x50: {  	_ =	shalt  }
0x51: {  	_ =	shalt  }
0x52: {  	_ =	shalt  }
0x53: {  	_ =	shalt  }
0x54: {  	_ =	shalt  }
0x55: {  	_ =	shalt  }
0x56: {  	_ =	shalt  }
0x57: {  	_ =	shalt  }
0x58: {  	_ =	shalt  }
0x59: {  	_ =	shalt  }
0x5a: {  	_ =	shalt  }
0x5b: {  	_ =	shalt  }
0x5c: {  	_ =	shalt  }
0x5d: {  	_ =	shalt  }
0x5e: {  	_ =	shalt  }
0x5f: {  	_ =	shalt  }
0x60: {  	_ =	shalt  }
0x61: {  	_ =	shalt  }
0x62: {  	_ =	shalt  }
0x63: {  	_ =	shalt  }
0x64: {  	_ =	shalt  }
0x65: {  	_ =	shalt  }
0x66: {  	_ =	shalt  }
0x67: {  	_ =	shalt  }
0x68: {  	_ =	shalt  }
0x69: {  	_ =	shalt  }
0x6a: {  	_ =	shalt  }
0x6b: {  	_ =	shalt  }
0x6c: {  	_ =	shalt  }
0x6d: {  	_ =	shalt  }
0x6e: {  	_ =	shalt  }
0x6f: {  	_ =	shalt  }
0x70: {  	_ =	shalt  }
0x71: {  	_ =	shalt  }
0x72: {  	_ =	shalt  }
0x73: {  	_ =	shalt  }
0x74: {  	_ =	shalt  }
0x75: {  	_ =	shalt  }
0x76: {  	_ =	shalt  }
0x77: {  	_ =	shalt  }
0x78: {  	_ =	shalt  }
0x79: {  	_ =	shalt  }
0x7a: {  	_ =	shalt  }
0x7b: {  	_ =	shalt  }
0x7c: {  	_ =	shalt  }
0x7d: {  	_ =	shalt  }
0x7e: {  	_ =	shalt  }
0x7f: {  	_ =	shalt  }
0x80: {  	_ =	shalt  }
0x81: {  	_ =	shalt  }
0x82: {  	_ =	shalt  }
0x83: {  	_ =	shalt  }
0x84: {  	_ =	shalt  }
0x85: {  	_ =	shalt  }
0x86: {  	_ =	shalt  }
0x87: {  	_ =	shalt  }
.Lfunc_end0:
.L_simem_size_0:
called_computation_lowered:
.L_overlay_start_0:
0x88: {  	s2 =	sld [smem:$0x3FD9]  }
0x89: {  	s3 =	sld [smem:$0x3FFE];
	_ =	sdelay $0x1  }
0x8a: {  	s1 =	srdreg.scid  }
0x8b: {  	s0 =	sand.u32 $0x1, s1  }
0x8c: {  	s14 =	sshll.u32 s0, $0xA;
	s2 =	sadd.s32 s3, s2  }
0x8d: {  	s2 =	sadd.s32 s2, s14  }
0x8e: {  	[smem:$0x3FA9] =	sst s2  }
0x8f: {  	_ = 	snop  }
0x90: {  	s2 =	sld [smem:$0x3FD0];
	_ =	sdelay $0x2  }
0x91: {  	s15 =	simm.s32 $0xA;
	s4 =	simm.s32 $0x10  }
0x92: {  	[smem:s4], [sflag:s15] =	dma.local [hbm:s2], $0x1  }
0x93: {  	_ =	swait.eq [sflag:s15], $0x1  }
0x94: {  	[sflag:s15] =	ssyncset.done $0x0  }
0x95: {  	[sflag:s15] =	ssyncadd.s32 $0xFFFFFFFF  }
0x96: {  	s16 =	sld [smem:$0x10];
	(tm) =	ssettm $0x1  }
0x97: {  	s17 =	sld [smem:$0x3FFB];
	_ =	sdelay $0x3  }
0x98: {  	_ =	strace s17  }
0x99: {  	s3 =	sld [smem:$0x3FFC];
	_ =	sdelay $0x3  }
0x9a: {  	_ =	strace s3  }
0x9b: {  	s3 =	sld [smem:$0x3FFD];
	_ =	sdelay $0x3  }
0x9c: {  	_ =	strace s3  }
0x9d: {  	_ =	strace $0x8FFFFFFF  }
0x9e: {  	s18 =	sld [smem:$0x3FDB];
	_ =	sdelay $0x1  }
0x9f: {  	s19 =	simm.s32 $_scs_section_size  }
0xa0: {  	s5 =	simm.s32 $_size__tile_overlayer_lowered;
	s6 =	simm.s32 $_tile_overlayer_lowered  }
0xa1: {  	s22 =	simm.s32 $0x1BFF;
	s21 =	sshll.u32 s6, $0x1;
	s3 =	sadd.s32 s19, s18  }
0xa2: {  	s7 =	simm.s32 $0x0;
	s20 =	sshll.u32 s5, $0x1;
	s5 =	sadd.s32 s21, s3  }
0xa3: {  	[timem:s7], [sflag:s22] =	dma.local [hbm:s5], s20  }
0xa4: {  	_ =	swait.ge [sflag:s22], s20  }
0xa5: {  	s4 =	ssub.s32 $0x0, s20;
	[sflag:s22] =	ssyncset.done $0x0  }
0xa6: {  	[sflag:s22] =	ssyncadd.s32 s4;
	_ =	sdelay $0x1  }
0xa7: {  	s23 =	simm.s32 $0x1B8B  }
0xa8: {  	_ =	swait.ge [sflag:s23], $0x1  }
0xa9: {  	[sflag:s23] =	ssyncset.done $0x0  }
0xaa: {  	s25 =	simm.s32 $0x1B8E;
	s24 =	sld [smem:$0x3FFE];
	[sflag:s23] =	ssyncadd.s32 $0xFFFFFFFF  }
0xab: {  	s26 =	simm.s32 $execute0_lowered;
	[smem:$0x3FD2] =	sst s25  }
0xac: {  	s5 =	sshll.u32 s26, $0x1;
	_ =	strace $0x80000046;
	[dreg:$0x1] =	wrdreg $0xFFFFFFFF  }
0xad: {  	s28 =	simm.s32 $_size_execute0_lowered;
	s3 =	sadd.s32 s3, s5;
	[dreg:$0x0] =	wrdreg $0x0  }
0xae: {  	s5 =	sshll.u32 s28, $0x1;
	[dreg:$0x2] =	wrdreg s3  }
0xaf: {  	[dreg:$0x3] =	wrdreg s5  }
0xb0: {  	[dreg:$0x4] =	wrdreg $0xC0  }
0xb1: {  	_ =	task [dreg:s7], $0x5FFFF  }
0xb2: {  	[dreg:$0x1] =	wrdreg $0xFFFFFFFF  }
0xb3: {  	[dreg:$0x0] =	wrdreg $0x60  }
0xb4: {  	[dreg:$0x2] =	wrdreg s24  }
0xb5: {  	[dreg:$0x3] =	wrdreg s16  }
0xb6: {  	[dreg:$0x4] =	wrdreg $0xC0000  }
0xb7: {  	[dreg:$0x5] =	wrdreg $0x9  }
0xb8: {  	_ =	task.clear_ibuf [dreg:s7], $0x6FFFF;
	_ =	strace $0x90000046  }
0xb9: {  	s29 =	simm.s32 $0x9;
	_ =	strace $0x80000048  }
0xba: {  	_ =	swait.ge [sflag:s29], $0x1  }
0xbb: {  	[sflag:s29] =	ssyncadd.s32 $0xFFFFFFFF  }
0xbc: {  	_ =	strace $0x90000048  }
0xbd: {  	_ =	sfence  }
0xbe: {  	s30 =	sld [smem:$0x0];
	_ =	sdelay $0x2  }
0xbf: {  	s31 =	sshll.u32 s1, $0xD;
	s1 =	sshrl.u32 s1, $0x2  }
0xc0: {  	s3 =	sand.u32 $0x4000, s31;
	s1 =	sadd.s32 s1, s30  }
0xc1: {  	s0 =	sor.u32 s3, s0;
	s1 =	sshll.u32 s1, $0x11  }
0xc2: {  	s0 =	sor.u32 s1, s0  }
0xc3: {  	s0 =	sadd.s32 $0x8F2B, s0  }
0xc4: {  	[sflag:s0] =	ssyncadd.remote.s32 $0x1  }
0xc5: {  	_ =	sfence.sel $0xFFFF  }
0xc6: {  	[dreg:$0x0] =	wrdreg $0xFFFFFFFF;
	(pc) =	sbr.abs _section_cstart, $3  }
0xc7: {  	[dreg:$0x1] =	wrdreg $0xFFFFFFFF  }
0xc8: {  	_ =	task.clear_ibuf [dreg:s7], $0x2FFFF;
	_ =	strace $0x9FFFFFFF  }
0xc9: {  	(tm) =	ssettm $0x7FFFFFFF  }
tec
execute0_lowered:
.L_overlay_start_1:
0x0: {  	(tag) =	ssettag $0x1  }
0x1: {  	s0 =	rddreg [dreg:$0x0]  }
0x2: {  	s2 =	rddreg [dreg:$0x1]  }
0x3: {  	s3 =	rddreg [dreg:$0x2];
	s12 =	stileid.u32  }
0x4: {  	s5 =	srdreg.scid;
	s4 =	simm.s32 $0x0;
	s18 =	simm.s32 $0xD  }
0x5: {  	s22 =	simm.s32 $0x9;
	s23 =	simm.s32 $0x78;
	s28 =	simm.s32 $0x6  }
0x6: {  	s29 =	simm.s32 $0x0;
	s1 =	smul.u32 $0x13C00, s12;
	s7 =	sand.u32 $0x1, s5  }
0x7: {  	[smem:$0x7FF] =	sst s4;
	s5 =	sadd.s32 $0x12800, s0;
	s11 =	smul.u32 $0x4F000, s12  }
0x8: {  	s24 =	sshll.u32 s12, $0x1;
	s8 =	smul.u32 $0x13C000, s7;
	_ =	strace $0x80000047  }
0x9: {  	s10 =	ssub.s32 $0x2, s7;
	s7 =	sor.u32 s7, s24;
	s6 =	sshrl.u32 s1, $0x3  }
0xa: {  	s25 =	sshrl.u32 s10, $0x1;
	s7 =	smul.u32 $0x2C00, s7;
	s30 =	sshrl.u32 s11, $0x2  }
0xb: {  	s9 =	sadd.s32 s6, s0;
	s6 =	sadd.s32 $0x7800, s0;
	s1 =	sadd.s32 s1, s8  }
0xc: {  	s26 =	ssub.s32 s10, s25;
	s17 =	sadd.s32 s30, s3;
	s8 =	sshll.u32 s12, $0x6  }
.Ltmp0:
0xd: {  	s1 =	sshrl.u32 s1, $0x3;
	s31 =	sshrl.u32 s7, $0x3;
	(pc) =	sbr.rel .LBB2_1-.Ltmp0, $4  }
0xe: {  	s9 =	sadd.s32 $0x3A000, s9;
	s10 =	sor.u32 $0x1C09, s8;
	s16 =	smax.u32 s26, $0x1  }
0xf: {  	s17 =	sshrl.u32 s17, $0x3;
	s0 =	sadd.s32 s1, s0;
	[dreg:$0x4] =	wrdreg s9  }
0x10: {  	s14 =	sor.u32 $0x40, s31;
	s11 =	sadd.s32 s2, s31;
	s12 =	sadd.s32 s6, s31  }
0x11: {  	s13 =	sadd.s32 s2, s14;
	s14 =	sadd.s32 s6, s14;
	s15 =	sadd.s32 $0x61800, s0  }
.LBB2_8:
0x12: {  	_ =	swait.ge [sflag:s28], $0x3C00  }
0x13: {  	s29 =	sadd.s32 $0x1, s29;
	[sflag:s28] =	ssyncset.done $0x0  }
0x14: {  	p0 =	sne.s32 s29, s16;
	[sflag:s28] =	ssyncadd.s32 $0xFFFFC400  }
.Ltmp1:
0x15: {  	s0 =	sor.u32 $0x1C0D, s8;
	[bflag:$0x0] =	sbarrier.arrive $0xFFFF;
	(pc) =	sbr.rel @!p0 .LBB2_9-.Ltmp1, $4  }
0x16: {  	[hbm:s15], [sflag:s0] =	dma.local [spmem:s17], $0x2780  }
0x17: {  	_ =	swait.ge [sflag:s18], $0x2780  }
0x18: {  	[sflag:s18] =	ssyncset.done $0x0  }
0x19: {  	[sflag:s18] =	ssyncadd.s32 $0xFFFFD880  }
.LBB2_1:
0x1a: {  	s0 =	rddreg [dreg:$0x4]  }
0x1b: {  	[spmem:s17], [sflag:s10] =	dma.local [hbm:s0], $0x2780  }
0x1c: {  	[tilespmem:s4], [sflag:$0xD] =	stream.linear.gather [hbm4b:s11+s4], $0x200, $0x38;
	[tilespmem:$0x1FC00] =	vst v63  }
0x1d: {  	_ =	swait.ge [sflag:s18], $0x200  }
0x1e: {  	[sflag:s18] =	ssyncset.done $0x0  }
0x1f: {  	s20 =	simm.s32 $0x600;
	[sflag:s18] =	ssyncadd.s32 $0xFFFFFE00  }
0x20: {  	[tilespmem:s20], [sflag:$0xD] =	stream.linear.gather [hbm4b:s12+s4], $0x200, $0x38;
	[tilespmem:$0x1FC00] =	vst v63  }
0x21: {  	_ =	swait.ge [sflag:s18], $0x200  }
0x22: {  	[sflag:s18] =	ssyncset.done $0x0  }
0x23: {  	s21 =	simm.s32 $0x200;
	[sflag:s18] =	ssyncadd.s32 $0xFFFFFE00  }
0x24: {  	[tilespmem:s21], [sflag:$0xD] =	stream.linear.gather [hbm4b:s13+s4], $0x200, $0x38;
	[tilespmem:$0x1FC00] =	vst v63  }
0x25: {  	_ =	swait.ge [sflag:s18], $0x200  }
0x26: {  	[sflag:s18] =	ssyncset.done $0x0  }
0x27: {  	s24 =	simm.s32 $0x800;
	[sflag:s18] =	ssyncadd.s32 $0xFFFFFE00  }
0x28: {  	[tilespmem:s24], [sflag:$0xD] =	stream.linear.gather [hbm4b:s14+s4], $0x200, $0x38;
	[tilespmem:$0x1FC00] =	vst v63  }
0x29: {  	_ =	swait.ge [sflag:s18], $0x200  }
0x2a: {  	[sflag:s18] =	ssyncset.done $0x0  }
0x2b: {  	[sflag:s18] =	ssyncadd.s32 $0xFFFFFE00  }
0x2c: {  	_ =	swait.ge [sflag:s22], $0x2780  }
0x2d: {  	[sflag:s22] =	ssyncset.done $0x0  }
.Ltmp2:
0x2e: {  	[sflag:s22] =	ssyncadd.s32 $0xFFFFD880;
	(pc) =	sbr.rel .LBB2_2-.Ltmp2, $4  }
0x2f: {  	s25 =	simm.s32 $0xC00;
	s26 =	simm.s32 $0x80;
	[bflag:$0x0] =	sbarrier.arrive $0xFFFF  }
0x30: {  	[tilespmem:s25], [sflag:$0x1] =	stream.indirect.gather [hbm4b:s5+s23], $0x80, s4, s23, $0xb8;
	[tilespmem:$0x1FC00] =	vst v63  }
0x31: {  	s1 =	simm.s32 $0x4800;
	s30 =	simm.s32 $0x0;
	s31 =	simm.s32 $0x0  }
0x32: {  	[tilespmem:s1], [sflag:$0x2] =	stream.indirect.gather [hbm4b:s5+s23], $0x80, s26, s23, $0xb8;
	[tilespmem:$0x1FC00] =	vst v63  }
.LBB2_3:
0x33: {  	s19 =	simm.s32 $0x0;
	s0 =	simm.s32 $0x2;
	s1 =	simm.s32 $0x2  }
.LBB2_6:
0x34: {  	s9 =	smul.u32 $0xAB, s0;
	_ =	sdelay $0x1  }
0x35: {  	s9 =	sshrl.u32 s9, $0x9  }
0x36: {  	s9 =	sand.u32 $0x7F, s9  }
0x37: {  	s9 =	smul.u32 $0x3, s9;
	_ =	sdelay $0x1  }
0x38: {  	s25 =	ssub.s32 s0, s9  }
0x39: {  	s0 =	sand.u32 $0xFF, s25  }
0x3a: {  	s26 =	smul.u32 $0xF000, s0;
	_ =	sdelay $0x1  }
0x3b: {  	s19 =	sshll.u32 s19, $0x9;
	s1 =	sshll.u32 s1, $0x7;
	s9 =	sshrl.u32 s26, $0x2  }
0x3c: {  	s1 =	sor.u32 s1, s19;
	s0 =	sadd.s32 $0x1, s0;
	s9 =	sadd.s32 $0xC00, s9  }
0x3d: {  	[tilespmem:s9], [sflag:s0] =	stream.indirect.gather [hbm4b:s5+s23], $0x80, s1, s23, $0xb8;
	[tilespmem:$0x1FC00] =	vst v63  }
.LBB2_7:
0x3e: {  	s31 =	sadd.s32 $0x1, s31  }
0x3f: {  	p0 =	sne.s32 s31, $0x54  }
.Ltmp3:
0x40: {  	_ = 	snop;
	(pc) =	sbr.rel @!p0 .LBB2_8-.Ltmp3, $2  }
0x41: {  	_ =	sdelay $0x2  }
0x42: {  	s30 =	sadd.s32 $0x200, s30  }
.LBB2_2:
0x43: {  	s0 =	smul.u32 $0xAB, s31  }
0x44: {  	s1 =	sshrl.u32 s31, $0x2  }
0x45: {  	s19 =	smul.u32 $0xAB, s1;
	s0 =	sshrl.u32 s0, $0x9  }
0x46: {  	s0 =	sand.u32 $0x7F, s0  }
0x47: {  	s19 =	sshrl.u32 s19, $0x9;
	s0 =	smul.u32 $0x3, s0  }
0x48: {  	s19 =	sand.u32 $0x7F, s19  }
0x49: {  	s19 =	smul.u32 $0x3, s19;
	s0 =	ssub.s32 s31, s0  }
0x4a: {  	s21 =	sand.u32 $0x600, s30;
	p0 =	seq.s32 s30, $0x0;
	s0 =	sand.u32 $0xFF, s0  }
0x4b: {  	s21 =	sshrl.u32 s21, $0x2;
	s1 =	ssub.s32 s1, s19;
	s26 =	smul.u32 $0xF000, s0  }
.Ltmp4:
0x4c: {  	s1 =	sand.u32 $0xFF, s1;
	s20 =	sadd.s32 $0x1, s0;
	(pc) =	sbr.rel @p0 .LBB2_3-.Ltmp4, $4  }
0x4d: {  	s0 =	sor.u32 $0x4, s0;
	_ =	swait.ge [sflag:s20], $0x3C00;
	s1 =	sshll.u32 s1, $0x9  }
0x4e: {  	s19 =	sshrl.u32 s26, $0x2;
	s1 =	sor.u32 s21, s1;
	[sflag:s20] =	ssyncset.done $0x0  }
0x4f: {  	s19 =	sadd.s32 $0xC00, s19;
	[sflag:s20] =	ssyncadd.s32 $0xFFFFC400;
	s1 =	sadd.s32 $0x600, s1  }
0x50: {  	[spmem:s3] =	stream.indirect.scatter.add.f32 [tilespmem:s19], [sflag:s0], $0x80, s1, s23, $0xb8;
	[tilespmem:$0x1FC00] =	vst v63  }
0x51: {  	s0 =	sadd.s32 $0xFFFFFFFF, s31  }
0x52: {  	s1 =	sand.u32 $0xFF, s0  }
0x53: {  	s1 =	smul.u32 $0xAB, s1;
	_ =	sdelay $0x1  }
0x54: {  	s1 =	sshrl.u32 s1, $0x9  }
0x55: {  	s1 =	smul.u32 $0x3, s1;
	_ =	sdelay $0x1  }
0x56: {  	p0 =	sgt.u32 s31, $0x51;
	s0 =	ssub.s32 s0, s1  }
.Ltmp5:
0x57: {  	s0 =	sor.u32 $0x4, s0;
	(pc) =	sbr.rel @p0 .LBB2_7-.Ltmp5, $4  }
0x58: {  	s0 =	sand.u32 $0xFF, s0  }
0x59: {  	_ =	swait.ge [sflag:s0], $0x3C00  }
0x5a: {  	[sflag:s0] =	ssyncset.done $0x0  }
0x5b: {  	[sflag:s0] =	ssyncadd.s32 $0xFFFFC400  }
0x5c: {  	s0 =	sadd.s32 $0x2, s31  }
0x5d: {  	s20 =	sshrl.u32 s0, $0x2  }
0x5e: {  	p0 =	slt.u32 s31, $0x6;
	s1 =	sand.u32 $0x3, s0;
	s19 =	smul.u32 $0xAB, s20  }
0x5f: {  	p2 =	sne.s32 @!p0 s1, $0x0  }
0x60: {  	p3 =	seq.s32 s1, $0x0;
	p1 =	por p2, p0;
	s19 =	sshrl.u32 s19, $0x9  }
0x61: {  	p2 =	por !p2, p0;
	p4 =	por @!p1 $0x1, $0x1;
	s19 =	sand.u32 $0x7F, s19  }
0x62: {  	p4 =	por @!p2 p3, p3;
	s19 =	smul.u32 $0x3, s19  }
0x63: {  	p6 =	sgt.u32 s31, $0x4D;
	p3 =	por @!p0 p4, p4  }
0x64: {  	p0 =	por !p3, p6;
	s19 =	ssub.s32 s20, s19  }
0x65: {  	s20 =	sadd.s32 @!p0 $0x1, s20;
	s19 =	sand.u32 $0xFF, s19  }
0x66: {  	s24 =	smul.u32 @!p0 $0xAB, s20;
	s21 =	sadd.s32 @!p1 $0x7, s19  }
0x67: {  	s9 =	simm.s32 @!p0 $0x0;
	_ =	swait.ge @!p1 [sflag:s21], $0x200  }
0x68: {  	s25 =	sshll.u32 @!p0 s20, $0x9;
	s24 =	sshrl.u32 @!p0 s24, $0x9;
	[sflag:s21] =	ssyncset.done @!p1 $0x0  }
0x69: {  	[sflag:s21] =	ssyncadd.s32 @!p1 $0xFFFFFE00;
	s21 =	sand.u32 @!p0 $0x7F, s24;
	s24 =	sadd.s32 @!p1 $0xA, s19  }
0x6a: {  	s26 =	sand.u32 @!p0 $0xFC00, s25;
	s21 =	smul.u32 @!p0 $0x3, s21;
	_ =	swait.ge @!p1 [sflag:s24], $0x200  }
0x6b: {  	s25 =	sand.u32 @!p0 $0x200, s25;
	s26 =	sadd.s32 @!p0 s7, s26;
	[sflag:s24] =	ssyncset.done @!p1 $0x0  }
0x6c: {  	s20 =	ssub.s32 @!p0 s20, s21;
	s21 =	sor.u32 @!p0 s25, s26;
	[sflag:s24] =	ssyncadd.s32 @!p1 $0xFFFFFE00  }
.Ltmp6:
0x6d: {  	s20 =	sand.u32 @!p0 $0xFF, s20;
	s21 =	sshrl.u32 @!p0 s21, $0x3;
	(pc) =	sbr.rel .LBB2_6-.Ltmp6, $4  }
0x6e: {  	s24 =	sshll.u32 @!p0 s20, $0x9;
	s25 =	sadd.s32 @!p0 $0x7, s20;
	s26 =	sadd.s32 @!p0 s2, s21  }
0x6f: {  	[tilespmem:s24], [sflag:s25] =	stream.linear.gather @!p0 [hbm4b:s26+s9], $0x200, $0x38;
	[tilespmem:$0x1FC00] =	vst v63  }
0x70: {  	s20 =	sadd.s32 @!p0 $0xA, s20;
	s21 =	sadd.s32 @!p0 s6, s21;
	s24 =	sadd.s32 @!p0 $0x600, s24  }
0x71: {  	[tilespmem:s24], [sflag:s20] =	stream.linear.gather @!p0 [hbm4b:s21+s9], $0x200, $0x38;
	[tilespmem:$0x1FC00] =	vst v63  }
.LBB2_9:
0x72: {  	_ =	sfence.sel $0x180000  }
0x73: {  	[bflag:$0x0] =	sbarrier.arrive $0xFFFF  }
0x74: {  	_ =	strace $0x90000047  }
0x75: {  	s0 =	stileid.u32;
	[bflag:$0x2] =	sbarrier.arrive $0xFFFF  }
0x76: {  	p0 =	sne.s32 s0, $0x0;
	s0 =	rddreg [dreg:$0x3]  }
0x77: {  	s0 =	sadd.s32 @!p0 $0x100000, s0  }
0x78: {  	[sflag:s0] =	ssyncadd.tile.s32 @!p0 $0x1;
	_ =	shalt  }
.Lfunc_end2:
_tile_overlayer_lowered:
.L_overlay_start_2:
0x79: {  	(tag) =	ssettag $0x2  }
0x7a: {  	s0 =	rddreg [dreg:$0x0];
	s2 =	stileid.u32  }
0x7b: {  	s1 =	rddreg [dreg:$0x1];
	p0 =	sne.s32 s2, $0x0  }
0x7c: {  	s3 =	rddreg [dreg:$0x2];
	[bflag:$0x3] =	sbarrier.arrive $0xFFFF;
	s2 =	simm.s32 @!p0 $0x1C0D  }
0x7d: {  	[timem:s3], [sflag:s2] =	dma.local @!p0 [hbm:s0], s1  }
0x7e: {  	s0 =	simm.s32 @!p0 $0xD  }
0x7f: {  	_ =	swait.ge @!p0 [sflag:s0], s1  }
0x80: {  	s1 =	ssub.s32 @!p0 $0x0, s1;
	[sflag:s0] =	ssyncset.done @!p0 $0x0  }
0x81: {  	[sflag:s0] =	ssyncadd.s32 @!p0 s1  }
0x82: {  	[bflag:$0x3] =	sbarrier.arrive $0xFFFF  }
0x83: {  	_ =	shalt  }

// kernel: kernel.18.cloned.1.call-start
scs
__scs_entry_jumppad:
0x0: {  	(pc) =	sbr.rel $0x88, $3  }
0x1: {  	(tag) =	ssettag $0x0;
	lr =	simm.s32 $0x1  }
0x2: {  	[smem:$0x3F82] =	sst lr;
	_ =	strace $0xD0000000  }
0x3: {  	_ = 	snop  }
0x4: {  	_ = 	snop  }
0x5: {  	_ = 	snop  }
0x6: {  	_ = 	snop  }
0x7: {  	_ = 	snop  }
__scs_overlays_trampoline_lowered:
0x8: {  	[smem:$0x3F91] =	sst s0  }
0x9: {  	[smem:$0x3F92] =	sst s1  }
0xa: {  	[smem:$0x3F93] =	sst s2  }
0xb: {  	[smem:$0x3F94] =	sst s3  }
0xc: {  	[smem:$0x3F95] =	sst s4  }
0xd: {  	[smem:$0x3F96] =	sst s5  }
0xe: {  	[smem:$0x3F97] =	sst s6  }
0xf: {  	[smem:$0x3F98] =	sst s7  }
0x10: {  	[smem:$0x3F99] =	sst s8  }
0x11: {  	[smem:$0x3F9A] =	sst s9;
	s0 =	simm.s32 @!p0 $0x0  }
0x12: {  	s1 =	sld [smem:$0x3F80];
	s0 =	simm.s32 @p0 $0x1  }
0x13: {  	[smem:$0x3F9B] =	sst s0;
	s0 =	simm.s32 @!p1 $0x0  }
0x14: {  	s2 =	sld [smem:$0x3F7F];
	s0 =	simm.s32 @p1 $0x1  }
0x15: {  	[smem:$0x3F9C] =	sst s0;
	s0 =	simm.s32 @!p2 $0x0  }
0x16: {  	s3 =	sld [smem:$0x3FDB];
	s0 =	simm.s32 @p2 $0x1  }
0x17: {  	s4 =	simm.s32 $0x1BF5;
	[smem:$0x3F9E] =	sst s0  }
0x18: {  	s0 =	sld [smem:$0x3F81];
	_ =	swait.ge [sflag:s4], $0x0  }
0x19: {  	s7 =	sld [smem:$0x3F82]  }
0x1a: {  	s8 =	sadd.s32 $0xFFFFE003, lr  }
0x1b: {  	s9 =	sadd.s32 $0xFFFFFEF7, lr;
	s5 =	simm.s32 $0xFFFFFFFF;
	p2 =	slt.u32 s8, $0xFFFFF086  }
0x1c: {  	p1 =	slt.u32 s9, $0xF7A;
	s5 =	simm.s32 @!p2 $0x0  }
0x1d: {  	s5 =	simm.s32 @p1 $0x1;
	p0 =	seq.s32 s7, s2  }
0x1e: {  	s7 =	smul.u32 @!p0 $0xF7A, s2;
	p2 =	seq.s32 @!p0 s5, $0x0  }
0x1f: {  	s9 =	smul.u32 $0xF7A, s1;
	s8 =	simm.s32 @!p0 $0x1BF5;
	p2 =	por !p2, p0  }
0x20: {  	[sflag:s8] =	ssyncset.s32 @!p0 $0xFFFFF086;
	s6 =	sadd.s32 @!p0 s3, s7;
	s7 =	simm.s32 @!p0 $0x108  }
0x21: {  	s3 =	sadd.s32 s3, s9;
	s6 =	sadd.s32 @!p0 $0x88, s6;
	s7 =	simm.s32 @p2 $0x1082  }
0x22: {  	[simem:s7], [sflag:s8] =	dma.local @!p0 [hbm:s6], $0xF7A  }
0x23: {  	s9 =	sor.u32 $0xD0000000, s2;
	s6 =	simm.s32 $0x108;
	_ =	swait.ge @!p0 [sflag:s8], $0x0  }
0x24: {  	s3 =	sadd.s32 $0x88, s3;
	s6 =	simm.s32 @!p1 $0x1082;
	[sflag:s4] =	ssyncset.s32 $0xFFFFF086  }
0x25: {  	[simem:s6], [sflag:s4] =	dma.local [hbm:s3], $0xF7A  }
0x26: {  	[smem:$0x3F82] =	sst s1;
	(tag) =	ssettag s2;
	_ =	strace s9  }
0x27: {  	s1 =	sld [smem:$0x3F92]  }
0x28: {  	s2 =	sld [smem:$0x3F93]  }
0x29: {  	s4 =	sld [smem:$0x3F95]  }
0x2a: {  	p0 =	seq.s32 s5, $0x0;
	s5 =	sld [smem:$0x3F96]  }
0x2b: {  	s6 =	sld [smem:$0x3F97]  }
0x2c: {  	s7 =	sld [smem:$0x3F98]  }
0x2d: {  	s3 =	simm.s32 $0x108;
	s8 =	sld [smem:$0x3F99]  }
0x2e: {  	s3 =	simm.s32 @!p0 $0x1082;
	s9 =	sld [smem:$0x3F9A]  }
0x2f: {  	lr =	sadd.s32 s0, s3;
	s0 =	sld [smem:$0x3F91]  }
0x30: {  	s3 =	sld [smem:$0x3F94]  }
0x31: {  	[smem:$0x3F9D] =	sst s10  }
0x32: {  	s10 =	sld [smem:$0x3F9B];
	_ =	sdelay $0x3  }
0x33: {  	p0 =	seq.s32 s10, $0x1;
	s10 =	sld [smem:$0x3F9D];
	_ =	sdelay $0x3  }
0x34: {  	[smem:$0x3F9D] =	sst s10  }
0x35: {  	s10 =	sld [smem:$0x3F9C];
	_ =	sdelay $0x3  }
0x36: {  	p1 =	seq.s32 s10, $0x1;
	s10 =	sld [smem:$0x3F9D];
	_ =	sdelay $0x3  }
0x37: {  	[smem:$0x3F9D] =	sst s10  }
0x38: {  	s10 =	sld [smem:$0x3F9E]  }
0x39: {  	_ = 	snop;
	(pc) =	sbr.ind lr, $3  }
0x3a: {  	_ = 	snop  }
0x3b: {  	_ = 	snop  }
0x3c: {  	p2 =	seq.s32 s10, $0x1;
	s10 =	sld [smem:$0x3F9D]  }
0x3d: {  	_ =	shalt  }
0x3e: {  	_ =	shalt  }
0x3f: {  	_ =	shalt  }
0x40: {  	_ =	shalt  }
0x41: {  	_ =	shalt  }
0x42: {  	_ =	shalt  }
0x43: {  	_ =	shalt  }
0x44: {  	_ =	shalt  }
0x45: {  	_ =	shalt  }
0x46: {  	_ =	shalt  }
0x47: {  	_ =	shalt  }
0x48: {  	_ =	shalt  }
0x49: {  	_ =	shalt  }
0x4a: {  	_ =	shalt  }
0x4b: {  	_ =	shalt  }
0x4c: {  	_ =	shalt  }
0x4d: {  	_ =	shalt  }
0x4e: {  	_ =	shalt  }
0x4f: {  	_ =	shalt  }
0x50: {  	_ =	shalt  }
0x51: {  	_ =	shalt  }
0x52: {  	_ =	shalt  }
0x53: {  	_ =	shalt  }
0x54: {  	_ =	shalt  }
0x55: {  	_ =	shalt  }
0x56: {  	_ =	shalt  }
0x57: {  	_ =	shalt  }
0x58: {  	_ =	shalt  }
0x59: {  	_ =	shalt  }
0x5a: {  	_ =	shalt  }
0x5b: {  	_ =	shalt  }
0x5c: {  	_ =	shalt  }
0x5d: {  	_ =	shalt  }
0x5e: {  	_ =	shalt  }
0x5f: {  	_ =	shalt  }
0x60: {  	_ =	shalt  }
0x61: {  	_ =	shalt  }
0x62: {  	_ =	shalt  }
0x63: {  	_ =	shalt  }
0x64: {  	_ =	shalt  }
0x65: {  	_ =	shalt  }
0x66: {  	_ =	shalt  }
0x67: {  	_ =	shalt  }
0x68: {  	_ =	shalt  }
0x69: {  	_ =	shalt  }
0x6a: {  	_ =	shalt  }
0x6b: {  	_ =	shalt  }
0x6c: {  	_ =	shalt  }
0x6d: {  	_ =	shalt  }
0x6e: {  	_ =	shalt  }
0x6f: {  	_ =	shalt  }
0x70: {  	_ =	shalt  }
0x71: {  	_ =	shalt  }
0x72: {  	_ =	shalt  }
0x73: {  	_ =	shalt  }
0x74: {  	_ =	shalt  }
0x75: {  	_ =	shalt  }
0x76: {  	_ =	shalt  }
0x77: {  	_ =	shalt  }
0x78: {  	_ =	shalt  }
0x79: {  	_ =	shalt  }
0x7a: {  	_ =	shalt  }
0x7b: {  	_ =	shalt  }
0x7c: {  	_ =	shalt  }
0x7d: {  	_ =	shalt  }
0x7e: {  	_ =	shalt  }
0x7f: {  	_ =	shalt  }
0x80: {  	_ =	shalt  }
0x81: {  	_ =	shalt  }
0x82: {  	_ =	shalt  }
0x83: {  	_ =	shalt  }
0x84: {  	_ =	shalt  }
0x85: {  	_ =	shalt  }
0x86: {  	_ =	shalt  }
0x87: {  	_ =	shalt  }
.Lfunc_end0:
.L_simem_size_0:
called_computation.1_lowered:
.L_overlay_start_0:
0x88: {  	s2 =	sld [smem:$0x3FD9]  }
0x89: {  	s3 =	sld [smem:$0x3FFE];
	_ =	sdelay $0x1  }
0x8a: {  	s1 =	srdreg.scid  }
0x8b: {  	s0 =	sand.u32 $0x1, s1  }
0x8c: {  	s14 =	sshll.u32 s0, $0xA;
	s2 =	sadd.s32 s3, s2  }
0x8d: {  	s2 =	sadd.s32 s2, s14  }
0x8e: {  	[smem:$0x3FA9] =	sst s2  }
0x8f: {  	_ = 	snop  }
0x90: {  	s2 =	sld [smem:$0x3FD0];
	_ =	sdelay $0x2  }
0x91: {  	s15 =	simm.s32 $0xA;
	s4 =	simm.s32 $0x10  }
0x92: {  	[smem:s4], [sflag:s15] =	dma.local [hbm:s2], $0x1  }
0x93: {  	_ =	swait.eq [sflag:s15], $0x1  }
0x94: {  	[sflag:s15] =	ssyncset.done $0x0  }
0x95: {  	[sflag:s15] =	ssyncadd.s32 $0xFFFFFFFF  }
0x96: {  	s16 =	sld [smem:$0x10];
	(tm) =	ssettm $0x1  }
0x97: {  	s17 =	sld [smem:$0x3FFB];
	_ =	sdelay $0x3  }
0x98: {  	_ =	strace s17  }
0x99: {  	s3 =	sld [smem:$0x3FFC];
	_ =	sdelay $0x3  }
0x9a: {  	_ =	strace s3  }
0x9b: {  	s3 =	sld [smem:$0x3FFD];
	_ =	sdelay $0x3  }
0x9c: {  	_ =	strace s3  }
0x9d: {  	_ =	strace $0x8FFFFFFF  }
0x9e: {  	s18 =	sld [smem:$0x3FDB];
	_ =	sdelay $0x1  }
0x9f: {  	s19 =	simm.s32 $_scs_section_size  }
0xa0: {  	s5 =	simm.s32 $_size__tile_overlayer_lowered;
	s6 =	simm.s32 $_tile_overlayer_lowered  }
0xa1: {  	s22 =	simm.s32 $0x1BFF;
	s21 =	sshll.u32 s6, $0x1;
	s3 =	sadd.s32 s19, s18  }
0xa2: {  	s7 =	simm.s32 $0x0;
	s20 =	sshll.u32 s5, $0x1;
	s5 =	sadd.s32 s21, s3  }
0xa3: {  	[timem:s7], [sflag:s22] =	dma.local [hbm:s5], s20  }
0xa4: {  	_ =	swait.ge [sflag:s22], s20  }
0xa5: {  	s4 =	ssub.s32 $0x0, s20;
	[sflag:s22] =	ssyncset.done $0x0  }
0xa6: {  	[sflag:s22] =	ssyncadd.s32 s4;
	_ =	sdelay $0x1  }
0xa7: {  	s23 =	simm.s32 $0x1B8B  }
0xa8: {  	_ =	swait.ge [sflag:s23], $0x1  }
0xa9: {  	[sflag:s23] =	ssyncset.done $0x0  }
0xaa: {  	s25 =	simm.s32 $0x1B8E;
	s24 =	sld [smem:$0x3FFE];
	[sflag:s23] =	ssyncadd.s32 $0xFFFFFFFF  }
0xab: {  	s26 =	simm.s32 $execute0_lowered;
	[smem:$0x3FD2] =	sst s25  }
0xac: {  	s5 =	sshll.u32 s26, $0x1;
	_ =	strace $0x80000049;
	[dreg:$0x1] =	wrdreg $0xFFFFFFFF  }
0xad: {  	s28 =	simm.s32 $_size_execute0_lowered;
	s3 =	sadd.s32 s3, s5;
	[dreg:$0x0] =	wrdreg $0x0  }
0xae: {  	s5 =	sshll.u32 s28, $0x1;
	[dreg:$0x2] =	wrdreg s3  }
0xaf: {  	[dreg:$0x3] =	wrdreg s5  }
0xb0: {  	[dreg:$0x4] =	wrdreg $0xC0  }
0xb1: {  	_ =	task [dreg:s7], $0x5FFFF  }
0xb2: {  	[dreg:$0x1] =	wrdreg $0xFFFFFFFF  }
0xb3: {  	[dreg:$0x0] =	wrdreg $0x60  }
0xb4: {  	[dreg:$0x2] =	wrdreg s24  }
0xb5: {  	[dreg:$0x3] =	wrdreg s16  }
0xb6: {  	[dreg:$0x4] =	wrdreg $0xC0000  }
0xb7: {  	[dreg:$0x5] =	wrdreg $0x9  }
0xb8: {  	_ =	task.clear_ibuf [dreg:s7], $0x6FFFF;
	_ =	strace $0x90000049  }
0xb9: {  	s29 =	simm.s32 $0x9;
	_ =	strace $0x8000004B  }
0xba: {  	_ =	swait.ge [sflag:s29], $0x1  }
0xbb: {  	[sflag:s29] =	ssyncadd.s32 $0xFFFFFFFF  }
0xbc: {  	_ =	strace $0x9000004B  }
0xbd: {  	_ =	sfence  }
0xbe: {  	s30 =	sld [smem:$0x0];
	_ =	sdelay $0x2  }
0xbf: {  	s31 =	sshll.u32 s1, $0xD;
	s1 =	sshrl.u32 s1, $0x2  }
0xc0: {  	s3 =	sand.u32 $0x4000, s31;
	s1 =	sadd.s32 s1, s30  }
0xc1: {  	s0 =	sor.u32 s3, s0;
	s1 =	sshll.u32 s1, $0x11  }
0xc2: {  	s0 =	sor.u32 s1, s0  }
0xc3: {  	s0 =	sadd.s32 $0x8F2B, s0  }
0xc4: {  	[sflag:s0] =	ssyncadd.remote.s32 $0x1  }
0xc5: {  	_ =	sfence.sel $0xFFFF  }
0xc6: {  	[dreg:$0x0] =	wrdreg $0xFFFFFFFF;
	(pc) =	sbr.abs _section_cstart, $3  }
0xc7: {  	[dreg:$0x1] =	wrdreg $0xFFFFFFFF  }
0xc8: {  	_ =	task.clear_ibuf [dreg:s7], $0x2FFFF;
	_ =	strace $0x9FFFFFFF  }
0xc9: {  	(tm) =	ssettm $0x7FFFFFFF  }
tec
execute0_lowered:
.L_overlay_start_1:
0x0: {  	(tag) =	ssettag $0x1  }
0x1: {  	s0 =	rddreg [dreg:$0x0]  }
0x2: {  	s2 =	rddreg [dreg:$0x1]  }
0x3: {  	s3 =	rddreg [dreg:$0x2];
	s12 =	stileid.u32  }
0x4: {  	s5 =	srdreg.scid;
	s4 =	simm.s32 $0x0;
	s18 =	simm.s32 $0xD  }
0x5: {  	s22 =	simm.s32 $0x9;
	s23 =	simm.s32 $0x78;
	s28 =	simm.s32 $0x6  }
0x6: {  	s29 =	simm.s32 $0x0;
	s1 =	smul.u32 $0x13C00, s12;
	s7 =	sand.u32 $0x1, s5  }
0x7: {  	[smem:$0x7FF] =	sst s4;
	s5 =	sadd.s32 $0x12800, s0;
	s11 =	smul.u32 $0x4F000, s12  }
0x8: {  	s24 =	sshll.u32 s12, $0x1;
	s8 =	smul.u32 $0x13C000, s7;
	_ =	strace $0x8000004A  }
0x9: {  	s10 =	ssub.s32 $0x2, s7;
	s7 =	sor.u32 s7, s24;
	s6 =	sshrl.u32 s1, $0x3  }
0xa: {  	s25 =	sshrl.u32 s10, $0x1;
	s7 =	smul.u32 $0x2C00, s7;
	s30 =	sshrl.u32 s11, $0x2  }
0xb: {  	s9 =	sadd.s32 s6, s0;
	s6 =	sadd.s32 $0x7800, s0;
	s1 =	sadd.s32 s1, s8  }
0xc: {  	s26 =	ssub.s32 s10, s25;
	s17 =	sadd.s32 s30, s3;
	s8 =	sshll.u32 s12, $0x6  }
.Ltmp0:
0xd: {  	s1 =	sshrl.u32 s1, $0x3;
	s31 =	sshrl.u32 s7, $0x3;
	(pc) =	sbr.rel .LBB2_1-.Ltmp0, $4  }
0xe: {  	s9 =	sadd.s32 $0x3A000, s9;
	s10 =	sor.u32 $0x1C09, s8;
	s16 =	smax.u32 s26, $0x1  }
0xf: {  	s17 =	sshrl.u32 s17, $0x3;
	s0 =	sadd.s32 s1, s0;
	[dreg:$0x4] =	wrdreg s9  }
0x10: {  	s14 =	sor.u32 $0x40, s31;
	s11 =	sadd.s32 s2, s31;
	s12 =	sadd.s32 s6, s31  }
0x11: {  	s13 =	sadd.s32 s2, s14;
	s14 =	sadd.s32 s6, s14;
	s15 =	sadd.s32 $0x61800, s0  }
.LBB2_8:
0x12: {  	_ =	swait.ge [sflag:s28], $0x3C00  }
0x13: {  	s29 =	sadd.s32 $0x1, s29;
	[sflag:s28] =	ssyncset.done $0x0  }
0x14: {  	p0 =	sne.s32 s29, s16;
	[sflag:s28] =	ssyncadd.s32 $0xFFFFC400  }
.Ltmp1:
0x15: {  	s0 =	sor.u32 $0x1C0D, s8;
	[bflag:$0x0] =	sbarrier.arrive $0xFFFF;
	(pc) =	sbr.rel @!p0 .LBB2_9-.Ltmp1, $4  }
0x16: {  	[hbm:s15], [sflag:s0] =	dma.local [spmem:s17], $0x2780  }
0x17: {  	_ =	swait.ge [sflag:s18], $0x2780  }
0x18: {  	[sflag:s18] =	ssyncset.done $0x0  }
0x19: {  	[sflag:s18] =	ssyncadd.s32 $0xFFFFD880  }
.LBB2_1:
0x1a: {  	s0 =	rddreg [dreg:$0x4]  }
0x1b: {  	[spmem:s17], [sflag:s10] =	dma.local [hbm:s0], $0x2780  }
0x1c: {  	[tilespmem:s4], [sflag:$0xD] =	stream.linear.gather [hbm4b:s11+s4], $0x200, $0x38;
	[tilespmem:$0x1FC00] =	vst v63  }
0x1d: {  	_ =	swait.ge [sflag:s18], $0x200  }
0x1e: {  	[sflag:s18] =	ssyncset.done $0x0  }
0x1f: {  	s20 =	simm.s32 $0x600;
	[sflag:s18] =	ssyncadd.s32 $0xFFFFFE00  }
0x20: {  	[tilespmem:s20], [sflag:$0xD] =	stream.linear.gather [hbm4b:s12+s4], $0x200, $0x38;
	[tilespmem:$0x1FC00] =	vst v63  }
0x21: {  	_ =	swait.ge [sflag:s18], $0x200  }
0x22: {  	[sflag:s18] =	ssyncset.done $0x0  }
0x23: {  	s21 =	simm.s32 $0x200;
	[sflag:s18] =	ssyncadd.s32 $0xFFFFFE00  }
0x24: {  	[tilespmem:s21], [sflag:$0xD] =	stream.linear.gather [hbm4b:s13+s4], $0x200, $0x38;
	[tilespmem:$0x1FC00] =	vst v63  }
0x25: {  	_ =	swait.ge [sflag:s18], $0x200  }
0x26: {  	[sflag:s18] =	ssyncset.done $0x0  }
0x27: {  	s24 =	simm.s32 $0x800;
	[sflag:s18] =	ssyncadd.s32 $0xFFFFFE00  }
0x28: {  	[tilespmem:s24], [sflag:$0xD] =	stream.linear.gather [hbm4b:s14+s4], $0x200, $0x38;
	[tilespmem:$0x1FC00] =	vst v63  }
0x29: {  	_ =	swait.ge [sflag:s18], $0x200  }
0x2a: {  	[sflag:s18] =	ssyncset.done $0x0  }
0x2b: {  	[sflag:s18] =	ssyncadd.s32 $0xFFFFFE00  }
0x2c: {  	_ =	swait.ge [sflag:s22], $0x2780  }
0x2d: {  	[sflag:s22] =	ssyncset.done $0x0  }
.Ltmp2:
0x2e: {  	[sflag:s22] =	ssyncadd.s32 $0xFFFFD880;
	(pc) =	sbr.rel .LBB2_2-.Ltmp2, $4  }
0x2f: {  	s25 =	simm.s32 $0xC00;
	s26 =	simm.s32 $0x80;
	[bflag:$0x0] =	sbarrier.arrive $0xFFFF  }
0x30: {  	[tilespmem:s25], [sflag:$0x1] =	stream.indirect.gather [hbm4b:s5+s23], $0x80, s4, s23, $0xb8;
	[tilespmem:$0x1FC00] =	vst v63  }
0x31: {  	s1 =	simm.s32 $0x4800;
	s30 =	simm.s32 $0x0;
	s31 =	simm.s32 $0x0  }
0x32: {  	[tilespmem:s1], [sflag:$0x2] =	stream.indirect.gather [hbm4b:s5+s23], $0x80, s26, s23, $0xb8;
	[tilespmem:$0x1FC00] =	vst v63  }
.LBB2_3:
0x33: {  	s19 =	simm.s32 $0x0;
	s0 =	simm.s32 $0x2;
	s1 =	simm.s32 $0x2  }
.LBB2_6:
0x34: {  	s9 =	smul.u32 $0xAB, s0;
	_ =	sdelay $0x1  }
0x35: {  	s9 =	sshrl.u32 s9, $0x9  }
0x36: {  	s9 =	sand.u32 $0x7F, s9  }
0x37: {  	s9 =	smul.u32 $0x3, s9;
	_ =	sdelay $0x1  }
0x38: {  	s25 =	ssub.s32 s0, s9  }
0x39: {  	s0 =	sand.u32 $0xFF, s25  }
0x3a: {  	s26 =	smul.u32 $0xF000, s0;
	_ =	sdelay $0x1  }
0x3b: {  	s19 =	sshll.u32 s19, $0x9;
	s1 =	sshll.u32 s1, $0x7;
	s9 =	sshrl.u32 s26, $0x2  }
0x3c: {  	s1 =	sor.u32 s1, s19;
	s0 =	sadd.s32 $0x1, s0;
	s9 =	sadd.s32 $0xC00, s9  }
0x3d: {  	[tilespmem:s9], [sflag:s0] =	stream.indirect.gather [hbm4b:s5+s23], $0x80, s1, s23, $0xb8;
	[tilespmem:$0x1FC00] =	vst v63  }
.LBB2_7:
0x3e: {  	s31 =	sadd.s32 $0x1, s31  }
0x3f: {  	p0 =	sne.s32 s31, $0x54  }
.Ltmp3:
0x40: {  	_ = 	snop;
	(pc) =	sbr.rel @!p0 .LBB2_8-.Ltmp3, $2  }
0x41: {  	_ =	sdelay $0x2  }
0x42: {  	s30 =	sadd.s32 $0x200, s30  }
.LBB2_2:
0x43: {  	s0 =	smul.u32 $0xAB, s31  }
0x44: {  	s1 =	sshrl.u32 s31, $0x2  }
0x45: {  	s19 =	smul.u32 $0xAB, s1;
	s0 =	sshrl.u32 s0, $0x9  }
0x46: {  	s0 =	sand.u32 $0x7F, s0  }
0x47: {  	s19 =	sshrl.u32 s19, $0x9;
	s0 =	smul.u32 $0x3, s0  }
0x48: {  	s19 =	sand.u32 $0x7F, s19  }
0x49: {  	s19 =	smul.u32 $0x3, s19;
	s0 =	ssub.s32 s31, s0  }
0x4a: {  	s21 =	sand.u32 $0x600, s30;
	p0 =	seq.s32 s30, $0x0;
	s0 =	sand.u32 $0xFF, s0  }
0x4b: {  	s21 =	sshrl.u32 s21, $0x2;
	s1 =	ssub.s32 s1, s19;
	s26 =	smul.u32 $0xF000, s0  }
.Ltmp4:
0x4c: {  	s1 =	sand.u32 $0xFF, s1;
	s20 =	sadd.s32 $0x1, s0;
	(pc) =	sbr.rel @p0 .LBB2_3-.Ltmp4, $4  }
0x4d: {  	s0 =	sor.u32 $0x4, s0;
	_ =	swait.ge [sflag:s20], $0x3C00;
	s1 =	sshll.u32 s1, $0x9  }
0x4e: {  	s19 =	sshrl.u32 s26, $0x2;
	s1 =	sor.u32 s21, s1;
	[sflag:s20] =	ssyncset.done $0x0  }
0x4f: {  	s19 =	sadd.s32 $0xC00, s19;
	[sflag:s20] =	ssyncadd.s32 $0xFFFFC400;
	s1 =	sadd.s32 $0x600, s1  }
0x50: {  	[spmem:s3] =	stream.indirect.scatter.add.f32 [tilespmem:s19], [sflag:s0], $0x80, s1, s23, $0xb8;
	[tilespmem:$0x1FC00] =	vst v63  }
0x51: {  	s0 =	sadd.s32 $0xFFFFFFFF, s31  }
0x52: {  	s1 =	sand.u32 $0xFF, s0  }
0x53: {  	s1 =	smul.u32 $0xAB, s1;
	_ =	sdelay $0x1  }
0x54: {  	s1 =	sshrl.u32 s1, $0x9  }
0x55: {  	s1 =	smul.u32 $0x3, s1;
	_ =	sdelay $0x1  }
0x56: {  	p0 =	sgt.u32 s31, $0x51;
	s0 =	ssub.s32 s0, s1  }
.Ltmp5:
0x57: {  	s0 =	sor.u32 $0x4, s0;
	(pc) =	sbr.rel @p0 .LBB2_7-.Ltmp5, $4  }
0x58: {  	s0 =	sand.u32 $0xFF, s0  }
0x59: {  	_ =	swait.ge [sflag:s0], $0x3C00  }
0x5a: {  	[sflag:s0] =	ssyncset.done $0x0  }
0x5b: {  	[sflag:s0] =	ssyncadd.s32 $0xFFFFC400  }
0x5c: {  	s0 =	sadd.s32 $0x2, s31  }
0x5d: {  	s20 =	sshrl.u32 s0, $0x2  }
0x5e: {  	p0 =	slt.u32 s31, $0x6;
	s1 =	sand.u32 $0x3, s0;
	s19 =	smul.u32 $0xAB, s20  }
0x5f: {  	p2 =	sne.s32 @!p0 s1, $0x0  }
0x60: {  	p3 =	seq.s32 s1, $0x0;
	p1 =	por p2, p0;
	s19 =	sshrl.u32 s19, $0x9  }
0x61: {  	p2 =	por !p2, p0;
	p4 =	por @!p1 $0x1, $0x1;
	s19 =	sand.u32 $0x7F, s19  }
0x62: {  	p4 =	por @!p2 p3, p3;
	s19 =	smul.u32 $0x3, s19  }
0x63: {  	p6 =	sgt.u32 s31, $0x4D;
	p3 =	por @!p0 p4, p4  }
0x64: {  	p0 =	por !p3, p6;
	s19 =	ssub.s32 s20, s19  }
0x65: {  	s20 =	sadd.s32 @!p0 $0x1, s20;
	s19 =	sand.u32 $0xFF, s19  }
0x66: {  	s24 =	smul.u32 @!p0 $0xAB, s20;
	s21 =	sadd.s32 @!p1 $0x7, s19  }
0x67: {  	s9 =	simm.s32 @!p0 $0x0;
	_ =	swait.ge @!p1 [sflag:s21], $0x200  }
0x68: {  	s25 =	sshll.u32 @!p0 s20, $0x9;
	s24 =	sshrl.u32 @!p0 s24, $0x9;
	[sflag:s21] =	ssyncset.done @!p1 $0x0  }
0x69: {  	[sflag:s21] =	ssyncadd.s32 @!p1 $0xFFFFFE00;
	s21 =	sand.u32 @!p0 $0x7F, s24;
	s24 =	sadd.s32 @!p1 $0xA, s19  }
0x6a: {  	s26 =	sand.u32 @!p0 $0xFC00, s25;
	s21 =	smul.u32 @!p0 $0x3, s21;
	_ =	swait.ge @!p1 [sflag:s24], $0x200  }
0x6b: {  	s25 =	sand.u32 @!p0 $0x200, s25;
	s26 =	sadd.s32 @!p0 s7, s26;
	[sflag:s24] =	ssyncset.done @!p1 $0x0  }
0x6c: {  	s20 =	ssub.s32 @!p0 s20, s21;
	s21 =	sor.u32 @!p0 s25, s26;
	[sflag:s24] =	ssyncadd.s32 @!p1 $0xFFFFFE00  }
.Ltmp6:
0x6d: {  	s20 =	sand.u32 @!p0 $0xFF, s20;
	s21 =	sshrl.u32 @!p0 s21, $0x3;
	(pc) =	sbr.rel .LBB2_6-.Ltmp6, $4  }
0x6e: {  	s24 =	sshll.u32 @!p0 s20, $0x9;
	s25 =	sadd.s32 @!p0 $0x7, s20;
	s26 =	sadd.s32 @!p0 s2, s21  }
0x6f: {  	[tilespmem:s24], [sflag:s25] =	stream.linear.gather @!p0 [hbm4b:s26+s9], $0x200, $0x38;
	[tilespmem:$0x1FC00] =	vst v63  }
0x70: {  	s20 =	sadd.s32 @!p0 $0xA, s20;
	s21 =	sadd.s32 @!p0 s6, s21;
	s24 =	sadd.s32 @!p0 $0x600, s24  }
0x71: {  	[tilespmem:s24], [sflag:s20] =	stream.linear.gather @!p0 [hbm4b:s21+s9], $0x200, $0x38;
	[tilespmem:$0x1FC00] =	vst v63  }
.LBB2_9:
0x72: {  	_ =	sfence.sel $0x180000  }
0x73: {  	[bflag:$0x0] =	sbarrier.arrive $0xFFFF  }
0x74: {  	_ =	strace $0x9000004A  }
0x75: {  	s0 =	stileid.u32;
	[bflag:$0x2] =	sbarrier.arrive $0xFFFF  }
0x76: {  	p0 =	sne.s32 s0, $0x0;
	s0 =	rddreg [dreg:$0x3]  }
0x77: {  	s0 =	sadd.s32 @!p0 $0x100000, s0  }
0x78: {  	[sflag:s0] =	ssyncadd.tile.s32 @!p0 $0x1;
	_ =	shalt  }
.Lfunc_end2:
_tile_overlayer_lowered:
.L_overlay_start_2:
0x79: {  	(tag) =	ssettag $0x2  }
0x7a: {  	s0 =	rddreg [dreg:$0x0];
	s2 =	stileid.u32  }
0x7b: {  	s1 =	rddreg [dreg:$0x1];
	p0 =	sne.s32 s2, $0x0  }
0x7c: {  	s3 =	rddreg [dreg:$0x2];
	[bflag:$0x3] =	sbarrier.arrive $0xFFFF;
	s2 =	simm.s32 @!p0 $0x1C0D  }
0x7d: {  	[timem:s3], [sflag:s2] =	dma.local @!p0 [hbm:s0], s1  }
0x7e: {  	s0 =	simm.s32 @!p0 $0xD  }
0x7f: {  	_ =	swait.ge @!p0 [sflag:s0], s1  }
0x80: {  	s1 =	ssub.s32 @!p0 $0x0, s1;
	[sflag:s0] =	ssyncset.done @!p0 $0x0  }
0x81: {  	[sflag:s0] =	ssyncadd.s32 @!p0 s1  }
0x82: {  	[bflag:$0x3] =	sbarrier.arrive $0xFFFF  }
0x83: {  	_ =	shalt  }

// kernel: kernel.21.cloned.1.call-start
scs
__scs_entry_jumppad:
0x0: {  	(pc) =	sbr.rel $0x88, $3  }
0x1: {  	(tag) =	ssettag $0x0;
	lr =	simm.s32 $0x1  }
0x2: {  	[smem:$0x3F82] =	sst lr;
	_ =	strace $0xD0000000  }
0x3: {  	_ = 	snop  }
0x4: {  	_ = 	snop  }
0x5: {  	_ = 	snop  }
0x6: {  	_ = 	snop  }
0x7: {  	_ = 	snop  }
__scs_overlays_trampoline_lowered:
0x8: {  	[smem:$0x3F91] =	sst s0  }
0x9: {  	[smem:$0x3F92] =	sst s1  }
0xa: {  	[smem:$0x3F93] =	sst s2  }
0xb: {  	[smem:$0x3F94] =	sst s3  }
0xc: {  	[smem:$0x3F95] =	sst s4  }
0xd: {  	[smem:$0x3F96] =	sst s5  }
0xe: {  	[smem:$0x3F97] =	sst s6  }
0xf: {  	[smem:$0x3F98] =	sst s7  }
0x10: {  	[smem:$0x3F99] =	sst s8  }
0x11: {  	[smem:$0x3F9A] =	sst s9;
	s0 =	simm.s32 @!p0 $0x0  }
0x12: {  	s1 =	sld [smem:$0x3F80];
	s0 =	simm.s32 @p0 $0x1  }
0x13: {  	[smem:$0x3F9B] =	sst s0;
	s0 =	simm.s32 @!p1 $0x0  }
0x14: {  	s2 =	sld [smem:$0x3F7F];
	s0 =	simm.s32 @p1 $0x1  }
0x15: {  	[smem:$0x3F9C] =	sst s0;
	s0 =	simm.s32 @!p2 $0x0  }
0x16: {  	s3 =	sld [smem:$0x3FDB];
	s0 =	simm.s32 @p2 $0x1  }
0x17: {  	s4 =	simm.s32 $0x1BF5;
	[smem:$0x3F9E] =	sst s0  }
0x18: {  	s0 =	sld [smem:$0x3F81];
	_ =	swait.ge [sflag:s4], $0x0  }
0x19: {  	s7 =	sld [smem:$0x3F82]  }
0x1a: {  	s8 =	sadd.s32 $0xFFFFE003, lr  }
0x1b: {  	s9 =	sadd.s32 $0xFFFFFEF7, lr;
	s5 =	simm.s32 $0xFFFFFFFF;
	p2 =	slt.u32 s8, $0xFFFFF086  }
0x1c: {  	p1 =	slt.u32 s9, $0xF7A;
	s5 =	simm.s32 @!p2 $0x0  }
0x1d: {  	s5 =	simm.s32 @p1 $0x1;
	p0 =	seq.s32 s7, s2  }
0x1e: {  	s7 =	smul.u32 @!p0 $0xF7A, s2;
	p2 =	seq.s32 @!p0 s5, $0x0  }
0x1f: {  	s9 =	smul.u32 $0xF7A, s1;
	s8 =	simm.s32 @!p0 $0x1BF5;
	p2 =	por !p2, p0  }
0x20: {  	[sflag:s8] =	ssyncset.s32 @!p0 $0xFFFFF086;
	s6 =	sadd.s32 @!p0 s3, s7;
	s7 =	simm.s32 @!p0 $0x108  }
0x21: {  	s3 =	sadd.s32 s3, s9;
	s6 =	sadd.s32 @!p0 $0x88, s6;
	s7 =	simm.s32 @p2 $0x1082  }
0x22: {  	[simem:s7], [sflag:s8] =	dma.local @!p0 [hbm:s6], $0xF7A  }
0x23: {  	s9 =	sor.u32 $0xD0000000, s2;
	s6 =	simm.s32 $0x108;
	_ =	swait.ge @!p0 [sflag:s8], $0x0  }
0x24: {  	s3 =	sadd.s32 $0x88, s3;
	s6 =	simm.s32 @!p1 $0x1082;
	[sflag:s4] =	ssyncset.s32 $0xFFFFF086  }
0x25: {  	[simem:s6], [sflag:s4] =	dma.local [hbm:s3], $0xF7A  }
0x26: {  	[smem:$0x3F82] =	sst s1;
	(tag) =	ssettag s2;
	_ =	strace s9  }
0x27: {  	s1 =	sld [smem:$0x3F92]  }
0x28: {  	s2 =	sld [smem:$0x3F93]  }
0x29: {  	s4 =	sld [smem:$0x3F95]  }
0x2a: {  	p0 =	seq.s32 s5, $0x0;
	s5 =	sld [smem:$0x3F96]  }
0x2b: {  	s6 =	sld [smem:$0x3F97]  }
0x2c: {  	s7 =	sld [smem:$0x3F98]  }
0x2d: {  	s3 =	simm.s32 $0x108;
	s8 =	sld [smem:$0x3F99]  }
0x2e: {  	s3 =	simm.s32 @!p0 $0x1082;
	s9 =	sld [smem:$0x3F9A]  }
0x2f: {  	lr =	sadd.s32 s0, s3;
	s0 =	sld [smem:$0x3F91]  }
0x30: {  	s3 =	sld [smem:$0x3F94]  }
0x31: {  	[smem:$0x3F9D] =	sst s10  }
0x32: {  	s10 =	sld [smem:$0x3F9B];
	_ =	sdelay $0x3  }
0x33: {  	p0 =	seq.s32 s10, $0x1;
	s10 =	sld [smem:$0x3F9D];
	_ =	sdelay $0x3  }
0x34: {  	[smem:$0x3F9D] =	sst s10  }
0x35: {  	s10 =	sld [smem:$0x3F9C];
	_ =	sdelay $0x3  }
0x36: {  	p1 =	seq.s32 s10, $0x1;
	s10 =	sld [smem:$0x3F9D];
	_ =	sdelay $0x3  }
0x37: {  	[smem:$0x3F9D] =	sst s10  }
0x38: {  	s10 =	sld [smem:$0x3F9E]  }
0x39: {  	_ = 	snop;
	(pc) =	sbr.ind lr, $3  }
0x3a: {  	_ = 	snop  }
0x3b: {  	_ = 	snop  }
0x3c: {  	p2 =	seq.s32 s10, $0x1;
	s10 =	sld [smem:$0x3F9D]  }
0x3d: {  	_ =	shalt  }
0x3e: {  	_ =	shalt  }
0x3f: {  	_ =	shalt  }
0x40: {  	_ =	shalt  }
0x41: {  	_ =	shalt  }
0x42: {  	_ =	shalt  }
0x43: {  	_ =	shalt  }
0x44: {  	_ =	shalt  }
0x45: {  	_ =	shalt  }
0x46: {  	_ =	shalt  }
0x47: {  	_ =	shalt  }
0x48: {  	_ =	shalt  }
0x49: {  	_ =	shalt  }
0x4a: {  	_ =	shalt  }
0x4b: {  	_ =	shalt  }
0x4c: {  	_ =	shalt  }
0x4d: {  	_ =	shalt  }
0x4e: {  	_ =	shalt  }
0x4f: {  	_ =	shalt  }
0x50: {  	_ =	shalt  }
0x51: {  	_ =	shalt  }
0x52: {  	_ =	shalt  }
0x53: {  	_ =	shalt  }
0x54: {  	_ =	shalt  }
0x55: {  	_ =	shalt  }
0x56: {  	_ =	shalt  }
0x57: {  	_ =	shalt  }
0x58: {  	_ =	shalt  }
0x59: {  	_ =	shalt  }
0x5a: {  	_ =	shalt  }
0x5b: {  	_ =	shalt  }
0x5c: {  	_ =	shalt  }
0x5d: {  	_ =	shalt  }
0x5e: {  	_ =	shalt  }
0x5f: {  	_ =	shalt  }
0x60: {  	_ =	shalt  }
0x61: {  	_ =	shalt  }
0x62: {  	_ =	shalt  }
0x63: {  	_ =	shalt  }
0x64: {  	_ =	shalt  }
0x65: {  	_ =	shalt  }
0x66: {  	_ =	shalt  }
0x67: {  	_ =	shalt  }
0x68: {  	_ =	shalt  }
0x69: {  	_ =	shalt  }
0x6a: {  	_ =	shalt  }
0x6b: {  	_ =	shalt  }
0x6c: {  	_ =	shalt  }
0x6d: {  	_ =	shalt  }
0x6e: {  	_ =	shalt  }
0x6f: {  	_ =	shalt  }
0x70: {  	_ =	shalt  }
0x71: {  	_ =	shalt  }
0x72: {  	_ =	shalt  }
0x73: {  	_ =	shalt  }
0x74: {  	_ =	shalt  }
0x75: {  	_ =	shalt  }
0x76: {  	_ =	shalt  }
0x77: {  	_ =	shalt  }
0x78: {  	_ =	shalt  }
0x79: {  	_ =	shalt  }
0x7a: {  	_ =	shalt  }
0x7b: {  	_ =	shalt  }
0x7c: {  	_ =	shalt  }
0x7d: {  	_ =	shalt  }
0x7e: {  	_ =	shalt  }
0x7f: {  	_ =	shalt  }
0x80: {  	_ =	shalt  }
0x81: {  	_ =	shalt  }
0x82: {  	_ =	shalt  }
0x83: {  	_ =	shalt  }
0x84: {  	_ =	shalt  }
0x85: {  	_ =	shalt  }
0x86: {  	_ =	shalt  }
0x87: {  	_ =	shalt  }
.Lfunc_end0:
.L_simem_size_0:
called_computation.2_lowered:
.L_overlay_start_0:
0x88: {  	s2 =	sld [smem:$0x3FD9]  }
0x89: {  	s3 =	sld [smem:$0x3FFE];
	_ =	sdelay $0x1  }
0x8a: {  	s1 =	srdreg.scid  }
0x8b: {  	s0 =	sand.u32 $0x1, s1  }
0x8c: {  	s14 =	sshll.u32 s0, $0xA;
	s2 =	sadd.s32 s3, s2  }
0x8d: {  	s2 =	sadd.s32 s2, s14  }
0x8e: {  	[smem:$0x3FA9] =	sst s2  }
0x8f: {  	_ = 	snop  }
0x90: {  	s2 =	sld [smem:$0x3FD0];
	_ =	sdelay $0x2  }
0x91: {  	s15 =	simm.s32 $0xA;
	s4 =	simm.s32 $0x10  }
0x92: {  	[smem:s4], [sflag:s15] =	dma.local [hbm:s2], $0x1  }
0x93: {  	_ =	swait.eq [sflag:s15], $0x1  }
0x94: {  	[sflag:s15] =	ssyncset.done $0x0  }
0x95: {  	[sflag:s15] =	ssyncadd.s32 $0xFFFFFFFF  }
0x96: {  	s16 =	sld [smem:$0x10];
	(tm) =	ssettm $0x1  }
0x97: {  	s17 =	sld [smem:$0x3FFB];
	_ =	sdelay $0x3  }
0x98: {  	_ =	strace s17  }
0x99: {  	s3 =	sld [smem:$0x3FFC];
	_ =	sdelay $0x3  }
0x9a: {  	_ =	strace s3  }
0x9b: {  	s3 =	sld [smem:$0x3FFD];
	_ =	sdelay $0x3  }
0x9c: {  	_ =	strace s3  }
0x9d: {  	_ =	strace $0x8FFFFFFF  }
0x9e: {  	s18 =	sld [smem:$0x3FDB];
	_ =	sdelay $0x1  }
0x9f: {  	s19 =	simm.s32 $_scs_section_size  }
0xa0: {  	s5 =	simm.s32 $_size__tile_overlayer_lowered;
	s6 =	simm.s32 $_tile_overlayer_lowered  }
0xa1: {  	s22 =	simm.s32 $0x1BFF;
	s21 =	sshll.u32 s6, $0x1;
	s3 =	sadd.s32 s19, s18  }
0xa2: {  	s7 =	simm.s32 $0x0;
	s20 =	sshll.u32 s5, $0x1;
	s5 =	sadd.s32 s21, s3  }
0xa3: {  	[timem:s7], [sflag:s22] =	dma.local [hbm:s5], s20  }
0xa4: {  	_ =	swait.ge [sflag:s22], s20  }
0xa5: {  	s4 =	ssub.s32 $0x0, s20;
	[sflag:s22] =	ssyncset.done $0x0  }
0xa6: {  	[sflag:s22] =	ssyncadd.s32 s4;
	_ =	sdelay $0x1  }
0xa7: {  	s23 =	simm.s32 $0x1B8B  }
0xa8: {  	_ =	swait.ge [sflag:s23], $0x1  }
0xa9: {  	[sflag:s23] =	ssyncset.done $0x0  }
0xaa: {  	s25 =	simm.s32 $0x1B8E;
	s24 =	sld [smem:$0x3FFE];
	[sflag:s23] =	ssyncadd.s32 $0xFFFFFFFF  }
0xab: {  	s26 =	simm.s32 $execute0_lowered;
	[smem:$0x3FD2] =	sst s25  }
0xac: {  	s5 =	sshll.u32 s26, $0x1;
	_ =	strace $0x8000004C;
	[dreg:$0x1] =	wrdreg $0xFFFFFFFF  }
0xad: {  	s28 =	simm.s32 $_size_execute0_lowered;
	s3 =	sadd.s32 s3, s5;
	[dreg:$0x0] =	wrdreg $0x0  }
0xae: {  	s5 =	sshll.u32 s28, $0x1;
	[dreg:$0x2] =	wrdreg s3  }
0xaf: {  	[dreg:$0x3] =	wrdreg s5  }
0xb0: {  	[dreg:$0x4] =	wrdreg $0xC0  }
0xb1: {  	_ =	task [dreg:s7], $0x5FFFF  }
0xb2: {  	[dreg:$0x1] =	wrdreg $0xFFFFFFFF  }
0xb3: {  	[dreg:$0x0] =	wrdreg $0x60  }
0xb4: {  	[dreg:$0x2] =	wrdreg s24  }
0xb5: {  	[dreg:$0x3] =	wrdreg s16  }
0xb6: {  	[dreg:$0x4] =	wrdreg $0xC0000  }
0xb7: {  	[dreg:$0x5] =	wrdreg $0x9  }
0xb8: {  	_ =	task.clear_ibuf [dreg:s7], $0x6FFFF;
	_ =	strace $0x9000004C  }
0xb9: {  	s29 =	simm.s32 $0x9;
	_ =	strace $0x8000004E  }
0xba: {  	_ =	swait.ge [sflag:s29], $0x1  }
0xbb: {  	[sflag:s29] =	ssyncadd.s32 $0xFFFFFFFF  }
0xbc: {  	_ =	strace $0x9000004E  }
0xbd: {  	_ =	sfence  }
0xbe: {  	s30 =	sld [smem:$0x0];
	_ =	sdelay $0x2  }
0xbf: {  	s31 =	sshll.u32 s1, $0xD;
	s1 =	sshrl.u32 s1, $0x2  }
0xc0: {  	s3 =	sand.u32 $0x4000, s31;
	s1 =	sadd.s32 s1, s30  }
0xc1: {  	s0 =	sor.u32 s3, s0;
	s1 =	sshll.u32 s1, $0x11  }
0xc2: {  	s0 =	sor.u32 s1, s0  }
0xc3: {  	s0 =	sadd.s32 $0x8F2B, s0  }
0xc4: {  	[sflag:s0] =	ssyncadd.remote.s32 $0x1  }
0xc5: {  	_ =	sfence.sel $0xFFFF  }
0xc6: {  	[dreg:$0x0] =	wrdreg $0xFFFFFFFF;
	(pc) =	sbr.abs _section_cstart, $3  }
0xc7: {  	[dreg:$0x1] =	wrdreg $0xFFFFFFFF  }
0xc8: {  	_ =	task.clear_ibuf [dreg:s7], $0x2FFFF;
	_ =	strace $0x9FFFFFFF  }
0xc9: {  	(tm) =	ssettm $0x7FFFFFFF  }
tec
execute0_lowered:
.L_overlay_start_1:
0x0: {  	(tag) =	ssettag $0x1  }
0x1: {  	s0 =	rddreg [dreg:$0x0]  }
0x2: {  	s2 =	rddreg [dreg:$0x1]  }
0x3: {  	s3 =	rddreg [dreg:$0x2];
	s12 =	stileid.u32  }
0x4: {  	s5 =	srdreg.scid;
	s4 =	simm.s32 $0x0;
	s18 =	simm.s32 $0xD  }
0x5: {  	s22 =	simm.s32 $0x9;
	s23 =	simm.s32 $0x78;
	s28 =	simm.s32 $0x6  }
0x6: {  	s29 =	simm.s32 $0x0;
	s1 =	smul.u32 $0x13C00, s12;
	s7 =	sand.u32 $0x1, s5  }
0x7: {  	[smem:$0x7FF] =	sst s4;
	s5 =	sadd.s32 $0x12800, s0;
	s11 =	smul.u32 $0x4F000, s12  }
0x8: {  	s24 =	sshll.u32 s12, $0x1;
	s8 =	smul.u32 $0x13C000, s7;
	_ =	strace $0x8000004D  }
0x9: {  	s10 =	ssub.s32 $0x2, s7;
	s7 =	sor.u32 s7, s24;
	s6 =	sshrl.u32 s1, $0x3  }
0xa: {  	s25 =	sshrl.u32 s10, $0x1;
	s7 =	smul.u32 $0x2C00, s7;
	s30 =	sshrl.u32 s11, $0x2  }
0xb: {  	s9 =	sadd.s32 s6, s0;
	s6 =	sadd.s32 $0x7800, s0;
	s1 =	sadd.s32 s1, s8  }
0xc: {  	s26 =	ssub.s32 s10, s25;
	s17 =	sadd.s32 s30, s3;
	s8 =	sshll.u32 s12, $0x6  }
.Ltmp0:
0xd: {  	s1 =	sshrl.u32 s1, $0x3;
	s31 =	sshrl.u32 s7, $0x3;
	(pc) =	sbr.rel .LBB2_1-.Ltmp0, $4  }
0xe: {  	s9 =	sadd.s32 $0x3A000, s9;
	s10 =	sor.u32 $0x1C09, s8;
	s16 =	smax.u32 s26, $0x1  }
0xf: {  	s17 =	sshrl.u32 s17, $0x3;
	s0 =	sadd.s32 s1, s0;
	[dreg:$0x4] =	wrdreg s9  }
0x10: {  	s14 =	sor.u32 $0x40, s31;
	s11 =	sadd.s32 s2, s31;
	s12 =	sadd.s32 s6, s31  }
0x11: {  	s13 =	sadd.s32 s2, s14;
	s14 =	sadd.s32 s6, s14;
	s15 =	sadd.s32 $0x61800, s0  }
.LBB2_8:
0x12: {  	_ =	swait.ge [sflag:s28], $0x3C00  }
0x13: {  	s29 =	sadd.s32 $0x1, s29;
	[sflag:s28] =	ssyncset.done $0x0  }
0x14: {  	p0 =	sne.s32 s29, s16;
	[sflag:s28] =	ssyncadd.s32 $0xFFFFC400  }
.Ltmp1:
0x15: {  	s0 =	sor.u32 $0x1C0D, s8;
	[bflag:$0x0] =	sbarrier.arrive $0xFFFF;
	(pc) =	sbr.rel @!p0 .LBB2_9-.Ltmp1, $4  }
0x16: {  	[hbm:s15], [sflag:s0] =	dma.local [spmem:s17], $0x2780  }
0x17: {  	_ =	swait.ge [sflag:s18], $0x2780  }
0x18: {  	[sflag:s18] =	ssyncset.done $0x0  }
0x19: {  	[sflag:s18] =	ssyncadd.s32 $0xFFFFD880  }
.LBB2_1:
0x1a: {  	s0 =	rddreg [dreg:$0x4]  }
0x1b: {  	[spmem:s17], [sflag:s10] =	dma.local [hbm:s0], $0x2780  }
0x1c: {  	[tilespmem:s4], [sflag:$0xD] =	stream.linear.gather [hbm4b:s11+s4], $0x200, $0x38;
	[tilespmem:$0x1FC00] =	vst v63  }
0x1d: {  	_ =	swait.ge [sflag:s18], $0x200  }
0x1e: {  	[sflag:s18] =	ssyncset.done $0x0  }
0x1f: {  	s20 =	simm.s32 $0x600;
	[sflag:s18] =	ssyncadd.s32 $0xFFFFFE00  }
0x20: {  	[tilespmem:s20], [sflag:$0xD] =	stream.linear.gather [hbm4b:s12+s4], $0x200, $0x38;
	[tilespmem:$0x1FC00] =	vst v63  }
0x21: {  	_ =	swait.ge [sflag:s18], $0x200  }
0x22: {  	[sflag:s18] =	ssyncset.done $0x0  }
0x23: {  	s21 =	simm.s32 $0x200;
	[sflag:s18] =	ssyncadd.s32 $0xFFFFFE00  }
0x24: {  	[tilespmem:s21], [sflag:$0xD] =	stream.linear.gather [hbm4b:s13+s4], $0x200, $0x38;
	[tilespmem:$0x1FC00] =	vst v63  }
0x25: {  	_ =	swait.ge [sflag:s18], $0x200  }
0x26: {  	[sflag:s18] =	ssyncset.done $0x0  }
0x27: {  	s24 =	simm.s32 $0x800;
	[sflag:s18] =	ssyncadd.s32 $0xFFFFFE00  }
0x28: {  	[tilespmem:s24], [sflag:$0xD] =	stream.linear.gather [hbm4b:s14+s4], $0x200, $0x38;
	[tilespmem:$0x1FC00] =	vst v63  }
0x29: {  	_ =	swait.ge [sflag:s18], $0x200  }
0x2a: {  	[sflag:s18] =	ssyncset.done $0x0  }
0x2b: {  	[sflag:s18] =	ssyncadd.s32 $0xFFFFFE00  }
0x2c: {  	_ =	swait.ge [sflag:s22], $0x2780  }
0x2d: {  	[sflag:s22] =	ssyncset.done $0x0  }
.Ltmp2:
0x2e: {  	[sflag:s22] =	ssyncadd.s32 $0xFFFFD880;
	(pc) =	sbr.rel .LBB2_2-.Ltmp2, $4  }
0x2f: {  	s25 =	simm.s32 $0xC00;
	s26 =	simm.s32 $0x80;
	[bflag:$0x0] =	sbarrier.arrive $0xFFFF  }
0x30: {  	[tilespmem:s25], [sflag:$0x1] =	stream.indirect.gather [hbm4b:s5+s23], $0x80, s4, s23, $0xb8;
	[tilespmem:$0x1FC00] =	vst v63  }
0x31: {  	s1 =	simm.s32 $0x4800;
	s30 =	simm.s32 $0x0;
	s31 =	simm.s32 $0x0  }
0x32: {  	[tilespmem:s1], [sflag:$0x2] =	stream.indirect.gather [hbm4b:s5+s23], $0x80, s26, s23, $0xb8;
	[tilespmem:$0x1FC00] =	vst v63  }
.LBB2_3:
0x33: {  	s19 =	simm.s32 $0x0;
	s0 =	simm.s32 $0x2;
	s1 =	simm.s32 $0x2  }
.LBB2_6:
0x34: {  	s9 =	smul.u32 $0xAB, s0;
	_ =	sdelay $0x1  }
0x35: {  	s9 =	sshrl.u32 s9, $0x9  }
0x36: {  	s9 =	sand.u32 $0x7F, s9  }
0x37: {  	s9 =	smul.u32 $0x3, s9;
	_ =	sdelay $0x1  }
0x38: {  	s25 =	ssub.s32 s0, s9  }
0x39: {  	s0 =	sand.u32 $0xFF, s25  }
0x3a: {  	s26 =	smul.u32 $0xF000, s0;
	_ =	sdelay $0x1  }
0x3b: {  	s19 =	sshll.u32 s19, $0x9;
	s1 =	sshll.u32 s1, $0x7;
	s9 =	sshrl.u32 s26, $0x2  }
0x3c: {  	s1 =	sor.u32 s1, s19;
	s0 =	sadd.s32 $0x1, s0;
	s9 =	sadd.s32 $0xC00, s9  }
0x3d: {  	[tilespmem:s9], [sflag:s0] =	stream.indirect.gather [hbm4b:s5+s23], $0x80, s1, s23, $0xb8;
	[tilespmem:$0x1FC00] =	vst v63  }
.LBB2_7:
0x3e: {  	s31 =	sadd.s32 $0x1, s31  }
0x3f: {  	p0 =	sne.s32 s31, $0x54  }
.Ltmp3:
0x40: {  	_ = 	snop;
	(pc) =	sbr.rel @!p0 .LBB2_8-.Ltmp3, $2  }
0x41: {  	_ =	sdelay $0x2  }
0x42: {  	s30 =	sadd.s32 $0x200, s30  }
.LBB2_2:
0x43: {  	s0 =	smul.u32 $0xAB, s31  }
0x44: {  	s1 =	sshrl.u32 s31, $0x2  }
0x45: {  	s19 =	smul.u32 $0xAB, s1;
	s0 =	sshrl.u32 s0, $0x9  }
0x46: {  	s0 =	sand.u32 $0x7F, s0  }
0x47: {  	s19 =	sshrl.u32 s19, $0x9;
	s0 =	smul.u32 $0x3, s0  }
0x48: {  	s19 =	sand.u32 $0x7F, s19  }
0x49: {  	s19 =	smul.u32 $0x3, s19;
	s0 =	ssub.s32 s31, s0  }
0x4a: {  	s21 =	sand.u32 $0x600, s30;
	p0 =	seq.s32 s30, $0x0;
	s0 =	sand.u32 $0xFF, s0  }
0x4b: {  	s21 =	sshrl.u32 s21, $0x2;
	s1 =	ssub.s32 s1, s19;
	s26 =	smul.u32 $0xF000, s0  }
.Ltmp4:
0x4c: {  	s1 =	sand.u32 $0xFF, s1;
	s20 =	sadd.s32 $0x1, s0;
	(pc) =	sbr.rel @p0 .LBB2_3-.Ltmp4, $4  }
0x4d: {  	s0 =	sor.u32 $0x4, s0;
	_ =	swait.ge [sflag:s20], $0x3C00;
	s1 =	sshll.u32 s1, $0x9  }
0x4e: {  	s19 =	sshrl.u32 s26, $0x2;
	s1 =	sor.u32 s21, s1;
	[sflag:s20] =	ssyncset.done $0x0  }
0x4f: {  	s19 =	sadd.s32 $0xC00, s19;
	[sflag:s20] =	ssyncadd.s32 $0xFFFFC400;
	s1 =	sadd.s32 $0x600, s1  }
0x50: {  	[spmem:s3] =	stream.indirect.scatter.add.f32 [tilespmem:s19], [sflag:s0], $0x80, s1, s23, $0xb8;
	[tilespmem:$0x1FC00] =	vst v63  }
0x51: {  	s0 =	sadd.s32 $0xFFFFFFFF, s31  }
0x52: {  	s1 =	sand.u32 $0xFF, s0  }
0x53: {  	s1 =	smul.u32 $0xAB, s1;
	_ =	sdelay $0x1  }
0x54: {  	s1 =	sshrl.u32 s1, $0x9  }
0x55: {  	s1 =	smul.u32 $0x3, s1;
	_ =	sdelay $0x1  }
0x56: {  	p0 =	sgt.u32 s31, $0x51;
	s0 =	ssub.s32 s0, s1  }
.Ltmp5:
0x57: {  	s0 =	sor.u32 $0x4, s0;
	(pc) =	sbr.rel @p0 .LBB2_7-.Ltmp5, $4  }
0x58: {  	s0 =	sand.u32 $0xFF, s0  }
0x59: {  	_ =	swait.ge [sflag:s0], $0x3C00  }
0x5a: {  	[sflag:s0] =	ssyncset.done $0x0  }
0x5b: {  	[sflag:s0] =	ssyncadd.s32 $0xFFFFC400  }
0x5c: {  	s0 =	sadd.s32 $0x2, s31  }
0x5d: {  	s20 =	sshrl.u32 s0, $0x2  }
0x5e: {  	p0 =	slt.u32 s31, $0x6;
	s1 =	sand.u32 $0x3, s0;
	s19 =	smul.u32 $0xAB, s20  }
0x5f: {  	p2 =	sne.s32 @!p0 s1, $0x0  }
0x60: {  	p3 =	seq.s32 s1, $0x0;
	p1 =	por p2, p0;
	s19 =	sshrl.u32 s19, $0x9  }
0x61: {  	p2 =	por !p2, p0;
	p4 =	por @!p1 $0x1, $0x1;
	s19 =	sand.u32 $0x7F, s19  }
0x62: {  	p4 =	por @!p2 p3, p3;
	s19 =	smul.u32 $0x3, s19  }
0x63: {  	p6 =	sgt.u32 s31, $0x4D;
	p3 =	por @!p0 p4, p4  }
0x64: {  	p0 =	por !p3, p6;
	s19 =	ssub.s32 s20, s19  }
0x65: {  	s20 =	sadd.s32 @!p0 $0x1, s20;
	s19 =	sand.u32 $0xFF, s19  }
0x66: {  	s24 =	smul.u32 @!p0 $0xAB, s20;
	s21 =	sadd.s32 @!p1 $0x7, s19  }
0x67: {  	s9 =	simm.s32 @!p0 $0x0;
	_ =	swait.ge @!p1 [sflag:s21], $0x200  }
0x68: {  	s25 =	sshll.u32 @!p0 s20, $0x9;
	s24 =	sshrl.u32 @!p0 s24, $0x9;
	[sflag:s21] =	ssyncset.done @!p1 $0x0  }
0x69: {  	[sflag:s21] =	ssyncadd.s32 @!p1 $0xFFFFFE00;
	s21 =	sand.u32 @!p0 $0x7F, s24;
	s24 =	sadd.s32 @!p1 $0xA, s19  }
0x6a: {  	s26 =	sand.u32 @!p0 $0xFC00, s25;
	s21 =	smul.u32 @!p0 $0x3, s21;
	_ =	swait.ge @!p1 [sflag:s24], $0x200  }
0x6b: {  	s25 =	sand.u32 @!p0 $0x200, s25;
	s26 =	sadd.s32 @!p0 s7, s26;
	[sflag:s24] =	ssyncset.done @!p1 $0x0  }
0x6c: {  	s20 =	ssub.s32 @!p0 s20, s21;
	s21 =	sor.u32 @!p0 s25, s26;
	[sflag:s24] =	ssyncadd.s32 @!p1 $0xFFFFFE00  }
.Ltmp6:
0x6d: {  	s20 =	sand.u32 @!p0 $0xFF, s20;
	s21 =	sshrl.u32 @!p0 s21, $0x3;
	(pc) =	sbr.rel .LBB2_6-.Ltmp6, $4  }
0x6e: {  	s24 =	sshll.u32 @!p0 s20, $0x9;
	s25 =	sadd.s32 @!p0 $0x7, s20;
	s26 =	sadd.s32 @!p0 s2, s21  }
0x6f: {  	[tilespmem:s24], [sflag:s25] =	stream.linear.gather @!p0 [hbm4b:s26+s9], $0x200, $0x38;
	[tilespmem:$0x1FC00] =	vst v63  }
0x70: {  	s20 =	sadd.s32 @!p0 $0xA, s20;
	s21 =	sadd.s32 @!p0 s6, s21;
	s24 =	sadd.s32 @!p0 $0x600, s24  }
0x71: {  	[tilespmem:s24], [sflag:s20] =	stream.linear.gather @!p0 [hbm4b:s21+s9], $0x200, $0x38;
	[tilespmem:$0x1FC00] =	vst v63  }
.LBB2_9:
0x72: {  	_ =	sfence.sel $0x180000  }
0x73: {  	[bflag:$0x0] =	sbarrier.arrive $0xFFFF  }
0x74: {  	_ =	strace $0x9000004D  }
0x75: {  	s0 =	stileid.u32;
	[bflag:$0x2] =	sbarrier.arrive $0xFFFF  }
0x76: {  	p0 =	sne.s32 s0, $0x0;
	s0 =	rddreg [dreg:$0x3]  }
0x77: {  	s0 =	sadd.s32 @!p0 $0x100000, s0  }
0x78: {  	[sflag:s0] =	ssyncadd.tile.s32 @!p0 $0x1;
	_ =	shalt  }
.Lfunc_end2:
_tile_overlayer_lowered:
.L_overlay_start_2:
0x79: {  	(tag) =	ssettag $0x2  }
0x7a: {  	s0 =	rddreg [dreg:$0x0];
	s2 =	stileid.u32  }
0x7b: {  	s1 =	rddreg [dreg:$0x1];
	p0 =	sne.s32 s2, $0x0  }
0x7c: {  	s3 =	rddreg [dreg:$0x2];
	[bflag:$0x3] =	sbarrier.arrive $0xFFFF;
	s2 =	simm.s32 @!p0 $0x1C0D  }
0x7d: {  	[timem:s3], [sflag:s2] =	dma.local @!p0 [hbm:s0], s1  }
0x7e: {  	s0 =	simm.s32 @!p0 $0xD  }
0x7f: {  	_ =	swait.ge @!p0 [sflag:s0], s1  }
0x80: {  	s1 =	ssub.s32 @!p0 $0x0, s1;
	[sflag:s0] =	ssyncset.done @!p0 $0x0  }
0x81: {  	[sflag:s0] =	ssyncadd.s32 @!p0 s1  }
0x82: {  	[bflag:$0x3] =	sbarrier.arrive $0xFFFF  }
0x83: {  	_ =	shalt  }

// kernel: kernel.24.cloned.1.call-start
scs
__scs_entry_jumppad:
0x0: {  	(pc) =	sbr.rel $0x88, $3  }
0x1: {  	(tag) =	ssettag $0x0;
	lr =	simm.s32 $0x1  }
0x2: {  	[smem:$0x3F82] =	sst lr;
	_ =	strace $0xD0000000  }
0x3: {  	_ = 	snop  }
0x4: {  	_ = 	snop  }
0x5: {  	_ = 	snop  }
0x6: {  	_ = 	snop  }
0x7: {  	_ = 	snop  }
__scs_overlays_trampoline_lowered:
0x8: {  	[smem:$0x3F91] =	sst s0  }
0x9: {  	[smem:$0x3F92] =	sst s1  }
0xa: {  	[smem:$0x3F93] =	sst s2  }
0xb: {  	[smem:$0x3F94] =	sst s3  }
0xc: {  	[smem:$0x3F95] =	sst s4  }
0xd: {  	[smem:$0x3F96] =	sst s5  }
0xe: {  	[smem:$0x3F97] =	sst s6  }
0xf: {  	[smem:$0x3F98] =	sst s7  }
0x10: {  	[smem:$0x3F99] =	sst s8  }
0x11: {  	[smem:$0x3F9A] =	sst s9;
	s0 =	simm.s32 @!p0 $0x0  }
0x12: {  	s1 =	sld [smem:$0x3F80];
	s0 =	simm.s32 @p0 $0x1  }
0x13: {  	[smem:$0x3F9B] =	sst s0;
	s0 =	simm.s32 @!p1 $0x0  }
0x14: {  	s2 =	sld [smem:$0x3F7F];
	s0 =	simm.s32 @p1 $0x1  }
0x15: {  	[smem:$0x3F9C] =	sst s0;
	s0 =	simm.s32 @!p2 $0x0  }
0x16: {  	s3 =	sld [smem:$0x3FDB];
	s0 =	simm.s32 @p2 $0x1  }
0x17: {  	s4 =	simm.s32 $0x1BF5;
	[smem:$0x3F9E] =	sst s0  }
0x18: {  	s0 =	sld [smem:$0x3F81];
	_ =	swait.ge [sflag:s4], $0x0  }
0x19: {  	s7 =	sld [smem:$0x3F82]  }
0x1a: {  	s8 =	sadd.s32 $0xFFFFE003, lr  }
0x1b: {  	s9 =	sadd.s32 $0xFFFFFEF7, lr;
	s5 =	simm.s32 $0xFFFFFFFF;
	p2 =	slt.u32 s8, $0xFFFFF086  }
0x1c: {  	p1 =	slt.u32 s9, $0xF7A;
	s5 =	simm.s32 @!p2 $0x0  }
0x1d: {  	s5 =	simm.s32 @p1 $0x1;
	p0 =	seq.s32 s7, s2  }
0x1e: {  	s7 =	smul.u32 @!p0 $0xF7A, s2;
	p2 =	seq.s32 @!p0 s5, $0x0  }
0x1f: {  	s9 =	smul.u32 $0xF7A, s1;
	s8 =	simm.s32 @!p0 $0x1BF5;
	p2 =	por !p2, p0  }
0x20: {  	[sflag:s8] =	ssyncset.s32 @!p0 $0xFFFFF086;
	s6 =	sadd.s32 @!p0 s3, s7;
	s7 =	simm.s32 @!p0 $0x108  }
0x21: {  	s3 =	sadd.s32 s3, s9;
	s6 =	sadd.s32 @!p0 $0x88, s6;
	s7 =	simm.s32 @p2 $0x1082  }
0x22: {  	[simem:s7], [sflag:s8] =	dma.local @!p0 [hbm:s6], $0xF7A  }
0x23: {  	s9 =	sor.u32 $0xD0000000, s2;
	s6 =	simm.s32 $0x108;
	_ =	swait.ge @!p0 [sflag:s8], $0x0  }
0x24: {  	s3 =	sadd.s32 $0x88, s3;
	s6 =	simm.s32 @!p1 $0x1082;
	[sflag:s4] =	ssyncset.s32 $0xFFFFF086  }
0x25: {  	[simem:s6], [sflag:s4] =	dma.local [hbm:s3], $0xF7A  }
0x26: {  	[smem:$0x3F82] =	sst s1;
	(tag) =	ssettag s2;
	_ =	strace s9  }
0x27: {  	s1 =	sld [smem:$0x3F92]  }
0x28: {  	s2 =	sld [smem:$0x3F93]  }
0x29: {  	s4 =	sld [smem:$0x3F95]  }
0x2a: {  	p0 =	seq.s32 s5, $0x0;
	s5 =	sld [smem:$0x3F96]  }
0x2b: {  	s6 =	sld [smem:$0x3F97]  }
0x2c: {  	s7 =	sld [smem:$0x3F98]  }
0x2d: {  	s3 =	simm.s32 $0x108;
	s8 =	sld [smem:$0x3F99]  }
0x2e: {  	s3 =	simm.s32 @!p0 $0x1082;
	s9 =	sld [smem:$0x3F9A]  }
0x2f: {  	lr =	sadd.s32 s0, s3;
	s0 =	sld [smem:$0x3F91]  }
0x30: {  	s3 =	sld [smem:$0x3F94]  }
0x31: {  	[smem:$0x3F9D] =	sst s10  }
0x32: {  	s10 =	sld [smem:$0x3F9B];
	_ =	sdelay $0x3  }
0x33: {  	p0 =	seq.s32 s10, $0x1;
	s10 =	sld [smem:$0x3F9D];
	_ =	sdelay $0x3  }
0x34: {  	[smem:$0x3F9D] =	sst s10  }
0x35: {  	s10 =	sld [smem:$0x3F9C];
	_ =	sdelay $0x3  }
0x36: {  	p1 =	seq.s32 s10, $0x1;
	s10 =	sld [smem:$0x3F9D];
	_ =	sdelay $0x3  }
0x37: {  	[smem:$0x3F9D] =	sst s10  }
0x38: {  	s10 =	sld [smem:$0x3F9E]  }
0x39: {  	_ = 	snop;
	(pc) =	sbr.ind lr, $3  }
0x3a: {  	_ = 	snop  }
0x3b: {  	_ = 	snop  }
0x3c: {  	p2 =	seq.s32 s10, $0x1;
	s10 =	sld [smem:$0x3F9D]  }
0x3d: {  	_ =	shalt  }
0x3e: {  	_ =	shalt  }
0x3f: {  	_ =	shalt  }
0x40: {  	_ =	shalt  }
0x41: {  	_ =	shalt  }
0x42: {  	_ =	shalt  }
0x43: {  	_ =	shalt  }
0x44: {  	_ =	shalt  }
0x45: {  	_ =	shalt  }
0x46: {  	_ =	shalt  }
0x47: {  	_ =	shalt  }
0x48: {  	_ =	shalt  }
0x49: {  	_ =	shalt  }
0x4a: {  	_ =	shalt  }
0x4b: {  	_ =	shalt  }
0x4c: {  	_ =	shalt  }
0x4d: {  	_ =	shalt  }
0x4e: {  	_ =	shalt  }
0x4f: {  	_ =	shalt  }
0x50: {  	_ =	shalt  }
0x51: {  	_ =	shalt  }
0x52: {  	_ =	shalt  }
0x53: {  	_ =	shalt  }
0x54: {  	_ =	shalt  }
0x55: {  	_ =	shalt  }
0x56: {  	_ =	shalt  }
0x57: {  	_ =	shalt  }
0x58: {  	_ =	shalt  }
0x59: {  	_ =	shalt  }
0x5a: {  	_ =	shalt  }
0x5b: {  	_ =	shalt  }
0x5c: {  	_ =	shalt  }
0x5d: {  	_ =	shalt  }
0x5e: {  	_ =	shalt  }
0x5f: {  	_ =	shalt  }
0x60: {  	_ =	shalt  }
0x61: {  	_ =	shalt  }
0x62: {  	_ =	shalt  }
0x63: {  	_ =	shalt  }
0x64: {  	_ =	shalt  }
0x65: {  	_ =	shalt  }
0x66: {  	_ =	shalt  }
0x67: {  	_ =	shalt  }
0x68: {  	_ =	shalt  }
0x69: {  	_ =	shalt  }
0x6a: {  	_ =	shalt  }
0x6b: {  	_ =	shalt  }
0x6c: {  	_ =	shalt  }
0x6d: {  	_ =	shalt  }
0x6e: {  	_ =	shalt  }
0x6f: {  	_ =	shalt  }
0x70: {  	_ =	shalt  }
0x71: {  	_ =	shalt  }
0x72: {  	_ =	shalt  }
0x73: {  	_ =	shalt  }
0x74: {  	_ =	shalt  }
0x75: {  	_ =	shalt  }
0x76: {  	_ =	shalt  }
0x77: {  	_ =	shalt  }
0x78: {  	_ =	shalt  }
0x79: {  	_ =	shalt  }
0x7a: {  	_ =	shalt  }
0x7b: {  	_ =	shalt  }
0x7c: {  	_ =	shalt  }
0x7d: {  	_ =	shalt  }
0x7e: {  	_ =	shalt  }
0x7f: {  	_ =	shalt  }
0x80: {  	_ =	shalt  }
0x81: {  	_ =	shalt  }
0x82: {  	_ =	shalt  }
0x83: {  	_ =	shalt  }
0x84: {  	_ =	shalt  }
0x85: {  	_ =	shalt  }
0x86: {  	_ =	shalt  }
0x87: {  	_ =	shalt  }
.Lfunc_end0:
.L_simem_size_0:
called_computation.3_lowered:
.L_overlay_start_0:
0x88: {  	s2 =	sld [smem:$0x3FD9]  }
0x89: {  	s3 =	sld [smem:$0x3FFE];
	_ =	sdelay $0x1  }
0x8a: {  	s1 =	srdreg.scid  }
0x8b: {  	s0 =	sand.u32 $0x1, s1  }
0x8c: {  	s14 =	sshll.u32 s0, $0xA;
	s2 =	sadd.s32 s3, s2  }
0x8d: {  	s2 =	sadd.s32 s2, s14  }
0x8e: {  	[smem:$0x3FA9] =	sst s2  }
0x8f: {  	_ = 	snop  }
0x90: {  	s2 =	sld [smem:$0x3FD0];
	_ =	sdelay $0x2  }
0x91: {  	s15 =	simm.s32 $0xA;
	s4 =	simm.s32 $0x10  }
0x92: {  	[smem:s4], [sflag:s15] =	dma.local [hbm:s2], $0x1  }
0x93: {  	_ =	swait.eq [sflag:s15], $0x1  }
0x94: {  	[sflag:s15] =	ssyncset.done $0x0  }
0x95: {  	[sflag:s15] =	ssyncadd.s32 $0xFFFFFFFF  }
0x96: {  	s16 =	sld [smem:$0x10];
	(tm) =	ssettm $0x1  }
0x97: {  	s17 =	sld [smem:$0x3FFB];
	_ =	sdelay $0x3  }
0x98: {  	_ =	strace s17  }
0x99: {  	s3 =	sld [smem:$0x3FFC];
	_ =	sdelay $0x3  }
0x9a: {  	_ =	strace s3  }
0x9b: {  	s3 =	sld [smem:$0x3FFD];
	_ =	sdelay $0x3  }
0x9c: {  	_ =	strace s3  }
0x9d: {  	_ =	strace $0x8FFFFFFF  }
0x9e: {  	s18 =	sld [smem:$0x3FDB];
	_ =	sdelay $0x1  }
0x9f: {  	s19 =	simm.s32 $_scs_section_size  }
0xa0: {  	s5 =	simm.s32 $_size__tile_overlayer_lowered;
	s6 =	simm.s32 $_tile_overlayer_lowered  }
0xa1: {  	s22 =	simm.s32 $0x1BFF;
	s21 =	sshll.u32 s6, $0x1;
	s3 =	sadd.s32 s19, s18  }
0xa2: {  	s7 =	simm.s32 $0x0;
	s20 =	sshll.u32 s5, $0x1;
	s5 =	sadd.s32 s21, s3  }
0xa3: {  	[timem:s7], [sflag:s22] =	dma.local [hbm:s5], s20  }
0xa4: {  	_ =	swait.ge [sflag:s22], s20  }
0xa5: {  	s4 =	ssub.s32 $0x0, s20;
	[sflag:s22] =	ssyncset.done $0x0  }
0xa6: {  	[sflag:s22] =	ssyncadd.s32 s4;
	_ =	sdelay $0x1  }
0xa7: {  	s23 =	simm.s32 $0x1B8B  }
0xa8: {  	_ =	swait.ge [sflag:s23], $0x1  }
0xa9: {  	[sflag:s23] =	ssyncset.done $0x0  }
0xaa: {  	s25 =	simm.s32 $0x1B8E;
	s24 =	sld [smem:$0x3FFE];
	[sflag:s23] =	ssyncadd.s32 $0xFFFFFFFF  }
0xab: {  	s26 =	simm.s32 $execute0_lowered;
	[smem:$0x3FD2] =	sst s25  }
0xac: {  	s5 =	sshll.u32 s26, $0x1;
	_ =	strace $0x8000004F;
	[dreg:$0x1] =	wrdreg $0xFFFFFFFF  }
0xad: {  	s28 =	simm.s32 $_size_execute0_lowered;
	s3 =	sadd.s32 s3, s5;
	[dreg:$0x0] =	wrdreg $0x0  }
0xae: {  	s5 =	sshll.u32 s28, $0x1;
	[dreg:$0x2] =	wrdreg s3  }
0xaf: {  	[dreg:$0x3] =	wrdreg s5  }
0xb0: {  	[dreg:$0x4] =	wrdreg $0xC0  }
0xb1: {  	_ =	task [dreg:s7], $0x5FFFF  }
0xb2: {  	[dreg:$0x1] =	wrdreg $0xFFFFFFFF  }
0xb3: {  	[dreg:$0x0] =	wrdreg $0x60  }
0xb4: {  	[dreg:$0x2] =	wrdreg s24  }
0xb5: {  	[dreg:$0x3] =	wrdreg s16  }
0xb6: {  	[dreg:$0x4] =	wrdreg $0xC0000  }
0xb7: {  	[dreg:$0x5] =	wrdreg $0x9  }
0xb8: {  	_ =	task.clear_ibuf [dreg:s7], $0x6FFFF;
	_ =	strace $0x9000004F  }
0xb9: {  	s29 =	simm.s32 $0x9;
	_ =	strace $0x80000051  }
0xba: {  	_ =	swait.ge [sflag:s29], $0x1  }
0xbb: {  	[sflag:s29] =	ssyncadd.s32 $0xFFFFFFFF  }
0xbc: {  	_ =	strace $0x90000051  }
0xbd: {  	_ =	sfence  }
0xbe: {  	s30 =	sld [smem:$0x0];
	_ =	sdelay $0x2  }
0xbf: {  	s31 =	sshll.u32 s1, $0xD;
	s1 =	sshrl.u32 s1, $0x2  }
0xc0: {  	s3 =	sand.u32 $0x4000, s31;
	s1 =	sadd.s32 s1, s30  }
0xc1: {  	s0 =	sor.u32 s3, s0;
	s1 =	sshll.u32 s1, $0x11  }
0xc2: {  	s0 =	sor.u32 s1, s0  }
0xc3: {  	s0 =	sadd.s32 $0x8F2B, s0  }
0xc4: {  	[sflag:s0] =	ssyncadd.remote.s32 $0x1  }
0xc5: {  	_ =	sfence.sel $0xFFFF  }
0xc6: {  	[dreg:$0x0] =	wrdreg $0xFFFFFFFF;
	(pc) =	sbr.abs _section_cstart, $3  }
0xc7: {  	[dreg:$0x1] =	wrdreg $0xFFFFFFFF  }
0xc8: {  	_ =	task.clear_ibuf [dreg:s7], $0x2FFFF;
	_ =	strace $0x9FFFFFFF  }
0xc9: {  	(tm) =	ssettm $0x7FFFFFFF  }
tec
execute0_lowered:
.L_overlay_start_1:
0x0: {  	(tag) =	ssettag $0x1  }
0x1: {  	s0 =	rddreg [dreg:$0x0]  }
0x2: {  	s2 =	rddreg [dreg:$0x1]  }
0x3: {  	s3 =	rddreg [dreg:$0x2];
	s12 =	stileid.u32  }
0x4: {  	s5 =	srdreg.scid;
	s4 =	simm.s32 $0x0;
	s18 =	simm.s32 $0xD  }
0x5: {  	s22 =	simm.s32 $0x9;
	s23 =	simm.s32 $0x78;
	s28 =	simm.s32 $0x6  }
0x6: {  	s29 =	simm.s32 $0x0;
	s1 =	smul.u32 $0x13C00, s12;
	s7 =	sand.u32 $0x1, s5  }
0x7: {  	[smem:$0x7FF] =	sst s4;
	s5 =	sadd.s32 $0x12800, s0;
	s11 =	smul.u32 $0x4F000, s12  }
0x8: {  	s24 =	sshll.u32 s12, $0x1;
	s8 =	smul.u32 $0x13C000, s7;
	_ =	strace $0x80000050  }
0x9: {  	s10 =	ssub.s32 $0x2, s7;
	s7 =	sor.u32 s7, s24;
	s6 =	sshrl.u32 s1, $0x3  }
0xa: {  	s25 =	sshrl.u32 s10, $0x1;
	s7 =	smul.u32 $0x2C00, s7;
	s30 =	sshrl.u32 s11, $0x2  }
0xb: {  	s9 =	sadd.s32 s6, s0;
	s6 =	sadd.s32 $0x7800, s0;
	s1 =	sadd.s32 s1, s8  }
0xc: {  	s26 =	ssub.s32 s10, s25;
	s17 =	sadd.s32 s30, s3;
	s8 =	sshll.u32 s12, $0x6  }
.Ltmp0:
0xd: {  	s1 =	sshrl.u32 s1, $0x3;
	s31 =	sshrl.u32 s7, $0x3;
	(pc) =	sbr.rel .LBB2_1-.Ltmp0, $4  }
0xe: {  	s9 =	sadd.s32 $0x3A000, s9;
	s10 =	sor.u32 $0x1C09, s8;
	s16 =	smax.u32 s26, $0x1  }
0xf: {  	s17 =	sshrl.u32 s17, $0x3;
	s0 =	sadd.s32 s1, s0;
	[dreg:$0x4] =	wrdreg s9  }
0x10: {  	s14 =	sor.u32 $0x40, s31;
	s11 =	sadd.s32 s2, s31;
	s12 =	sadd.s32 s6, s31  }
0x11: {  	s13 =	sadd.s32 s2, s14;
	s14 =	sadd.s32 s6, s14;
	s15 =	sadd.s32 $0x61800, s0  }
.LBB2_8:
0x12: {  	_ =	swait.ge [sflag:s28], $0x3C00  }
0x13: {  	s29 =	sadd.s32 $0x1, s29;
	[sflag:s28] =	ssyncset.done $0x0  }
0x14: {  	p0 =	sne.s32 s29, s16;
	[sflag:s28] =	ssyncadd.s32 $0xFFFFC400  }
.Ltmp1:
0x15: {  	s0 =	sor.u32 $0x1C0D, s8;
	[bflag:$0x0] =	sbarrier.arrive $0xFFFF;
	(pc) =	sbr.rel @!p0 .LBB2_9-.Ltmp1, $4  }
0x16: {  	[hbm:s15], [sflag:s0] =	dma.local [spmem:s17], $0x2780  }
0x17: {  	_ =	swait.ge [sflag:s18], $0x2780  }
0x18: {  	[sflag:s18] =	ssyncset.done $0x0  }
0x19: {  	[sflag:s18] =	ssyncadd.s32 $0xFFFFD880  }
.LBB2_1:
0x1a: {  	s0 =	rddreg [dreg:$0x4]  }
0x1b: {  	[spmem:s17], [sflag:s10] =	dma.local [hbm:s0], $0x2780  }
0x1c: {  	[tilespmem:s4], [sflag:$0xD] =	stream.linear.gather [hbm4b:s11+s4], $0x200, $0x38;
	[tilespmem:$0x1FC00] =	vst v63  }
0x1d: {  	_ =	swait.ge [sflag:s18], $0x200  }
0x1e: {  	[sflag:s18] =	ssyncset.done $0x0  }
0x1f: {  	s20 =	simm.s32 $0x600;
	[sflag:s18] =	ssyncadd.s32 $0xFFFFFE00  }
0x20: {  	[tilespmem:s20], [sflag:$0xD] =	stream.linear.gather [hbm4b:s12+s4], $0x200, $0x38;
	[tilespmem:$0x1FC00] =	vst v63  }
0x21: {  	_ =	swait.ge [sflag:s18], $0x200  }
0x22: {  	[sflag:s18] =	ssyncset.done $0x0  }
0x23: {  	s21 =	simm.s32 $0x200;
	[sflag:s18] =	ssyncadd.s32 $0xFFFFFE00  }
0x24: {  	[tilespmem:s21], [sflag:$0xD] =	stream.linear.gather [hbm4b:s13+s4], $0x200, $0x38;
	[tilespmem:$0x1FC00] =	vst v63  }
0x25: {  	_ =	swait.ge [sflag:s18], $0x200  }
0x26: {  	[sflag:s18] =	ssyncset.done $0x0  }
0x27: {  	s24 =	simm.s32 $0x800;
	[sflag:s18] =	ssyncadd.s32 $0xFFFFFE00  }
0x28: {  	[tilespmem:s24], [sflag:$0xD] =	stream.linear.gather [hbm4b:s14+s4], $0x200, $0x38;
	[tilespmem:$0x1FC00] =	vst v63  }
0x29: {  	_ =	swait.ge [sflag:s18], $0x200  }
0x2a: {  	[sflag:s18] =	ssyncset.done $0x0  }
0x2b: {  	[sflag:s18] =	ssyncadd.s32 $0xFFFFFE00  }
0x2c: {  	_ =	swait.ge [sflag:s22], $0x2780  }
0x2d: {  	[sflag:s22] =	ssyncset.done $0x0  }
.Ltmp2:
0x2e: {  	[sflag:s22] =	ssyncadd.s32 $0xFFFFD880;
	(pc) =	sbr.rel .LBB2_2-.Ltmp2, $4  }
0x2f: {  	s25 =	simm.s32 $0xC00;
	s26 =	simm.s32 $0x80;
	[bflag:$0x0] =	sbarrier.arrive $0xFFFF  }
0x30: {  	[tilespmem:s25], [sflag:$0x1] =	stream.indirect.gather [hbm4b:s5+s23], $0x80, s4, s23, $0xb8;
	[tilespmem:$0x1FC00] =	vst v63  }
0x31: {  	s1 =	simm.s32 $0x4800;
	s30 =	simm.s32 $0x0;
	s31 =	simm.s32 $0x0  }
0x32: {  	[tilespmem:s1], [sflag:$0x2] =	stream.indirect.gather [hbm4b:s5+s23], $0x80, s26, s23, $0xb8;
	[tilespmem:$0x1FC00] =	vst v63  }
.LBB2_3:
0x33: {  	s19 =	simm.s32 $0x0;
	s0 =	simm.s32 $0x2;
	s1 =	simm.s32 $0x2  }
.LBB2_6:
0x34: {  	s9 =	smul.u32 $0xAB, s0;
	_ =	sdelay $0x1  }
0x35: {  	s9 =	sshrl.u32 s9, $0x9  }
0x36: {  	s9 =	sand.u32 $0x7F, s9  }
0x37: {  	s9 =	smul.u32 $0x3, s9;
	_ =	sdelay $0x1  }
0x38: {  	s25 =	ssub.s32 s0, s9  }
0x39: {  	s0 =	sand.u32 $0xFF, s25  }
0x3a: {  	s26 =	smul.u32 $0xF000, s0;
	_ =	sdelay $0x1  }
0x3b: {  	s19 =	sshll.u32 s19, $0x9;
	s1 =	sshll.u32 s1, $0x7;
	s9 =	sshrl.u32 s26, $0x2  }
0x3c: {  	s1 =	sor.u32 s1, s19;
	s0 =	sadd.s32 $0x1, s0;
	s9 =	sadd.s32 $0xC00, s9  }
0x3d: {  	[tilespmem:s9], [sflag:s0] =	stream.indirect.gather [hbm4b:s5+s23], $0x80, s1, s23, $0xb8;
	[tilespmem:$0x1FC00] =	vst v63  }
.LBB2_7:
0x3e: {  	s31 =	sadd.s32 $0x1, s31  }
0x3f: {  	p0 =	sne.s32 s31, $0x54  }
.Ltmp3:
0x40: {  	_ = 	snop;
	(pc) =	sbr.rel @!p0 .LBB2_8-.Ltmp3, $2  }
0x41: {  	_ =	sdelay $0x2  }
0x42: {  	s30 =	sadd.s32 $0x200, s30  }
.LBB2_2:
0x43: {  	s0 =	smul.u32 $0xAB, s31  }
0x44: {  	s1 =	sshrl.u32 s31, $0x2  }
0x45: {  	s19 =	smul.u32 $0xAB, s1;
	s0 =	sshrl.u32 s0, $0x9  }
0x46: {  	s0 =	sand.u32 $0x7F, s0  }
0x47: {  	s19 =	sshrl.u32 s19, $0x9;
	s0 =	smul.u32 $0x3, s0  }
0x48: {  	s19 =	sand.u32 $0x7F, s19  }
0x49: {  	s19 =	smul.u32 $0x3, s19;
	s0 =	ssub.s32 s31, s0  }
0x4a: {  	s21 =	sand.u32 $0x600, s30;
	p0 =	seq.s32 s30, $0x0;
	s0 =	sand.u32 $0xFF, s0  }
0x4b: {  	s21 =	sshrl.u32 s21, $0x2;
	s1 =	ssub.s32 s1, s19;
	s26 =	smul.u32 $0xF000, s0  }
.Ltmp4:
0x4c: {  	s1 =	sand.u32 $0xFF, s1;
	s20 =	sadd.s32 $0x1, s0;
	(pc) =	sbr.rel @p0 .LBB2_3-.Ltmp4, $4  }
0x4d: {  	s0 =	sor.u32 $0x4, s0;
	_ =	swait.ge [sflag:s20], $0x3C00;
	s1 =	sshll.u32 s1, $0x9  }
0x4e: {  	s19 =	sshrl.u32 s26, $0x2;
	s1 =	sor.u32 s21, s1;
	[sflag:s20] =	ssyncset.done $0x0  }
0x4f: {  	s19 =	sadd.s32 $0xC00, s19;
	[sflag:s20] =	ssyncadd.s32 $0xFFFFC400;
	s1 =	sadd.s32 $0x600, s1  }
0x50: {  	[spmem:s3] =	stream.indirect.scatter.add.f32 [tilespmem:s19], [sflag:s0], $0x80, s1, s23, $0xb8;
	[tilespmem:$0x1FC00] =	vst v63  }
0x51: {  	s0 =	sadd.s32 $0xFFFFFFFF, s31  }
0x52: {  	s1 =	sand.u32 $0xFF, s0  }
0x53: {  	s1 =	smul.u32 $0xAB, s1;
	_ =	sdelay $0x1  }
0x54: {  	s1 =	sshrl.u32 s1, $0x9  }
0x55: {  	s1 =	smul.u32 $0x3, s1;
	_ =	sdelay $0x1  }
0x56: {  	p0 =	sgt.u32 s31, $0x51;
	s0 =	ssub.s32 s0, s1  }
.Ltmp5:
0x57: {  	s0 =	sor.u32 $0x4, s0;
	(pc) =	sbr.rel @p0 .LBB2_7-.Ltmp5, $4  }
0x58: {  	s0 =	sand.u32 $0xFF, s0  }
0x59: {  	_ =	swait.ge [sflag:s0], $0x3C00  }
0x5a: {  	[sflag:s0] =	ssyncset.done $0x0  }
0x5b: {  	[sflag:s0] =	ssyncadd.s32 $0xFFFFC400  }
0x5c: {  	s0 =	sadd.s32 $0x2, s31  }
0x5d: {  	s20 =	sshrl.u32 s0, $0x2  }
0x5e: {  	p0 =	slt.u32 s31, $0x6;
	s1 =	sand.u32 $0x3, s0;
	s19 =	smul.u32 $0xAB, s20  }
0x5f: {  	p2 =	sne.s32 @!p0 s1, $0x0  }
0x60: {  	p3 =	seq.s32 s1, $0x0;
	p1 =	por p2, p0;
	s19 =	sshrl.u32 s19, $0x9  }
0x61: {  	p2 =	por !p2, p0;
	p4 =	por @!p1 $0x1, $0x1;
	s19 =	sand.u32 $0x7F, s19  }
0x62: {  	p4 =	por @!p2 p3, p3;
	s19 =	smul.u32 $0x3, s19  }
0x63: {  	p6 =	sgt.u32 s31, $0x4D;
	p3 =	por @!p0 p4, p4  }
0x64: {  	p0 =	por !p3, p6;
	s19 =	ssub.s32 s20, s19  }
0x65: {  	s20 =	sadd.s32 @!p0 $0x1, s20;
	s19 =	sand.u32 $0xFF, s19  }
0x66: {  	s24 =	smul.u32 @!p0 $0xAB, s20;
	s21 =	sadd.s32 @!p1 $0x7, s19  }
0x67: {  	s9 =	simm.s32 @!p0 $0x0;
	_ =	swait.ge @!p1 [sflag:s21], $0x200  }
0x68: {  	s25 =	sshll.u32 @!p0 s20, $0x9;
	s24 =	sshrl.u32 @!p0 s24, $0x9;
	[sflag:s21] =	ssyncset.done @!p1 $0x0  }
0x69: {  	[sflag:s21] =	ssyncadd.s32 @!p1 $0xFFFFFE00;
	s21 =	sand.u32 @!p0 $0x7F, s24;
	s24 =	sadd.s32 @!p1 $0xA, s19  }
0x6a: {  	s26 =	sand.u32 @!p0 $0xFC00, s25;
	s21 =	smul.u32 @!p0 $0x3, s21;
	_ =	swait.ge @!p1 [sflag:s24], $0x200  }
0x6b: {  	s25 =	sand.u32 @!p0 $0x200, s25;
	s26 =	sadd.s32 @!p0 s7, s26;
	[sflag:s24] =	ssyncset.done @!p1 $0x0  }
0x6c: {  	s20 =	ssub.s32 @!p0 s20, s21;
	s21 =	sor.u32 @!p0 s25, s26;
	[sflag:s24] =	ssyncadd.s32 @!p1 $0xFFFFFE00  }
.Ltmp6:
0x6d: {  	s20 =	sand.u32 @!p0 $0xFF, s20;
	s21 =	sshrl.u32 @!p0 s21, $0x3;
	(pc) =	sbr.rel .LBB2_6-.Ltmp6, $4  }
0x6e: {  	s24 =	sshll.u32 @!p0 s20, $0x9;
	s25 =	sadd.s32 @!p0 $0x7, s20;
	s26 =	sadd.s32 @!p0 s2, s21  }
0x6f: {  	[tilespmem:s24], [sflag:s25] =	stream.linear.gather @!p0 [hbm4b:s26+s9], $0x200, $0x38;
	[tilespmem:$0x1FC00] =	vst v63  }
0x70: {  	s20 =	sadd.s32 @!p0 $0xA, s20;
	s21 =	sadd.s32 @!p0 s6, s21;
	s24 =	sadd.s32 @!p0 $0x600, s24  }
0x71: {  	[tilespmem:s24], [sflag:s20] =	stream.linear.gather @!p0 [hbm4b:s21+s9], $0x200, $0x38;
	[tilespmem:$0x1FC00] =	vst v63  }
.LBB2_9:
0x72: {  	_ =	sfence.sel $0x180000  }
0x73: {  	[bflag:$0x0] =	sbarrier.arrive $0xFFFF  }
0x74: {  	_ =	strace $0x90000050  }
0x75: {  	s0 =	stileid.u32;
	[bflag:$0x2] =	sbarrier.arrive $0xFFFF  }
0x76: {  	p0 =	sne.s32 s0, $0x0;
	s0 =	rddreg [dreg:$0x3]  }
0x77: {  	s0 =	sadd.s32 @!p0 $0x100000, s0  }
0x78: {  	[sflag:s0] =	ssyncadd.tile.s32 @!p0 $0x1;
	_ =	shalt  }
.Lfunc_end2:
_tile_overlayer_lowered:
.L_overlay_start_2:
0x79: {  	(tag) =	ssettag $0x2  }
0x7a: {  	s0 =	rddreg [dreg:$0x0];
	s2 =	stileid.u32  }
0x7b: {  	s1 =	rddreg [dreg:$0x1];
	p0 =	sne.s32 s2, $0x0  }
0x7c: {  	s3 =	rddreg [dreg:$0x2];
	[bflag:$0x3] =	sbarrier.arrive $0xFFFF;
	s2 =	simm.s32 @!p0 $0x1C0D  }
0x7d: {  	[timem:s3], [sflag:s2] =	dma.local @!p0 [hbm:s0], s1  }
0x7e: {  	s0 =	simm.s32 @!p0 $0xD  }
0x7f: {  	_ =	swait.ge @!p0 [sflag:s0], s1  }
0x80: {  	s1 =	ssub.s32 @!p0 $0x0, s1;
	[sflag:s0] =	ssyncset.done @!p0 $0x0  }
0x81: {  	[sflag:s0] =	ssyncadd.s32 @!p0 s1  }
0x82: {  	[bflag:$0x3] =	sbarrier.arrive $0xFFFF  }
0x83: {  	_ =	shalt  }

// kernel: kernel.27.cloned.1.call-start
scs
__scs_entry_jumppad:
0x0: {  	(pc) =	sbr.rel $0x88, $3  }
0x1: {  	(tag) =	ssettag $0x0;
	lr =	simm.s32 $0x1  }
0x2: {  	[smem:$0x3F82] =	sst lr;
	_ =	strace $0xD0000000  }
0x3: {  	_ = 	snop  }
0x4: {  	_ = 	snop  }
0x5: {  	_ = 	snop  }
0x6: {  	_ = 	snop  }
0x7: {  	_ = 	snop  }
__scs_overlays_trampoline_lowered:
0x8: {  	[smem:$0x3F91] =	sst s0  }
0x9: {  	[smem:$0x3F92] =	sst s1  }
0xa: {  	[smem:$0x3F93] =	sst s2  }
0xb: {  	[smem:$0x3F94] =	sst s3  }
0xc: {  	[smem:$0x3F95] =	sst s4  }
0xd: {  	[smem:$0x3F96] =	sst s5  }
0xe: {  	[smem:$0x3F97] =	sst s6  }
0xf: {  	[smem:$0x3F98] =	sst s7  }
0x10: {  	[smem:$0x3F99] =	sst s8  }
0x11: {  	[smem:$0x3F9A] =	sst s9;
	s0 =	simm.s32 @!p0 $0x0  }
0x12: {  	s1 =	sld [smem:$0x3F80];
	s0 =	simm.s32 @p0 $0x1  }
0x13: {  	[smem:$0x3F9B] =	sst s0;
	s0 =	simm.s32 @!p1 $0x0  }
0x14: {  	s2 =	sld [smem:$0x3F7F];
	s0 =	simm.s32 @p1 $0x1  }
0x15: {  	[smem:$0x3F9C] =	sst s0;
	s0 =	simm.s32 @!p2 $0x0  }
0x16: {  	s3 =	sld [smem:$0x3FDB];
	s0 =	simm.s32 @p2 $0x1  }
0x17: {  	s4 =	simm.s32 $0x1BF5;
	[smem:$0x3F9E] =	sst s0  }
0x18: {  	s0 =	sld [smem:$0x3F81];
	_ =	swait.ge [sflag:s4], $0x0  }
0x19: {  	s7 =	sld [smem:$0x3F82]  }
0x1a: {  	s8 =	sadd.s32 $0xFFFFE003, lr  }
0x1b: {  	s9 =	sadd.s32 $0xFFFFFEF7, lr;
	s5 =	simm.s32 $0xFFFFFFFF;
	p2 =	slt.u32 s8, $0xFFFFF086  }
0x1c: {  	p1 =	slt.u32 s9, $0xF7A;
	s5 =	simm.s32 @!p2 $0x0  }
0x1d: {  	s5 =	simm.s32 @p1 $0x1;
	p0 =	seq.s32 s7, s2  }
0x1e: {  	s7 =	smul.u32 @!p0 $0xF7A, s2;
	p2 =	seq.s32 @!p0 s5, $0x0  }
0x1f: {  	s9 =	smul.u32 $0xF7A, s1;
	s8 =	simm.s32 @!p0 $0x1BF5;
	p2 =	por !p2, p0  }
0x20: {  	[sflag:s8] =	ssyncset.s32 @!p0 $0xFFFFF086;
	s6 =	sadd.s32 @!p0 s3, s7;
	s7 =	simm.s32 @!p0 $0x108  }
0x21: {  	s3 =	sadd.s32 s3, s9;
	s6 =	sadd.s32 @!p0 $0x88, s6;
	s7 =	simm.s32 @p2 $0x1082  }
0x22: {  	[simem:s7], [sflag:s8] =	dma.local @!p0 [hbm:s6], $0xF7A  }
0x23: {  	s9 =	sor.u32 $0xD0000000, s2;
	s6 =	simm.s32 $0x108;
	_ =	swait.ge @!p0 [sflag:s8], $0x0  }
0x24: {  	s3 =	sadd.s32 $0x88, s3;
	s6 =	simm.s32 @!p1 $0x1082;
	[sflag:s4] =	ssyncset.s32 $0xFFFFF086  }
0x25: {  	[simem:s6], [sflag:s4] =	dma.local [hbm:s3], $0xF7A  }
0x26: {  	[smem:$0x3F82] =	sst s1;
	(tag) =	ssettag s2;
	_ =	strace s9  }
0x27: {  	s1 =	sld [smem:$0x3F92]  }
0x28: {  	s2 =	sld [smem:$0x3F93]  }
0x29: {  	s4 =	sld [smem:$0x3F95]  }
0x2a: {  	p0 =	seq.s32 s5, $0x0;
	s5 =	sld [smem:$0x3F96]  }
0x2b: {  	s6 =	sld [smem:$0x3F97]  }
0x2c: {  	s7 =	sld [smem:$0x3F98]  }
0x2d: {  	s3 =	simm.s32 $0x108;
	s8 =	sld [smem:$0x3F99]  }
0x2e: {  	s3 =	simm.s32 @!p0 $0x1082;
	s9 =	sld [smem:$0x3F9A]  }
0x2f: {  	lr =	sadd.s32 s0, s3;
	s0 =	sld [smem:$0x3F91]  }
0x30: {  	s3 =	sld [smem:$0x3F94]  }
0x31: {  	[smem:$0x3F9D] =	sst s10  }
0x32: {  	s10 =	sld [smem:$0x3F9B];
	_ =	sdelay $0x3  }
0x33: {  	p0 =	seq.s32 s10, $0x1;
	s10 =	sld [smem:$0x3F9D];
	_ =	sdelay $0x3  }
0x34: {  	[smem:$0x3F9D] =	sst s10  }
0x35: {  	s10 =	sld [smem:$0x3F9C];
	_ =	sdelay $0x3  }
0x36: {  	p1 =	seq.s32 s10, $0x1;
	s10 =	sld [smem:$0x3F9D];
	_ =	sdelay $0x3  }
0x37: {  	[smem:$0x3F9D] =	sst s10  }
0x38: {  	s10 =	sld [smem:$0x3F9E]  }
0x39: {  	_ = 	snop;
	(pc) =	sbr.ind lr, $3  }
0x3a: {  	_ = 	snop  }
0x3b: {  	_ = 	snop  }
0x3c: {  	p2 =	seq.s32 s10, $0x1;
	s10 =	sld [smem:$0x3F9D]  }
0x3d: {  	_ =	shalt  }
0x3e: {  	_ =	shalt  }
0x3f: {  	_ =	shalt  }
0x40: {  	_ =	shalt  }
0x41: {  	_ =	shalt  }
0x42: {  	_ =	shalt  }
0x43: {  	_ =	shalt  }
0x44: {  	_ =	shalt  }
0x45: {  	_ =	shalt  }
0x46: {  	_ =	shalt  }
0x47: {  	_ =	shalt  }
0x48: {  	_ =	shalt  }
0x49: {  	_ =	shalt  }
0x4a: {  	_ =	shalt  }
0x4b: {  	_ =	shalt  }
0x4c: {  	_ =	shalt  }
0x4d: {  	_ =	shalt  }
0x4e: {  	_ =	shalt  }
0x4f: {  	_ =	shalt  }
0x50: {  	_ =	shalt  }
0x51: {  	_ =	shalt  }
0x52: {  	_ =	shalt  }
0x53: {  	_ =	shalt  }
0x54: {  	_ =	shalt  }
0x55: {  	_ =	shalt  }
0x56: {  	_ =	shalt  }
0x57: {  	_ =	shalt  }
0x58: {  	_ =	shalt  }
0x59: {  	_ =	shalt  }
0x5a: {  	_ =	shalt  }
0x5b: {  	_ =	shalt  }
0x5c: {  	_ =	shalt  }
0x5d: {  	_ =	shalt  }
0x5e: {  	_ =	shalt  }
0x5f: {  	_ =	shalt  }
0x60: {  	_ =	shalt  }
0x61: {  	_ =	shalt  }
0x62: {  	_ =	shalt  }
0x63: {  	_ =	shalt  }
0x64: {  	_ =	shalt  }
0x65: {  	_ =	shalt  }
0x66: {  	_ =	shalt  }
0x67: {  	_ =	shalt  }
0x68: {  	_ =	shalt  }
0x69: {  	_ =	shalt  }
0x6a: {  	_ =	shalt  }
0x6b: {  	_ =	shalt  }
0x6c: {  	_ =	shalt  }
0x6d: {  	_ =	shalt  }
0x6e: {  	_ =	shalt  }
0x6f: {  	_ =	shalt  }
0x70: {  	_ =	shalt  }
0x71: {  	_ =	shalt  }
0x72: {  	_ =	shalt  }
0x73: {  	_ =	shalt  }
0x74: {  	_ =	shalt  }
0x75: {  	_ =	shalt  }
0x76: {  	_ =	shalt  }
0x77: {  	_ =	shalt  }
0x78: {  	_ =	shalt  }
0x79: {  	_ =	shalt  }
0x7a: {  	_ =	shalt  }
0x7b: {  	_ =	shalt  }
0x7c: {  	_ =	shalt  }
0x7d: {  	_ =	shalt  }
0x7e: {  	_ =	shalt  }
0x7f: {  	_ =	shalt  }
0x80: {  	_ =	shalt  }
0x81: {  	_ =	shalt  }
0x82: {  	_ =	shalt  }
0x83: {  	_ =	shalt  }
0x84: {  	_ =	shalt  }
0x85: {  	_ =	shalt  }
0x86: {  	_ =	shalt  }
0x87: {  	_ =	shalt  }
.Lfunc_end0:
.L_simem_size_0:
called_computation.4_lowered:
.L_overlay_start_0:
0x88: {  	s2 =	sld [smem:$0x3FD9]  }
0x89: {  	s3 =	sld [smem:$0x3FFE];
	_ =	sdelay $0x1  }
0x8a: {  	s1 =	srdreg.scid  }
0x8b: {  	s0 =	sand.u32 $0x1, s1  }
0x8c: {  	s14 =	sshll.u32 s0, $0xA;
	s2 =	sadd.s32 s3, s2  }
0x8d: {  	s2 =	sadd.s32 s2, s14  }
0x8e: {  	[smem:$0x3FA9] =	sst s2  }
0x8f: {  	_ = 	snop  }
0x90: {  	s2 =	sld [smem:$0x3FD0];
	_ =	sdelay $0x2  }
0x91: {  	s15 =	simm.s32 $0xA;
	s4 =	simm.s32 $0x10  }
0x92: {  	[smem:s4], [sflag:s15] =	dma.local [hbm:s2], $0x1  }
0x93: {  	_ =	swait.eq [sflag:s15], $0x1  }
0x94: {  	[sflag:s15] =	ssyncset.done $0x0  }
0x95: {  	[sflag:s15] =	ssyncadd.s32 $0xFFFFFFFF  }
0x96: {  	s16 =	sld [smem:$0x10];
	(tm) =	ssettm $0x1  }
0x97: {  	s17 =	sld [smem:$0x3FFB];
	_ =	sdelay $0x3  }
0x98: {  	_ =	strace s17  }
0x99: {  	s3 =	sld [smem:$0x3FFC];
	_ =	sdelay $0x3  }
0x9a: {  	_ =	strace s3  }
0x9b: {  	s3 =	sld [smem:$0x3FFD];
	_ =	sdelay $0x3  }
0x9c: {  	_ =	strace s3  }
0x9d: {  	_ =	strace $0x8FFFFFFF  }
0x9e: {  	s18 =	sld [smem:$0x3FDB];
	_ =	sdelay $0x1  }
0x9f: {  	s19 =	simm.s32 $_scs_section_size  }
0xa0: {  	s5 =	simm.s32 $_size__tile_overlayer_lowered;
	s6 =	simm.s32 $_tile_overlayer_lowered  }
0xa1: {  	s22 =	simm.s32 $0x1BFF;
	s21 =	sshll.u32 s6, $0x1;
	s3 =	sadd.s32 s19, s18  }
0xa2: {  	s7 =	simm.s32 $0x0;
	s20 =	sshll.u32 s5, $0x1;
	s5 =	sadd.s32 s21, s3  }
0xa3: {  	[timem:s7], [sflag:s22] =	dma.local [hbm:s5], s20  }
0xa4: {  	_ =	swait.ge [sflag:s22], s20  }
0xa5: {  	s4 =	ssub.s32 $0x0, s20;
	[sflag:s22] =	ssyncset.done $0x0  }
0xa6: {  	[sflag:s22] =	ssyncadd.s32 s4;
	_ =	sdelay $0x1  }
0xa7: {  	s23 =	simm.s32 $0x1B8B  }
0xa8: {  	_ =	swait.ge [sflag:s23], $0x1  }
0xa9: {  	[sflag:s23] =	ssyncset.done $0x0  }
0xaa: {  	s25 =	simm.s32 $0x1B8E;
	s24 =	sld [smem:$0x3FFE];
	[sflag:s23] =	ssyncadd.s32 $0xFFFFFFFF  }
0xab: {  	s26 =	simm.s32 $execute0_lowered;
	[smem:$0x3FD2] =	sst s25  }
0xac: {  	s5 =	sshll.u32 s26, $0x1;
	_ =	strace $0x80000052;
	[dreg:$0x1] =	wrdreg $0xFFFFFFFF  }
0xad: {  	s28 =	simm.s32 $_size_execute0_lowered;
	s3 =	sadd.s32 s3, s5;
	[dreg:$0x0] =	wrdreg $0x0  }
0xae: {  	s5 =	sshll.u32 s28, $0x1;
	[dreg:$0x2] =	wrdreg s3  }
0xaf: {  	[dreg:$0x3] =	wrdreg s5  }
0xb0: {  	[dreg:$0x4] =	wrdreg $0xC0  }
0xb1: {  	_ =	task [dreg:s7], $0x5FFFF  }
0xb2: {  	[dreg:$0x1] =	wrdreg $0xFFFFFFFF  }
0xb3: {  	[dreg:$0x0] =	wrdreg $0x60  }
0xb4: {  	[dreg:$0x2] =	wrdreg s24  }
0xb5: {  	[dreg:$0x3] =	wrdreg s16  }
0xb6: {  	[dreg:$0x4] =	wrdreg $0xC0000  }
0xb7: {  	[dreg:$0x5] =	wrdreg $0x9  }
0xb8: {  	_ =	task.clear_ibuf [dreg:s7], $0x6FFFF;
	_ =	strace $0x90000052  }
0xb9: {  	s29 =	simm.s32 $0x9;
	_ =	strace $0x80000054  }
0xba: {  	_ =	swait.ge [sflag:s29], $0x1  }
0xbb: {  	[sflag:s29] =	ssyncadd.s32 $0xFFFFFFFF  }
0xbc: {  	_ =	strace $0x90000054  }
0xbd: {  	_ =	sfence  }
0xbe: {  	s30 =	sld [smem:$0x0];
	_ =	sdelay $0x2  }
0xbf: {  	s31 =	sshll.u32 s1, $0xD;
	s1 =	sshrl.u32 s1, $0x2  }
0xc0: {  	s3 =	sand.u32 $0x4000, s31;
	s1 =	sadd.s32 s1, s30  }
0xc1: {  	s0 =	sor.u32 s3, s0;
	s1 =	sshll.u32 s1, $0x11  }
0xc2: {  	s0 =	sor.u32 s1, s0  }
0xc3: {  	s0 =	sadd.s32 $0x8F2B, s0  }
0xc4: {  	[sflag:s0] =	ssyncadd.remote.s32 $0x1  }
0xc5: {  	_ =	sfence.sel $0xFFFF  }
0xc6: {  	[dreg:$0x0] =	wrdreg $0xFFFFFFFF;
	(pc) =	sbr.abs _section_cstart, $3  }
0xc7: {  	[dreg:$0x1] =	wrdreg $0xFFFFFFFF  }
0xc8: {  	_ =	task.clear_ibuf [dreg:s7], $0x2FFFF;
	_ =	strace $0x9FFFFFFF  }
0xc9: {  	(tm) =	ssettm $0x7FFFFFFF  }
tec
execute0_lowered:
.L_overlay_start_1:
0x0: {  	(tag) =	ssettag $0x1  }
0x1: {  	s0 =	rddreg [dreg:$0x0]  }
0x2: {  	s2 =	rddreg [dreg:$0x1]  }
0x3: {  	s3 =	rddreg [dreg:$0x2];
	s12 =	stileid.u32  }
0x4: {  	s5 =	srdreg.scid;
	s4 =	simm.s32 $0x0;
	s18 =	simm.s32 $0xD  }
0x5: {  	s22 =	simm.s32 $0x9;
	s23 =	simm.s32 $0x78;
	s28 =	simm.s32 $0x6  }
0x6: {  	s29 =	simm.s32 $0x0;
	s1 =	smul.u32 $0x13C00, s12;
	s7 =	sand.u32 $0x1, s5  }
0x7: {  	[smem:$0x7FF] =	sst s4;
	s5 =	sadd.s32 $0x12800, s0;
	s11 =	smul.u32 $0x4F000, s12  }
0x8: {  	s24 =	sshll.u32 s12, $0x1;
	s8 =	smul.u32 $0x13C000, s7;
	_ =	strace $0x80000053  }
0x9: {  	s10 =	ssub.s32 $0x2, s7;
	s7 =	sor.u32 s7, s24;
	s6 =	sshrl.u32 s1, $0x3  }
0xa: {  	s25 =	sshrl.u32 s10, $0x1;
	s7 =	smul.u32 $0x2C00, s7;
	s30 =	sshrl.u32 s11, $0x2  }
0xb: {  	s9 =	sadd.s32 s6, s0;
	s6 =	sadd.s32 $0x7800, s0;
	s1 =	sadd.s32 s1, s8  }
0xc: {  	s26 =	ssub.s32 s10, s25;
	s17 =	sadd.s32 s30, s3;
	s8 =	sshll.u32 s12, $0x6  }
.Ltmp0:
0xd: {  	s1 =	sshrl.u32 s1, $0x3;
	s31 =	sshrl.u32 s7, $0x3;
	(pc) =	sbr.rel .LBB2_1-.Ltmp0, $4  }
0xe: {  	s9 =	sadd.s32 $0x3A000, s9;
	s10 =	sor.u32 $0x1C09, s8;
	s16 =	smax.u32 s26, $0x1  }
0xf: {  	s17 =	sshrl.u32 s17, $0x3;
	s0 =	sadd.s32 s1, s0;
	[dreg:$0x4] =	wrdreg s9  }
0x10: {  	s14 =	sor.u32 $0x40, s31;
	s11 =	sadd.s32 s2, s31;
	s12 =	sadd.s32 s6, s31  }
0x11: {  	s13 =	sadd.s32 s2, s14;
	s14 =	sadd.s32 s6, s14;
	s15 =	sadd.s32 $0x61800, s0  }
.LBB2_8:
0x12: {  	_ =	swait.ge [sflag:s28], $0x3C00  }
0x13: {  	s29 =	sadd.s32 $0x1, s29;
	[sflag:s28] =	ssyncset.done $0x0  }
0x14: {  	p0 =	sne.s32 s29, s16;
	[sflag:s28] =	ssyncadd.s32 $0xFFFFC400  }
.Ltmp1:
0x15: {  	s0 =	sor.u32 $0x1C0D, s8;
	[bflag:$0x0] =	sbarrier.arrive $0xFFFF;
	(pc) =	sbr.rel @!p0 .LBB2_9-.Ltmp1, $4  }
0x16: {  	[hbm:s15], [sflag:s0] =	dma.local [spmem:s17], $0x2780  }
0x17: {  	_ =	swait.ge [sflag:s18], $0x2780  }
0x18: {  	[sflag:s18] =	ssyncset.done $0x0  }
0x19: {  	[sflag:s18] =	ssyncadd.s32 $0xFFFFD880  }
.LBB2_1:
0x1a: {  	s0 =	rddreg [dreg:$0x4]  }
0x1b: {  	[spmem:s17], [sflag:s10] =	dma.local [hbm:s0], $0x2780  }
0x1c: {  	[tilespmem:s4], [sflag:$0xD] =	stream.linear.gather [hbm4b:s11+s4], $0x200, $0x38;
	[tilespmem:$0x1FC00] =	vst v63  }
0x1d: {  	_ =	swait.ge [sflag:s18], $0x200  }
0x1e: {  	[sflag:s18] =	ssyncset.done $0x0  }
0x1f: {  	s20 =	simm.s32 $0x600;
	[sflag:s18] =	ssyncadd.s32 $0xFFFFFE00  }
0x20: {  	[tilespmem:s20], [sflag:$0xD] =	stream.linear.gather [hbm4b:s12+s4], $0x200, $0x38;
	[tilespmem:$0x1FC00] =	vst v63  }
0x21: {  	_ =	swait.ge [sflag:s18], $0x200  }
0x22: {  	[sflag:s18] =	ssyncset.done $0x0  }
0x23: {  	s21 =	simm.s32 $0x200;
	[sflag:s18] =	ssyncadd.s32 $0xFFFFFE00  }
0x24: {  	[tilespmem:s21], [sflag:$0xD] =	stream.linear.gather [hbm4b:s13+s4], $0x200, $0x38;
	[tilespmem:$0x1FC00] =	vst v63  }
0x25: {  	_ =	swait.ge [sflag:s18], $0x200  }
0x26: {  	[sflag:s18] =	ssyncset.done $0x0  }
0x27: {  	s24 =	simm.s32 $0x800;
	[sflag:s18] =	ssyncadd.s32 $0xFFFFFE00  }
0x28: {  	[tilespmem:s24], [sflag:$0xD] =	stream.linear.gather [hbm4b:s14+s4], $0x200, $0x38;
	[tilespmem:$0x1FC00] =	vst v63  }
0x29: {  	_ =	swait.ge [sflag:s18], $0x200  }
0x2a: {  	[sflag:s18] =	ssyncset.done $0x0  }
0x2b: {  	[sflag:s18] =	ssyncadd.s32 $0xFFFFFE00  }
0x2c: {  	_ =	swait.ge [sflag:s22], $0x2780  }
0x2d: {  	[sflag:s22] =	ssyncset.done $0x0  }
.Ltmp2:
0x2e: {  	[sflag:s22] =	ssyncadd.s32 $0xFFFFD880;
	(pc) =	sbr.rel .LBB2_2-.Ltmp2, $4  }
0x2f: {  	s25 =	simm.s32 $0xC00;
	s26 =	simm.s32 $0x80;
	[bflag:$0x0] =	sbarrier.arrive $0xFFFF  }
0x30: {  	[tilespmem:s25], [sflag:$0x1] =	stream.indirect.gather [hbm4b:s5+s23], $0x80, s4, s23, $0xb8;
	[tilespmem:$0x1FC00] =	vst v63  }
0x31: {  	s1 =	simm.s32 $0x4800;
	s30 =	simm.s32 $0x0;
	s31 =	simm.s32 $0x0  }
0x32: {  	[tilespmem:s1], [sflag:$0x2] =	stream.indirect.gather [hbm4b:s5+s23], $0x80, s26, s23, $0xb8;
	[tilespmem:$0x1FC00] =	vst v63  }
.LBB2_3:
0x33: {  	s19 =	simm.s32 $0x0;
	s0 =	simm.s32 $0x2;
	s1 =	simm.s32 $0x2  }
.LBB2_6:
0x34: {  	s9 =	smul.u32 $0xAB, s0;
	_ =	sdelay $0x1  }
0x35: {  	s9 =	sshrl.u32 s9, $0x9  }
0x36: {  	s9 =	sand.u32 $0x7F, s9  }
0x37: {  	s9 =	smul.u32 $0x3, s9;
	_ =	sdelay $0x1  }
0x38: {  	s25 =	ssub.s32 s0, s9  }
0x39: {  	s0 =	sand.u32 $0xFF, s25  }
0x3a: {  	s26 =	smul.u32 $0xF000, s0;
	_ =	sdelay $0x1  }
0x3b: {  	s19 =	sshll.u32 s19, $0x9;
	s1 =	sshll.u32 s1, $0x7;
	s9 =	sshrl.u32 s26, $0x2  }
0x3c: {  	s1 =	sor.u32 s1, s19;
	s0 =	sadd.s32 $0x1, s0;
	s9 =	sadd.s32 $0xC00, s9  }
0x3d: {  	[tilespmem:s9], [sflag:s0] =	stream.indirect.gather [hbm4b:s5+s23], $0x80, s1, s23, $0xb8;
	[tilespmem:$0x1FC00] =	vst v63  }
.LBB2_7:
0x3e: {  	s31 =	sadd.s32 $0x1, s31  }
0x3f: {  	p0 =	sne.s32 s31, $0x54  }
.Ltmp3:
0x40: {  	_ = 	snop;
	(pc) =	sbr.rel @!p0 .LBB2_8-.Ltmp3, $2  }
0x41: {  	_ =	sdelay $0x2  }
0x42: {  	s30 =	sadd.s32 $0x200, s30  }
.LBB2_2:
0x43: {  	s0 =	smul.u32 $0xAB, s31  }
0x44: {  	s1 =	sshrl.u32 s31, $0x2  }
0x45: {  	s19 =	smul.u32 $0xAB, s1;
	s0 =	sshrl.u32 s0, $0x9  }
0x46: {  	s0 =	sand.u32 $0x7F, s0  }
0x47: {  	s19 =	sshrl.u32 s19, $0x9;
	s0 =	smul.u32 $0x3, s0  }
0x48: {  	s19 =	sand.u32 $0x7F, s19  }
0x49: {  	s19 =	smul.u32 $0x3, s19;
	s0 =	ssub.s32 s31, s0  }
0x4a: {  	s21 =	sand.u32 $0x600, s30;
	p0 =	seq.s32 s30, $0x0;
	s0 =	sand.u32 $0xFF, s0  }
0x4b: {  	s21 =	sshrl.u32 s21, $0x2;
	s1 =	ssub.s32 s1, s19;
	s26 =	smul.u32 $0xF000, s0  }
.Ltmp4:
0x4c: {  	s1 =	sand.u32 $0xFF, s1;
	s20 =	sadd.s32 $0x1, s0;
	(pc) =	sbr.rel @p0 .LBB2_3-.Ltmp4, $4  }
0x4d: {  	s0 =	sor.u32 $0x4, s0;
	_ =	swait.ge [sflag:s20], $0x3C00;
	s1 =	sshll.u32 s1, $0x9  }
0x4e: {  	s19 =	sshrl.u32 s26, $0x2;
	s1 =	sor.u32 s21, s1;
	[sflag:s20] =	ssyncset.done $0x0  }
0x4f: {  	s19 =	sadd.s32 $0xC00, s19;
	[sflag:s20] =	ssyncadd.s32 $0xFFFFC400;
	s1 =	sadd.s32 $0x600, s1  }
0x50: {  	[spmem:s3] =	stream.indirect.scatter.add.f32 [tilespmem:s19], [sflag:s0], $0x80, s1, s23, $0xb8;
	[tilespmem:$0x1FC00] =	vst v63  }
0x51: {  	s0 =	sadd.s32 $0xFFFFFFFF, s31  }
0x52: {  	s1 =	sand.u32 $0xFF, s0  }
0x53: {  	s1 =	smul.u32 $0xAB, s1;
	_ =	sdelay $0x1  }
0x54: {  	s1 =	sshrl.u32 s1, $0x9  }
0x55: {  	s1 =	smul.u32 $0x3, s1;
	_ =	sdelay $0x1  }
0x56: {  	p0 =	sgt.u32 s31, $0x51;
	s0 =	ssub.s32 s0, s1  }
.Ltmp5:
0x57: {  	s0 =	sor.u32 $0x4, s0;
	(pc) =	sbr.rel @p0 .LBB2_7-.Ltmp5, $4  }
0x58: {  	s0 =	sand.u32 $0xFF, s0  }
0x59: {  	_ =	swait.ge [sflag:s0], $0x3C00  }
0x5a: {  	[sflag:s0] =	ssyncset.done $0x0  }
0x5b: {  	[sflag:s0] =	ssyncadd.s32 $0xFFFFC400  }
0x5c: {  	s0 =	sadd.s32 $0x2, s31  }
0x5d: {  	s20 =	sshrl.u32 s0, $0x2  }
0x5e: {  	p0 =	slt.u32 s31, $0x6;
	s1 =	sand.u32 $0x3, s0;
	s19 =	smul.u32 $0xAB, s20  }
0x5f: {  	p2 =	sne.s32 @!p0 s1, $0x0  }
0x60: {  	p3 =	seq.s32 s1, $0x0;
	p1 =	por p2, p0;
	s19 =	sshrl.u32 s19, $0x9  }
0x61: {  	p2 =	por !p2, p0;
	p4 =	por @!p1 $0x1, $0x1;
	s19 =	sand.u32 $0x7F, s19  }
0x62: {  	p4 =	por @!p2 p3, p3;
	s19 =	smul.u32 $0x3, s19  }
0x63: {  	p6 =	sgt.u32 s31, $0x4D;
	p3 =	por @!p0 p4, p4  }
0x64: {  	p0 =	por !p3, p6;
	s19 =	ssub.s32 s20, s19  }
0x65: {  	s20 =	sadd.s32 @!p0 $0x1, s20;
	s19 =	sand.u32 $0xFF, s19  }
0x66: {  	s24 =	smul.u32 @!p0 $0xAB, s20;
	s21 =	sadd.s32 @!p1 $0x7, s19  }
0x67: {  	s9 =	simm.s32 @!p0 $0x0;
	_ =	swait.ge @!p1 [sflag:s21], $0x200  }
0x68: {  	s25 =	sshll.u32 @!p0 s20, $0x9;
	s24 =	sshrl.u32 @!p0 s24, $0x9;
	[sflag:s21] =	ssyncset.done @!p1 $0x0  }
0x69: {  	[sflag:s21] =	ssyncadd.s32 @!p1 $0xFFFFFE00;
	s21 =	sand.u32 @!p0 $0x7F, s24;
	s24 =	sadd.s32 @!p1 $0xA, s19  }
0x6a: {  	s26 =	sand.u32 @!p0 $0xFC00, s25;
	s21 =	smul.u32 @!p0 $0x3, s21;
	_ =	swait.ge @!p1 [sflag:s24], $0x200  }
0x6b: {  	s25 =	sand.u32 @!p0 $0x200, s25;
	s26 =	sadd.s32 @!p0 s7, s26;
	[sflag:s24] =	ssyncset.done @!p1 $0x0  }
0x6c: {  	s20 =	ssub.s32 @!p0 s20, s21;
	s21 =	sor.u32 @!p0 s25, s26;
	[sflag:s24] =	ssyncadd.s32 @!p1 $0xFFFFFE00  }
.Ltmp6:
0x6d: {  	s20 =	sand.u32 @!p0 $0xFF, s20;
	s21 =	sshrl.u32 @!p0 s21, $0x3;
	(pc) =	sbr.rel .LBB2_6-.Ltmp6, $4  }
0x6e: {  	s24 =	sshll.u32 @!p0 s20, $0x9;
	s25 =	sadd.s32 @!p0 $0x7, s20;
	s26 =	sadd.s32 @!p0 s2, s21  }
0x6f: {  	[tilespmem:s24], [sflag:s25] =	stream.linear.gather @!p0 [hbm4b:s26+s9], $0x200, $0x38;
	[tilespmem:$0x1FC00] =	vst v63  }
0x70: {  	s20 =	sadd.s32 @!p0 $0xA, s20;
	s21 =	sadd.s32 @!p0 s6, s21;
	s24 =	sadd.s32 @!p0 $0x600, s24  }
0x71: {  	[tilespmem:s24], [sflag:s20] =	stream.linear.gather @!p0 [hbm4b:s21+s9], $0x200, $0x38;
	[tilespmem:$0x1FC00] =	vst v63  }
.LBB2_9:
0x72: {  	_ =	sfence.sel $0x180000  }
0x73: {  	[bflag:$0x0] =	sbarrier.arrive $0xFFFF  }
0x74: {  	_ =	strace $0x90000053  }
0x75: {  	s0 =	stileid.u32;
	[bflag:$0x2] =	sbarrier.arrive $0xFFFF  }
0x76: {  	p0 =	sne.s32 s0, $0x0;
	s0 =	rddreg [dreg:$0x3]  }
0x77: {  	s0 =	sadd.s32 @!p0 $0x100000, s0  }
0x78: {  	[sflag:s0] =	ssyncadd.tile.s32 @!p0 $0x1;
	_ =	shalt  }
.Lfunc_end2:
_tile_overlayer_lowered:
.L_overlay_start_2:
0x79: {  	(tag) =	ssettag $0x2  }
0x7a: {  	s0 =	rddreg [dreg:$0x0];
	s2 =	stileid.u32  }
0x7b: {  	s1 =	rddreg [dreg:$0x1];
	p0 =	sne.s32 s2, $0x0  }
0x7c: {  	s3 =	rddreg [dreg:$0x2];
	[bflag:$0x3] =	sbarrier.arrive $0xFFFF;
	s2 =	simm.s32 @!p0 $0x1C0D  }
0x7d: {  	[timem:s3], [sflag:s2] =	dma.local @!p0 [hbm:s0], s1  }
0x7e: {  	s0 =	simm.s32 @!p0 $0xD  }
0x7f: {  	_ =	swait.ge @!p0 [sflag:s0], s1  }
0x80: {  	s1 =	ssub.s32 @!p0 $0x0, s1;
	[sflag:s0] =	ssyncset.done @!p0 $0x0  }
0x81: {  	[sflag:s0] =	ssyncadd.s32 @!p0 s1  }
0x82: {  	[bflag:$0x3] =	sbarrier.arrive $0xFFFF  }
0x83: {  	_ =	shalt  }

// kernel: kernel.30.cloned.1.call-start
scs
__scs_entry_jumppad:
0x0: {  	(pc) =	sbr.rel $0x88, $3  }
0x1: {  	(tag) =	ssettag $0x0;
	lr =	simm.s32 $0x1  }
0x2: {  	[smem:$0x3F82] =	sst lr;
	_ =	strace $0xD0000000  }
0x3: {  	_ = 	snop  }
0x4: {  	_ = 	snop  }
0x5: {  	_ = 	snop  }
0x6: {  	_ = 	snop  }
0x7: {  	_ = 	snop  }
__scs_overlays_trampoline_lowered:
0x8: {  	[smem:$0x3F91] =	sst s0  }
0x9: {  	[smem:$0x3F92] =	sst s1  }
0xa: {  	[smem:$0x3F93] =	sst s2  }
0xb: {  	[smem:$0x3F94] =	sst s3  }
0xc: {  	[smem:$0x3F95] =	sst s4  }
0xd: {  	[smem:$0x3F96] =	sst s5  }
0xe: {  	[smem:$0x3F97] =	sst s6  }
0xf: {  	[smem:$0x3F98] =	sst s7  }
0x10: {  	[smem:$0x3F99] =	sst s8  }
0x11: {  	[smem:$0x3F9A] =	sst s9;
	s0 =	simm.s32 @!p0 $0x0  }
0x12: {  	s1 =	sld [smem:$0x3F80];
	s0 =	simm.s32 @p0 $0x1  }
0x13: {  	[smem:$0x3F9B] =	sst s0;
	s0 =	simm.s32 @!p1 $0x0  }
0x14: {  	s2 =	sld [smem:$0x3F7F];
	s0 =	simm.s32 @p1 $0x1  }
0x15: {  	[smem:$0x3F9C] =	sst s0;
	s0 =	simm.s32 @!p2 $0x0  }
0x16: {  	s3 =	sld [smem:$0x3FDB];
	s0 =	simm.s32 @p2 $0x1  }
0x17: {  	s4 =	simm.s32 $0x1BF5;
	[smem:$0x3F9E] =	sst s0  }
0x18: {  	s0 =	sld [smem:$0x3F81];
	_ =	swait.ge [sflag:s4], $0x0  }
0x19: {  	s7 =	sld [smem:$0x3F82]  }
0x1a: {  	s8 =	sadd.s32 $0xFFFFE003, lr  }
0x1b: {  	s9 =	sadd.s32 $0xFFFFFEF7, lr;
	s5 =	simm.s32 $0xFFFFFFFF;
	p2 =	slt.u32 s8, $0xFFFFF086  }
0x1c: {  	p1 =	slt.u32 s9, $0xF7A;
	s5 =	simm.s32 @!p2 $0x0  }
0x1d: {  	s5 =	simm.s32 @p1 $0x1;
	p0 =	seq.s32 s7, s2  }
0x1e: {  	s7 =	smul.u32 @!p0 $0xF7A, s2;
	p2 =	seq.s32 @!p0 s5, $0x0  }
0x1f: {  	s9 =	smul.u32 $0xF7A, s1;
	s8 =	simm.s32 @!p0 $0x1BF5;
	p2 =	por !p2, p0  }
0x20: {  	[sflag:s8] =	ssyncset.s32 @!p0 $0xFFFFF086;
	s6 =	sadd.s32 @!p0 s3, s7;
	s7 =	simm.s32 @!p0 $0x108  }
0x21: {  	s3 =	sadd.s32 s3, s9;
	s6 =	sadd.s32 @!p0 $0x88, s6;
	s7 =	simm.s32 @p2 $0x1082  }
0x22: {  	[simem:s7], [sflag:s8] =	dma.local @!p0 [hbm:s6], $0xF7A  }
0x23: {  	s9 =	sor.u32 $0xD0000000, s2;
	s6 =	simm.s32 $0x108;
	_ =	swait.ge @!p0 [sflag:s8], $0x0  }
0x24: {  	s3 =	sadd.s32 $0x88, s3;
	s6 =	simm.s32 @!p1 $0x1082;
	[sflag:s4] =	ssyncset.s32 $0xFFFFF086  }
0x25: {  	[simem:s6], [sflag:s4] =	dma.local [hbm:s3], $0xF7A  }
0x26: {  	[smem:$0x3F82] =	sst s1;
	(tag) =	ssettag s2;
	_ =	strace s9  }
0x27: {  	s1 =	sld [smem:$0x3F92]  }
0x28: {  	s2 =	sld [smem:$0x3F93]  }
0x29: {  	s4 =	sld [smem:$0x3F95]  }
0x2a: {  	p0 =	seq.s32 s5, $0x0;
	s5 =	sld [smem:$0x3F96]  }
0x2b: {  	s6 =	sld [smem:$0x3F97]  }
0x2c: {  	s7 =	sld [smem:$0x3F98]  }
0x2d: {  	s3 =	simm.s32 $0x108;
	s8 =	sld [smem:$0x3F99]  }
0x2e: {  	s3 =	simm.s32 @!p0 $0x1082;
	s9 =	sld [smem:$0x3F9A]  }
0x2f: {  	lr =	sadd.s32 s0, s3;
	s0 =	sld [smem:$0x3F91]  }
0x30: {  	s3 =	sld [smem:$0x3F94]  }
0x31: {  	[smem:$0x3F9D] =	sst s10  }
0x32: {  	s10 =	sld [smem:$0x3F9B];
	_ =	sdelay $0x3  }
0x33: {  	p0 =	seq.s32 s10, $0x1;
	s10 =	sld [smem:$0x3F9D];
	_ =	sdelay $0x3  }
0x34: {  	[smem:$0x3F9D] =	sst s10  }
0x35: {  	s10 =	sld [smem:$0x3F9C];
	_ =	sdelay $0x3  }
0x36: {  	p1 =	seq.s32 s10, $0x1;
	s10 =	sld [smem:$0x3F9D];
	_ =	sdelay $0x3  }
0x37: {  	[smem:$0x3F9D] =	sst s10  }
0x38: {  	s10 =	sld [smem:$0x3F9E]  }
0x39: {  	_ = 	snop;
	(pc) =	sbr.ind lr, $3  }
0x3a: {  	_ = 	snop  }
0x3b: {  	_ = 	snop  }
0x3c: {  	p2 =	seq.s32 s10, $0x1;
	s10 =	sld [smem:$0x3F9D]  }
0x3d: {  	_ =	shalt  }
0x3e: {  	_ =	shalt  }
0x3f: {  	_ =	shalt  }
0x40: {  	_ =	shalt  }
0x41: {  	_ =	shalt  }
0x42: {  	_ =	shalt  }
0x43: {  	_ =	shalt  }
0x44: {  	_ =	shalt  }
0x45: {  	_ =	shalt  }
0x46: {  	_ =	shalt  }
0x47: {  	_ =	shalt  }
0x48: {  	_ =	shalt  }
0x49: {  	_ =	shalt  }
0x4a: {  	_ =	shalt  }
0x4b: {  	_ =	shalt  }
0x4c: {  	_ =	shalt  }
0x4d: {  	_ =	shalt  }
0x4e: {  	_ =	shalt  }
0x4f: {  	_ =	shalt  }
0x50: {  	_ =	shalt  }
0x51: {  	_ =	shalt  }
0x52: {  	_ =	shalt  }
0x53: {  	_ =	shalt  }
0x54: {  	_ =	shalt  }
0x55: {  	_ =	shalt  }
0x56: {  	_ =	shalt  }
0x57: {  	_ =	shalt  }
0x58: {  	_ =	shalt  }
0x59: {  	_ =	shalt  }
0x5a: {  	_ =	shalt  }
0x5b: {  	_ =	shalt  }
0x5c: {  	_ =	shalt  }
0x5d: {  	_ =	shalt  }
0x5e: {  	_ =	shalt  }
0x5f: {  	_ =	shalt  }
0x60: {  	_ =	shalt  }
0x61: {  	_ =	shalt  }
0x62: {  	_ =	shalt  }
0x63: {  	_ =	shalt  }
0x64: {  	_ =	shalt  }
0x65: {  	_ =	shalt  }
0x66: {  	_ =	shalt  }
0x67: {  	_ =	shalt  }
0x68: {  	_ =	shalt  }
0x69: {  	_ =	shalt  }
0x6a: {  	_ =	shalt  }
0x6b: {  	_ =	shalt  }
0x6c: {  	_ =	shalt  }
0x6d: {  	_ =	shalt  }
0x6e: {  	_ =	shalt  }
0x6f: {  	_ =	shalt  }
0x70: {  	_ =	shalt  }
0x71: {  	_ =	shalt  }
0x72: {  	_ =	shalt  }
0x73: {  	_ =	shalt  }
0x74: {  	_ =	shalt  }
0x75: {  	_ =	shalt  }
0x76: {  	_ =	shalt  }
0x77: {  	_ =	shalt  }
0x78: {  	_ =	shalt  }
0x79: {  	_ =	shalt  }
0x7a: {  	_ =	shalt  }
0x7b: {  	_ =	shalt  }
0x7c: {  	_ =	shalt  }
0x7d: {  	_ =	shalt  }
0x7e: {  	_ =	shalt  }
0x7f: {  	_ =	shalt  }
0x80: {  	_ =	shalt  }
0x81: {  	_ =	shalt  }
0x82: {  	_ =	shalt  }
0x83: {  	_ =	shalt  }
0x84: {  	_ =	shalt  }
0x85: {  	_ =	shalt  }
0x86: {  	_ =	shalt  }
0x87: {  	_ =	shalt  }
.Lfunc_end0:
.L_simem_size_0:
called_computation.5_lowered:
.L_overlay_start_0:
0x88: {  	s2 =	sld [smem:$0x3FD9]  }
0x89: {  	s3 =	sld [smem:$0x3FFE];
	_ =	sdelay $0x1  }
0x8a: {  	s1 =	srdreg.scid  }
0x8b: {  	s0 =	sand.u32 $0x1, s1  }
0x8c: {  	s14 =	sshll.u32 s0, $0xA;
	s2 =	sadd.s32 s3, s2  }
0x8d: {  	s2 =	sadd.s32 s2, s14  }
0x8e: {  	[smem:$0x3FA9] =	sst s2  }
0x8f: {  	_ = 	snop  }
0x90: {  	s2 =	sld [smem:$0x3FD0];
	_ =	sdelay $0x2  }
0x91: {  	s15 =	simm.s32 $0xA;
	s4 =	simm.s32 $0x10  }
0x92: {  	[smem:s4], [sflag:s15] =	dma.local [hbm:s2], $0x1  }
0x93: {  	_ =	swait.eq [sflag:s15], $0x1  }
0x94: {  	[sflag:s15] =	ssyncset.done $0x0  }
0x95: {  	[sflag:s15] =	ssyncadd.s32 $0xFFFFFFFF  }
0x96: {  	s16 =	sld [smem:$0x10];
	(tm) =	ssettm $0x1  }
0x97: {  	s17 =	sld [smem:$0x3FFB];
	_ =	sdelay $0x3  }
0x98: {  	_ =	strace s17  }
0x99: {  	s3 =	sld [smem:$0x3FFC];
	_ =	sdelay $0x3  }
0x9a: {  	_ =	strace s3  }
0x9b: {  	s3 =	sld [smem:$0x3FFD];
	_ =	sdelay $0x3  }
0x9c: {  	_ =	strace s3  }
0x9d: {  	_ =	strace $0x8FFFFFFF  }
0x9e: {  	s18 =	sld [smem:$0x3FDB];
	_ =	sdelay $0x1  }
0x9f: {  	s19 =	simm.s32 $_scs_section_size  }
0xa0: {  	s5 =	simm.s32 $_size__tile_overlayer_lowered;
	s6 =	simm.s32 $_tile_overlayer_lowered  }
0xa1: {  	s22 =	simm.s32 $0x1BFF;
	s21 =	sshll.u32 s6, $0x1;
	s3 =	sadd.s32 s19, s18  }
0xa2: {  	s7 =	simm.s32 $0x0;
	s20 =	sshll.u32 s5, $0x1;
	s5 =	sadd.s32 s21, s3  }
0xa3: {  	[timem:s7], [sflag:s22] =	dma.local [hbm:s5], s20  }
0xa4: {  	_ =	swait.ge [sflag:s22], s20  }
0xa5: {  	s4 =	ssub.s32 $0x0, s20;
	[sflag:s22] =	ssyncset.done $0x0  }
0xa6: {  	[sflag:s22] =	ssyncadd.s32 s4;
	_ =	sdelay $0x1  }
0xa7: {  	s23 =	simm.s32 $0x1B8B  }
0xa8: {  	_ =	swait.ge [sflag:s23], $0x1  }
0xa9: {  	[sflag:s23] =	ssyncset.done $0x0  }
0xaa: {  	s25 =	simm.s32 $0x1B8E;
	s24 =	sld [smem:$0x3FFE];
	[sflag:s23] =	ssyncadd.s32 $0xFFFFFFFF  }
0xab: {  	s26 =	simm.s32 $execute0_lowered;
	[smem:$0x3FD2] =	sst s25  }
0xac: {  	s5 =	sshll.u32 s26, $0x1;
	_ =	strace $0x80000055;
	[dreg:$0x1] =	wrdreg $0xFFFFFFFF  }
0xad: {  	s28 =	simm.s32 $_size_execute0_lowered;
	s3 =	sadd.s32 s3, s5;
	[dreg:$0x0] =	wrdreg $0x0  }
0xae: {  	s5 =	sshll.u32 s28, $0x1;
	[dreg:$0x2] =	wrdreg s3  }
0xaf: {  	[dreg:$0x3] =	wrdreg s5  }
0xb0: {  	[dreg:$0x4] =	wrdreg $0xC0  }
0xb1: {  	_ =	task [dreg:s7], $0x5FFFF  }
0xb2: {  	[dreg:$0x1] =	wrdreg $0xFFFFFFFF  }
0xb3: {  	[dreg:$0x0] =	wrdreg $0x60  }
0xb4: {  	[dreg:$0x2] =	wrdreg s24  }
0xb5: {  	[dreg:$0x3] =	wrdreg s16  }
0xb6: {  	[dreg:$0x4] =	wrdreg $0xC0000  }
0xb7: {  	[dreg:$0x5] =	wrdreg $0x9  }
0xb8: {  	_ =	task.clear_ibuf [dreg:s7], $0x6FFFF;
	_ =	strace $0x90000055  }
0xb9: {  	s29 =	simm.s32 $0x9;
	_ =	strace $0x80000057  }
0xba: {  	_ =	swait.ge [sflag:s29], $0x1  }
0xbb: {  	[sflag:s29] =	ssyncadd.s32 $0xFFFFFFFF  }
0xbc: {  	_ =	strace $0x90000057  }
0xbd: {  	_ =	sfence  }
0xbe: {  	s30 =	sld [smem:$0x0];
	_ =	sdelay $0x2  }
0xbf: {  	s31 =	sshll.u32 s1, $0xD;
	s1 =	sshrl.u32 s1, $0x2  }
0xc0: {  	s3 =	sand.u32 $0x4000, s31;
	s1 =	sadd.s32 s1, s30  }
0xc1: {  	s0 =	sor.u32 s3, s0;
	s1 =	sshll.u32 s1, $0x11  }
0xc2: {  	s0 =	sor.u32 s1, s0  }
0xc3: {  	s0 =	sadd.s32 $0x8F2B, s0  }
0xc4: {  	[sflag:s0] =	ssyncadd.remote.s32 $0x1  }
0xc5: {  	_ =	sfence.sel $0xFFFF  }
0xc6: {  	[dreg:$0x0] =	wrdreg $0xFFFFFFFF;
	(pc) =	sbr.abs _section_cstart, $3  }
0xc7: {  	[dreg:$0x1] =	wrdreg $0xFFFFFFFF  }
0xc8: {  	_ =	task.clear_ibuf [dreg:s7], $0x2FFFF;
	_ =	strace $0x9FFFFFFF  }
0xc9: {  	(tm) =	ssettm $0x7FFFFFFF  }
tec
execute0_lowered:
.L_overlay_start_1:
0x0: {  	(tag) =	ssettag $0x1  }
0x1: {  	s0 =	rddreg [dreg:$0x0]  }
0x2: {  	s2 =	rddreg [dreg:$0x1]  }
0x3: {  	s3 =	rddreg [dreg:$0x2];
	s12 =	stileid.u32  }
0x4: {  	s5 =	srdreg.scid;
	s4 =	simm.s32 $0x0;
	s18 =	simm.s32 $0xD  }
0x5: {  	s22 =	simm.s32 $0x9;
	s23 =	simm.s32 $0x78;
	s28 =	simm.s32 $0x6  }
0x6: {  	s29 =	simm.s32 $0x0;
	s1 =	smul.u32 $0x13C00, s12;
	s7 =	sand.u32 $0x1, s5  }
0x7: {  	[smem:$0x7FF] =	sst s4;
	s5 =	sadd.s32 $0x12800, s0;
	s11 =	smul.u32 $0x4F000, s12  }
0x8: {  	s24 =	sshll.u32 s12, $0x1;
	s8 =	smul.u32 $0x13C000, s7;
	_ =	strace $0x80000056  }
0x9: {  	s10 =	ssub.s32 $0x2, s7;
	s7 =	sor.u32 s7, s24;
	s6 =	sshrl.u32 s1, $0x3  }
0xa: {  	s25 =	sshrl.u32 s10, $0x1;
	s7 =	smul.u32 $0x2C00, s7;
	s30 =	sshrl.u32 s11, $0x2  }
0xb: {  	s9 =	sadd.s32 s6, s0;
	s6 =	sadd.s32 $0x7800, s0;
	s1 =	sadd.s32 s1, s8  }
0xc: {  	s26 =	ssub.s32 s10, s25;
	s17 =	sadd.s32 s30, s3;
	s8 =	sshll.u32 s12, $0x6  }
.Ltmp0:
0xd: {  	s1 =	sshrl.u32 s1, $0x3;
	s31 =	sshrl.u32 s7, $0x3;
	(pc) =	sbr.rel .LBB2_1-.Ltmp0, $4  }
0xe: {  	s9 =	sadd.s32 $0x3A000, s9;
	s10 =	sor.u32 $0x1C09, s8;
	s16 =	smax.u32 s26, $0x1  }
0xf: {  	s17 =	sshrl.u32 s17, $0x3;
	s0 =	sadd.s32 s1, s0;
	[dreg:$0x4] =	wrdreg s9  }
0x10: {  	s14 =	sor.u32 $0x40, s31;
	s11 =	sadd.s32 s2, s31;
	s12 =	sadd.s32 s6, s31  }
0x11: {  	s13 =	sadd.s32 s2, s14;
	s14 =	sadd.s32 s6, s14;
	s15 =	sadd.s32 $0x61800, s0  }
.LBB2_8:
0x12: {  	_ =	swait.ge [sflag:s28], $0x3C00  }
0x13: {  	s29 =	sadd.s32 $0x1, s29;
	[sflag:s28] =	ssyncset.done $0x0  }
0x14: {  	p0 =	sne.s32 s29, s16;
	[sflag:s28] =	ssyncadd.s32 $0xFFFFC400  }
.Ltmp1:
0x15: {  	s0 =	sor.u32 $0x1C0D, s8;
	[bflag:$0x0] =	sbarrier.arrive $0xFFFF;
	(pc) =	sbr.rel @!p0 .LBB2_9-.Ltmp1, $4  }
0x16: {  	[hbm:s15], [sflag:s0] =	dma.local [spmem:s17], $0x2780  }
0x17: {  	_ =	swait.ge [sflag:s18], $0x2780  }
0x18: {  	[sflag:s18] =	ssyncset.done $0x0  }
0x19: {  	[sflag:s18] =	ssyncadd.s32 $0xFFFFD880  }
.LBB2_1:
0x1a: {  	s0 =	rddreg [dreg:$0x4]  }
0x1b: {  	[spmem:s17], [sflag:s10] =	dma.local [hbm:s0], $0x2780  }
0x1c: {  	[tilespmem:s4], [sflag:$0xD] =	stream.linear.gather [hbm4b:s11+s4], $0x200, $0x38;
	[tilespmem:$0x1FC00] =	vst v63  }
0x1d: {  	_ =	swait.ge [sflag:s18], $0x200  }
0x1e: {  	[sflag:s18] =	ssyncset.done $0x0  }
0x1f: {  	s20 =	simm.s32 $0x600;
	[sflag:s18] =	ssyncadd.s32 $0xFFFFFE00  }
0x20: {  	[tilespmem:s20], [sflag:$0xD] =	stream.linear.gather [hbm4b:s12+s4], $0x200, $0x38;
	[tilespmem:$0x1FC00] =	vst v63  }
0x21: {  	_ =	swait.ge [sflag:s18], $0x200  }
0x22: {  	[sflag:s18] =	ssyncset.done $0x0  }
0x23: {  	s21 =	simm.s32 $0x200;
	[sflag:s18] =	ssyncadd.s32 $0xFFFFFE00  }
0x24: {  	[tilespmem:s21], [sflag:$0xD] =	stream.linear.gather [hbm4b:s13+s4], $0x200, $0x38;
	[tilespmem:$0x1FC00] =	vst v63  }
0x25: {  	_ =	swait.ge [sflag:s18], $0x200  }
0x26: {  	[sflag:s18] =	ssyncset.done $0x0  }
0x27: {  	s24 =	simm.s32 $0x800;
	[sflag:s18] =	ssyncadd.s32 $0xFFFFFE00  }
0x28: {  	[tilespmem:s24], [sflag:$0xD] =	stream.linear.gather [hbm4b:s14+s4], $0x200, $0x38;
	[tilespmem:$0x1FC00] =	vst v63  }
0x29: {  	_ =	swait.ge [sflag:s18], $0x200  }
0x2a: {  	[sflag:s18] =	ssyncset.done $0x0  }
0x2b: {  	[sflag:s18] =	ssyncadd.s32 $0xFFFFFE00  }
0x2c: {  	_ =	swait.ge [sflag:s22], $0x2780  }
0x2d: {  	[sflag:s22] =	ssyncset.done $0x0  }
.Ltmp2:
0x2e: {  	[sflag:s22] =	ssyncadd.s32 $0xFFFFD880;
	(pc) =	sbr.rel .LBB2_2-.Ltmp2, $4  }
0x2f: {  	s25 =	simm.s32 $0xC00;
	s26 =	simm.s32 $0x80;
	[bflag:$0x0] =	sbarrier.arrive $0xFFFF  }
0x30: {  	[tilespmem:s25], [sflag:$0x1] =	stream.indirect.gather [hbm4b:s5+s23], $0x80, s4, s23, $0xb8;
	[tilespmem:$0x1FC00] =	vst v63  }
0x31: {  	s1 =	simm.s32 $0x4800;
	s30 =	simm.s32 $0x0;
	s31 =	simm.s32 $0x0  }
0x32: {  	[tilespmem:s1], [sflag:$0x2] =	stream.indirect.gather [hbm4b:s5+s23], $0x80, s26, s23, $0xb8;
	[tilespmem:$0x1FC00] =	vst v63  }
.LBB2_3:
0x33: {  	s19 =	simm.s32 $0x0;
	s0 =	simm.s32 $0x2;
	s1 =	simm.s32 $0x2  }
.LBB2_6:
0x34: {  	s9 =	smul.u32 $0xAB, s0;
	_ =	sdelay $0x1  }
0x35: {  	s9 =	sshrl.u32 s9, $0x9  }
0x36: {  	s9 =	sand.u32 $0x7F, s9  }
0x37: {  	s9 =	smul.u32 $0x3, s9;
	_ =	sdelay $0x1  }
0x38: {  	s25 =	ssub.s32 s0, s9  }
0x39: {  	s0 =	sand.u32 $0xFF, s25  }
0x3a: {  	s26 =	smul.u32 $0xF000, s0;
	_ =	sdelay $0x1  }
0x3b: {  	s19 =	sshll.u32 s19, $0x9;
	s1 =	sshll.u32 s1, $0x7;
	s9 =	sshrl.u32 s26, $0x2  }
0x3c: {  	s1 =	sor.u32 s1, s19;
	s0 =	sadd.s32 $0x1, s0;
	s9 =	sadd.s32 $0xC00, s9  }
0x3d: {  	[tilespmem:s9], [sflag:s0] =	stream.indirect.gather [hbm4b:s5+s23], $0x80, s1, s23, $0xb8;
	[tilespmem:$0x1FC00] =	vst v63  }
.LBB2_7:
0x3e: {  	s31 =	sadd.s32 $0x1, s31  }
0x3f: {  	p0 =	sne.s32 s31, $0x54  }
.Ltmp3:
0x40: {  	_ = 	snop;
	(pc) =	sbr.rel @!p0 .LBB2_8-.Ltmp3, $2  }
0x41: {  	_ =	sdelay $0x2  }
0x42: {  	s30 =	sadd.s32 $0x200, s30  }
.LBB2_2:
0x43: {  	s0 =	smul.u32 $0xAB, s31  }
0x44: {  	s1 =	sshrl.u32 s31, $0x2  }
0x45: {  	s19 =	smul.u32 $0xAB, s1;
	s0 =	sshrl.u32 s0, $0x9  }
0x46: {  	s0 =	sand.u32 $0x7F, s0  }
0x47: {  	s19 =	sshrl.u32 s19, $0x9;
	s0 =	smul.u32 $0x3, s0  }
0x48: {  	s19 =	sand.u32 $0x7F, s19  }
0x49: {  	s19 =	smul.u32 $0x3, s19;
	s0 =	ssub.s32 s31, s0  }
0x4a: {  	s21 =	sand.u32 $0x600, s30;
	p0 =	seq.s32 s30, $0x0;
	s0 =	sand.u32 $0xFF, s0  }
0x4b: {  	s21 =	sshrl.u32 s21, $0x2;
	s1 =	ssub.s32 s1, s19;
	s26 =	smul.u32 $0xF000, s0  }
.Ltmp4:
0x4c: {  	s1 =	sand.u32 $0xFF, s1;
	s20 =	sadd.s32 $0x1, s0;
	(pc) =	sbr.rel @p0 .LBB2_3-.Ltmp4, $4  }
0x4d: {  	s0 =	sor.u32 $0x4, s0;
	_ =	swait.ge [sflag:s20], $0x3C00;
	s1 =	sshll.u32 s1, $0x9  }
0x4e: {  	s19 =	sshrl.u32 s26, $0x2;
	s1 =	sor.u32 s21, s1;
	[sflag:s20] =	ssyncset.done $0x0  }
0x4f: {  	s19 =	sadd.s32 $0xC00, s19;
	[sflag:s20] =	ssyncadd.s32 $0xFFFFC400;
	s1 =	sadd.s32 $0x600, s1  }
0x50: {  	[spmem:s3] =	stream.indirect.scatter.add.f32 [tilespmem:s19], [sflag:s0], $0x80, s1, s23, $0xb8;
	[tilespmem:$0x1FC00] =	vst v63  }
0x51: {  	s0 =	sadd.s32 $0xFFFFFFFF, s31  }
0x52: {  	s1 =	sand.u32 $0xFF, s0  }
0x53: {  	s1 =	smul.u32 $0xAB, s1;
	_ =	sdelay $0x1  }
0x54: {  	s1 =	sshrl.u32 s1, $0x9  }
0x55: {  	s1 =	smul.u32 $0x3, s1;
	_ =	sdelay $0x1  }
0x56: {  	p0 =	sgt.u32 s31, $0x51;
	s0 =	ssub.s32 s0, s1  }
.Ltmp5:
0x57: {  	s0 =	sor.u32 $0x4, s0;
	(pc) =	sbr.rel @p0 .LBB2_7-.Ltmp5, $4  }
0x58: {  	s0 =	sand.u32 $0xFF, s0  }
0x59: {  	_ =	swait.ge [sflag:s0], $0x3C00  }
0x5a: {  	[sflag:s0] =	ssyncset.done $0x0  }
0x5b: {  	[sflag:s0] =	ssyncadd.s32 $0xFFFFC400  }
0x5c: {  	s0 =	sadd.s32 $0x2, s31  }
0x5d: {  	s20 =	sshrl.u32 s0, $0x2  }
0x5e: {  	p0 =	slt.u32 s31, $0x6;
	s1 =	sand.u32 $0x3, s0;
	s19 =	smul.u32 $0xAB, s20  }
0x5f: {  	p2 =	sne.s32 @!p0 s1, $0x0  }
0x60: {  	p3 =	seq.s32 s1, $0x0;
	p1 =	por p2, p0;
	s19 =	sshrl.u32 s19, $0x9  }
0x61: {  	p2 =	por !p2, p0;
	p4 =	por @!p1 $0x1, $0x1;
	s19 =	sand.u32 $0x7F, s19  }
0x62: {  	p4 =	por @!p2 p3, p3;
	s19 =	smul.u32 $0x3, s19  }
0x63: {  	p6 =	sgt.u32 s31, $0x4D;
	p3 =	por @!p0 p4, p4  }
0x64: {  	p0 =	por !p3, p6;
	s19 =	ssub.s32 s20, s19  }
0x65: {  	s20 =	sadd.s32 @!p0 $0x1, s20;
	s19 =	sand.u32 $0xFF, s19  }
0x66: {  	s24 =	smul.u32 @!p0 $0xAB, s20;
	s21 =	sadd.s32 @!p1 $0x7, s19  }
0x67: {  	s9 =	simm.s32 @!p0 $0x0;
	_ =	swait.ge @!p1 [sflag:s21], $0x200  }
0x68: {  	s25 =	sshll.u32 @!p0 s20, $0x9;
	s24 =	sshrl.u32 @!p0 s24, $0x9;
	[sflag:s21] =	ssyncset.done @!p1 $0x0  }
0x69: {  	[sflag:s21] =	ssyncadd.s32 @!p1 $0xFFFFFE00;
	s21 =	sand.u32 @!p0 $0x7F, s24;
	s24 =	sadd.s32 @!p1 $0xA, s19  }
0x6a: {  	s26 =	sand.u32 @!p0 $0xFC00, s25;
	s21 =	smul.u32 @!p0 $0x3, s21;
	_ =	swait.ge @!p1 [sflag:s24], $0x200  }
0x6b: {  	s25 =	sand.u32 @!p0 $0x200, s25;
	s26 =	sadd.s32 @!p0 s7, s26;
	[sflag:s24] =	ssyncset.done @!p1 $0x0  }
0x6c: {  	s20 =	ssub.s32 @!p0 s20, s21;
	s21 =	sor.u32 @!p0 s25, s26;
	[sflag:s24] =	ssyncadd.s32 @!p1 $0xFFFFFE00  }
.Ltmp6:
0x6d: {  	s20 =	sand.u32 @!p0 $0xFF, s20;
	s21 =	sshrl.u32 @!p0 s21, $0x3;
	(pc) =	sbr.rel .LBB2_6-.Ltmp6, $4  }
0x6e: {  	s24 =	sshll.u32 @!p0 s20, $0x9;
	s25 =	sadd.s32 @!p0 $0x7, s20;
	s26 =	sadd.s32 @!p0 s2, s21  }
0x6f: {  	[tilespmem:s24], [sflag:s25] =	stream.linear.gather @!p0 [hbm4b:s26+s9], $0x200, $0x38;
	[tilespmem:$0x1FC00] =	vst v63  }
0x70: {  	s20 =	sadd.s32 @!p0 $0xA, s20;
	s21 =	sadd.s32 @!p0 s6, s21;
	s24 =	sadd.s32 @!p0 $0x600, s24  }
0x71: {  	[tilespmem:s24], [sflag:s20] =	stream.linear.gather @!p0 [hbm4b:s21+s9], $0x200, $0x38;
	[tilespmem:$0x1FC00] =	vst v63  }
.LBB2_9:
0x72: {  	_ =	sfence.sel $0x180000  }
0x73: {  	[bflag:$0x0] =	sbarrier.arrive $0xFFFF  }
0x74: {  	_ =	strace $0x90000056  }
0x75: {  	s0 =	stileid.u32;
	[bflag:$0x2] =	sbarrier.arrive $0xFFFF  }
0x76: {  	p0 =	sne.s32 s0, $0x0;
	s0 =	rddreg [dreg:$0x3]  }
0x77: {  	s0 =	sadd.s32 @!p0 $0x100000, s0  }
0x78: {  	[sflag:s0] =	ssyncadd.tile.s32 @!p0 $0x1;
	_ =	shalt  }
.Lfunc_end2:
_tile_overlayer_lowered:
.L_overlay_start_2:
0x79: {  	(tag) =	ssettag $0x2  }
0x7a: {  	s0 =	rddreg [dreg:$0x0];
	s2 =	stileid.u32  }
0x7b: {  	s1 =	rddreg [dreg:$0x1];
	p0 =	sne.s32 s2, $0x0  }
0x7c: {  	s3 =	rddreg [dreg:$0x2];
	[bflag:$0x3] =	sbarrier.arrive $0xFFFF;
	s2 =	simm.s32 @!p0 $0x1C0D  }
0x7d: {  	[timem:s3], [sflag:s2] =	dma.local @!p0 [hbm:s0], s1  }
0x7e: {  	s0 =	simm.s32 @!p0 $0xD  }
0x7f: {  	_ =	swait.ge @!p0 [sflag:s0], s1  }
0x80: {  	s1 =	ssub.s32 @!p0 $0x0, s1;
	[sflag:s0] =	ssyncset.done @!p0 $0x0  }
0x81: {  	[sflag:s0] =	ssyncadd.s32 @!p0 s1  }
0x82: {  	[bflag:$0x3] =	sbarrier.arrive $0xFFFF  }
0x83: {  	_ =	shalt  }

</sc_bundles>
